<compile_context>
chip_gen: v7x
topology: tpu7x:2x2x1
jax: 0.10.2.dev20260603
libtpu: 0.0.44.dev20260713+nightly
codegen_flags: <defaults>
</compile_context>

<pallas_src>
import functools

import jax
import jax.numpy as jnp
from jax import lax
from jax.experimental import pallas as pl
from jax.experimental.pallas import tpu as pltpu
from jax.experimental.pallas import tpu_sc as plsc

N = 32768
D = 64
K = 1024
BN = 4096
NB = N // BN

_NC = 2
_NS = 16
_NW = _NC * _NS
_BPW = N // _NW
_CHUNK = 128
_NCHUNK = _BPW // _CHUNK
_CPB = BN // _CHUNK


def _argmin_kernel(xt_ref, wt_ref, sw_ref, idx_ref, loss_ref):
    i = pl.program_id(0)
    xt = xt_ref[...]
    wt = wt_ref[...]
    mm = lax.dot_general(
        xt, wt, (((0,), (0,)), ((), ())),
        preferred_element_type=jnp.float32,
        precision=lax.Precision.DEFAULT,
    )
    sx = jnp.sum(xt * xt, axis=0, keepdims=True).reshape(BN, 1)
    d = (sx + sw_ref[...]) + mm
    dmin = jnp.min(d, axis=1, keepdims=True)
    iota = lax.broadcasted_iota(jnp.int32, (1, K), 1).astype(jnp.float32)
    idx_f = jnp.min(jnp.where(d == dmin, iota, float(K)), axis=1)
    idx_ref[0, ...] = idx_f.astype(jnp.int32).reshape(_CPB, _CHUNK)

    @pl.when(i == 0)
    def _():
        loss_ref[...] = jnp.zeros_like(loss_ref)

    loss_ref[...] += jnp.sum(dmin).reshape(1, 1)


def _tc_argmin(xt, wt, sw):
    return pl.pallas_call(
        _argmin_kernel,
        grid=(NB,),
        in_specs=[
            pl.BlockSpec((D, BN), lambda i: (0, i)),
            pl.BlockSpec((D, K), lambda i: (0, 0)),
            pl.BlockSpec((1, K), lambda i: (0, 0)),
        ],
        out_specs=[
            pl.BlockSpec((1, _CPB, _CHUNK), lambda i: (i, 0, 0)),
            pl.BlockSpec((1, 1), lambda i: (0, 0)),
        ],
        out_shape=[
            jax.ShapeDtypeStruct((N // BN * 1, _CPB, _CHUNK), jnp.int32),
            jax.ShapeDtypeStruct((1, 1), jnp.float32),
        ],
    )(xt, wt, sw)


def _sc_transpose_chunk(rows, p64_v, c, outt):
    for g in range(_CHUNK // 16):
        t_vec = lax.iota(jnp.int32, 16) + 16 * g
        p_vec = p64_v[c, pl.ds(16 * g, 16)]

        @plsc.parallel_loop(0, D, unroll=16)
        def _(dd):
            vals = plsc.load_gather(rows, [t_vec, p_vec + dd])
            outt[dd, pl.ds(16 * g, 16)] = vals


def _sc_gather_body(table_hbm, idx_hbm, outt_hbm, idx_v, idx2_v, p64_v,
                    rows0, rows1, outt0, outt1, sem0, sem1):
    wid = lax.axis_index("s") * _NC + lax.axis_index("c")
    base = wid * _BPW
    pltpu.sync_copy(idx_hbm.at[wid], idx_v)
    for c in range(_NCHUNK):
        for g in range(_CHUNK // 16):
            iv = idx_v[c, pl.ds(16 * g, 16)]
            idx2_v[c, pl.ds(16 * g, 16)] = iv >> 1
            p64_v[c, pl.ds(16 * g, 16)] = (iv & 1) << 6
    rows = (rows0, rows1)
    outts = (outt0, outt1)
    sems = (sem0, sem1)
    for b in range(2):
        pltpu.async_copy(table_hbm.at[idx2_v.at[b]], rows[b], sems[b])

    def pair(i, carry):
        for b in range(2):
            c = 2 * i + b
            pltpu.make_async_copy(table_hbm.at[idx2_v.at[c]],
                                  rows[b], sems[b]).wait()
            _sc_transpose_chunk(rows[b], p64_v, c, outts[b])
            pltpu.sync_copy(outts[b],
                            outt_hbm.at[:, pl.ds(base + c * _CHUNK, _CHUNK)])
            nxt = c + 2

            @pl.when(nxt < _NCHUNK)
            def _():
                pltpu.async_copy(table_hbm.at[idx2_v.at[nxt]], rows[b], sems[b])
        return carry

    lax.fori_loop(0, _NCHUNK // 2, pair, 0)


@functools.cache
def _sc_gather():
    return pl.kernel(
        _sc_gather_body,
        out_type=jax.ShapeDtypeStruct((D, N), jnp.float32),
        mesh=plsc.VectorSubcoreMesh(core_axis_name="c", subcore_axis_name="s"),
        compiler_params=pltpu.CompilerParams(
            use_tc_tiling_on_sc=True, needs_layout_passes=False),
        scratch_types=[
            pltpu.VMEM((_NCHUNK, _CHUNK), jnp.int32),
            pltpu.VMEM((_NCHUNK, _CHUNK), jnp.int32),
            pltpu.VMEM((_NCHUNK, _CHUNK), jnp.int32),
            pltpu.VMEM((_CHUNK, 2 * D), jnp.float32),
            pltpu.VMEM((_CHUNK, 2 * D), jnp.float32),
            pltpu.VMEM((D, _CHUNK), jnp.float32),
            pltpu.VMEM((D, _CHUNK), jnp.float32),
            pltpu.SemaphoreType.DMA,
            pltpu.SemaphoreType.DMA,
        ],
    )


def kernel(x, W):
    sw = jnp.sum(W**2, axis=1)[None, :]
    wt = -2.0 * W.T
    idx3, loss_sum = _tc_argmin(x.T, wt, sw)
    idx = idx3.reshape(_NW, _NCHUNK, _CHUNK)
    table2 = W.reshape(K // 2, 2 * D)
    x_out = _sc_gather()(table2, idx).T
    vq_loss = loss_sum[0, 0] * jnp.float32(1.25 / (N * D))
    return (x_out, vq_loss)

# --- scband reference (transcript-rebuilt; emitter-appended) ---
"""Pipeline reference for scband-vector-quantization-46883863003202 (READ-ONLY COPY).

The authoritative reference and input builder live on the scoring server;
editing this copy changes nothing except your own understanding.
"""

import jax, jax.numpy as jnp
import numpy as np

N = 32768
D = 64
K = 1024

def setup_inputs(seed: int = 0) -> dict:
    key = jax.random.key(seed)
    kx, kw = jax.random.split(key)
    x = jax.random.normal(kx, (N, D), dtype=jnp.float32)
    W = jax.random.uniform(kw, (K, D), dtype=jnp.float32, minval=-1.0 / K, maxval=1.0 / K)
    return {"x": x, "W": W}

def reference(x, W):
    # distances: [N, K]
    distances = (jnp.sum(x ** 2, axis=1, keepdims=True)
                 + jnp.sum(W ** 2, axis=1)
                 - 2.0 * jnp.matmul(x, W.T))
    indices = jnp.argmin(distances, axis=1)  # [N]
    x_quantized = jnp.take(W, indices, axis=0).reshape(x.shape)  # gather codebook rows
    commitment_loss = jnp.mean((jax.lax.stop_gradient(x_quantized) - x) ** 2)
    embedding_loss = jnp.mean((x_quantized - jax.lax.stop_gradient(x)) ** 2)
    vq_loss = commitment_loss * 0.25 + embedding_loss
    # straight-through estimator
    x_out = x + jax.lax.stop_gradient(x_quantized - x)
    return (x_out, vq_loss)

if __name__ == "__main__":
    import jax
    _d = setup_inputs()
    print(jax.jit(kernel)(*tuple(_d.values())))

</pallas_src>

<mosaic_0001>
#map = affine_map<(d0, d1) -> (0, 0)>
#map1 = affine_map<(d0, d1) -> (0, 0, 0)>
module attributes {stable_mosaic.version = 14 : i64} {
  func.func @_sc_gather_body(%arg0: i32, %arg1: i32, %arg2: memref<512x128xf32, #tpu.memory_space<hbm>>, %arg3: memref<32x8x128xi32, #tpu.memory_space<hbm>>, %arg4: memref<64x32768xf32, #tpu.memory_space<hbm>>, %arg5: memref<8x128xi32, #tpu.memory_space<vmem>>, %arg6: memref<8x128xi32, #tpu.memory_space<vmem>>, %arg7: memref<8x128xi32, #tpu.memory_space<vmem>>, %arg8: memref<128x128xf32, #tpu.memory_space<vmem>>, %arg9: memref<128x128xf32, #tpu.memory_space<vmem>>, %arg10: memref<64x128xf32, #tpu.memory_space<vmem>>, %arg11: memref<64x128xf32, #tpu.memory_space<vmem>>, %arg12: memref<!tpu.dma_semaphore, #tpu.memory_space<semaphore_mem>>, %arg13: memref<!tpu.dma_semaphore, #tpu.memory_space<semaphore_mem>>) attributes {dimension_semantics = [#tpu.dimension_semantics<core_parallel>, #tpu.dimension_semantics<subcore_parallel>], iteration_bounds = array<i64: 2, 16>, scalar_prefetch = 0 : i64, scratch_operands = 9 : i64, tpu.core_type = #tpu.core_type<sc_vector_subcore>, window_params = [{transform_indices = #map}, {transform_indices = #map1}, {transform_indices = #map}]} {
    %mul3A = arith.constant 2 : i32
    %mul3A_0 = arith.muli %arg1, %mul3A : i32
    %add3A = arith.addi %mul3A_0, %arg0 : i32
    %mul3A_1 = arith.constant 1024 : i32
    %mul3A_2 = arith.muli %add3A, %mul3A_1 : i32
    "tpu.region"() ({
      %run_scoped3A = tpu.sem_alloc : memref<!tpu.dma_semaphore, #tpu.memory_space<semaphore_mem>>
      %dma_start3A_1360 = arith.constant 0 : i32
      %dma_start3A_1361 = arith.constant 0 : i32
      %dma_start3A_1362 = tpu.memref_slice %arg3[%add3A, %dma_start3A_1360, %dma_start3A_1361] : memref<32x8x128xi32, #tpu.memory_space<hbm>> -> memref<1x8x128xi32, #tpu.memory_space<hbm>>
      %dma_start3A_1363 = tpu.memref_squeeze %dma_start3A_1362 : memref<1x8x128xi32, #tpu.memory_space<hbm>> -> memref<8x128xi32, #tpu.memory_space<hbm>>
      %dma_start3A_1364 = arith.constant 0 : i32
      %dma_start3A_1365 = arith.constant 0 : i32
      %dma_start3A_1366 = tpu.memref_slice %arg3[%add3A, %dma_start3A_1364, %dma_start3A_1365] : memref<32x8x128xi32, #tpu.memory_space<hbm>> -> memref<1x8x128xi32, #tpu.memory_space<hbm>>
      %dma_start3A_1367 = tpu.memref_squeeze %dma_start3A_1366 : memref<1x8x128xi32, #tpu.memory_space<hbm>> -> memref<8x128xi32, #tpu.memory_space<hbm>>
      tpu.enqueue_dma source(%dma_start3A_1367 : memref<8x128xi32, #tpu.memory_space<hbm>>) target(%arg5 : memref<8x128xi32, #tpu.memory_space<vmem>>) target_semaphore(%run_scoped3A : memref<!tpu.dma_semaphore, #tpu.memory_space<semaphore_mem>>)
      %dma_wait3A = arith.constant 0 : i32
      %dma_wait3A_1368 = arith.constant 0 : i32
      %dma_wait3A_1369 = tpu.memref_slice %arg3[%add3A, %dma_wait3A, %dma_wait3A_1368] : memref<32x8x128xi32, #tpu.memory_space<hbm>> -> memref<1x8x128xi32, #tpu.memory_space<hbm>>
      %dma_wait3A_1370 = tpu.memref_squeeze %dma_wait3A_1369 : memref<1x8x128xi32, #tpu.memory_space<hbm>> -> memref<8x128xi32, #tpu.memory_space<hbm>>
      %dma_wait3A_1371 = arith.constant 0 : i32
      %dma_wait3A_1372 = arith.constant 0 : i32
      %dma_wait3A_1373 = tpu.memref_slice %arg3[%add3A, %dma_wait3A_1371, %dma_wait3A_1372] : memref<32x8x128xi32, #tpu.memory_space<hbm>> -> memref<1x8x128xi32, #tpu.memory_space<hbm>>
      %dma_wait3A_1374 = tpu.memref_squeeze %dma_wait3A_1373 : memref<1x8x128xi32, #tpu.memory_space<hbm>> -> memref<8x128xi32, #tpu.memory_space<hbm>>
      tpu.wait_dma2 semaphore(%run_scoped3A : memref<!tpu.dma_semaphore, #tpu.memory_space<semaphore_mem>>) src(%dma_wait3A_1374 : memref<8x128xi32, #tpu.memory_space<hbm>>) dst(%arg5 : memref<8x128xi32, #tpu.memory_space<vmem>>)
      tpu.yield
    }) : () -> ()
    %get3A = arith.constant 0 : i32
    %get3A_3 = arith.index_cast %get3A : i32 to index
    %get3A_4 = arith.constant 0 : index
    %get3A_5 = tpu.vector_load %arg5[%get3A_3, %get3A_4] {strides = array<i32>} : memref<8x128xi32, #tpu.memory_space<vmem>>, vector<16xi32>,
    %shift_right_arithmetic3A = arith.constant 1 : i32
    %shift_right_arithmetic3A_6 = vector.broadcast %shift_right_arithmetic3A : i32 to vector<16xi32>
    %shift_right_arithmetic3A_7 = arith.shrsi %get3A_5, %shift_right_arithmetic3A_6 : vector<16xi32>
    %swap3A = arith.constant 0 : i32
    %swap3A_8 = arith.index_cast %swap3A : i32 to index
    %swap3A_9 = arith.constant 0 : index
    %swap3A_10 = tpu.vector_load %arg6[%swap3A_8, %swap3A_9] {strides = array<i32>} : memref<8x128xi32, #tpu.memory_space<vmem>>, vector<16xi32>,
    tpu.vector_store %arg6[%swap3A_8, %swap3A_9], %shift_right_arithmetic3A_7 {strides = array<i32>} : memref<8x128xi32, #tpu.memory_space<vmem>>, vector<16xi32>,
    %and3A = arith.constant 1 : i32
    %and3A_11 = vector.broadcast %and3A : i32 to vector<16xi32>
    %and3A_12 = arith.andi %get3A_5, %and3A_11 : vector<16xi32>
    %shift_left3A = arith.constant 6 : i32
    %shift_left3A_13 = vector.broadcast %shift_left3A : i32 to vector<16xi32>
    %shift_left3A_14 = arith.shli %and3A_12, %shift_left3A_13 : vector<16xi32>
    %swap3A_15 = arith.constant 0 : i32
    %swap3A_16 = arith.index_cast %swap3A_15 : i32 to index
    %swap3A_17 = arith.constant 0 : index
    %swap3A_18 = tpu.vector_load %arg7[%swap3A_16, %swap3A_17] {strides = array<i32>} : memref<8x128xi32, #tpu.memory_space<vmem>>, vector<16xi32>,
    tpu.vector_store %arg7[%swap3A_16, %swap3A_17], %shift_left3A_14 {strides = array<i32>} : memref<8x128xi32, #tpu.memory_space<vmem>>, vector<16xi32>,
    %get3A_19 = arith.constant 0 : i32
    %get3A_20 = arith.index_cast %get3A_19 : i32 to index
    %get3A_21 = arith.constant 16 : index
    %get3A_22 = tpu.vector_load %arg5[%get3A_20, %get3A_21] {strides = array<i32>} : memref<8x128xi32, #tpu.memory_space<vmem>>, vector<16xi32>,
    %shift_right_arithmetic3A_23 = arith.constant 1 : i32
    %shift_right_arithmetic3A_24 = vector.broadcast %shift_right_arithmetic3A_23 : i32 to vector<16xi32>
    %shift_right_arithmetic3A_25 = arith.shrsi %get3A_22, %shift_right_arithmetic3A_24 : vector<16xi32>
    %swap3A_26 = arith.constant 0 : i32
    %swap3A_27 = arith.index_cast %swap3A_26 : i32 to index
    %swap3A_28 = arith.constant 16 : index
    %swap3A_29 = tpu.vector_load %arg6[%swap3A_27, %swap3A_28] {strides = array<i32>} : memref<8x128xi32, #tpu.memory_space<vmem>>, vector<16xi32>,
    tpu.vector_store %arg6[%swap3A_27, %swap3A_28], %shift_right_arithmetic3A_25 {strides = array<i32>} : memref<8x128xi32, #tpu.memory_space<vmem>>, vector<16xi32>,
    %and3A_30 = arith.constant 1 : i32
    %and3A_31 = vector.broadcast %and3A_30 : i32 to vector<16xi32>
    %and3A_32 = arith.andi %get3A_22, %and3A_31 : vector<16xi32>
    %shift_left3A_33 = arith.constant 6 : i32
    %shift_left3A_34 = vector.broadcast %shift_left3A_33 : i32 to vector<16xi32>
    %shift_left3A_35 = arith.shli %and3A_32, %shift_left3A_34 : vector<16xi32>
    %swap3A_36 = arith.constant 0 : i32
    %swap3A_37 = arith.index_cast %swap3A_36 : i32 to index
    %swap3A_38 = arith.constant 16 : index
    %swap3A_39 = tpu.vector_load %arg7[%swap3A_37, %swap3A_38] {strides = array<i32>} : memref<8x128xi32, #tpu.memory_space<vmem>>, vector<16xi32>,
    tpu.vector_store %arg7[%swap3A_37, %swap3A_38], %shift_left3A_35 {strides = array<i32>} : memref<8x128xi32, #tpu.memory_space<vmem>>, vector<16xi32>,
    %get3A_40 = arith.constant 0 : i32
    %get3A_41 = arith.index_cast %get3A_40 : i32 to index
    %get3A_42 = arith.constant 32 : index
    %get3A_43 = tpu.vector_load %arg5[%get3A_41, %get3A_42] {strides = array<i32>} : memref<8x128xi32, #tpu.memory_space<vmem>>, vector<16xi32>,
    %shift_right_arithmetic3A_44 = arith.constant 1 : i32
    %shift_right_arithmetic3A_45 = vector.broadcast %shift_right_arithmetic3A_44 : i32 to vector<16xi32>
    %shift_right_arithmetic3A_46 = arith.shrsi %get3A_43, %shift_right_arithmetic3A_45 : vector<16xi32>
    %swap3A_47 = arith.constant 0 : i32
    %swap3A_48 = arith.index_cast %swap3A_47 : i32 to index
    %swap3A_49 = arith.constant 32 : index
    %swap3A_50 = tpu.vector_load %arg6[%swap3A_48, %swap3A_49] {strides = array<i32>} : memref<8x128xi32, #tpu.memory_space<vmem>>, vector<16xi32>,
    tpu.vector_store %arg6[%swap3A_48, %swap3A_49], %shift_right_arithmetic3A_46 {strides = array<i32>} : memref<8x128xi32, #tpu.memory_space<vmem>>, vector<16xi32>,
    %and3A_51 = arith.constant 1 : i32
    %and3A_52 = vector.broadcast %and3A_51 : i32 to vector<16xi32>
    %and3A_53 = arith.andi %get3A_43, %and3A_52 : vector<16xi32>
    %shift_left3A_54 = arith.constant 6 : i32
    %shift_left3A_55 = vector.broadcast %shift_left3A_54 : i32 to vector<16xi32>
    %shift_left3A_56 = arith.shli %and3A_53, %shift_left3A_55 : vector<16xi32>
    %swap3A_57 = arith.constant 0 : i32
    %swap3A_58 = arith.index_cast %swap3A_57 : i32 to index
    %swap3A_59 = arith.constant 32 : index
    %swap3A_60 = tpu.vector_load %arg7[%swap3A_58, %swap3A_59] {strides = array<i32>} : memref<8x128xi32, #tpu.memory_space<vmem>>, vector<16xi32>,
    tpu.vector_store %arg7[%swap3A_58, %swap3A_59], %shift_left3A_56 {strides = array<i32>} : memref<8x128xi32, #tpu.memory_space<vmem>>, vector<16xi32>,
    %get3A_61 = arith.constant 0 : i32
    %get3A_62 = arith.index_cast %get3A_61 : i32 to index
    %get3A_63 = arith.constant 48 : index
    %get3A_64 = tpu.vector_load %arg5[%get3A_62, %get3A_63] {strides = array<i32>} : memref<8x128xi32, #tpu.memory_space<vmem>>, vector<16xi32>,
    %shift_right_arithmetic3A_65 = arith.constant 1 : i32
    %shift_right_arithmetic3A_66 = vector.broadcast %shift_right_arithmetic3A_65 : i32 to vector<16xi32>
    %shift_right_arithmetic3A_67 = arith.shrsi %get3A_64, %shift_right_arithmetic3A_66 : vector<16xi32>
    %swap3A_68 = arith.constant 0 : i32
    %swap3A_69 = arith.index_cast %swap3A_68 : i32 to index
    %swap3A_70 = arith.constant 48 : index
    %swap3A_71 = tpu.vector_load %arg6[%swap3A_69, %swap3A_70] {strides = array<i32>} : memref<8x128xi32, #tpu.memory_space<vmem>>, vector<16xi32>,
    tpu.vector_store %arg6[%swap3A_69, %swap3A_70], %shift_right_arithmetic3A_67 {strides = array<i32>} : memref<8x128xi32, #tpu.memory_space<vmem>>, vector<16xi32>,
    %and3A_72 = arith.constant 1 : i32
    %and3A_73 = vector.broadcast %and3A_72 : i32 to vector<16xi32>
    %and3A_74 = arith.andi %get3A_64, %and3A_73 : vector<16xi32>
    %shift_left3A_75 = arith.constant 6 : i32
    %shift_left3A_76 = vector.broadcast %shift_left3A_75 : i32 to vector<16xi32>
    %shift_left3A_77 = arith.shli %and3A_74, %shift_left3A_76 : vector<16xi32>
    %swap3A_78 = arith.constant 0 : i32
    %swap3A_79 = arith.index_cast %swap3A_78 : i32 to index
    %swap3A_80 = arith.constant 48 : index
    %swap3A_81 = tpu.vector_load %arg7[%swap3A_79, %swap3A_80] {strides = array<i32>} : memref<8x128xi32, #tpu.memory_space<vmem>>, vector<16xi32>,
    tpu.vector_store %arg7[%swap3A_79, %swap3A_80], %shift_left3A_77 {strides = array<i32>} : memref<8x128xi32, #tpu.memory_space<vmem>>, vector<16xi32>,
    %get3A_82 = arith.constant 0 : i32
    %get3A_83 = arith.index_cast %get3A_82 : i32 to index
    %get3A_84 = arith.constant 64 : index
    %get3A_85 = tpu.vector_load %arg5[%get3A_83, %get3A_84] {strides = array<i32>} : memref<8x128xi32, #tpu.memory_space<vmem>>, vector<16xi32>,
    %shift_right_arithmetic3A_86 = arith.constant 1 : i32
    %shift_right_arithmetic3A_87 = vector.broadcast %shift_right_arithmetic3A_86 : i32 to vector<16xi32>
    %shift_right_arithmetic3A_88 = arith.shrsi %get3A_85, %shift_right_arithmetic3A_87 : vector<16xi32>
    %swap3A_89 = arith.constant 0 : i32
    %swap3A_90 = arith.index_cast %swap3A_89 : i32 to index
    %swap3A_91 = arith.constant 64 : index
    %swap3A_92 = tpu.vector_load %arg6[%swap3A_90, %swap3A_91] {strides = array<i32>} : memref<8x128xi32, #tpu.memory_space<vmem>>, vector<16xi32>,
    tpu.vector_store %arg6[%swap3A_90, %swap3A_91], %shift_right_arithmetic3A_88 {strides = array<i32>} : memref<8x128xi32, #tpu.memory_space<vmem>>, vector<16xi32>,
    %and3A_93 = arith.constant 1 : i32
    %and3A_94 = vector.broadcast %and3A_93 : i32 to vector<16xi32>
    %and3A_95 = arith.andi %get3A_85, %and3A_94 : vector<16xi32>
    %shift_left3A_96 = arith.constant 6 : i32
    %shift_left3A_97 = vector.broadcast %shift_left3A_96 : i32 to vector<16xi32>
    %shift_left3A_98 = arith.shli %and3A_95, %shift_left3A_97 : vector<16xi32>
    %swap3A_99 = arith.constant 0 : i32
    %swap3A_100 = arith.index_cast %swap3A_99 : i32 to index
    %swap3A_101 = arith.constant 64 : index
    %swap3A_102 = tpu.vector_load %arg7[%swap3A_100, %swap3A_101] {strides = array<i32>} : memref<8x128xi32, #tpu.memory_space<vmem>>, vector<16xi32>,
    tpu.vector_store %arg7[%swap3A_100, %swap3A_101], %shift_left3A_98 {strides = array<i32>} : memref<8x128xi32, #tpu.memory_space<vmem>>, vector<16xi32>,
    %get3A_103 = arith.constant 0 : i32
    %get3A_104 = arith.index_cast %get3A_103 : i32 to index
    %get3A_105 = arith.constant 80 : index
    %get3A_106 = tpu.vector_load %arg5[%get3A_104, %get3A_105] {strides = array<i32>} : memref<8x128xi32, #tpu.memory_space<vmem>>, vector<16xi32>,
    %shift_right_arithmetic3A_107 = arith.constant 1 : i32
    %shift_right_arithmetic3A_108 = vector.broadcast %shift_right_arithmetic3A_107 : i32 to vector<16xi32>
    %shift_right_arithmetic3A_109 = arith.shrsi %get3A_106, %shift_right_arithmetic3A_108 : vector<16xi32>
    %swap3A_110 = arith.constant 0 : i32
    %swap3A_111 = arith.index_cast %swap3A_110 : i32 to index
    %swap3A_112 = arith.constant 80 : index
    %swap3A_113 = tpu.vector_load %arg6[%swap3A_111, %swap3A_112] {strides = array<i32>} : memref<8x128xi32, #tpu.memory_space<vmem>>, vector<16xi32>,
    tpu.vector_store %arg6[%swap3A_111, %swap3A_112], %shift_right_arithmetic3A_109 {strides = array<i32>} : memref<8x128xi32, #tpu.memory_space<vmem>>, vector<16xi32>,
    %and3A_114 = arith.constant 1 : i32
    %and3A_115 = vector.broadcast %and3A_114 : i32 to vector<16xi32>
    %and3A_116 = arith.andi %get3A_106, %and3A_115 : vector<16xi32>
    %shift_left3A_117 = arith.constant 6 : i32
    %shift_left3A_118 = vector.broadcast %shift_left3A_117 : i32 to vector<16xi32>
    %shift_left3A_119 = arith.shli %and3A_116, %shift_left3A_118 : vector<16xi32>
    %swap3A_120 = arith.constant 0 : i32
    %swap3A_121 = arith.index_cast %swap3A_120 : i32 to index
    %swap3A_122 = arith.constant 80 : index
    %swap3A_123 = tpu.vector_load %arg7[%swap3A_121, %swap3A_122] {strides = array<i32>} : memref<8x128xi32, #tpu.memory_space<vmem>>, vector<16xi32>,
    tpu.vector_store %arg7[%swap3A_121, %swap3A_122], %shift_left3A_119 {strides = array<i32>} : memref<8x128xi32, #tpu.memory_space<vmem>>, vector<16xi32>,
    %get3A_124 = arith.constant 0 : i32
    %get3A_125 = arith.index_cast %get3A_124 : i32 to index
    %get3A_126 = arith.constant 96 : index
    %get3A_127 = tpu.vector_load %arg5[%get3A_125, %get3A_126] {strides = array<i32>} : memref<8x128xi32, #tpu.memory_space<vmem>>, vector<16xi32>,
    %shift_right_arithmetic3A_128 = arith.constant 1 : i32
    %shift_right_arithmetic3A_129 = vector.broadcast %shift_right_arithmetic3A_128 : i32 to vector<16xi32>
    %shift_right_arithmetic3A_130 = arith.shrsi %get3A_127, %shift_right_arithmetic3A_129 : vector<16xi32>
    %swap3A_131 = arith.constant 0 : i32
    %swap3A_132 = arith.index_cast %swap3A_131 : i32 to index
    %swap3A_133 = arith.constant 96 : index
    %swap3A_134 = tpu.vector_load %arg6[%swap3A_132, %swap3A_133] {strides = array<i32>} : memref<8x128xi32, #tpu.memory_space<vmem>>, vector<16xi32>,
    tpu.vector_store %arg6[%swap3A_132, %swap3A_133], %shift_right_arithmetic3A_130 {strides = array<i32>} : memref<8x128xi32, #tpu.memory_space<vmem>>, vector<16xi32>,
    %and3A_135 = arith.constant 1 : i32
    %and3A_136 = vector.broadcast %and3A_135 : i32 to vector<16xi32>
    %and3A_137 = arith.andi %get3A_127, %and3A_136 : vector<16xi32>
    %shift_left3A_138 = arith.constant 6 : i32
    %shift_left3A_139 = vector.broadcast %shift_left3A_138 : i32 to vector<16xi32>
    %shift_left3A_140 = arith.shli %and3A_137, %shift_left3A_139 : vector<16xi32>
    %swap3A_141 = arith.constant 0 : i32
    %swap3A_142 = arith.index_cast %swap3A_141 : i32 to index
    %swap3A_143 = arith.constant 96 : index
    %swap3A_144 = tpu.vector_load %arg7[%swap3A_142, %swap3A_143] {strides = array<i32>} : memref<8x128xi32, #tpu.memory_space<vmem>>, vector<16xi32>,
    tpu.vector_store %arg7[%swap3A_142, %swap3A_143], %shift_left3A_140 {strides = array<i32>} : memref<8x128xi32, #tpu.memory_space<vmem>>, vector<16xi32>,
    %get3A_145 = arith.constant 0 : i32
    %get3A_146 = arith.index_cast %get3A_145 : i32 to index
    %get3A_147 = arith.constant 112 : index
    %get3A_148 = tpu.vector_load %arg5[%get3A_146, %get3A_147] {strides = array<i32>} : memref<8x128xi32, #tpu.memory_space<vmem>>, vector<16xi32>,
    %shift_right_arithmetic3A_149 = arith.constant 1 : i32
    %shift_right_arithmetic3A_150 = vector.broadcast %shift_right_arithmetic3A_149 : i32 to vector<16xi32>
    %shift_right_arithmetic3A_151 = arith.shrsi %get3A_148, %shift_right_arithmetic3A_150 : vector<16xi32>
    %swap3A_152 = arith.constant 0 : i32
    %swap3A_153 = arith.index_cast %swap3A_152 : i32 to index
    %swap3A_154 = arith.constant 112 : index
    %swap3A_155 = tpu.vector_load %arg6[%swap3A_153, %swap3A_154] {strides = array<i32>} : memref<8x128xi32, #tpu.memory_space<vmem>>, vector<16xi32>,
    tpu.vector_store %arg6[%swap3A_153, %swap3A_154], %shift_right_arithmetic3A_151 {strides = array<i32>} : memref<8x128xi32, #tpu.memory_space<vmem>>, vector<16xi32>,
    %and3A_156 = arith.constant 1 : i32
    %and3A_157 = vector.broadcast %and3A_156 : i32 to vector<16xi32>
    %and3A_158 = arith.andi %get3A_148, %and3A_157 : vector<16xi32>
    %shift_left3A_159 = arith.constant 6 : i32
    %shift_left3A_160 = vector.broadcast %shift_left3A_159 : i32 to vector<16xi32>
    %shift_left3A_161 = arith.shli %and3A_158, %shift_left3A_160 : vector<16xi32>
    %swap3A_162 = arith.constant 0 : i32
    %swap3A_163 = arith.index_cast %swap3A_162 : i32 to index
    %swap3A_164 = arith.constant 112 : index
    %swap3A_165 = tpu.vector_load %arg7[%swap3A_163, %swap3A_164] {strides = array<i32>} : memref<8x128xi32, #tpu.memory_space<vmem>>, vector<16xi32>,
    tpu.vector_store %arg7[%swap3A_163, %swap3A_164], %shift_left3A_161 {strides = array<i32>} : memref<8x128xi32, #tpu.memory_space<vmem>>, vector<16xi32>,
    %get3A_166 = arith.constant 1 : i32
    %get3A_167 = arith.index_cast %get3A_166 : i32 to index
    %get3A_168 = arith.constant 0 : index
    %get3A_169 = tpu.vector_load %arg5[%get3A_167, %get3A_168] {strides = array<i32>} : memref<8x128xi32, #tpu.memory_space<vmem>>, vector<16xi32>,
    %shift_right_arithmetic3A_170 = arith.constant 1 : i32
    %shift_right_arithmetic3A_171 = vector.broadcast %shift_right_arithmetic3A_170 : i32 to vector<16xi32>
    %shift_right_arithmetic3A_172 = arith.shrsi %get3A_169, %shift_right_arithmetic3A_171 : vector<16xi32>
    %swap3A_173 = arith.constant 1 : i32
    %swap3A_174 = arith.index_cast %swap3A_173 : i32 to index
    %swap3A_175 = arith.constant 0 : index
    %swap3A_176 = tpu.vector_load %arg6[%swap3A_174, %swap3A_175] {strides = array<i32>} : memref<8x128xi32, #tpu.memory_space<vmem>>, vector<16xi32>,
    tpu.vector_store %arg6[%swap3A_174, %swap3A_175], %shift_right_arithmetic3A_172 {strides = array<i32>} : memref<8x128xi32, #tpu.memory_space<vmem>>, vector<16xi32>,
    %and3A_177 = arith.constant 1 : i32
    %and3A_178 = vector.broadcast %and3A_177 : i32 to vector<16xi32>
    %and3A_179 = arith.andi %get3A_169, %and3A_178 : vector<16xi32>
    %shift_left3A_180 = arith.constant 6 : i32
    %shift_left3A_181 = vector.broadcast %shift_left3A_180 : i32 to vector<16xi32>
    %shift_left3A_182 = arith.shli %and3A_179, %shift_left3A_181 : vector<16xi32>
    %swap3A_183 = arith.constant 1 : i32
    %swap3A_184 = arith.index_cast %swap3A_183 : i32 to index
    %swap3A_185 = arith.constant 0 : index
    %swap3A_186 = tpu.vector_load %arg7[%swap3A_184, %swap3A_185] {strides = array<i32>} : memref<8x128xi32, #tpu.memory_space<vmem>>, vector<16xi32>,
    tpu.vector_store %arg7[%swap3A_184, %swap3A_185], %shift_left3A_182 {strides = array<i32>} : memref<8x128xi32, #tpu.memory_space<vmem>>, vector<16xi32>,
    %get3A_187 = arith.constant 1 : i32
    %get3A_188 = arith.index_cast %get3A_187 : i32 to index
    %get3A_189 = arith.constant 16 : index
    %get3A_190 = tpu.vector_load %arg5[%get3A_188, %get3A_189] {strides = array<i32>} : memref<8x128xi32, #tpu.memory_space<vmem>>, vector<16xi32>,
    %shift_right_arithmetic3A_191 = arith.constant 1 : i32
    %shift_right_arithmetic3A_192 = vector.broadcast %shift_right_arithmetic3A_191 : i32 to vector<16xi32>
    %shift_right_arithmetic3A_193 = arith.shrsi %get3A_190, %shift_right_arithmetic3A_192 : vector<16xi32>
    %swap3A_194 = arith.constant 1 : i32
    %swap3A_195 = arith.index_cast %swap3A_194 : i32 to index
    %swap3A_196 = arith.constant 16 : index
    %swap3A_197 = tpu.vector_load %arg6[%swap3A_195, %swap3A_196] {strides = array<i32>} : memref<8x128xi32, #tpu.memory_space<vmem>>, vector<16xi32>,
    tpu.vector_store %arg6[%swap3A_195, %swap3A_196], %shift_right_arithmetic3A_193 {strides = array<i32>} : memref<8x128xi32, #tpu.memory_space<vmem>>, vector<16xi32>,
    %and3A_198 = arith.constant 1 : i32
    %and3A_199 = vector.broadcast %and3A_198 : i32 to vector<16xi32>
    %and3A_200 = arith.andi %get3A_190, %and3A_199 : vector<16xi32>
    %shift_left3A_201 = arith.constant 6 : i32
    %shift_left3A_202 = vector.broadcast %shift_left3A_201 : i32 to vector<16xi32>
    %shift_left3A_203 = arith.shli %and3A_200, %shift_left3A_202 : vector<16xi32>
    %swap3A_204 = arith.constant 1 : i32
    %swap3A_205 = arith.index_cast %swap3A_204 : i32 to index
    %swap3A_206 = arith.constant 16 : index
    %swap3A_207 = tpu.vector_load %arg7[%swap3A_205, %swap3A_206] {strides = array<i32>} : memref<8x128xi32, #tpu.memory_space<vmem>>, vector<16xi32>,
    tpu.vector_store %arg7[%swap3A_205, %swap3A_206], %shift_left3A_203 {strides = array<i32>} : memref<8x128xi32, #tpu.memory_space<vmem>>, vector<16xi32>,
    %get3A_208 = arith.constant 1 : i32
    %get3A_209 = arith.index_cast %get3A_208 : i32 to index
    %get3A_210 = arith.constant 32 : index
    %get3A_211 = tpu.vector_load %arg5[%get3A_209, %get3A_210] {strides = array<i32>} : memref<8x128xi32, #tpu.memory_space<vmem>>, vector<16xi32>,
    %shift_right_arithmetic3A_212 = arith.constant 1 : i32
    %shift_right_arithmetic3A_213 = vector.broadcast %shift_right_arithmetic3A_212 : i32 to vector<16xi32>
    %shift_right_arithmetic3A_214 = arith.shrsi %get3A_211, %shift_right_arithmetic3A_213 : vector<16xi32>
    %swap3A_215 = arith.constant 1 : i32
    %swap3A_216 = arith.index_cast %swap3A_215 : i32 to index
    %swap3A_217 = arith.constant 32 : index
    %swap3A_218 = tpu.vector_load %arg6[%swap3A_216, %swap3A_217] {strides = array<i32>} : memref<8x128xi32, #tpu.memory_space<vmem>>, vector<16xi32>,
    tpu.vector_store %arg6[%swap3A_216, %swap3A_217], %shift_right_arithmetic3A_214 {strides = array<i32>} : memref<8x128xi32, #tpu.memory_space<vmem>>, vector<16xi32>,
    %and3A_219 = arith.constant 1 : i32
    %and3A_220 = vector.broadcast %and3A_219 : i32 to vector<16xi32>
    %and3A_221 = arith.andi %get3A_211, %and3A_220 : vector<16xi32>
    %shift_left3A_222 = arith.constant 6 : i32
    %shift_left3A_223 = vector.broadcast %shift_left3A_222 : i32 to vector<16xi32>
    %shift_left3A_224 = arith.shli %and3A_221, %shift_left3A_223 : vector<16xi32>
    %swap3A_225 = arith.constant 1 : i32
    %swap3A_226 = arith.index_cast %swap3A_225 : i32 to index
    %swap3A_227 = arith.constant 32 : index
    %swap3A_228 = tpu.vector_load %arg7[%swap3A_226, %swap3A_227] {strides = array<i32>} : memref<8x128xi32, #tpu.memory_space<vmem>>, vector<16xi32>,
    tpu.vector_store %arg7[%swap3A_226, %swap3A_227], %shift_left3A_224 {strides = array<i32>} : memref<8x128xi32, #tpu.memory_space<vmem>>, vector<16xi32>,
    %get3A_229 = arith.constant 1 : i32
    %get3A_230 = arith.index_cast %get3A_229 : i32 to index
    %get3A_231 = arith.constant 48 : index
    %get3A_232 = tpu.vector_load %arg5[%get3A_230, %get3A_231] {strides = array<i32>} : memref<8x128xi32, #tpu.memory_space<vmem>>, vector<16xi32>,
    %shift_right_arithmetic3A_233 = arith.constant 1 : i32
    %shift_right_arithmetic3A_234 = vector.broadcast %shift_right_arithmetic3A_233 : i32 to vector<16xi32>
    %shift_right_arithmetic3A_235 = arith.shrsi %get3A_232, %shift_right_arithmetic3A_234 : vector<16xi32>
    %swap3A_236 = arith.constant 1 : i32
    %swap3A_237 = arith.index_cast %swap3A_236 : i32 to index
    %swap3A_238 = arith.constant 48 : index
    %swap3A_239 = tpu.vector_load %arg6[%swap3A_237, %swap3A_238] {strides = array<i32>} : memref<8x128xi32, #tpu.memory_space<vmem>>, vector<16xi32>,
    tpu.vector_store %arg6[%swap3A_237, %swap3A_238], %shift_right_arithmetic3A_235 {strides = array<i32>} : memref<8x128xi32, #tpu.memory_space<vmem>>, vector<16xi32>,
    %and3A_240 = arith.constant 1 : i32
    %and3A_241 = vector.broadcast %and3A_240 : i32 to vector<16xi32>
    %and3A_242 = arith.andi %get3A_232, %and3A_241 : vector<16xi32>
    %shift_left3A_243 = arith.constant 6 : i32
    %shift_left3A_244 = vector.broadcast %shift_left3A_243 : i32 to vector<16xi32>
    %shift_left3A_245 = arith.shli %and3A_242, %shift_left3A_244 : vector<16xi32>
    %swap3A_246 = arith.constant 1 : i32
    %swap3A_247 = arith.index_cast %swap3A_246 : i32 to index
    %swap3A_248 = arith.constant 48 : index
    %swap3A_249 = tpu.vector_load %arg7[%swap3A_247, %swap3A_248] {strides = array<i32>} : memref<8x128xi32, #tpu.memory_space<vmem>>, vector<16xi32>,
    tpu.vector_store %arg7[%swap3A_247, %swap3A_248], %shift_left3A_245 {strides = array<i32>} : memref<8x128xi32, #tpu.memory_space<vmem>>, vector<16xi32>,
    %get3A_250 = arith.constant 1 : i32
    %get3A_251 = arith.index_cast %get3A_250 : i32 to index
    %get3A_252 = arith.constant 64 : index
    %get3A_253 = tpu.vector_load %arg5[%get3A_251, %get3A_252] {strides = array<i32>} : memref<8x128xi32, #tpu.memory_space<vmem>>, vector<16xi32>,
    %shift_right_arithmetic3A_254 = arith.constant 1 : i32
    %shift_right_arithmetic3A_255 = vector.broadcast %shift_right_arithmetic3A_254 : i32 to vector<16xi32>
    %shift_right_arithmetic3A_256 = arith.shrsi %get3A_253, %shift_right_arithmetic3A_255 : vector<16xi32>
    %swap3A_257 = arith.constant 1 : i32
    %swap3A_258 = arith.index_cast %swap3A_257 : i32 to index
    %swap3A_259 = arith.constant 64 : index
    %swap3A_260 = tpu.vector_load %arg6[%swap3A_258, %swap3A_259] {strides = array<i32>} : memref<8x128xi32, #tpu.memory_space<vmem>>, vector<16xi32>,
    tpu.vector_store %arg6[%swap3A_258, %swap3A_259], %shift_right_arithmetic3A_256 {strides = array<i32>} : memref<8x128xi32, #tpu.memory_space<vmem>>, vector<16xi32>,
    %and3A_261 = arith.constant 1 : i32
    %and3A_262 = vector.broadcast %and3A_261 : i32 to vector<16xi32>
    %and3A_263 = arith.andi %get3A_253, %and3A_262 : vector<16xi32>
    %shift_left3A_264 = arith.constant 6 : i32
    %shift_left3A_265 = vector.broadcast %shift_left3A_264 : i32 to vector<16xi32>
    %shift_left3A_266 = arith.shli %and3A_263, %shift_left3A_265 : vector<16xi32>
    %swap3A_267 = arith.constant 1 : i32
    %swap3A_268 = arith.index_cast %swap3A_267 : i32 to index
    %swap3A_269 = arith.constant 64 : index
    %swap3A_270 = tpu.vector_load %arg7[%swap3A_268, %swap3A_269] {strides = array<i32>} : memref<8x128xi32, #tpu.memory_space<vmem>>, vector<16xi32>,
    tpu.vector_store %arg7[%swap3A_268, %swap3A_269], %shift_left3A_266 {strides = array<i32>} : memref<8x128xi32, #tpu.memory_space<vmem>>, vector<16xi32>,
    %get3A_271 = arith.constant 1 : i32
    %get3A_272 = arith.index_cast %get3A_271 : i32 to index
    %get3A_273 = arith.constant 80 : index
    %get3A_274 = tpu.vector_load %arg5[%get3A_272, %get3A_273] {strides = array<i32>} : memref<8x128xi32, #tpu.memory_space<vmem>>, vector<16xi32>,
    %shift_right_arithmetic3A_275 = arith.constant 1 : i32
    %shift_right_arithmetic3A_276 = vector.broadcast %shift_right_arithmetic3A_275 : i32 to vector<16xi32>
    %shift_right_arithmetic3A_277 = arith.shrsi %get3A_274, %shift_right_arithmetic3A_276 : vector<16xi32>
    %swap3A_278 = arith.constant 1 : i32
    %swap3A_279 = arith.index_cast %swap3A_278 : i32 to index
    %swap3A_280 = arith.constant 80 : index
    %swap3A_281 = tpu.vector_load %arg6[%swap3A_279, %swap3A_280] {strides = array<i32>} : memref<8x128xi32, #tpu.memory_space<vmem>>, vector<16xi32>,
    tpu.vector_store %arg6[%swap3A_279, %swap3A_280], %shift_right_arithmetic3A_277 {strides = array<i32>} : memref<8x128xi32, #tpu.memory_space<vmem>>, vector<16xi32>,
    %and3A_282 = arith.constant 1 : i32
    %and3A_283 = vector.broadcast %and3A_282 : i32 to vector<16xi32>
    %and3A_284 = arith.andi %get3A_274, %and3A_283 : vector<16xi32>
    %shift_left3A_285 = arith.constant 6 : i32
    %shift_left3A_286 = vector.broadcast %shift_left3A_285 : i32 to vector<16xi32>
    %shift_left3A_287 = arith.shli %and3A_284, %shift_left3A_286 : vector<16xi32>
    %swap3A_288 = arith.constant 1 : i32
    %swap3A_289 = arith.index_cast %swap3A_288 : i32 to index
    %swap3A_290 = arith.constant 80 : index
    %swap3A_291 = tpu.vector_load %arg7[%swap3A_289, %swap3A_290] {strides = array<i32>} : memref<8x128xi32, #tpu.memory_space<vmem>>, vector<16xi32>,
    tpu.vector_store %arg7[%swap3A_289, %swap3A_290], %shift_left3A_287 {strides = array<i32>} : memref<8x128xi32, #tpu.memory_space<vmem>>, vector<16xi32>,
    %get3A_292 = arith.constant 1 : i32
    %get3A_293 = arith.index_cast %get3A_292 : i32 to index
    %get3A_294 = arith.constant 96 : index
    %get3A_295 = tpu.vector_load %arg5[%get3A_293, %get3A_294] {strides = array<i32>} : memref<8x128xi32, #tpu.memory_space<vmem>>, vector<16xi32>,
    %shift_right_arithmetic3A_296 = arith.constant 1 : i32
    %shift_right_arithmetic3A_297 = vector.broadcast %shift_right_arithmetic3A_296 : i32 to vector<16xi32>
    %shift_right_arithmetic3A_298 = arith.shrsi %get3A_295, %shift_right_arithmetic3A_297 : vector<16xi32>
    %swap3A_299 = arith.constant 1 : i32
    %swap3A_300 = arith.index_cast %swap3A_299 : i32 to index
    %swap3A_301 = arith.constant 96 : index
    %swap3A_302 = tpu.vector_load %arg6[%swap3A_300, %swap3A_301] {strides = array<i32>} : memref<8x128xi32, #tpu.memory_space<vmem>>, vector<16xi32>,
    tpu.vector_store %arg6[%swap3A_300, %swap3A_301], %shift_right_arithmetic3A_298 {strides = array<i32>} : memref<8x128xi32, #tpu.memory_space<vmem>>, vector<16xi32>,
    %and3A_303 = arith.constant 1 : i32
    %and3A_304 = vector.broadcast %and3A_303 : i32 to vector<16xi32>
    %and3A_305 = arith.andi %get3A_295, %and3A_304 : vector<16xi32>
    %shift_left3A_306 = arith.constant 6 : i32
    %shift_left3A_307 = vector.broadcast %shift_left3A_306 : i32 to vector<16xi32>
    %shift_left3A_308 = arith.shli %and3A_305, %shift_left3A_307 : vector<16xi32>
    %swap3A_309 = arith.constant 1 : i32
    %swap3A_310 = arith.index_cast %swap3A_309 : i32 to index
    %swap3A_311 = arith.constant 96 : index
    %swap3A_312 = tpu.vector_load %arg7[%swap3A_310, %swap3A_311] {strides = array<i32>} : memref<8x128xi32, #tpu.memory_space<vmem>>, vector<16xi32>,
    tpu.vector_store %arg7[%swap3A_310, %swap3A_311], %shift_left3A_308 {strides = array<i32>} : memref<8x128xi32, #tpu.memory_space<vmem>>, vector<16xi32>,
    %get3A_313 = arith.constant 1 : i32
    %get3A_314 = arith.index_cast %get3A_313 : i32 to index
    %get3A_315 = arith.constant 112 : index
    %get3A_316 = tpu.vector_load %arg5[%get3A_314, %get3A_315] {strides = array<i32>} : memref<8x128xi32, #tpu.memory_space<vmem>>, vector<16xi32>,
    %shift_right_arithmetic3A_317 = arith.constant 1 : i32
    %shift_right_arithmetic3A_318 = vector.broadcast %shift_right_arithmetic3A_317 : i32 to vector<16xi32>
    %shift_right_arithmetic3A_319 = arith.shrsi %get3A_316, %shift_right_arithmetic3A_318 : vector<16xi32>
    %swap3A_320 = arith.constant 1 : i32
    %swap3A_321 = arith.index_cast %swap3A_320 : i32 to index
    %swap3A_322 = arith.constant 112 : index
    %swap3A_323 = tpu.vector_load %arg6[%swap3A_321, %swap3A_322] {strides = array<i32>} : memref<8x128xi32, #tpu.memory_space<vmem>>, vector<16xi32>,
    tpu.vector_store %arg6[%swap3A_321, %swap3A_322], %shift_right_arithmetic3A_319 {strides = array<i32>} : memref<8x128xi32, #tpu.memory_space<vmem>>, vector<16xi32>,
    %and3A_324 = arith.constant 1 : i32
    %and3A_325 = vector.broadcast %and3A_324 : i32 to vector<16xi32>
    %and3A_326 = arith.andi %get3A_316, %and3A_325 : vector<16xi32>
    %shift_left3A_327 = arith.constant 6 : i32
    %shift_left3A_328 = vector.broadcast %shift_left3A_327 : i32 to vector<16xi32>
    %shift_left3A_329 = arith.shli %and3A_326, %shift_left3A_328 : vector<16xi32>
    %swap3A_330 = arith.constant 1 : i32
    %swap3A_331 = arith.index_cast %swap3A_330 : i32 to index
    %swap3A_332 = arith.constant 112 : index
    %swap3A_333 = tpu.vector_load %arg7[%swap3A_331, %swap3A_332] {strides = array<i32>} : memref<8x128xi32, #tpu.memory_space<vmem>>, vector<16xi32>,
    tpu.vector_store %arg7[%swap3A_331, %swap3A_332], %shift_left3A_329 {strides = array<i32>} : memref<8x128xi32, #tpu.memory_space<vmem>>, vector<16xi32>,
    %get3A_334 = arith.constant 2 : i32
    %get3A_335 = arith.index_cast %get3A_334 : i32 to index
    %get3A_336 = arith.constant 0 : index
    %get3A_337 = tpu.vector_load %arg5[%get3A_335, %get3A_336] {strides = array<i32>} : memref<8x128xi32, #tpu.memory_space<vmem>>, vector<16xi32>,
    %shift_right_arithmetic3A_338 = arith.constant 1 : i32
    %shift_right_arithmetic3A_339 = vector.broadcast %shift_right_arithmetic3A_338 : i32 to vector<16xi32>
    %shift_right_arithmetic3A_340 = arith.shrsi %get3A_337, %shift_right_arithmetic3A_339 : vector<16xi32>
    %swap3A_341 = arith.constant 2 : i32
    %swap3A_342 = arith.index_cast %swap3A_341 : i32 to index
    %swap3A_343 = arith.constant 0 : index
    %swap3A_344 = tpu.vector_load %arg6[%swap3A_342, %swap3A_343] {strides = array<i32>} : memref<8x128xi32, #tpu.memory_space<vmem>>, vector<16xi32>,
    tpu.vector_store %arg6[%swap3A_342, %swap3A_343], %shift_right_arithmetic3A_340 {strides = array<i32>} : memref<8x128xi32, #tpu.memory_space<vmem>>, vector<16xi32>,
    %and3A_345 = arith.constant 1 : i32
    %and3A_346 = vector.broadcast %and3A_345 : i32 to vector<16xi32>
    %and3A_347 = arith.andi %get3A_337, %and3A_346 : vector<16xi32>
    %shift_left3A_348 = arith.constant 6 : i32
    %shift_left3A_349 = vector.broadcast %shift_left3A_348 : i32 to vector<16xi32>
    %shift_left3A_350 = arith.shli %and3A_347, %shift_left3A_349 : vector<16xi32>
    %swap3A_351 = arith.constant 2 : i32
    %swap3A_352 = arith.index_cast %swap3A_351 : i32 to index
    %swap3A_353 = arith.constant 0 : index
    %swap3A_354 = tpu.vector_load %arg7[%swap3A_352, %swap3A_353] {strides = array<i32>} : memref<8x128xi32, #tpu.memory_space<vmem>>, vector<16xi32>,
    tpu.vector_store %arg7[%swap3A_352, %swap3A_353], %shift_left3A_350 {strides = array<i32>} : memref<8x128xi32, #tpu.memory_space<vmem>>, vector<16xi32>,
    %get3A_355 = arith.constant 2 : i32
    %get3A_356 = arith.index_cast %get3A_355 : i32 to index
    %get3A_357 = arith.constant 16 : index
    %get3A_358 = tpu.vector_load %arg5[%get3A_356, %get3A_357] {strides = array<i32>} : memref<8x128xi32, #tpu.memory_space<vmem>>, vector<16xi32>,
    %shift_right_arithmetic3A_359 = arith.constant 1 : i32
    %shift_right_arithmetic3A_360 = vector.broadcast %shift_right_arithmetic3A_359 : i32 to vector<16xi32>
    %shift_right_arithmetic3A_361 = arith.shrsi %get3A_358, %shift_right_arithmetic3A_360 : vector<16xi32>
    %swap3A_362 = arith.constant 2 : i32
    %swap3A_363 = arith.index_cast %swap3A_362 : i32 to index
    %swap3A_364 = arith.constant 16 : index
    %swap3A_365 = tpu.vector_load %arg6[%swap3A_363, %swap3A_364] {strides = array<i32>} : memref<8x128xi32, #tpu.memory_space<vmem>>, vector<16xi32>,
    tpu.vector_store %arg6[%swap3A_363, %swap3A_364], %shift_right_arithmetic3A_361 {strides = array<i32>} : memref<8x128xi32, #tpu.memory_space<vmem>>, vector<16xi32>,
    %and3A_366 = arith.constant 1 : i32
    %and3A_367 = vector.broadcast %and3A_366 : i32 to vector<16xi32>
    %and3A_368 = arith.andi %get3A_358, %and3A_367 : vector<16xi32>
    %shift_left3A_369 = arith.constant 6 : i32
    %shift_left3A_370 = vector.broadcast %shift_left3A_369 : i32 to vector<16xi32>
    %shift_left3A_371 = arith.shli %and3A_368, %shift_left3A_370 : vector<16xi32>
    %swap3A_372 = arith.constant 2 : i32
    %swap3A_373 = arith.index_cast %swap3A_372 : i32 to index
    %swap3A_374 = arith.constant 16 : index
    %swap3A_375 = tpu.vector_load %arg7[%swap3A_373, %swap3A_374] {strides = array<i32>} : memref<8x128xi32, #tpu.memory_space<vmem>>, vector<16xi32>,
    tpu.vector_store %arg7[%swap3A_373, %swap3A_374], %shift_left3A_371 {strides = array<i32>} : memref<8x128xi32, #tpu.memory_space<vmem>>, vector<16xi32>,
    %get3A_376 = arith.constant 2 : i32
    %get3A_377 = arith.index_cast %get3A_376 : i32 to index
    %get3A_378 = arith.constant 32 : index
    %get3A_379 = tpu.vector_load %arg5[%get3A_377, %get3A_378] {strides = array<i32>} : memref<8x128xi32, #tpu.memory_space<vmem>>, vector<16xi32>,
    %shift_right_arithmetic3A_380 = arith.constant 1 : i32
    %shift_right_arithmetic3A_381 = vector.broadcast %shift_right_arithmetic3A_380 : i32 to vector<16xi32>
    %shift_right_arithmetic3A_382 = arith.shrsi %get3A_379, %shift_right_arithmetic3A_381 : vector<16xi32>
    %swap3A_383 = arith.constant 2 : i32
    %swap3A_384 = arith.index_cast %swap3A_383 : i32 to index
    %swap3A_385 = arith.constant 32 : index
    %swap3A_386 = tpu.vector_load %arg6[%swap3A_384, %swap3A_385] {strides = array<i32>} : memref<8x128xi32, #tpu.memory_space<vmem>>, vector<16xi32>,
    tpu.vector_store %arg6[%swap3A_384, %swap3A_385], %shift_right_arithmetic3A_382 {strides = array<i32>} : memref<8x128xi32, #tpu.memory_space<vmem>>, vector<16xi32>,
    %and3A_387 = arith.constant 1 : i32
    %and3A_388 = vector.broadcast %and3A_387 : i32 to vector<16xi32>
    %and3A_389 = arith.andi %get3A_379, %and3A_388 : vector<16xi32>
    %shift_left3A_390 = arith.constant 6 : i32
    %shift_left3A_391 = vector.broadcast %shift_left3A_390 : i32 to vector<16xi32>
    %shift_left3A_392 = arith.shli %and3A_389, %shift_left3A_391 : vector<16xi32>
    %swap3A_393 = arith.constant 2 : i32
    %swap3A_394 = arith.index_cast %swap3A_393 : i32 to index
    %swap3A_395 = arith.constant 32 : index
    %swap3A_396 = tpu.vector_load %arg7[%swap3A_394, %swap3A_395] {strides = array<i32>} : memref<8x128xi32, #tpu.memory_space<vmem>>, vector<16xi32>,
    tpu.vector_store %arg7[%swap3A_394, %swap3A_395], %shift_left3A_392 {strides = array<i32>} : memref<8x128xi32, #tpu.memory_space<vmem>>, vector<16xi32>,
    %get3A_397 = arith.constant 2 : i32
    %get3A_398 = arith.index_cast %get3A_397 : i32 to index
    %get3A_399 = arith.constant 48 : index
    %get3A_400 = tpu.vector_load %arg5[%get3A_398, %get3A_399] {strides = array<i32>} : memref<8x128xi32, #tpu.memory_space<vmem>>, vector<16xi32>,
    %shift_right_arithmetic3A_401 = arith.constant 1 : i32
    %shift_right_arithmetic3A_402 = vector.broadcast %shift_right_arithmetic3A_401 : i32 to vector<16xi32>
    %shift_right_arithmetic3A_403 = arith.shrsi %get3A_400, %shift_right_arithmetic3A_402 : vector<16xi32>
    %swap3A_404 = arith.constant 2 : i32
    %swap3A_405 = arith.index_cast %swap3A_404 : i32 to index
    %swap3A_406 = arith.constant 48 : index
    %swap3A_407 = tpu.vector_load %arg6[%swap3A_405, %swap3A_406] {strides = array<i32>} : memref<8x128xi32, #tpu.memory_space<vmem>>, vector<16xi32>,
    tpu.vector_store %arg6[%swap3A_405, %swap3A_406], %shift_right_arithmetic3A_403 {strides = array<i32>} : memref<8x128xi32, #tpu.memory_space<vmem>>, vector<16xi32>,
    %and3A_408 = arith.constant 1 : i32
    %and3A_409 = vector.broadcast %and3A_408 : i32 to vector<16xi32>
    %and3A_410 = arith.andi %get3A_400, %and3A_409 : vector<16xi32>
    %shift_left3A_411 = arith.constant 6 : i32
    %shift_left3A_412 = vector.broadcast %shift_left3A_411 : i32 to vector<16xi32>
    %shift_left3A_413 = arith.shli %and3A_410, %shift_left3A_412 : vector<16xi32>
    %swap3A_414 = arith.constant 2 : i32
    %swap3A_415 = arith.index_cast %swap3A_414 : i32 to index
    %swap3A_416 = arith.constant 48 : index
    %swap3A_417 = tpu.vector_load %arg7[%swap3A_415, %swap3A_416] {strides = array<i32>} : memref<8x128xi32, #tpu.memory_space<vmem>>, vector<16xi32>,
    tpu.vector_store %arg7[%swap3A_415, %swap3A_416], %shift_left3A_413 {strides = array<i32>} : memref<8x128xi32, #tpu.memory_space<vmem>>, vector<16xi32>,
    %get3A_418 = arith.constant 2 : i32
    %get3A_419 = arith.index_cast %get3A_418 : i32 to index
    %get3A_420 = arith.constant 64 : index
    %get3A_421 = tpu.vector_load %arg5[%get3A_419, %get3A_420] {strides = array<i32>} : memref<8x128xi32, #tpu.memory_space<vmem>>, vector<16xi32>,
    %shift_right_arithmetic3A_422 = arith.constant 1 : i32
    %shift_right_arithmetic3A_423 = vector.broadcast %shift_right_arithmetic3A_422 : i32 to vector<16xi32>
    %shift_right_arithmetic3A_424 = arith.shrsi %get3A_421, %shift_right_arithmetic3A_423 : vector<16xi32>
    %swap3A_425 = arith.constant 2 : i32
    %swap3A_426 = arith.index_cast %swap3A_425 : i32 to index
    %swap3A_427 = arith.constant 64 : index
    %swap3A_428 = tpu.vector_load %arg6[%swap3A_426, %swap3A_427] {strides = array<i32>} : memref<8x128xi32, #tpu.memory_space<vmem>>, vector<16xi32>,
    tpu.vector_store %arg6[%swap3A_426, %swap3A_427], %shift_right_arithmetic3A_424 {strides = array<i32>} : memref<8x128xi32, #tpu.memory_space<vmem>>, vector<16xi32>,
    %and3A_429 = arith.constant 1 : i32
    %and3A_430 = vector.broadcast %and3A_429 : i32 to vector<16xi32>
    %and3A_431 = arith.andi %get3A_421, %and3A_430 : vector<16xi32>
    %shift_left3A_432 = arith.constant 6 : i32
    %shift_left3A_433 = vector.broadcast %shift_left3A_432 : i32 to vector<16xi32>
    %shift_left3A_434 = arith.shli %and3A_431, %shift_left3A_433 : vector<16xi32>
    %swap3A_435 = arith.constant 2 : i32
    %swap3A_436 = arith.index_cast %swap3A_435 : i32 to index
    %swap3A_437 = arith.constant 64 : index
    %swap3A_438 = tpu.vector_load %arg7[%swap3A_436, %swap3A_437] {strides = array<i32>} : memref<8x128xi32, #tpu.memory_space<vmem>>, vector<16xi32>,
    tpu.vector_store %arg7[%swap3A_436, %swap3A_437], %shift_left3A_434 {strides = array<i32>} : memref<8x128xi32, #tpu.memory_space<vmem>>, vector<16xi32>,
    %get3A_439 = arith.constant 2 : i32
    %get3A_440 = arith.index_cast %get3A_439 : i32 to index
    %get3A_441 = arith.constant 80 : index
    %get3A_442 = tpu.vector_load %arg5[%get3A_440, %get3A_441] {strides = array<i32>} : memref<8x128xi32, #tpu.memory_space<vmem>>, vector<16xi32>,
    %shift_right_arithmetic3A_443 = arith.constant 1 : i32
    %shift_right_arithmetic3A_444 = vector.broadcast %shift_right_arithmetic3A_443 : i32 to vector<16xi32>
    %shift_right_arithmetic3A_445 = arith.shrsi %get3A_442, %shift_right_arithmetic3A_444 : vector<16xi32>
    %swap3A_446 = arith.constant 2 : i32
    %swap3A_447 = arith.index_cast %swap3A_446 : i32 to index
    %swap3A_448 = arith.constant 80 : index
    %swap3A_449 = tpu.vector_load %arg6[%swap3A_447, %swap3A_448] {strides = array<i32>} : memref<8x128xi32, #tpu.memory_space<vmem>>, vector<16xi32>,
    tpu.vector_store %arg6[%swap3A_447, %swap3A_448], %shift_right_arithmetic3A_445 {strides = array<i32>} : memref<8x128xi32, #tpu.memory_space<vmem>>, vector<16xi32>,
    %and3A_450 = arith.constant 1 : i32
    %and3A_451 = vector.broadcast %and3A_450 : i32 to vector<16xi32>
    %and3A_452 = arith.andi %get3A_442, %and3A_451 : vector<16xi32>
    %shift_left3A_453 = arith.constant 6 : i32
    %shift_left3A_454 = vector.broadcast %shift_left3A_453 : i32 to vector<16xi32>
    %shift_left3A_455 = arith.shli %and3A_452, %shift_left3A_454 : vector<16xi32>
    %swap3A_456 = arith.constant 2 : i32
    %swap3A_457 = arith.index_cast %swap3A_456 : i32 to index
    %swap3A_458 = arith.constant 80 : index
    %swap3A_459 = tpu.vector_load %arg7[%swap3A_457, %swap3A_458] {strides = array<i32>} : memref<8x128xi32, #tpu.memory_space<vmem>>, vector<16xi32>,
    tpu.vector_store %arg7[%swap3A_457, %swap3A_458], %shift_left3A_455 {strides = array<i32>} : memref<8x128xi32, #tpu.memory_space<vmem>>, vector<16xi32>,
    %get3A_460 = arith.constant 2 : i32
    %get3A_461 = arith.index_cast %get3A_460 : i32 to index
    %get3A_462 = arith.constant 96 : index
    %get3A_463 = tpu.vector_load %arg5[%get3A_461, %get3A_462] {strides = array<i32>} : memref<8x128xi32, #tpu.memory_space<vmem>>, vector<16xi32>,
    %shift_right_arithmetic3A_464 = arith.constant 1 : i32
    %shift_right_arithmetic3A_465 = vector.broadcast %shift_right_arithmetic3A_464 : i32 to vector<16xi32>
    %shift_right_arithmetic3A_466 = arith.shrsi %get3A_463, %shift_right_arithmetic3A_465 : vector<16xi32>
    %swap3A_467 = arith.constant 2 : i32
    %swap3A_468 = arith.index_cast %swap3A_467 : i32 to index
    %swap3A_469 = arith.constant 96 : index
    %swap3A_470 = tpu.vector_load %arg6[%swap3A_468, %swap3A_469] {strides = array<i32>} : memref<8x128xi32, #tpu.memory_space<vmem>>, vector<16xi32>,
    tpu.vector_store %arg6[%swap3A_468, %swap3A_469], %shift_right_arithmetic3A_466 {strides = array<i32>} : memref<8x128xi32, #tpu.memory_space<vmem>>, vector<16xi32>,
    %and3A_471 = arith.constant 1 : i32
    %and3A_472 = vector.broadcast %and3A_471 : i32 to vector<16xi32>
    %and3A_473 = arith.andi %get3A_463, %and3A_472 : vector<16xi32>
    %shift_left3A_474 = arith.constant 6 : i32
    %shift_left3A_475 = vector.broadcast %shift_left3A_474 : i32 to vector<16xi32>
    %shift_left3A_476 = arith.shli %and3A_473, %shift_left3A_475 : vector<16xi32>
    %swap3A_477 = arith.constant 2 : i32
    %swap3A_478 = arith.index_cast %swap3A_477 : i32 to index
    %swap3A_479 = arith.constant 96 : index
    %swap3A_480 = tpu.vector_load %arg7[%swap3A_478, %swap3A_479] {strides = array<i32>} : memref<8x128xi32, #tpu.memory_space<vmem>>, vector<16xi32>,
    tpu.vector_store %arg7[%swap3A_478, %swap3A_479], %shift_left3A_476 {strides = array<i32>} : memref<8x128xi32, #tpu.memory_space<vmem>>, vector<16xi32>,
    %get3A_481 = arith.constant 2 : i32
    %get3A_482 = arith.index_cast %get3A_481 : i32 to index
    %get3A_483 = arith.constant 112 : index
    %get3A_484 = tpu.vector_load %arg5[%get3A_482, %get3A_483] {strides = array<i32>} : memref<8x128xi32, #tpu.memory_space<vmem>>, vector<16xi32>,
    %shift_right_arithmetic3A_485 = arith.constant 1 : i32
    %shift_right_arithmetic3A_486 = vector.broadcast %shift_right_arithmetic3A_485 : i32 to vector<16xi32>
    %shift_right_arithmetic3A_487 = arith.shrsi %get3A_484, %shift_right_arithmetic3A_486 : vector<16xi32>
    %swap3A_488 = arith.constant 2 : i32
    %swap3A_489 = arith.index_cast %swap3A_488 : i32 to index
    %swap3A_490 = arith.constant 112 : index
    %swap3A_491 = tpu.vector_load %arg6[%swap3A_489, %swap3A_490] {strides = array<i32>} : memref<8x128xi32, #tpu.memory_space<vmem>>, vector<16xi32>,
    tpu.vector_store %arg6[%swap3A_489, %swap3A_490], %shift_right_arithmetic3A_487 {strides = array<i32>} : memref<8x128xi32, #tpu.memory_space<vmem>>, vector<16xi32>,
    %and3A_492 = arith.constant 1 : i32
    %and3A_493 = vector.broadcast %and3A_492 : i32 to vector<16xi32>
    %and3A_494 = arith.andi %get3A_484, %and3A_493 : vector<16xi32>
    %shift_left3A_495 = arith.constant 6 : i32
    %shift_left3A_496 = vector.broadcast %shift_left3A_495 : i32 to vector<16xi32>
    %shift_left3A_497 = arith.shli %and3A_494, %shift_left3A_496 : vector<16xi32>
    %swap3A_498 = arith.constant 2 : i32
    %swap3A_499 = arith.index_cast %swap3A_498 : i32 to index
    %swap3A_500 = arith.constant 112 : index
    %swap3A_501 = tpu.vector_load %arg7[%swap3A_499, %swap3A_500] {strides = array<i32>} : memref<8x128xi32, #tpu.memory_space<vmem>>, vector<16xi32>,
    tpu.vector_store %arg7[%swap3A_499, %swap3A_500], %shift_left3A_497 {strides = array<i32>} : memref<8x128xi32, #tpu.memory_space<vmem>>, vector<16xi32>,
    %get3A_502 = arith.constant 3 : i32
    %get3A_503 = arith.index_cast %get3A_502 : i32 to index
    %get3A_504 = arith.constant 0 : index
    %get3A_505 = tpu.vector_load %arg5[%get3A_503, %get3A_504] {strides = array<i32>} : memref<8x128xi32, #tpu.memory_space<vmem>>, vector<16xi32>,
    %shift_right_arithmetic3A_506 = arith.constant 1 : i32
    %shift_right_arithmetic3A_507 = vector.broadcast %shift_right_arithmetic3A_506 : i32 to vector<16xi32>
    %shift_right_arithmetic3A_508 = arith.shrsi %get3A_505, %shift_right_arithmetic3A_507 : vector<16xi32>
    %swap3A_509 = arith.constant 3 : i32
    %swap3A_510 = arith.index_cast %swap3A_509 : i32 to index
    %swap3A_511 = arith.constant 0 : index
    %swap3A_512 = tpu.vector_load %arg6[%swap3A_510, %swap3A_511] {strides = array<i32>} : memref<8x128xi32, #tpu.memory_space<vmem>>, vector<16xi32>,
    tpu.vector_store %arg6[%swap3A_510, %swap3A_511], %shift_right_arithmetic3A_508 {strides = array<i32>} : memref<8x128xi32, #tpu.memory_space<vmem>>, vector<16xi32>,
    %and3A_513 = arith.constant 1 : i32
    %and3A_514 = vector.broadcast %and3A_513 : i32 to vector<16xi32>
    %and3A_515 = arith.andi %get3A_505, %and3A_514 : vector<16xi32>
    %shift_left3A_516 = arith.constant 6 : i32
    %shift_left3A_517 = vector.broadcast %shift_left3A_516 : i32 to vector<16xi32>
    %shift_left3A_518 = arith.shli %and3A_515, %shift_left3A_517 : vector<16xi32>
    %swap3A_519 = arith.constant 3 : i32
    %swap3A_520 = arith.index_cast %swap3A_519 : i32 to index
    %swap3A_521 = arith.constant 0 : index
    %swap3A_522 = tpu.vector_load %arg7[%swap3A_520, %swap3A_521] {strides = array<i32>} : memref<8x128xi32, #tpu.memory_space<vmem>>, vector<16xi32>,
    tpu.vector_store %arg7[%swap3A_520, %swap3A_521], %shift_left3A_518 {strides = array<i32>} : memref<8x128xi32, #tpu.memory_space<vmem>>, vector<16xi32>,
    %get3A_523 = arith.constant 3 : i32
    %get3A_524 = arith.index_cast %get3A_523 : i32 to index
    %get3A_525 = arith.constant 16 : index
    %get3A_526 = tpu.vector_load %arg5[%get3A_524, %get3A_525] {strides = array<i32>} : memref<8x128xi32, #tpu.memory_space<vmem>>, vector<16xi32>,
    %shift_right_arithmetic3A_527 = arith.constant 1 : i32
    %shift_right_arithmetic3A_528 = vector.broadcast %shift_right_arithmetic3A_527 : i32 to vector<16xi32>
    %shift_right_arithmetic3A_529 = arith.shrsi %get3A_526, %shift_right_arithmetic3A_528 : vector<16xi32>
    %swap3A_530 = arith.constant 3 : i32
    %swap3A_531 = arith.index_cast %swap3A_530 : i32 to index
    %swap3A_532 = arith.constant 16 : index
    %swap3A_533 = tpu.vector_load %arg6[%swap3A_531, %swap3A_532] {strides = array<i32>} : memref<8x128xi32, #tpu.memory_space<vmem>>, vector<16xi32>,
    tpu.vector_store %arg6[%swap3A_531, %swap3A_532], %shift_right_arithmetic3A_529 {strides = array<i32>} : memref<8x128xi32, #tpu.memory_space<vmem>>, vector<16xi32>,
    %and3A_534 = arith.constant 1 : i32
    %and3A_535 = vector.broadcast %and3A_534 : i32 to vector<16xi32>
    %and3A_536 = arith.andi %get3A_526, %and3A_535 : vector<16xi32>
    %shift_left3A_537 = arith.constant 6 : i32
    %shift_left3A_538 = vector.broadcast %shift_left3A_537 : i32 to vector<16xi32>
    %shift_left3A_539 = arith.shli %and3A_536, %shift_left3A_538 : vector<16xi32>
    %swap3A_540 = arith.constant 3 : i32
    %swap3A_541 = arith.index_cast %swap3A_540 : i32 to index
    %swap3A_542 = arith.constant 16 : index
    %swap3A_543 = tpu.vector_load %arg7[%swap3A_541, %swap3A_542] {strides = array<i32>} : memref<8x128xi32, #tpu.memory_space<vmem>>, vector<16xi32>,
    tpu.vector_store %arg7[%swap3A_541, %swap3A_542], %shift_left3A_539 {strides = array<i32>} : memref<8x128xi32, #tpu.memory_space<vmem>>, vector<16xi32>,
    %get3A_544 = arith.constant 3 : i32
    %get3A_545 = arith.index_cast %get3A_544 : i32 to index
    %get3A_546 = arith.constant 32 : index
    %get3A_547 = tpu.vector_load %arg5[%get3A_545, %get3A_546] {strides = array<i32>} : memref<8x128xi32, #tpu.memory_space<vmem>>, vector<16xi32>,
    %shift_right_arithmetic3A_548 = arith.constant 1 : i32
    %shift_right_arithmetic3A_549 = vector.broadcast %shift_right_arithmetic3A_548 : i32 to vector<16xi32>
    %shift_right_arithmetic3A_550 = arith.shrsi %get3A_547, %shift_right_arithmetic3A_549 : vector<16xi32>
    %swap3A_551 = arith.constant 3 : i32
    %swap3A_552 = arith.index_cast %swap3A_551 : i32 to index
    %swap3A_553 = arith.constant 32 : index
    %swap3A_554 = tpu.vector_load %arg6[%swap3A_552, %swap3A_553] {strides = array<i32>} : memref<8x128xi32, #tpu.memory_space<vmem>>, vector<16xi32>,
    tpu.vector_store %arg6[%swap3A_552, %swap3A_553], %shift_right_arithmetic3A_550 {strides = array<i32>} : memref<8x128xi32, #tpu.memory_space<vmem>>, vector<16xi32>,
    %and3A_555 = arith.constant 1 : i32
    %and3A_556 = vector.broadcast %and3A_555 : i32 to vector<16xi32>
    %and3A_557 = arith.andi %get3A_547, %and3A_556 : vector<16xi32>
    %shift_left3A_558 = arith.constant 6 : i32
    %shift_left3A_559 = vector.broadcast %shift_left3A_558 : i32 to vector<16xi32>
    %shift_left3A_560 = arith.shli %and3A_557, %shift_left3A_559 : vector<16xi32>
    %swap3A_561 = arith.constant 3 : i32
    %swap3A_562 = arith.index_cast %swap3A_561 : i32 to index
    %swap3A_563 = arith.constant 32 : index
    %swap3A_564 = tpu.vector_load %arg7[%swap3A_562, %swap3A_563] {strides = array<i32>} : memref<8x128xi32, #tpu.memory_space<vmem>>, vector<16xi32>,
    tpu.vector_store %arg7[%swap3A_562, %swap3A_563], %shift_left3A_560 {strides = array<i32>} : memref<8x128xi32, #tpu.memory_space<vmem>>, vector<16xi32>,
    %get3A_565 = arith.constant 3 : i32
    %get3A_566 = arith.index_cast %get3A_565 : i32 to index
    %get3A_567 = arith.constant 48 : index
    %get3A_568 = tpu.vector_load %arg5[%get3A_566, %get3A_567] {strides = array<i32>} : memref<8x128xi32, #tpu.memory_space<vmem>>, vector<16xi32>,
    %shift_right_arithmetic3A_569 = arith.constant 1 : i32
    %shift_right_arithmetic3A_570 = vector.broadcast %shift_right_arithmetic3A_569 : i32 to vector<16xi32>
    %shift_right_arithmetic3A_571 = arith.shrsi %get3A_568, %shift_right_arithmetic3A_570 : vector<16xi32>
    %swap3A_572 = arith.constant 3 : i32
    %swap3A_573 = arith.index_cast %swap3A_572 : i32 to index
    %swap3A_574 = arith.constant 48 : index
    %swap3A_575 = tpu.vector_load %arg6[%swap3A_573, %swap3A_574] {strides = array<i32>} : memref<8x128xi32, #tpu.memory_space<vmem>>, vector<16xi32>,
    tpu.vector_store %arg6[%swap3A_573, %swap3A_574], %shift_right_arithmetic3A_571 {strides = array<i32>} : memref<8x128xi32, #tpu.memory_space<vmem>>, vector<16xi32>,
    %and3A_576 = arith.constant 1 : i32
    %and3A_577 = vector.broadcast %and3A_576 : i32 to vector<16xi32>
    %and3A_578 = arith.andi %get3A_568, %and3A_577 : vector<16xi32>
    %shift_left3A_579 = arith.constant 6 : i32
    %shift_left3A_580 = vector.broadcast %shift_left3A_579 : i32 to vector<16xi32>
    %shift_left3A_581 = arith.shli %and3A_578, %shift_left3A_580 : vector<16xi32>
    %swap3A_582 = arith.constant 3 : i32
    %swap3A_583 = arith.index_cast %swap3A_582 : i32 to index
    %swap3A_584 = arith.constant 48 : index
    %swap3A_585 = tpu.vector_load %arg7[%swap3A_583, %swap3A_584] {strides = array<i32>} : memref<8x128xi32, #tpu.memory_space<vmem>>, vector<16xi32>,
    tpu.vector_store %arg7[%swap3A_583, %swap3A_584], %shift_left3A_581 {strides = array<i32>} : memref<8x128xi32, #tpu.memory_space<vmem>>, vector<16xi32>,
    %get3A_586 = arith.constant 3 : i32
    %get3A_587 = arith.index_cast %get3A_586 : i32 to index
    %get3A_588 = arith.constant 64 : index
    %get3A_589 = tpu.vector_load %arg5[%get3A_587, %get3A_588] {strides = array<i32>} : memref<8x128xi32, #tpu.memory_space<vmem>>, vector<16xi32>,
    %shift_right_arithmetic3A_590 = arith.constant 1 : i32
    %shift_right_arithmetic3A_591 = vector.broadcast %shift_right_arithmetic3A_590 : i32 to vector<16xi32>
    %shift_right_arithmetic3A_592 = arith.shrsi %get3A_589, %shift_right_arithmetic3A_591 : vector<16xi32>
    %swap3A_593 = arith.constant 3 : i32
    %swap3A_594 = arith.index_cast %swap3A_593 : i32 to index
    %swap3A_595 = arith.constant 64 : index
    %swap3A_596 = tpu.vector_load %arg6[%swap3A_594, %swap3A_595] {strides = array<i32>} : memref<8x128xi32, #tpu.memory_space<vmem>>, vector<16xi32>,
    tpu.vector_store %arg6[%swap3A_594, %swap3A_595], %shift_right_arithmetic3A_592 {strides = array<i32>} : memref<8x128xi32, #tpu.memory_space<vmem>>, vector<16xi32>,
    %and3A_597 = arith.constant 1 : i32
    %and3A_598 = vector.broadcast %and3A_597 : i32 to vector<16xi32>
    %and3A_599 = arith.andi %get3A_589, %and3A_598 : vector<16xi32>
    %shift_left3A_600 = arith.constant 6 : i32
    %shift_left3A_601 = vector.broadcast %shift_left3A_600 : i32 to vector<16xi32>
    %shift_left3A_602 = arith.shli %and3A_599, %shift_left3A_601 : vector<16xi32>
    %swap3A_603 = arith.constant 3 : i32
    %swap3A_604 = arith.index_cast %swap3A_603 : i32 to index
    %swap3A_605 = arith.constant 64 : index
    %swap3A_606 = tpu.vector_load %arg7[%swap3A_604, %swap3A_605] {strides = array<i32>} : memref<8x128xi32, #tpu.memory_space<vmem>>, vector<16xi32>,
    tpu.vector_store %arg7[%swap3A_604, %swap3A_605], %shift_left3A_602 {strides = array<i32>} : memref<8x128xi32, #tpu.memory_space<vmem>>, vector<16xi32>,
    %get3A_607 = arith.constant 3 : i32
    %get3A_608 = arith.index_cast %get3A_607 : i32 to index
    %get3A_609 = arith.constant 80 : index
    %get3A_610 = tpu.vector_load %arg5[%get3A_608, %get3A_609] {strides = array<i32>} : memref<8x128xi32, #tpu.memory_space<vmem>>, vector<16xi32>,
    %shift_right_arithmetic3A_611 = arith.constant 1 : i32
    %shift_right_arithmetic3A_612 = vector.broadcast %shift_right_arithmetic3A_611 : i32 to vector<16xi32>
    %shift_right_arithmetic3A_613 = arith.shrsi %get3A_610, %shift_right_arithmetic3A_612 : vector<16xi32>
    %swap3A_614 = arith.constant 3 : i32
    %swap3A_615 = arith.index_cast %swap3A_614 : i32 to index
    %swap3A_616 = arith.constant 80 : index
    %swap3A_617 = tpu.vector_load %arg6[%swap3A_615, %swap3A_616] {strides = array<i32>} : memref<8x128xi32, #tpu.memory_space<vmem>>, vector<16xi32>,
    tpu.vector_store %arg6[%swap3A_615, %swap3A_616], %shift_right_arithmetic3A_613 {strides = array<i32>} : memref<8x128xi32, #tpu.memory_space<vmem>>, vector<16xi32>,
    %and3A_618 = arith.constant 1 : i32
    %and3A_619 = vector.broadcast %and3A_618 : i32 to vector<16xi32>
    %and3A_620 = arith.andi %get3A_610, %and3A_619 : vector<16xi32>
    %shift_left3A_621 = arith.constant 6 : i32
    %shift_left3A_622 = vector.broadcast %shift_left3A_621 : i32 to vector<16xi32>
    %shift_left3A_623 = arith.shli %and3A_620, %shift_left3A_622 : vector<16xi32>
    %swap3A_624 = arith.constant 3 : i32
    %swap3A_625 = arith.index_cast %swap3A_624 : i32 to index
    %swap3A_626 = arith.constant 80 : index
    %swap3A_627 = tpu.vector_load %arg7[%swap3A_625, %swap3A_626] {strides = array<i32>} : memref<8x128xi32, #tpu.memory_space<vmem>>, vector<16xi32>,
    tpu.vector_store %arg7[%swap3A_625, %swap3A_626], %shift_left3A_623 {strides = array<i32>} : memref<8x128xi32, #tpu.memory_space<vmem>>, vector<16xi32>,
    %get3A_628 = arith.constant 3 : i32
    %get3A_629 = arith.index_cast %get3A_628 : i32 to index
    %get3A_630 = arith.constant 96 : index
    %get3A_631 = tpu.vector_load %arg5[%get3A_629, %get3A_630] {strides = array<i32>} : memref<8x128xi32, #tpu.memory_space<vmem>>, vector<16xi32>,
    %shift_right_arithmetic3A_632 = arith.constant 1 : i32
    %shift_right_arithmetic3A_633 = vector.broadcast %shift_right_arithmetic3A_632 : i32 to vector<16xi32>
    %shift_right_arithmetic3A_634 = arith.shrsi %get3A_631, %shift_right_arithmetic3A_633 : vector<16xi32>
    %swap3A_635 = arith.constant 3 : i32
    %swap3A_636 = arith.index_cast %swap3A_635 : i32 to index
    %swap3A_637 = arith.constant 96 : index
    %swap3A_638 = tpu.vector_load %arg6[%swap3A_636, %swap3A_637] {strides = array<i32>} : memref<8x128xi32, #tpu.memory_space<vmem>>, vector<16xi32>,
    tpu.vector_store %arg6[%swap3A_636, %swap3A_637], %shift_right_arithmetic3A_634 {strides = array<i32>} : memref<8x128xi32, #tpu.memory_space<vmem>>, vector<16xi32>,
    %and3A_639 = arith.constant 1 : i32
    %and3A_640 = vector.broadcast %and3A_639 : i32 to vector<16xi32>
    %and3A_641 = arith.andi %get3A_631, %and3A_640 : vector<16xi32>
    %shift_left3A_642 = arith.constant 6 : i32
    %shift_left3A_643 = vector.broadcast %shift_left3A_642 : i32 to vector<16xi32>
    %shift_left3A_644 = arith.shli %and3A_641, %shift_left3A_643 : vector<16xi32>
    %swap3A_645 = arith.constant 3 : i32
    %swap3A_646 = arith.index_cast %swap3A_645 : i32 to index
    %swap3A_647 = arith.constant 96 : index
    %swap3A_648 = tpu.vector_load %arg7[%swap3A_646, %swap3A_647] {strides = array<i32>} : memref<8x128xi32, #tpu.memory_space<vmem>>, vector<16xi32>,
    tpu.vector_store %arg7[%swap3A_646, %swap3A_647], %shift_left3A_644 {strides = array<i32>} : memref<8x128xi32, #tpu.memory_space<vmem>>, vector<16xi32>,
    %get3A_649 = arith.constant 3 : i32
    %get3A_650 = arith.index_cast %get3A_649 : i32 to index
    %get3A_651 = arith.constant 112 : index
    %get3A_652 = tpu.vector_load %arg5[%get3A_650, %get3A_651] {strides = array<i32>} : memref<8x128xi32, #tpu.memory_space<vmem>>, vector<16xi32>,
    %shift_right_arithmetic3A_653 = arith.constant 1 : i32
    %shift_right_arithmetic3A_654 = vector.broadcast %shift_right_arithmetic3A_653 : i32 to vector<16xi32>
    %shift_right_arithmetic3A_655 = arith.shrsi %get3A_652, %shift_right_arithmetic3A_654 : vector<16xi32>
    %swap3A_656 = arith.constant 3 : i32
    %swap3A_657 = arith.index_cast %swap3A_656 : i32 to index
    %swap3A_658 = arith.constant 112 : index
    %swap3A_659 = tpu.vector_load %arg6[%swap3A_657, %swap3A_658] {strides = array<i32>} : memref<8x128xi32, #tpu.memory_space<vmem>>, vector<16xi32>,
    tpu.vector_store %arg6[%swap3A_657, %swap3A_658], %shift_right_arithmetic3A_655 {strides = array<i32>} : memref<8x128xi32, #tpu.memory_space<vmem>>, vector<16xi32>,
    %and3A_660 = arith.constant 1 : i32
    %and3A_661 = vector.broadcast %and3A_660 : i32 to vector<16xi32>
    %and3A_662 = arith.andi %get3A_652, %and3A_661 : vector<16xi32>
    %shift_left3A_663 = arith.constant 6 : i32
    %shift_left3A_664 = vector.broadcast %shift_left3A_663 : i32 to vector<16xi32>
    %shift_left3A_665 = arith.shli %and3A_662, %shift_left3A_664 : vector<16xi32>
    %swap3A_666 = arith.constant 3 : i32
    %swap3A_667 = arith.index_cast %swap3A_666 : i32 to index
    %swap3A_668 = arith.constant 112 : index
    %swap3A_669 = tpu.vector_load %arg7[%swap3A_667, %swap3A_668] {strides = array<i32>} : memref<8x128xi32, #tpu.memory_space<vmem>>, vector<16xi32>,
    tpu.vector_store %arg7[%swap3A_667, %swap3A_668], %shift_left3A_665 {strides = array<i32>} : memref<8x128xi32, #tpu.memory_space<vmem>>, vector<16xi32>,
    %get3A_670 = arith.constant 4 : i32
    %get3A_671 = arith.index_cast %get3A_670 : i32 to index
    %get3A_672 = arith.constant 0 : index
    %get3A_673 = tpu.vector_load %arg5[%get3A_671, %get3A_672] {strides = array<i32>} : memref<8x128xi32, #tpu.memory_space<vmem>>, vector<16xi32>,
    %shift_right_arithmetic3A_674 = arith.constant 1 : i32
    %shift_right_arithmetic3A_675 = vector.broadcast %shift_right_arithmetic3A_674 : i32 to vector<16xi32>
    %shift_right_arithmetic3A_676 = arith.shrsi %get3A_673, %shift_right_arithmetic3A_675 : vector<16xi32>
    %swap3A_677 = arith.constant 4 : i32
    %swap3A_678 = arith.index_cast %swap3A_677 : i32 to index
    %swap3A_679 = arith.constant 0 : index
    %swap3A_680 = tpu.vector_load %arg6[%swap3A_678, %swap3A_679] {strides = array<i32>} : memref<8x128xi32, #tpu.memory_space<vmem>>, vector<16xi32>,
    tpu.vector_store %arg6[%swap3A_678, %swap3A_679], %shift_right_arithmetic3A_676 {strides = array<i32>} : memref<8x128xi32, #tpu.memory_space<vmem>>, vector<16xi32>,
    %and3A_681 = arith.constant 1 : i32
    %and3A_682 = vector.broadcast %and3A_681 : i32 to vector<16xi32>
    %and3A_683 = arith.andi %get3A_673, %and3A_682 : vector<16xi32>
    %shift_left3A_684 = arith.constant 6 : i32
    %shift_left3A_685 = vector.broadcast %shift_left3A_684 : i32 to vector<16xi32>
    %shift_left3A_686 = arith.shli %and3A_683, %shift_left3A_685 : vector<16xi32>
    %swap3A_687 = arith.constant 4 : i32
    %swap3A_688 = arith.index_cast %swap3A_687 : i32 to index
    %swap3A_689 = arith.constant 0 : index
    %swap3A_690 = tpu.vector_load %arg7[%swap3A_688, %swap3A_689] {strides = array<i32>} : memref<8x128xi32, #tpu.memory_space<vmem>>, vector<16xi32>,
    tpu.vector_store %arg7[%swap3A_688, %swap3A_689], %shift_left3A_686 {strides = array<i32>} : memref<8x128xi32, #tpu.memory_space<vmem>>, vector<16xi32>,
    %get3A_691 = arith.constant 4 : i32
    %get3A_692 = arith.index_cast %get3A_691 : i32 to index
    %get3A_693 = arith.constant 16 : index
    %get3A_694 = tpu.vector_load %arg5[%get3A_692, %get3A_693] {strides = array<i32>} : memref<8x128xi32, #tpu.memory_space<vmem>>, vector<16xi32>,
    %shift_right_arithmetic3A_695 = arith.constant 1 : i32
    %shift_right_arithmetic3A_696 = vector.broadcast %shift_right_arithmetic3A_695 : i32 to vector<16xi32>
    %shift_right_arithmetic3A_697 = arith.shrsi %get3A_694, %shift_right_arithmetic3A_696 : vector<16xi32>
    %swap3A_698 = arith.constant 4 : i32
    %swap3A_699 = arith.index_cast %swap3A_698 : i32 to index
    %swap3A_700 = arith.constant 16 : index
    %swap3A_701 = tpu.vector_load %arg6[%swap3A_699, %swap3A_700] {strides = array<i32>} : memref<8x128xi32, #tpu.memory_space<vmem>>, vector<16xi32>,
    tpu.vector_store %arg6[%swap3A_699, %swap3A_700], %shift_right_arithmetic3A_697 {strides = array<i32>} : memref<8x128xi32, #tpu.memory_space<vmem>>, vector<16xi32>,
    %and3A_702 = arith.constant 1 : i32
    %and3A_703 = vector.broadcast %and3A_702 : i32 to vector<16xi32>
    %and3A_704 = arith.andi %get3A_694, %and3A_703 : vector<16xi32>
    %shift_left3A_705 = arith.constant 6 : i32
    %shift_left3A_706 = vector.broadcast %shift_left3A_705 : i32 to vector<16xi32>
    %shift_left3A_707 = arith.shli %and3A_704, %shift_left3A_706 : vector<16xi32>
    %swap3A_708 = arith.constant 4 : i32
    %swap3A_709 = arith.index_cast %swap3A_708 : i32 to index
    %swap3A_710 = arith.constant 16 : index
    %swap3A_711 = tpu.vector_load %arg7[%swap3A_709, %swap3A_710] {strides = array<i32>} : memref<8x128xi32, #tpu.memory_space<vmem>>, vector<16xi32>,
    tpu.vector_store %arg7[%swap3A_709, %swap3A_710], %shift_left3A_707 {strides = array<i32>} : memref<8x128xi32, #tpu.memory_space<vmem>>, vector<16xi32>,
    %get3A_712 = arith.constant 4 : i32
    %get3A_713 = arith.index_cast %get3A_712 : i32 to index
    %get3A_714 = arith.constant 32 : index
    %get3A_715 = tpu.vector_load %arg5[%get3A_713, %get3A_714] {strides = array<i32>} : memref<8x128xi32, #tpu.memory_space<vmem>>, vector<16xi32>,
    %shift_right_arithmetic3A_716 = arith.constant 1 : i32
    %shift_right_arithmetic3A_717 = vector.broadcast %shift_right_arithmetic3A_716 : i32 to vector<16xi32>
    %shift_right_arithmetic3A_718 = arith.shrsi %get3A_715, %shift_right_arithmetic3A_717 : vector<16xi32>
    %swap3A_719 = arith.constant 4 : i32
    %swap3A_720 = arith.index_cast %swap3A_719 : i32 to index
    %swap3A_721 = arith.constant 32 : index
    %swap3A_722 = tpu.vector_load %arg6[%swap3A_720, %swap3A_721] {strides = array<i32>} : memref<8x128xi32, #tpu.memory_space<vmem>>, vector<16xi32>,
    tpu.vector_store %arg6[%swap3A_720, %swap3A_721], %shift_right_arithmetic3A_718 {strides = array<i32>} : memref<8x128xi32, #tpu.memory_space<vmem>>, vector<16xi32>,
    %and3A_723 = arith.constant 1 : i32
    %and3A_724 = vector.broadcast %and3A_723 : i32 to vector<16xi32>
    %and3A_725 = arith.andi %get3A_715, %and3A_724 : vector<16xi32>
    %shift_left3A_726 = arith.constant 6 : i32
    %shift_left3A_727 = vector.broadcast %shift_left3A_726 : i32 to vector<16xi32>
    %shift_left3A_728 = arith.shli %and3A_725, %shift_left3A_727 : vector<16xi32>
    %swap3A_729 = arith.constant 4 : i32
    %swap3A_730 = arith.index_cast %swap3A_729 : i32 to index
    %swap3A_731 = arith.constant 32 : index
    %swap3A_732 = tpu.vector_load %arg7[%swap3A_730, %swap3A_731] {strides = array<i32>} : memref<8x128xi32, #tpu.memory_space<vmem>>, vector<16xi32>,
    tpu.vector_store %arg7[%swap3A_730, %swap3A_731], %shift_left3A_728 {strides = array<i32>} : memref<8x128xi32, #tpu.memory_space<vmem>>, vector<16xi32>,
    %get3A_733 = arith.constant 4 : i32
    %get3A_734 = arith.index_cast %get3A_733 : i32 to index
    %get3A_735 = arith.constant 48 : index
    %get3A_736 = tpu.vector_load %arg5[%get3A_734, %get3A_735] {strides = array<i32>} : memref<8x128xi32, #tpu.memory_space<vmem>>, vector<16xi32>,
    %shift_right_arithmetic3A_737 = arith.constant 1 : i32
    %shift_right_arithmetic3A_738 = vector.broadcast %shift_right_arithmetic3A_737 : i32 to vector<16xi32>
    %shift_right_arithmetic3A_739 = arith.shrsi %get3A_736, %shift_right_arithmetic3A_738 : vector<16xi32>
    %swap3A_740 = arith.constant 4 : i32
    %swap3A_741 = arith.index_cast %swap3A_740 : i32 to index
    %swap3A_742 = arith.constant 48 : index
    %swap3A_743 = tpu.vector_load %arg6[%swap3A_741, %swap3A_742] {strides = array<i32>} : memref<8x128xi32, #tpu.memory_space<vmem>>, vector<16xi32>,
    tpu.vector_store %arg6[%swap3A_741, %swap3A_742], %shift_right_arithmetic3A_739 {strides = array<i32>} : memref<8x128xi32, #tpu.memory_space<vmem>>, vector<16xi32>,
    %and3A_744 = arith.constant 1 : i32
    %and3A_745 = vector.broadcast %and3A_744 : i32 to vector<16xi32>
    %and3A_746 = arith.andi %get3A_736, %and3A_745 : vector<16xi32>
    %shift_left3A_747 = arith.constant 6 : i32
    %shift_left3A_748 = vector.broadcast %shift_left3A_747 : i32 to vector<16xi32>
    %shift_left3A_749 = arith.shli %and3A_746, %shift_left3A_748 : vector<16xi32>
    %swap3A_750 = arith.constant 4 : i32
    %swap3A_751 = arith.index_cast %swap3A_750 : i32 to index
    %swap3A_752 = arith.constant 48 : index
    %swap3A_753 = tpu.vector_load %arg7[%swap3A_751, %swap3A_752] {strides = array<i32>} : memref<8x128xi32, #tpu.memory_space<vmem>>, vector<16xi32>,
    tpu.vector_store %arg7[%swap3A_751, %swap3A_752], %shift_left3A_749 {strides = array<i32>} : memref<8x128xi32, #tpu.memory_space<vmem>>, vector<16xi32>,
    %get3A_754 = arith.constant 4 : i32
    %get3A_755 = arith.index_cast %get3A_754 : i32 to index
    %get3A_756 = arith.constant 64 : index
    %get3A_757 = tpu.vector_load %arg5[%get3A_755, %get3A_756] {strides = array<i32>} : memref<8x128xi32, #tpu.memory_space<vmem>>, vector<16xi32>,
    %shift_right_arithmetic3A_758 = arith.constant 1 : i32
    %shift_right_arithmetic3A_759 = vector.broadcast %shift_right_arithmetic3A_758 : i32 to vector<16xi32>
    %shift_right_arithmetic3A_760 = arith.shrsi %get3A_757, %shift_right_arithmetic3A_759 : vector<16xi32>
    %swap3A_761 = arith.constant 4 : i32
    %swap3A_762 = arith.index_cast %swap3A_761 : i32 to index
    %swap3A_763 = arith.constant 64 : index
    %swap3A_764 = tpu.vector_load %arg6[%swap3A_762, %swap3A_763] {strides = array<i32>} : memref<8x128xi32, #tpu.memory_space<vmem>>, vector<16xi32>,
    tpu.vector_store %arg6[%swap3A_762, %swap3A_763], %shift_right_arithmetic3A_760 {strides = array<i32>} : memref<8x128xi32, #tpu.memory_space<vmem>>, vector<16xi32>,
    %and3A_765 = arith.constant 1 : i32
    %and3A_766 = vector.broadcast %and3A_765 : i32 to vector<16xi32>
    %and3A_767 = arith.andi %get3A_757, %and3A_766 : vector<16xi32>
    %shift_left3A_768 = arith.constant 6 : i32
    %shift_left3A_769 = vector.broadcast %shift_left3A_768 : i32 to vector<16xi32>
    %shift_left3A_770 = arith.shli %and3A_767, %shift_left3A_769 : vector<16xi32>
    %swap3A_771 = arith.constant 4 : i32
    %swap3A_772 = arith.index_cast %swap3A_771 : i32 to index
    %swap3A_773 = arith.constant 64 : index
    %swap3A_774 = tpu.vector_load %arg7[%swap3A_772, %swap3A_773] {strides = array<i32>} : memref<8x128xi32, #tpu.memory_space<vmem>>, vector<16xi32>,
    tpu.vector_store %arg7[%swap3A_772, %swap3A_773], %shift_left3A_770 {strides = array<i32>} : memref<8x128xi32, #tpu.memory_space<vmem>>, vector<16xi32>,
    %get3A_775 = arith.constant 4 : i32
    %get3A_776 = arith.index_cast %get3A_775 : i32 to index
    %get3A_777 = arith.constant 80 : index
    %get3A_778 = tpu.vector_load %arg5[%get3A_776, %get3A_777] {strides = array<i32>} : memref<8x128xi32, #tpu.memory_space<vmem>>, vector<16xi32>,
    %shift_right_arithmetic3A_779 = arith.constant 1 : i32
    %shift_right_arithmetic3A_780 = vector.broadcast %shift_right_arithmetic3A_779 : i32 to vector<16xi32>
    %shift_right_arithmetic3A_781 = arith.shrsi %get3A_778, %shift_right_arithmetic3A_780 : vector<16xi32>
    %swap3A_782 = arith.constant 4 : i32
    %swap3A_783 = arith.index_cast %swap3A_782 : i32 to index
    %swap3A_784 = arith.constant 80 : index
    %swap3A_785 = tpu.vector_load %arg6[%swap3A_783, %swap3A_784] {strides = array<i32>} : memref<8x128xi32, #tpu.memory_space<vmem>>, vector<16xi32>,
    tpu.vector_store %arg6[%swap3A_783, %swap3A_784], %shift_right_arithmetic3A_781 {strides = array<i32>} : memref<8x128xi32, #tpu.memory_space<vmem>>, vector<16xi32>,
    %and3A_786 = arith.constant 1 : i32
    %and3A_787 = vector.broadcast %and3A_786 : i32 to vector<16xi32>
    %and3A_788 = arith.andi %get3A_778, %and3A_787 : vector<16xi32>
    %shift_left3A_789 = arith.constant 6 : i32
    %shift_left3A_790 = vector.broadcast %shift_left3A_789 : i32 to vector<16xi32>
    %shift_left3A_791 = arith.shli %and3A_788, %shift_left3A_790 : vector<16xi32>
    %swap3A_792 = arith.constant 4 : i32
    %swap3A_793 = arith.index_cast %swap3A_792 : i32 to index
    %swap3A_794 = arith.constant 80 : index
    %swap3A_795 = tpu.vector_load %arg7[%swap3A_793, %swap3A_794] {strides = array<i32>} : memref<8x128xi32, #tpu.memory_space<vmem>>, vector<16xi32>,
    tpu.vector_store %arg7[%swap3A_793, %swap3A_794], %shift_left3A_791 {strides = array<i32>} : memref<8x128xi32, #tpu.memory_space<vmem>>, vector<16xi32>,
    %get3A_796 = arith.constant 4 : i32
    %get3A_797 = arith.index_cast %get3A_796 : i32 to index
    %get3A_798 = arith.constant 96 : index
    %get3A_799 = tpu.vector_load %arg5[%get3A_797, %get3A_798] {strides = array<i32>} : memref<8x128xi32, #tpu.memory_space<vmem>>, vector<16xi32>,
    %shift_right_arithmetic3A_800 = arith.constant 1 : i32
    %shift_right_arithmetic3A_801 = vector.broadcast %shift_right_arithmetic3A_800 : i32 to vector<16xi32>
    %shift_right_arithmetic3A_802 = arith.shrsi %get3A_799, %shift_right_arithmetic3A_801 : vector<16xi32>
    %swap3A_803 = arith.constant 4 : i32
    %swap3A_804 = arith.index_cast %swap3A_803 : i32 to index
    %swap3A_805 = arith.constant 96 : index
    %swap3A_806 = tpu.vector_load %arg6[%swap3A_804, %swap3A_805] {strides = array<i32>} : memref<8x128xi32, #tpu.memory_space<vmem>>, vector<16xi32>,
    tpu.vector_store %arg6[%swap3A_804, %swap3A_805], %shift_right_arithmetic3A_802 {strides = array<i32>} : memref<8x128xi32, #tpu.memory_space<vmem>>, vector<16xi32>,
    %and3A_807 = arith.constant 1 : i32
    %and3A_808 = vector.broadcast %and3A_807 : i32 to vector<16xi32>
    %and3A_809 = arith.andi %get3A_799, %and3A_808 : vector<16xi32>
    %shift_left3A_810 = arith.constant 6 : i32
    %shift_left3A_811 = vector.broadcast %shift_left3A_810 : i32 to vector<16xi32>
    %shift_left3A_812 = arith.shli %and3A_809, %shift_left3A_811 : vector<16xi32>
    %swap3A_813 = arith.constant 4 : i32
    %swap3A_814 = arith.index_cast %swap3A_813 : i32 to index
    %swap3A_815 = arith.constant 96 : index
    %swap3A_816 = tpu.vector_load %arg7[%swap3A_814, %swap3A_815] {strides = array<i32>} : memref<8x128xi32, #tpu.memory_space<vmem>>, vector<16xi32>,
    tpu.vector_store %arg7[%swap3A_814, %swap3A_815], %shift_left3A_812 {strides = array<i32>} : memref<8x128xi32, #tpu.memory_space<vmem>>, vector<16xi32>,
    %get3A_817 = arith.constant 4 : i32
    %get3A_818 = arith.index_cast %get3A_817 : i32 to index
    %get3A_819 = arith.constant 112 : index
    %get3A_820 = tpu.vector_load %arg5[%get3A_818, %get3A_819] {strides = array<i32>} : memref<8x128xi32, #tpu.memory_space<vmem>>, vector<16xi32>,
    %shift_right_arithmetic3A_821 = arith.constant 1 : i32
    %shift_right_arithmetic3A_822 = vector.broadcast %shift_right_arithmetic3A_821 : i32 to vector<16xi32>
    %shift_right_arithmetic3A_823 = arith.shrsi %get3A_820, %shift_right_arithmetic3A_822 : vector<16xi32>
    %swap3A_824 = arith.constant 4 : i32
    %swap3A_825 = arith.index_cast %swap3A_824 : i32 to index
    %swap3A_826 = arith.constant 112 : index
    %swap3A_827 = tpu.vector_load %arg6[%swap3A_825, %swap3A_826] {strides = array<i32>} : memref<8x128xi32, #tpu.memory_space<vmem>>, vector<16xi32>,
    tpu.vector_store %arg6[%swap3A_825, %swap3A_826], %shift_right_arithmetic3A_823 {strides = array<i32>} : memref<8x128xi32, #tpu.memory_space<vmem>>, vector<16xi32>,
    %and3A_828 = arith.constant 1 : i32
    %and3A_829 = vector.broadcast %and3A_828 : i32 to vector<16xi32>
    %and3A_830 = arith.andi %get3A_820, %and3A_829 : vector<16xi32>
    %shift_left3A_831 = arith.constant 6 : i32
    %shift_left3A_832 = vector.broadcast %shift_left3A_831 : i32 to vector<16xi32>
    %shift_left3A_833 = arith.shli %and3A_830, %shift_left3A_832 : vector<16xi32>
    %swap3A_834 = arith.constant 4 : i32
    %swap3A_835 = arith.index_cast %swap3A_834 : i32 to index
    %swap3A_836 = arith.constant 112 : index
    %swap3A_837 = tpu.vector_load %arg7[%swap3A_835, %swap3A_836] {strides = array<i32>} : memref<8x128xi32, #tpu.memory_space<vmem>>, vector<16xi32>,
    tpu.vector_store %arg7[%swap3A_835, %swap3A_836], %shift_left3A_833 {strides = array<i32>} : memref<8x128xi32, #tpu.memory_space<vmem>>, vector<16xi32>,
    %get3A_838 = arith.constant 5 : i32
    %get3A_839 = arith.index_cast %get3A_838 : i32 to index
    %get3A_840 = arith.constant 0 : index
    %get3A_841 = tpu.vector_load %arg5[%get3A_839, %get3A_840] {strides = array<i32>} : memref<8x128xi32, #tpu.memory_space<vmem>>, vector<16xi32>,
    %shift_right_arithmetic3A_842 = arith.constant 1 : i32
    %shift_right_arithmetic3A_843 = vector.broadcast %shift_right_arithmetic3A_842 : i32 to vector<16xi32>
    %shift_right_arithmetic3A_844 = arith.shrsi %get3A_841, %shift_right_arithmetic3A_843 : vector<16xi32>
    %swap3A_845 = arith.constant 5 : i32
    %swap3A_846 = arith.index_cast %swap3A_845 : i32 to index
    %swap3A_847 = arith.constant 0 : index
    %swap3A_848 = tpu.vector_load %arg6[%swap3A_846, %swap3A_847] {strides = array<i32>} : memref<8x128xi32, #tpu.memory_space<vmem>>, vector<16xi32>,
    tpu.vector_store %arg6[%swap3A_846, %swap3A_847], %shift_right_arithmetic3A_844 {strides = array<i32>} : memref<8x128xi32, #tpu.memory_space<vmem>>, vector<16xi32>,
    %and3A_849 = arith.constant 1 : i32
    %and3A_850 = vector.broadcast %and3A_849 : i32 to vector<16xi32>
    %and3A_851 = arith.andi %get3A_841, %and3A_850 : vector<16xi32>
    %shift_left3A_852 = arith.constant 6 : i32
    %shift_left3A_853 = vector.broadcast %shift_left3A_852 : i32 to vector<16xi32>
    %shift_left3A_854 = arith.shli %and3A_851, %shift_left3A_853 : vector<16xi32>
    %swap3A_855 = arith.constant 5 : i32
    %swap3A_856 = arith.index_cast %swap3A_855 : i32 to index
    %swap3A_857 = arith.constant 0 : index
    %swap3A_858 = tpu.vector_load %arg7[%swap3A_856, %swap3A_857] {strides = array<i32>} : memref<8x128xi32, #tpu.memory_space<vmem>>, vector<16xi32>,
    tpu.vector_store %arg7[%swap3A_856, %swap3A_857], %shift_left3A_854 {strides = array<i32>} : memref<8x128xi32, #tpu.memory_space<vmem>>, vector<16xi32>,
    %get3A_859 = arith.constant 5 : i32
    %get3A_860 = arith.index_cast %get3A_859 : i32 to index
    %get3A_861 = arith.constant 16 : index
    %get3A_862 = tpu.vector_load %arg5[%get3A_860, %get3A_861] {strides = array<i32>} : memref<8x128xi32, #tpu.memory_space<vmem>>, vector<16xi32>,
    %shift_right_arithmetic3A_863 = arith.constant 1 : i32
    %shift_right_arithmetic3A_864 = vector.broadcast %shift_right_arithmetic3A_863 : i32 to vector<16xi32>
    %shift_right_arithmetic3A_865 = arith.shrsi %get3A_862, %shift_right_arithmetic3A_864 : vector<16xi32>
    %swap3A_866 = arith.constant 5 : i32
    %swap3A_867 = arith.index_cast %swap3A_866 : i32 to index
    %swap3A_868 = arith.constant 16 : index
    %swap3A_869 = tpu.vector_load %arg6[%swap3A_867, %swap3A_868] {strides = array<i32>} : memref<8x128xi32, #tpu.memory_space<vmem>>, vector<16xi32>,
    tpu.vector_store %arg6[%swap3A_867, %swap3A_868], %shift_right_arithmetic3A_865 {strides = array<i32>} : memref<8x128xi32, #tpu.memory_space<vmem>>, vector<16xi32>,
    %and3A_870 = arith.constant 1 : i32
    %and3A_871 = vector.broadcast %and3A_870 : i32 to vector<16xi32>
    %and3A_872 = arith.andi %get3A_862, %and3A_871 : vector<16xi32>
    %shift_left3A_873 = arith.constant 6 : i32
    %shift_left3A_874 = vector.broadcast %shift_left3A_873 : i32 to vector<16xi32>
    %shift_left3A_875 = arith.shli %and3A_872, %shift_left3A_874 : vector<16xi32>
    %swap3A_876 = arith.constant 5 : i32
    %swap3A_877 = arith.index_cast %swap3A_876 : i32 to index
    %swap3A_878 = arith.constant 16 : index
    %swap3A_879 = tpu.vector_load %arg7[%swap3A_877, %swap3A_878] {strides = array<i32>} : memref<8x128xi32, #tpu.memory_space<vmem>>, vector<16xi32>,
    tpu.vector_store %arg7[%swap3A_877, %swap3A_878], %shift_left3A_875 {strides = array<i32>} : memref<8x128xi32, #tpu.memory_space<vmem>>, vector<16xi32>,
    %get3A_880 = arith.constant 5 : i32
    %get3A_881 = arith.index_cast %get3A_880 : i32 to index
    %get3A_882 = arith.constant 32 : index
    %get3A_883 = tpu.vector_load %arg5[%get3A_881, %get3A_882] {strides = array<i32>} : memref<8x128xi32, #tpu.memory_space<vmem>>, vector<16xi32>,
    %shift_right_arithmetic3A_884 = arith.constant 1 : i32
    %shift_right_arithmetic3A_885 = vector.broadcast %shift_right_arithmetic3A_884 : i32 to vector<16xi32>
    %shift_right_arithmetic3A_886 = arith.shrsi %get3A_883, %shift_right_arithmetic3A_885 : vector<16xi32>
    %swap3A_887 = arith.constant 5 : i32
    %swap3A_888 = arith.index_cast %swap3A_887 : i32 to index
    %swap3A_889 = arith.constant 32 : index
    %swap3A_890 = tpu.vector_load %arg6[%swap3A_888, %swap3A_889] {strides = array<i32>} : memref<8x128xi32, #tpu.memory_space<vmem>>, vector<16xi32>,
    tpu.vector_store %arg6[%swap3A_888, %swap3A_889], %shift_right_arithmetic3A_886 {strides = array<i32>} : memref<8x128xi32, #tpu.memory_space<vmem>>, vector<16xi32>,
    %and3A_891 = arith.constant 1 : i32
    %and3A_892 = vector.broadcast %and3A_891 : i32 to vector<16xi32>
    %and3A_893 = arith.andi %get3A_883, %and3A_892 : vector<16xi32>
    %shift_left3A_894 = arith.constant 6 : i32
    %shift_left3A_895 = vector.broadcast %shift_left3A_894 : i32 to vector<16xi32>
    %shift_left3A_896 = arith.shli %and3A_893, %shift_left3A_895 : vector<16xi32>
    %swap3A_897 = arith.constant 5 : i32
    %swap3A_898 = arith.index_cast %swap3A_897 : i32 to index
    %swap3A_899 = arith.constant 32 : index
    %swap3A_900 = tpu.vector_load %arg7[%swap3A_898, %swap3A_899] {strides = array<i32>} : memref<8x128xi32, #tpu.memory_space<vmem>>, vector<16xi32>,
    tpu.vector_store %arg7[%swap3A_898, %swap3A_899], %shift_left3A_896 {strides = array<i32>} : memref<8x128xi32, #tpu.memory_space<vmem>>, vector<16xi32>,
    %get3A_901 = arith.constant 5 : i32
    %get3A_902 = arith.index_cast %get3A_901 : i32 to index
    %get3A_903 = arith.constant 48 : index
    %get3A_904 = tpu.vector_load %arg5[%get3A_902, %get3A_903] {strides = array<i32>} : memref<8x128xi32, #tpu.memory_space<vmem>>, vector<16xi32>,
    %shift_right_arithmetic3A_905 = arith.constant 1 : i32
    %shift_right_arithmetic3A_906 = vector.broadcast %shift_right_arithmetic3A_905 : i32 to vector<16xi32>
    %shift_right_arithmetic3A_907 = arith.shrsi %get3A_904, %shift_right_arithmetic3A_906 : vector<16xi32>
    %swap3A_908 = arith.constant 5 : i32
    %swap3A_909 = arith.index_cast %swap3A_908 : i32 to index
    %swap3A_910 = arith.constant 48 : index
    %swap3A_911 = tpu.vector_load %arg6[%swap3A_909, %swap3A_910] {strides = array<i32>} : memref<8x128xi32, #tpu.memory_space<vmem>>, vector<16xi32>,
    tpu.vector_store %arg6[%swap3A_909, %swap3A_910], %shift_right_arithmetic3A_907 {strides = array<i32>} : memref<8x128xi32, #tpu.memory_space<vmem>>, vector<16xi32>,
    %and3A_912 = arith.constant 1 : i32
    %and3A_913 = vector.broadcast %and3A_912 : i32 to vector<16xi32>
    %and3A_914 = arith.andi %get3A_904, %and3A_913 : vector<16xi32>
    %shift_left3A_915 = arith.constant 6 : i32
    %shift_left3A_916 = vector.broadcast %shift_left3A_915 : i32 to vector<16xi32>
    %shift_left3A_917 = arith.shli %and3A_914, %shift_left3A_916 : vector<16xi32>
    %swap3A_918 = arith.constant 5 : i32
    %swap3A_919 = arith.index_cast %swap3A_918 : i32 to index
    %swap3A_920 = arith.constant 48 : index
    %swap3A_921 = tpu.vector_load %arg7[%swap3A_919, %swap3A_920] {strides = array<i32>} : memref<8x128xi32, #tpu.memory_space<vmem>>, vector<16xi32>,
    tpu.vector_store %arg7[%swap3A_919, %swap3A_920], %shift_left3A_917 {strides = array<i32>} : memref<8x128xi32, #tpu.memory_space<vmem>>, vector<16xi32>,
    %get3A_922 = arith.constant 5 : i32
    %get3A_923 = arith.index_cast %get3A_922 : i32 to index
    %get3A_924 = arith.constant 64 : index
    %get3A_925 = tpu.vector_load %arg5[%get3A_923, %get3A_924] {strides = array<i32>} : memref<8x128xi32, #tpu.memory_space<vmem>>, vector<16xi32>,
    %shift_right_arithmetic3A_926 = arith.constant 1 : i32
    %shift_right_arithmetic3A_927 = vector.broadcast %shift_right_arithmetic3A_926 : i32 to vector<16xi32>
    %shift_right_arithmetic3A_928 = arith.shrsi %get3A_925, %shift_right_arithmetic3A_927 : vector<16xi32>
    %swap3A_929 = arith.constant 5 : i32
    %swap3A_930 = arith.index_cast %swap3A_929 : i32 to index
    %swap3A_931 = arith.constant 64 : index
    %swap3A_932 = tpu.vector_load %arg6[%swap3A_930, %swap3A_931] {strides = array<i32>} : memref<8x128xi32, #tpu.memory_space<vmem>>, vector<16xi32>,
    tpu.vector_store %arg6[%swap3A_930, %swap3A_931], %shift_right_arithmetic3A_928 {strides = array<i32>} : memref<8x128xi32, #tpu.memory_space<vmem>>, vector<16xi32>,
    %and3A_933 = arith.constant 1 : i32
    %and3A_934 = vector.broadcast %and3A_933 : i32 to vector<16xi32>
    %and3A_935 = arith.andi %get3A_925, %and3A_934 : vector<16xi32>
    %shift_left3A_936 = arith.constant 6 : i32
    %shift_left3A_937 = vector.broadcast %shift_left3A_936 : i32 to vector<16xi32>
    %shift_left3A_938 = arith.shli %and3A_935, %shift_left3A_937 : vector<16xi32>
    %swap3A_939 = arith.constant 5 : i32
    %swap3A_940 = arith.index_cast %swap3A_939 : i32 to index
    %swap3A_941 = arith.constant 64 : index
    %swap3A_942 = tpu.vector_load %arg7[%swap3A_940, %swap3A_941] {strides = array<i32>} : memref<8x128xi32, #tpu.memory_space<vmem>>, vector<16xi32>,
    tpu.vector_store %arg7[%swap3A_940, %swap3A_941], %shift_left3A_938 {strides = array<i32>} : memref<8x128xi32, #tpu.memory_space<vmem>>, vector<16xi32>,
    %get3A_943 = arith.constant 5 : i32
    %get3A_944 = arith.index_cast %get3A_943 : i32 to index
    %get3A_945 = arith.constant 80 : index
    %get3A_946 = tpu.vector_load %arg5[%get3A_944, %get3A_945] {strides = array<i32>} : memref<8x128xi32, #tpu.memory_space<vmem>>, vector<16xi32>,
    %shift_right_arithmetic3A_947 = arith.constant 1 : i32
    %shift_right_arithmetic3A_948 = vector.broadcast %shift_right_arithmetic3A_947 : i32 to vector<16xi32>
    %shift_right_arithmetic3A_949 = arith.shrsi %get3A_946, %shift_right_arithmetic3A_948 : vector<16xi32>
    %swap3A_950 = arith.constant 5 : i32
    %swap3A_951 = arith.index_cast %swap3A_950 : i32 to index
    %swap3A_952 = arith.constant 80 : index
    %swap3A_953 = tpu.vector_load %arg6[%swap3A_951, %swap3A_952] {strides = array<i32>} : memref<8x128xi32, #tpu.memory_space<vmem>>, vector<16xi32>,
    tpu.vector_store %arg6[%swap3A_951, %swap3A_952], %shift_right_arithmetic3A_949 {strides = array<i32>} : memref<8x128xi32, #tpu.memory_space<vmem>>, vector<16xi32>,
    %and3A_954 = arith.constant 1 : i32
    %and3A_955 = vector.broadcast %and3A_954 : i32 to vector<16xi32>
    %and3A_956 = arith.andi %get3A_946, %and3A_955 : vector<16xi32>
    %shift_left3A_957 = arith.constant 6 : i32
    %shift_left3A_958 = vector.broadcast %shift_left3A_957 : i32 to vector<16xi32>
    %shift_left3A_959 = arith.shli %and3A_956, %shift_left3A_958 : vector<16xi32>
    %swap3A_960 = arith.constant 5 : i32
    %swap3A_961 = arith.index_cast %swap3A_960 : i32 to index
    %swap3A_962 = arith.constant 80 : index
    %swap3A_963 = tpu.vector_load %arg7[%swap3A_961, %swap3A_962] {strides = array<i32>} : memref<8x128xi32, #tpu.memory_space<vmem>>, vector<16xi32>,
    tpu.vector_store %arg7[%swap3A_961, %swap3A_962], %shift_left3A_959 {strides = array<i32>} : memref<8x128xi32, #tpu.memory_space<vmem>>, vector<16xi32>,
    %get3A_964 = arith.constant 5 : i32
    %get3A_965 = arith.index_cast %get3A_964 : i32 to index
    %get3A_966 = arith.constant 96 : index
    %get3A_967 = tpu.vector_load %arg5[%get3A_965, %get3A_966] {strides = array<i32>} : memref<8x128xi32, #tpu.memory_space<vmem>>, vector<16xi32>,
    %shift_right_arithmetic3A_968 = arith.constant 1 : i32
    %shift_right_arithmetic3A_969 = vector.broadcast %shift_right_arithmetic3A_968 : i32 to vector<16xi32>
    %shift_right_arithmetic3A_970 = arith.shrsi %get3A_967, %shift_right_arithmetic3A_969 : vector<16xi32>
    %swap3A_971 = arith.constant 5 : i32
    %swap3A_972 = arith.index_cast %swap3A_971 : i32 to index
    %swap3A_973 = arith.constant 96 : index
    %swap3A_974 = tpu.vector_load %arg6[%swap3A_972, %swap3A_973] {strides = array<i32>} : memref<8x128xi32, #tpu.memory_space<vmem>>, vector<16xi32>,
    tpu.vector_store %arg6[%swap3A_972, %swap3A_973], %shift_right_arithmetic3A_970 {strides = array<i32>} : memref<8x128xi32, #tpu.memory_space<vmem>>, vector<16xi32>,
    %and3A_975 = arith.constant 1 : i32
    %and3A_976 = vector.broadcast %and3A_975 : i32 to vector<16xi32>
    %and3A_977 = arith.andi %get3A_967, %and3A_976 : vector<16xi32>
    %shift_left3A_978 = arith.constant 6 : i32
    %shift_left3A_979 = vector.broadcast %shift_left3A_978 : i32 to vector<16xi32>
    %shift_left3A_980 = arith.shli %and3A_977, %shift_left3A_979 : vector<16xi32>
    %swap3A_981 = arith.constant 5 : i32
    %swap3A_982 = arith.index_cast %swap3A_981 : i32 to index
    %swap3A_983 = arith.constant 96 : index
    %swap3A_984 = tpu.vector_load %arg7[%swap3A_982, %swap3A_983] {strides = array<i32>} : memref<8x128xi32, #tpu.memory_space<vmem>>, vector<16xi32>,
    tpu.vector_store %arg7[%swap3A_982, %swap3A_983], %shift_left3A_980 {strides = array<i32>} : memref<8x128xi32, #tpu.memory_space<vmem>>, vector<16xi32>,
    %get3A_985 = arith.constant 5 : i32
    %get3A_986 = arith.index_cast %get3A_985 : i32 to index
    %get3A_987 = arith.constant 112 : index
    %get3A_988 = tpu.vector_load %arg5[%get3A_986, %get3A_987] {strides = array<i32>} : memref<8x128xi32, #tpu.memory_space<vmem>>, vector<16xi32>,
    %shift_right_arithmetic3A_989 = arith.constant 1 : i32
    %shift_right_arithmetic3A_990 = vector.broadcast %shift_right_arithmetic3A_989 : i32 to vector<16xi32>
    %shift_right_arithmetic3A_991 = arith.shrsi %get3A_988, %shift_right_arithmetic3A_990 : vector<16xi32>
    %swap3A_992 = arith.constant 5 : i32
    %swap3A_993 = arith.index_cast %swap3A_992 : i32 to index
    %swap3A_994 = arith.constant 112 : index
    %swap3A_995 = tpu.vector_load %arg6[%swap3A_993, %swap3A_994] {strides = array<i32>} : memref<8x128xi32, #tpu.memory_space<vmem>>, vector<16xi32>,
    tpu.vector_store %arg6[%swap3A_993, %swap3A_994], %shift_right_arithmetic3A_991 {strides = array<i32>} : memref<8x128xi32, #tpu.memory_space<vmem>>, vector<16xi32>,
    %and3A_996 = arith.constant 1 : i32
    %and3A_997 = vector.broadcast %and3A_996 : i32 to vector<16xi32>
    %and3A_998 = arith.andi %get3A_988, %and3A_997 : vector<16xi32>
    %shift_left3A_999 = arith.constant 6 : i32
    %shift_left3A_1000 = vector.broadcast %shift_left3A_999 : i32 to vector<16xi32>
    %shift_left3A_1001 = arith.shli %and3A_998, %shift_left3A_1000 : vector<16xi32>
    %swap3A_1002 = arith.constant 5 : i32
    %swap3A_1003 = arith.index_cast %swap3A_1002 : i32 to index
    %swap3A_1004 = arith.constant 112 : index
    %swap3A_1005 = tpu.vector_load %arg7[%swap3A_1003, %swap3A_1004] {strides = array<i32>} : memref<8x128xi32, #tpu.memory_space<vmem>>, vector<16xi32>,
    tpu.vector_store %arg7[%swap3A_1003, %swap3A_1004], %shift_left3A_1001 {strides = array<i32>} : memref<8x128xi32, #tpu.memory_space<vmem>>, vector<16xi32>,
    %get3A_1006 = arith.constant 6 : i32
    %get3A_1007 = arith.index_cast %get3A_1006 : i32 to index
    %get3A_1008 = arith.constant 0 : index
    %get3A_1009 = tpu.vector_load %arg5[%get3A_1007, %get3A_1008] {strides = array<i32>} : memref<8x128xi32, #tpu.memory_space<vmem>>, vector<16xi32>,
    %shift_right_arithmetic3A_1010 = arith.constant 1 : i32
    %shift_right_arithmetic3A_1011 = vector.broadcast %shift_right_arithmetic3A_1010 : i32 to vector<16xi32>
    %shift_right_arithmetic3A_1012 = arith.shrsi %get3A_1009, %shift_right_arithmetic3A_1011 : vector<16xi32>
    %swap3A_1013 = arith.constant 6 : i32
    %swap3A_1014 = arith.index_cast %swap3A_1013 : i32 to index
    %swap3A_1015 = arith.constant 0 : index
    %swap3A_1016 = tpu.vector_load %arg6[%swap3A_1014, %swap3A_1015] {strides = array<i32>} : memref<8x128xi32, #tpu.memory_space<vmem>>, vector<16xi32>,
    tpu.vector_store %arg6[%swap3A_1014, %swap3A_1015], %shift_right_arithmetic3A_1012 {strides = array<i32>} : memref<8x128xi32, #tpu.memory_space<vmem>>, vector<16xi32>,
    %and3A_1017 = arith.constant 1 : i32
    %and3A_1018 = vector.broadcast %and3A_1017 : i32 to vector<16xi32>
    %and3A_1019 = arith.andi %get3A_1009, %and3A_1018 : vector<16xi32>
    %shift_left3A_1020 = arith.constant 6 : i32
    %shift_left3A_1021 = vector.broadcast %shift_left3A_1020 : i32 to vector<16xi32>
    %shift_left3A_1022 = arith.shli %and3A_1019, %shift_left3A_1021 : vector<16xi32>
    %swap3A_1023 = arith.constant 6 : i32
    %swap3A_1024 = arith.index_cast %swap3A_1023 : i32 to index
    %swap3A_1025 = arith.constant 0 : index
    %swap3A_1026 = tpu.vector_load %arg7[%swap3A_1024, %swap3A_1025] {strides = array<i32>} : memref<8x128xi32, #tpu.memory_space<vmem>>, vector<16xi32>,
    tpu.vector_store %arg7[%swap3A_1024, %swap3A_1025], %shift_left3A_1022 {strides = array<i32>} : memref<8x128xi32, #tpu.memory_space<vmem>>, vector<16xi32>,
    %get3A_1027 = arith.constant 6 : i32
    %get3A_1028 = arith.index_cast %get3A_1027 : i32 to index
    %get3A_1029 = arith.constant 16 : index
    %get3A_1030 = tpu.vector_load %arg5[%get3A_1028, %get3A_1029] {strides = array<i32>} : memref<8x128xi32, #tpu.memory_space<vmem>>, vector<16xi32>,
    %shift_right_arithmetic3A_1031 = arith.constant 1 : i32
    %shift_right_arithmetic3A_1032 = vector.broadcast %shift_right_arithmetic3A_1031 : i32 to vector<16xi32>
    %shift_right_arithmetic3A_1033 = arith.shrsi %get3A_1030, %shift_right_arithmetic3A_1032 : vector<16xi32>
    %swap3A_1034 = arith.constant 6 : i32
    %swap3A_1035 = arith.index_cast %swap3A_1034 : i32 to index
    %swap3A_1036 = arith.constant 16 : index
    %swap3A_1037 = tpu.vector_load %arg6[%swap3A_1035, %swap3A_1036] {strides = array<i32>} : memref<8x128xi32, #tpu.memory_space<vmem>>, vector<16xi32>,
    tpu.vector_store %arg6[%swap3A_1035, %swap3A_1036], %shift_right_arithmetic3A_1033 {strides = array<i32>} : memref<8x128xi32, #tpu.memory_space<vmem>>, vector<16xi32>,
    %and3A_1038 = arith.constant 1 : i32
    %and3A_1039 = vector.broadcast %and3A_1038 : i32 to vector<16xi32>
    %and3A_1040 = arith.andi %get3A_1030, %and3A_1039 : vector<16xi32>
    %shift_left3A_1041 = arith.constant 6 : i32
    %shift_left3A_1042 = vector.broadcast %shift_left3A_1041 : i32 to vector<16xi32>
    %shift_left3A_1043 = arith.shli %and3A_1040, %shift_left3A_1042 : vector<16xi32>
    %swap3A_1044 = arith.constant 6 : i32
    %swap3A_1045 = arith.index_cast %swap3A_1044 : i32 to index
    %swap3A_1046 = arith.constant 16 : index
    %swap3A_1047 = tpu.vector_load %arg7[%swap3A_1045, %swap3A_1046] {strides = array<i32>} : memref<8x128xi32, #tpu.memory_space<vmem>>, vector<16xi32>,
    tpu.vector_store %arg7[%swap3A_1045, %swap3A_1046], %shift_left3A_1043 {strides = array<i32>} : memref<8x128xi32, #tpu.memory_space<vmem>>, vector<16xi32>,
    %get3A_1048 = arith.constant 6 : i32
    %get3A_1049 = arith.index_cast %get3A_1048 : i32 to index
    %get3A_1050 = arith.constant 32 : index
    %get3A_1051 = tpu.vector_load %arg5[%get3A_1049, %get3A_1050] {strides = array<i32>} : memref<8x128xi32, #tpu.memory_space<vmem>>, vector<16xi32>,
    %shift_right_arithmetic3A_1052 = arith.constant 1 : i32
    %shift_right_arithmetic3A_1053 = vector.broadcast %shift_right_arithmetic3A_1052 : i32 to vector<16xi32>
    %shift_right_arithmetic3A_1054 = arith.shrsi %get3A_1051, %shift_right_arithmetic3A_1053 : vector<16xi32>
    %swap3A_1055 = arith.constant 6 : i32
    %swap3A_1056 = arith.index_cast %swap3A_1055 : i32 to index
    %swap3A_1057 = arith.constant 32 : index
    %swap3A_1058 = tpu.vector_load %arg6[%swap3A_1056, %swap3A_1057] {strides = array<i32>} : memref<8x128xi32, #tpu.memory_space<vmem>>, vector<16xi32>,
    tpu.vector_store %arg6[%swap3A_1056, %swap3A_1057], %shift_right_arithmetic3A_1054 {strides = array<i32>} : memref<8x128xi32, #tpu.memory_space<vmem>>, vector<16xi32>,
    %and3A_1059 = arith.constant 1 : i32
    %and3A_1060 = vector.broadcast %and3A_1059 : i32 to vector<16xi32>
    %and3A_1061 = arith.andi %get3A_1051, %and3A_1060 : vector<16xi32>
    %shift_left3A_1062 = arith.constant 6 : i32
    %shift_left3A_1063 = vector.broadcast %shift_left3A_1062 : i32 to vector<16xi32>
    %shift_left3A_1064 = arith.shli %and3A_1061, %shift_left3A_1063 : vector<16xi32>
    %swap3A_1065 = arith.constant 6 : i32
    %swap3A_1066 = arith.index_cast %swap3A_1065 : i32 to index
    %swap3A_1067 = arith.constant 32 : index
    %swap3A_1068 = tpu.vector_load %arg7[%swap3A_1066, %swap3A_1067] {strides = array<i32>} : memref<8x128xi32, #tpu.memory_space<vmem>>, vector<16xi32>,
    tpu.vector_store %arg7[%swap3A_1066, %swap3A_1067], %shift_left3A_1064 {strides = array<i32>} : memref<8x128xi32, #tpu.memory_space<vmem>>, vector<16xi32>,
    %get3A_1069 = arith.constant 6 : i32
    %get3A_1070 = arith.index_cast %get3A_1069 : i32 to index
    %get3A_1071 = arith.constant 48 : index
    %get3A_1072 = tpu.vector_load %arg5[%get3A_1070, %get3A_1071] {strides = array<i32>} : memref<8x128xi32, #tpu.memory_space<vmem>>, vector<16xi32>,
    %shift_right_arithmetic3A_1073 = arith.constant 1 : i32
    %shift_right_arithmetic3A_1074 = vector.broadcast %shift_right_arithmetic3A_1073 : i32 to vector<16xi32>
    %shift_right_arithmetic3A_1075 = arith.shrsi %get3A_1072, %shift_right_arithmetic3A_1074 : vector<16xi32>
    %swap3A_1076 = arith.constant 6 : i32
    %swap3A_1077 = arith.index_cast %swap3A_1076 : i32 to index
    %swap3A_1078 = arith.constant 48 : index
    %swap3A_1079 = tpu.vector_load %arg6[%swap3A_1077, %swap3A_1078] {strides = array<i32>} : memref<8x128xi32, #tpu.memory_space<vmem>>, vector<16xi32>,
    tpu.vector_store %arg6[%swap3A_1077, %swap3A_1078], %shift_right_arithmetic3A_1075 {strides = array<i32>} : memref<8x128xi32, #tpu.memory_space<vmem>>, vector<16xi32>,
    %and3A_1080 = arith.constant 1 : i32
    %and3A_1081 = vector.broadcast %and3A_1080 : i32 to vector<16xi32>
    %and3A_1082 = arith.andi %get3A_1072, %and3A_1081 : vector<16xi32>
    %shift_left3A_1083 = arith.constant 6 : i32
    %shift_left3A_1084 = vector.broadcast %shift_left3A_1083 : i32 to vector<16xi32>
    %shift_left3A_1085 = arith.shli %and3A_1082, %shift_left3A_1084 : vector<16xi32>
    %swap3A_1086 = arith.constant 6 : i32
    %swap3A_1087 = arith.index_cast %swap3A_1086 : i32 to index
    %swap3A_1088 = arith.constant 48 : index
    %swap3A_1089 = tpu.vector_load %arg7[%swap3A_1087, %swap3A_1088] {strides = array<i32>} : memref<8x128xi32, #tpu.memory_space<vmem>>, vector<16xi32>,
    tpu.vector_store %arg7[%swap3A_1087, %swap3A_1088], %shift_left3A_1085 {strides = array<i32>} : memref<8x128xi32, #tpu.memory_space<vmem>>, vector<16xi32>,
    %get3A_1090 = arith.constant 6 : i32
    %get3A_1091 = arith.index_cast %get3A_1090 : i32 to index
    %get3A_1092 = arith.constant 64 : index
    %get3A_1093 = tpu.vector_load %arg5[%get3A_1091, %get3A_1092] {strides = array<i32>} : memref<8x128xi32, #tpu.memory_space<vmem>>, vector<16xi32>,
    %shift_right_arithmetic3A_1094 = arith.constant 1 : i32
    %shift_right_arithmetic3A_1095 = vector.broadcast %shift_right_arithmetic3A_1094 : i32 to vector<16xi32>
    %shift_right_arithmetic3A_1096 = arith.shrsi %get3A_1093, %shift_right_arithmetic3A_1095 : vector<16xi32>
    %swap3A_1097 = arith.constant 6 : i32
    %swap3A_1098 = arith.index_cast %swap3A_1097 : i32 to index
    %swap3A_1099 = arith.constant 64 : index
    %swap3A_1100 = tpu.vector_load %arg6[%swap3A_1098, %swap3A_1099] {strides = array<i32>} : memref<8x128xi32, #tpu.memory_space<vmem>>, vector<16xi32>,
    tpu.vector_store %arg6[%swap3A_1098, %swap3A_1099], %shift_right_arithmetic3A_1096 {strides = array<i32>} : memref<8x128xi32, #tpu.memory_space<vmem>>, vector<16xi32>,
    %and3A_1101 = arith.constant 1 : i32
    %and3A_1102 = vector.broadcast %and3A_1101 : i32 to vector<16xi32>
    %and3A_1103 = arith.andi %get3A_1093, %and3A_1102 : vector<16xi32>
    %shift_left3A_1104 = arith.constant 6 : i32
    %shift_left3A_1105 = vector.broadcast %shift_left3A_1104 : i32 to vector<16xi32>
    %shift_left3A_1106 = arith.shli %and3A_1103, %shift_left3A_1105 : vector<16xi32>
    %swap3A_1107 = arith.constant 6 : i32
    %swap3A_1108 = arith.index_cast %swap3A_1107 : i32 to index
    %swap3A_1109 = arith.constant 64 : index
    %swap3A_1110 = tpu.vector_load %arg7[%swap3A_1108, %swap3A_1109] {strides = array<i32>} : memref<8x128xi32, #tpu.memory_space<vmem>>, vector<16xi32>,
    tpu.vector_store %arg7[%swap3A_1108, %swap3A_1109], %shift_left3A_1106 {strides = array<i32>} : memref<8x128xi32, #tpu.memory_space<vmem>>, vector<16xi32>,
    %get3A_1111 = arith.constant 6 : i32
    %get3A_1112 = arith.index_cast %get3A_1111 : i32 to index
    %get3A_1113 = arith.constant 80 : index
    %get3A_1114 = tpu.vector_load %arg5[%get3A_1112, %get3A_1113] {strides = array<i32>} : memref<8x128xi32, #tpu.memory_space<vmem>>, vector<16xi32>,
    %shift_right_arithmetic3A_1115 = arith.constant 1 : i32
    %shift_right_arithmetic3A_1116 = vector.broadcast %shift_right_arithmetic3A_1115 : i32 to vector<16xi32>
    %shift_right_arithmetic3A_1117 = arith.shrsi %get3A_1114, %shift_right_arithmetic3A_1116 : vector<16xi32>
    %swap3A_1118 = arith.constant 6 : i32
    %swap3A_1119 = arith.index_cast %swap3A_1118 : i32 to index
    %swap3A_1120 = arith.constant 80 : index
    %swap3A_1121 = tpu.vector_load %arg6[%swap3A_1119, %swap3A_1120] {strides = array<i32>} : memref<8x128xi32, #tpu.memory_space<vmem>>, vector<16xi32>,
    tpu.vector_store %arg6[%swap3A_1119, %swap3A_1120], %shift_right_arithmetic3A_1117 {strides = array<i32>} : memref<8x128xi32, #tpu.memory_space<vmem>>, vector<16xi32>,
    %and3A_1122 = arith.constant 1 : i32
    %and3A_1123 = vector.broadcast %and3A_1122 : i32 to vector<16xi32>
    %and3A_1124 = arith.andi %get3A_1114, %and3A_1123 : vector<16xi32>
    %shift_left3A_1125 = arith.constant 6 : i32
    %shift_left3A_1126 = vector.broadcast %shift_left3A_1125 : i32 to vector<16xi32>
    %shift_left3A_1127 = arith.shli %and3A_1124, %shift_left3A_1126 : vector<16xi32>
    %swap3A_1128 = arith.constant 6 : i32
    %swap3A_1129 = arith.index_cast %swap3A_1128 : i32 to index
    %swap3A_1130 = arith.constant 80 : index
    %swap3A_1131 = tpu.vector_load %arg7[%swap3A_1129, %swap3A_1130] {strides = array<i32>} : memref<8x128xi32, #tpu.memory_space<vmem>>, vector<16xi32>,
    tpu.vector_store %arg7[%swap3A_1129, %swap3A_1130], %shift_left3A_1127 {strides = array<i32>} : memref<8x128xi32, #tpu.memory_space<vmem>>, vector<16xi32>,
    %get3A_1132 = arith.constant 6 : i32
    %get3A_1133 = arith.index_cast %get3A_1132 : i32 to index
    %get3A_1134 = arith.constant 96 : index
    %get3A_1135 = tpu.vector_load %arg5[%get3A_1133, %get3A_1134] {strides = array<i32>} : memref<8x128xi32, #tpu.memory_space<vmem>>, vector<16xi32>,
    %shift_right_arithmetic3A_1136 = arith.constant 1 : i32
    %shift_right_arithmetic3A_1137 = vector.broadcast %shift_right_arithmetic3A_1136 : i32 to vector<16xi32>
    %shift_right_arithmetic3A_1138 = arith.shrsi %get3A_1135, %shift_right_arithmetic3A_1137 : vector<16xi32>
    %swap3A_1139 = arith.constant 6 : i32
    %swap3A_1140 = arith.index_cast %swap3A_1139 : i32 to index
    %swap3A_1141 = arith.constant 96 : index
    %swap3A_1142 = tpu.vector_load %arg6[%swap3A_1140, %swap3A_1141] {strides = array<i32>} : memref<8x128xi32, #tpu.memory_space<vmem>>, vector<16xi32>,
    tpu.vector_store %arg6[%swap3A_1140, %swap3A_1141], %shift_right_arithmetic3A_1138 {strides = array<i32>} : memref<8x128xi32, #tpu.memory_space<vmem>>, vector<16xi32>,
    %and3A_1143 = arith.constant 1 : i32
    %and3A_1144 = vector.broadcast %and3A_1143 : i32 to vector<16xi32>
    %and3A_1145 = arith.andi %get3A_1135, %and3A_1144 : vector<16xi32>
    %shift_left3A_1146 = arith.constant 6 : i32
    %shift_left3A_1147 = vector.broadcast %shift_left3A_1146 : i32 to vector<16xi32>
    %shift_left3A_1148 = arith.shli %and3A_1145, %shift_left3A_1147 : vector<16xi32>
    %swap3A_1149 = arith.constant 6 : i32
    %swap3A_1150 = arith.index_cast %swap3A_1149 : i32 to index
    %swap3A_1151 = arith.constant 96 : index
    %swap3A_1152 = tpu.vector_load %arg7[%swap3A_1150, %swap3A_1151] {strides = array<i32>} : memref<8x128xi32, #tpu.memory_space<vmem>>, vector<16xi32>,
    tpu.vector_store %arg7[%swap3A_1150, %swap3A_1151], %shift_left3A_1148 {strides = array<i32>} : memref<8x128xi32, #tpu.memory_space<vmem>>, vector<16xi32>,
    %get3A_1153 = arith.constant 6 : i32
    %get3A_1154 = arith.index_cast %get3A_1153 : i32 to index
    %get3A_1155 = arith.constant 112 : index
    %get3A_1156 = tpu.vector_load %arg5[%get3A_1154, %get3A_1155] {strides = array<i32>} : memref<8x128xi32, #tpu.memory_space<vmem>>, vector<16xi32>,
    %shift_right_arithmetic3A_1157 = arith.constant 1 : i32
    %shift_right_arithmetic3A_1158 = vector.broadcast %shift_right_arithmetic3A_1157 : i32 to vector<16xi32>
    %shift_right_arithmetic3A_1159 = arith.shrsi %get3A_1156, %shift_right_arithmetic3A_1158 : vector<16xi32>
    %swap3A_1160 = arith.constant 6 : i32
    %swap3A_1161 = arith.index_cast %swap3A_1160 : i32 to index
    %swap3A_1162 = arith.constant 112 : index
    %swap3A_1163 = tpu.vector_load %arg6[%swap3A_1161, %swap3A_1162] {strides = array<i32>} : memref<8x128xi32, #tpu.memory_space<vmem>>, vector<16xi32>,
    tpu.vector_store %arg6[%swap3A_1161, %swap3A_1162], %shift_right_arithmetic3A_1159 {strides = array<i32>} : memref<8x128xi32, #tpu.memory_space<vmem>>, vector<16xi32>,
    %and3A_1164 = arith.constant 1 : i32
    %and3A_1165 = vector.broadcast %and3A_1164 : i32 to vector<16xi32>
    %and3A_1166 = arith.andi %get3A_1156, %and3A_1165 : vector<16xi32>
    %shift_left3A_1167 = arith.constant 6 : i32
    %shift_left3A_1168 = vector.broadcast %shift_left3A_1167 : i32 to vector<16xi32>
    %shift_left3A_1169 = arith.shli %and3A_1166, %shift_left3A_1168 : vector<16xi32>
    %swap3A_1170 = arith.constant 6 : i32
    %swap3A_1171 = arith.index_cast %swap3A_1170 : i32 to index
    %swap3A_1172 = arith.constant 112 : index
    %swap3A_1173 = tpu.vector_load %arg7[%swap3A_1171, %swap3A_1172] {strides = array<i32>} : memref<8x128xi32, #tpu.memory_space<vmem>>, vector<16xi32>,
    tpu.vector_store %arg7[%swap3A_1171, %swap3A_1172], %shift_left3A_1169 {strides = array<i32>} : memref<8x128xi32, #tpu.memory_space<vmem>>, vector<16xi32>,
    %get3A_1174 = arith.constant 7 : i32
    %get3A_1175 = arith.index_cast %get3A_1174 : i32 to index
    %get3A_1176 = arith.constant 0 : index
    %get3A_1177 = tpu.vector_load %arg5[%get3A_1175, %get3A_1176] {strides = array<i32>} : memref<8x128xi32, #tpu.memory_space<vmem>>, vector<16xi32>,
    %shift_right_arithmetic3A_1178 = arith.constant 1 : i32
    %shift_right_arithmetic3A_1179 = vector.broadcast %shift_right_arithmetic3A_1178 : i32 to vector<16xi32>
    %shift_right_arithmetic3A_1180 = arith.shrsi %get3A_1177, %shift_right_arithmetic3A_1179 : vector<16xi32>
    %swap3A_1181 = arith.constant 7 : i32
    %swap3A_1182 = arith.index_cast %swap3A_1181 : i32 to index
    %swap3A_1183 = arith.constant 0 : index
    %swap3A_1184 = tpu.vector_load %arg6[%swap3A_1182, %swap3A_1183] {strides = array<i32>} : memref<8x128xi32, #tpu.memory_space<vmem>>, vector<16xi32>,
    tpu.vector_store %arg6[%swap3A_1182, %swap3A_1183], %shift_right_arithmetic3A_1180 {strides = array<i32>} : memref<8x128xi32, #tpu.memory_space<vmem>>, vector<16xi32>,
    %and3A_1185 = arith.constant 1 : i32
    %and3A_1186 = vector.broadcast %and3A_1185 : i32 to vector<16xi32>
    %and3A_1187 = arith.andi %get3A_1177, %and3A_1186 : vector<16xi32>
    %shift_left3A_1188 = arith.constant 6 : i32
    %shift_left3A_1189 = vector.broadcast %shift_left3A_1188 : i32 to vector<16xi32>
    %shift_left3A_1190 = arith.shli %and3A_1187, %shift_left3A_1189 : vector<16xi32>
    %swap3A_1191 = arith.constant 7 : i32
    %swap3A_1192 = arith.index_cast %swap3A_1191 : i32 to index
    %swap3A_1193 = arith.constant 0 : index
    %swap3A_1194 = tpu.vector_load %arg7[%swap3A_1192, %swap3A_1193] {strides = array<i32>} : memref<8x128xi32, #tpu.memory_space<vmem>>, vector<16xi32>,
    tpu.vector_store %arg7[%swap3A_1192, %swap3A_1193], %shift_left3A_1190 {strides = array<i32>} : memref<8x128xi32, #tpu.memory_space<vmem>>, vector<16xi32>,
    %get3A_1195 = arith.constant 7 : i32
    %get3A_1196 = arith.index_cast %get3A_1195 : i32 to index
    %get3A_1197 = arith.constant 16 : index
    %get3A_1198 = tpu.vector_load %arg5[%get3A_1196, %get3A_1197] {strides = array<i32>} : memref<8x128xi32, #tpu.memory_space<vmem>>, vector<16xi32>,
    %shift_right_arithmetic3A_1199 = arith.constant 1 : i32
    %shift_right_arithmetic3A_1200 = vector.broadcast %shift_right_arithmetic3A_1199 : i32 to vector<16xi32>
    %shift_right_arithmetic3A_1201 = arith.shrsi %get3A_1198, %shift_right_arithmetic3A_1200 : vector<16xi32>
    %swap3A_1202 = arith.constant 7 : i32
    %swap3A_1203 = arith.index_cast %swap3A_1202 : i32 to index
    %swap3A_1204 = arith.constant 16 : index
    %swap3A_1205 = tpu.vector_load %arg6[%swap3A_1203, %swap3A_1204] {strides = array<i32>} : memref<8x128xi32, #tpu.memory_space<vmem>>, vector<16xi32>,
    tpu.vector_store %arg6[%swap3A_1203, %swap3A_1204], %shift_right_arithmetic3A_1201 {strides = array<i32>} : memref<8x128xi32, #tpu.memory_space<vmem>>, vector<16xi32>,
    %and3A_1206 = arith.constant 1 : i32
    %and3A_1207 = vector.broadcast %and3A_1206 : i32 to vector<16xi32>
    %and3A_1208 = arith.andi %get3A_1198, %and3A_1207 : vector<16xi32>
    %shift_left3A_1209 = arith.constant 6 : i32
    %shift_left3A_1210 = vector.broadcast %shift_left3A_1209 : i32 to vector<16xi32>
    %shift_left3A_1211 = arith.shli %and3A_1208, %shift_left3A_1210 : vector<16xi32>
    %swap3A_1212 = arith.constant 7 : i32
    %swap3A_1213 = arith.index_cast %swap3A_1212 : i32 to index
    %swap3A_1214 = arith.constant 16 : index
    %swap3A_1215 = tpu.vector_load %arg7[%swap3A_1213, %swap3A_1214] {strides = array<i32>} : memref<8x128xi32, #tpu.memory_space<vmem>>, vector<16xi32>,
    tpu.vector_store %arg7[%swap3A_1213, %swap3A_1214], %shift_left3A_1211 {strides = array<i32>} : memref<8x128xi32, #tpu.memory_space<vmem>>, vector<16xi32>,
    %get3A_1216 = arith.constant 7 : i32
    %get3A_1217 = arith.index_cast %get3A_1216 : i32 to index
    %get3A_1218 = arith.constant 32 : index
    %get3A_1219 = tpu.vector_load %arg5[%get3A_1217, %get3A_1218] {strides = array<i32>} : memref<8x128xi32, #tpu.memory_space<vmem>>, vector<16xi32>,
    %shift_right_arithmetic3A_1220 = arith.constant 1 : i32
    %shift_right_arithmetic3A_1221 = vector.broadcast %shift_right_arithmetic3A_1220 : i32 to vector<16xi32>
    %shift_right_arithmetic3A_1222 = arith.shrsi %get3A_1219, %shift_right_arithmetic3A_1221 : vector<16xi32>
    %swap3A_1223 = arith.constant 7 : i32
    %swap3A_1224 = arith.index_cast %swap3A_1223 : i32 to index
    %swap3A_1225 = arith.constant 32 : index
    %swap3A_1226 = tpu.vector_load %arg6[%swap3A_1224, %swap3A_1225] {strides = array<i32>} : memref<8x128xi32, #tpu.memory_space<vmem>>, vector<16xi32>,
    tpu.vector_store %arg6[%swap3A_1224, %swap3A_1225], %shift_right_arithmetic3A_1222 {strides = array<i32>} : memref<8x128xi32, #tpu.memory_space<vmem>>, vector<16xi32>,
    %and3A_1227 = arith.constant 1 : i32
    %and3A_1228 = vector.broadcast %and3A_1227 : i32 to vector<16xi32>
    %and3A_1229 = arith.andi %get3A_1219, %and3A_1228 : vector<16xi32>
    %shift_left3A_1230 = arith.constant 6 : i32
    %shift_left3A_1231 = vector.broadcast %shift_left3A_1230 : i32 to vector<16xi32>
    %shift_left3A_1232 = arith.shli %and3A_1229, %shift_left3A_1231 : vector<16xi32>
    %swap3A_1233 = arith.constant 7 : i32
    %swap3A_1234 = arith.index_cast %swap3A_1233 : i32 to index
    %swap3A_1235 = arith.constant 32 : index
    %swap3A_1236 = tpu.vector_load %arg7[%swap3A_1234, %swap3A_1235] {strides = array<i32>} : memref<8x128xi32, #tpu.memory_space<vmem>>, vector<16xi32>,
    tpu.vector_store %arg7[%swap3A_1234, %swap3A_1235], %shift_left3A_1232 {strides = array<i32>} : memref<8x128xi32, #tpu.memory_space<vmem>>, vector<16xi32>,
    %get3A_1237 = arith.constant 7 : i32
    %get3A_1238 = arith.index_cast %get3A_1237 : i32 to index
    %get3A_1239 = arith.constant 48 : index
    %get3A_1240 = tpu.vector_load %arg5[%get3A_1238, %get3A_1239] {strides = array<i32>} : memref<8x128xi32, #tpu.memory_space<vmem>>, vector<16xi32>,
    %shift_right_arithmetic3A_1241 = arith.constant 1 : i32
    %shift_right_arithmetic3A_1242 = vector.broadcast %shift_right_arithmetic3A_1241 : i32 to vector<16xi32>
    %shift_right_arithmetic3A_1243 = arith.shrsi %get3A_1240, %shift_right_arithmetic3A_1242 : vector<16xi32>
    %swap3A_1244 = arith.constant 7 : i32
    %swap3A_1245 = arith.index_cast %swap3A_1244 : i32 to index
    %swap3A_1246 = arith.constant 48 : index
    %swap3A_1247 = tpu.vector_load %arg6[%swap3A_1245, %swap3A_1246] {strides = array<i32>} : memref<8x128xi32, #tpu.memory_space<vmem>>, vector<16xi32>,
    tpu.vector_store %arg6[%swap3A_1245, %swap3A_1246], %shift_right_arithmetic3A_1243 {strides = array<i32>} : memref<8x128xi32, #tpu.memory_space<vmem>>, vector<16xi32>,
    %and3A_1248 = arith.constant 1 : i32
    %and3A_1249 = vector.broadcast %and3A_1248 : i32 to vector<16xi32>
    %and3A_1250 = arith.andi %get3A_1240, %and3A_1249 : vector<16xi32>
    %shift_left3A_1251 = arith.constant 6 : i32
    %shift_left3A_1252 = vector.broadcast %shift_left3A_1251 : i32 to vector<16xi32>
    %shift_left3A_1253 = arith.shli %and3A_1250, %shift_left3A_1252 : vector<16xi32>
    %swap3A_1254 = arith.constant 7 : i32
    %swap3A_1255 = arith.index_cast %swap3A_1254 : i32 to index
    %swap3A_1256 = arith.constant 48 : index
    %swap3A_1257 = tpu.vector_load %arg7[%swap3A_1255, %swap3A_1256] {strides = array<i32>} : memref<8x128xi32, #tpu.memory_space<vmem>>, vector<16xi32>,
    tpu.vector_store %arg7[%swap3A_1255, %swap3A_1256], %shift_left3A_1253 {strides = array<i32>} : memref<8x128xi32, #tpu.memory_space<vmem>>, vector<16xi32>,
    %get3A_1258 = arith.constant 7 : i32
    %get3A_1259 = arith.index_cast %get3A_1258 : i32 to index
    %get3A_1260 = arith.constant 64 : index
    %get3A_1261 = tpu.vector_load %arg5[%get3A_1259, %get3A_1260] {strides = array<i32>} : memref<8x128xi32, #tpu.memory_space<vmem>>, vector<16xi32>,
    %shift_right_arithmetic3A_1262 = arith.constant 1 : i32
    %shift_right_arithmetic3A_1263 = vector.broadcast %shift_right_arithmetic3A_1262 : i32 to vector<16xi32>
    %shift_right_arithmetic3A_1264 = arith.shrsi %get3A_1261, %shift_right_arithmetic3A_1263 : vector<16xi32>
    %swap3A_1265 = arith.constant 7 : i32
    %swap3A_1266 = arith.index_cast %swap3A_1265 : i32 to index
    %swap3A_1267 = arith.constant 64 : index
    %swap3A_1268 = tpu.vector_load %arg6[%swap3A_1266, %swap3A_1267] {strides = array<i32>} : memref<8x128xi32, #tpu.memory_space<vmem>>, vector<16xi32>,
    tpu.vector_store %arg6[%swap3A_1266, %swap3A_1267], %shift_right_arithmetic3A_1264 {strides = array<i32>} : memref<8x128xi32, #tpu.memory_space<vmem>>, vector<16xi32>,
    %and3A_1269 = arith.constant 1 : i32
    %and3A_1270 = vector.broadcast %and3A_1269 : i32 to vector<16xi32>
    %and3A_1271 = arith.andi %get3A_1261, %and3A_1270 : vector<16xi32>
    %shift_left3A_1272 = arith.constant 6 : i32
    %shift_left3A_1273 = vector.broadcast %shift_left3A_1272 : i32 to vector<16xi32>
    %shift_left3A_1274 = arith.shli %and3A_1271, %shift_left3A_1273 : vector<16xi32>
    %swap3A_1275 = arith.constant 7 : i32
    %swap3A_1276 = arith.index_cast %swap3A_1275 : i32 to index
    %swap3A_1277 = arith.constant 64 : index
    %swap3A_1278 = tpu.vector_load %arg7[%swap3A_1276, %swap3A_1277] {strides = array<i32>} : memref<8x128xi32, #tpu.memory_space<vmem>>, vector<16xi32>,
    tpu.vector_store %arg7[%swap3A_1276, %swap3A_1277], %shift_left3A_1274 {strides = array<i32>} : memref<8x128xi32, #tpu.memory_space<vmem>>, vector<16xi32>,
    %get3A_1279 = arith.constant 7 : i32
    %get3A_1280 = arith.index_cast %get3A_1279 : i32 to index
    %get3A_1281 = arith.constant 80 : index
    %get3A_1282 = tpu.vector_load %arg5[%get3A_1280, %get3A_1281] {strides = array<i32>} : memref<8x128xi32, #tpu.memory_space<vmem>>, vector<16xi32>,
    %shift_right_arithmetic3A_1283 = arith.constant 1 : i32
    %shift_right_arithmetic3A_1284 = vector.broadcast %shift_right_arithmetic3A_1283 : i32 to vector<16xi32>
    %shift_right_arithmetic3A_1285 = arith.shrsi %get3A_1282, %shift_right_arithmetic3A_1284 : vector<16xi32>
    %swap3A_1286 = arith.constant 7 : i32
    %swap3A_1287 = arith.index_cast %swap3A_1286 : i32 to index
    %swap3A_1288 = arith.constant 80 : index
    %swap3A_1289 = tpu.vector_load %arg6[%swap3A_1287, %swap3A_1288] {strides = array<i32>} : memref<8x128xi32, #tpu.memory_space<vmem>>, vector<16xi32>,
    tpu.vector_store %arg6[%swap3A_1287, %swap3A_1288], %shift_right_arithmetic3A_1285 {strides = array<i32>} : memref<8x128xi32, #tpu.memory_space<vmem>>, vector<16xi32>,
    %and3A_1290 = arith.constant 1 : i32
    %and3A_1291 = vector.broadcast %and3A_1290 : i32 to vector<16xi32>
    %and3A_1292 = arith.andi %get3A_1282, %and3A_1291 : vector<16xi32>
    %shift_left3A_1293 = arith.constant 6 : i32
    %shift_left3A_1294 = vector.broadcast %shift_left3A_1293 : i32 to vector<16xi32>
    %shift_left3A_1295 = arith.shli %and3A_1292, %shift_left3A_1294 : vector<16xi32>
    %swap3A_1296 = arith.constant 7 : i32
    %swap3A_1297 = arith.index_cast %swap3A_1296 : i32 to index
    %swap3A_1298 = arith.constant 80 : index
    %swap3A_1299 = tpu.vector_load %arg7[%swap3A_1297, %swap3A_1298] {strides = array<i32>} : memref<8x128xi32, #tpu.memory_space<vmem>>, vector<16xi32>,
    tpu.vector_store %arg7[%swap3A_1297, %swap3A_1298], %shift_left3A_1295 {strides = array<i32>} : memref<8x128xi32, #tpu.memory_space<vmem>>, vector<16xi32>,
    %get3A_1300 = arith.constant 7 : i32
    %get3A_1301 = arith.index_cast %get3A_1300 : i32 to index
    %get3A_1302 = arith.constant 96 : index
    %get3A_1303 = tpu.vector_load %arg5[%get3A_1301, %get3A_1302] {strides = array<i32>} : memref<8x128xi32, #tpu.memory_space<vmem>>, vector<16xi32>,
    %shift_right_arithmetic3A_1304 = arith.constant 1 : i32
    %shift_right_arithmetic3A_1305 = vector.broadcast %shift_right_arithmetic3A_1304 : i32 to vector<16xi32>
    %shift_right_arithmetic3A_1306 = arith.shrsi %get3A_1303, %shift_right_arithmetic3A_1305 : vector<16xi32>
    %swap3A_1307 = arith.constant 7 : i32
    %swap3A_1308 = arith.index_cast %swap3A_1307 : i32 to index
    %swap3A_1309 = arith.constant 96 : index
    %swap3A_1310 = tpu.vector_load %arg6[%swap3A_1308, %swap3A_1309] {strides = array<i32>} : memref<8x128xi32, #tpu.memory_space<vmem>>, vector<16xi32>,
    tpu.vector_store %arg6[%swap3A_1308, %swap3A_1309], %shift_right_arithmetic3A_1306 {strides = array<i32>} : memref<8x128xi32, #tpu.memory_space<vmem>>, vector<16xi32>,
    %and3A_1311 = arith.constant 1 : i32
    %and3A_1312 = vector.broadcast %and3A_1311 : i32 to vector<16xi32>
    %and3A_1313 = arith.andi %get3A_1303, %and3A_1312 : vector<16xi32>
    %shift_left3A_1314 = arith.constant 6 : i32
    %shift_left3A_1315 = vector.broadcast %shift_left3A_1314 : i32 to vector<16xi32>
    %shift_left3A_1316 = arith.shli %and3A_1313, %shift_left3A_1315 : vector<16xi32>
    %swap3A_1317 = arith.constant 7 : i32
    %swap3A_1318 = arith.index_cast %swap3A_1317 : i32 to index
    %swap3A_1319 = arith.constant 96 : index
    %swap3A_1320 = tpu.vector_load %arg7[%swap3A_1318, %swap3A_1319] {strides = array<i32>} : memref<8x128xi32, #tpu.memory_space<vmem>>, vector<16xi32>,
    tpu.vector_store %arg7[%swap3A_1318, %swap3A_1319], %shift_left3A_1316 {strides = array<i32>} : memref<8x128xi32, #tpu.memory_space<vmem>>, vector<16xi32>,
    %get3A_1321 = arith.constant 7 : i32
    %get3A_1322 = arith.index_cast %get3A_1321 : i32 to index
    %get3A_1323 = arith.constant 112 : index
    %get3A_1324 = tpu.vector_load %arg5[%get3A_1322, %get3A_1323] {strides = array<i32>} : memref<8x128xi32, #tpu.memory_space<vmem>>, vector<16xi32>,
    %shift_right_arithmetic3A_1325 = arith.constant 1 : i32
    %shift_right_arithmetic3A_1326 = vector.broadcast %shift_right_arithmetic3A_1325 : i32 to vector<16xi32>
    %shift_right_arithmetic3A_1327 = arith.shrsi %get3A_1324, %shift_right_arithmetic3A_1326 : vector<16xi32>
    %swap3A_1328 = arith.constant 7 : i32
    %swap3A_1329 = arith.index_cast %swap3A_1328 : i32 to index
    %swap3A_1330 = arith.constant 112 : index
    %swap3A_1331 = tpu.vector_load %arg6[%swap3A_1329, %swap3A_1330] {strides = array<i32>} : memref<8x128xi32, #tpu.memory_space<vmem>>, vector<16xi32>,
    tpu.vector_store %arg6[%swap3A_1329, %swap3A_1330], %shift_right_arithmetic3A_1327 {strides = array<i32>} : memref<8x128xi32, #tpu.memory_space<vmem>>, vector<16xi32>,
    %and3A_1332 = arith.constant 1 : i32
    %and3A_1333 = vector.broadcast %and3A_1332 : i32 to vector<16xi32>
    %and3A_1334 = arith.andi %get3A_1324, %and3A_1333 : vector<16xi32>
    %shift_left3A_1335 = arith.constant 6 : i32
    %shift_left3A_1336 = vector.broadcast %shift_left3A_1335 : i32 to vector<16xi32>
    %shift_left3A_1337 = arith.shli %and3A_1334, %shift_left3A_1336 : vector<16xi32>
    %swap3A_1338 = arith.constant 7 : i32
    %swap3A_1339 = arith.index_cast %swap3A_1338 : i32 to index
    %swap3A_1340 = arith.constant 112 : index
    %swap3A_1341 = tpu.vector_load %arg7[%swap3A_1339, %swap3A_1340] {strides = array<i32>} : memref<8x128xi32, #tpu.memory_space<vmem>>, vector<16xi32>,
    tpu.vector_store %arg7[%swap3A_1339, %swap3A_1340], %shift_left3A_1337 {strides = array<i32>} : memref<8x128xi32, #tpu.memory_space<vmem>>, vector<16xi32>,
    %dma_start3A = arith.constant 0 : i32
    %dma_start3A_1342 = arith.constant 0 : i32
    %dma_start3A_1343 = tpu.memref_slice %arg6[%dma_start3A, %dma_start3A_1342] : memref<8x128xi32, #tpu.memory_space<vmem>> -> memref<1x128xi32, #tpu.memory_space<vmem>>
    %dma_start3A_1344 = tpu.memref_squeeze %dma_start3A_1343 : memref<1x128xi32, #tpu.memory_space<vmem>> -> memref<128xi32, #tpu.memory_space<vmem>>
    %dma_start3A_1345 = arith.constant 0 : i32
    %dma_start3A_1346 = arith.constant 0 : i32
    %dma_start3A_1347 = tpu.memref_slice %arg2[%dma_start3A_1345, %dma_start3A_1346] : memref<512x128xf32, #tpu.memory_space<hbm>> -> memref<512x128xf32, #tpu.memory_space<hbm>>
    tpu.enqueue_indirect_dma source(%dma_start3A_1347 : memref<512x128xf32, #tpu.memory_space<hbm>>) target(%arg8 : memref<128x128xf32, #tpu.memory_space<vmem>>) offsets(%dma_start3A_1344 : memref<128xi32, #tpu.memory_space<vmem>>) semaphore(%arg12 : memref<!tpu.dma_semaphore, #tpu.memory_space<semaphore_mem>>)
    %dma_start3A_1348 = arith.constant 1 : i32
    %dma_start3A_1349 = arith.constant 0 : i32
    %dma_start3A_1350 = tpu.memref_slice %arg6[%dma_start3A_1348, %dma_start3A_1349] : memref<8x128xi32, #tpu.memory_space<vmem>> -> memref<1x128xi32, #tpu.memory_space<vmem>>
    %dma_start3A_1351 = tpu.memref_squeeze %dma_start3A_1350 : memref<1x128xi32, #tpu.memory_space<vmem>> -> memref<128xi32, #tpu.memory_space<vmem>>
    %dma_start3A_1352 = arith.constant 0 : i32
    %dma_start3A_1353 = arith.constant 0 : i32
    %dma_start3A_1354 = tpu.memref_slice %arg2[%dma_start3A_1352, %dma_start3A_1353] : memref<512x128xf32, #tpu.memory_space<hbm>> -> memref<512x128xf32, #tpu.memory_space<hbm>>
    tpu.enqueue_indirect_dma source(%dma_start3A_1354 : memref<512x128xf32, #tpu.memory_space<hbm>>) target(%arg9 : memref<128x128xf32, #tpu.memory_space<vmem>>) offsets(%dma_start3A_1351 : memref<128xi32, #tpu.memory_space<vmem>>) semaphore(%arg13 : memref<!tpu.dma_semaphore, #tpu.memory_space<semaphore_mem>>)
    %scan3A = arith.constant 0 : i32
    %scan3A_1355 = arith.constant 0 : i32
    %scan3A_1356 = arith.constant 4 : i32
    %scan3A_1357 = arith.addi %scan3A_1355, %scan3A_1356 : i32
    %scan3A_1358 = arith.constant 1 : i32
    scf.for %scan3A_1360 = %scan3A_1355 to %scan3A_1357 step %scan3A_1358  : i32 {
      %mul3A_1361 = arith.constant 2 : i32
      %mul3A_1362 = arith.muli %mul3A_1361, %scan3A_1360 : i32
      %add3A_1363 = arith.constant 0 : i32
      %add3A_1364 = arith.addi %mul3A_1362, %add3A_1363 : i32
      %dma_wait3A = arith.constant 0 : i32
      %dma_wait3A_1365 = tpu.memref_slice %arg6[%add3A_1364, %dma_wait3A] : memref<8x128xi32, #tpu.memory_space<vmem>> -> memref<1x128xi32, #tpu.memory_space<vmem>>
      %dma_wait3A_1366 = tpu.memref_squeeze %dma_wait3A_1365 : memref<1x128xi32, #tpu.memory_space<vmem>> -> memref<128xi32, #tpu.memory_space<vmem>>
      %dma_wait3A_1367 = arith.constant 0 : i32
      %dma_wait3A_1368 = arith.constant 0 : i32
      %dma_wait3A_1369 = tpu.memref_slice %arg2[%dma_wait3A_1367, %dma_wait3A_1368] : memref<512x128xf32, #tpu.memory_space<hbm>> -> memref<512x128xf32, #tpu.memory_space<hbm>>
      tpu.wait_indirect_dma semaphore(%arg12 : memref<!tpu.dma_semaphore, #tpu.memory_space<semaphore_mem>>) src(%dma_wait3A_1369 : memref<512x128xf32, #tpu.memory_space<hbm>>) dst(%arg8 : memref<128x128xf32, #tpu.memory_space<vmem>>)
      %iota3A = tpu.iota {dimensions = array<i32: 0>} : vector<16xi32>
      %add3A_1370 = arith.constant 0 : i32
      %add3A_1371 = vector.broadcast %add3A_1370 : i32 to vector<16xi32>
      %add3A_1372 = arith.addi %iota3A, %add3A_1371 : vector<16xi32>
      %get3A_1373 = arith.index_cast %add3A_1364 : i32 to index
      %get3A_1374 = arith.constant 0 : index
      %get3A_1375 = tpu.vector_load %arg7[%get3A_1373, %get3A_1374] {strides = array<i32>} : memref<8x128xi32, #tpu.memory_space<vmem>>, vector<16xi32>,
      %parallel_loop3A = arith.constant 0 : i32
      %parallel_loop3A_1376 = arith.constant 64 : i32
      %parallel_loop3A_1377 = arith.constant 1 : i32
      scf.for %parallel_loop3A_1555 = %parallel_loop3A to %parallel_loop3A_1376 step %parallel_loop3A_1377  : i32 {
        %parallel_loop3A_1556 = vector.broadcast %parallel_loop3A_1555 : i32 to vector<16xi32>
        %parallel_loop3A_1557 = arith.addi %get3A_1375, %parallel_loop3A_1556 : vector<16xi32>
        %parallel_loop3A_1558 = tpu.vector_load_idx %arg8[%add3A_1372, %parallel_loop3A_1557] : memref<128x128xf32, #tpu.memory_space<vmem>>[vector<16xi32>, vector<16xi32>], vector<16xf32>,
        %parallel_loop3A_1559 = arith.index_cast %parallel_loop3A_1555 : i32 to index
        %parallel_loop3A_1560 = arith.constant 0 : index
        %parallel_loop3A_1561 = tpu.vector_load %arg10[%parallel_loop3A_1559, %parallel_loop3A_1560] {strides = array<i32>} : memref<64x128xf32, #tpu.memory_space<vmem>>, vector<16xf32>,
        tpu.vector_store %arg10[%parallel_loop3A_1559, %parallel_loop3A_1560], %parallel_loop3A_1558 {strides = array<i32>} : memref<64x128xf32, #tpu.memory_space<vmem>>, vector<16xf32>,
      } {sc.loop_unroll_factor = 16 : i64, sc.parallel_access}
      %iota3A_1378 = tpu.iota {dimensions = array<i32: 0>} : vector<16xi32>
      %add3A_1379 = arith.constant 16 : i32
      %add3A_1380 = vector.broadcast %add3A_1379 : i32 to vector<16xi32>
      %add3A_1381 = arith.addi %iota3A_1378, %add3A_1380 : vector<16xi32>
      %get3A_1382 = arith.index_cast %add3A_1364 : i32 to index
      %get3A_1383 = arith.constant 16 : index
      %get3A_1384 = tpu.vector_load %arg7[%get3A_1382, %get3A_1383] {strides = array<i32>} : memref<8x128xi32, #tpu.memory_space<vmem>>, vector<16xi32>,
      %parallel_loop3A_1385 = arith.constant 0 : i32
      %parallel_loop3A_1386 = arith.constant 64 : i32
      %parallel_loop3A_1387 = arith.constant 1 : i32
      scf.for %parallel_loop3A_1555 = %parallel_loop3A_1385 to %parallel_loop3A_1386 step %parallel_loop3A_1387  : i32 {
        %parallel_loop3A_1556 = vector.broadcast %parallel_loop3A_1555 : i32 to vector<16xi32>
        %parallel_loop3A_1557 = arith.addi %get3A_1384, %parallel_loop3A_1556 : vector<16xi32>
        %parallel_loop3A_1558 = tpu.vector_load_idx %arg8[%add3A_1381, %parallel_loop3A_1557] : memref<128x128xf32, #tpu.memory_space<vmem>>[vector<16xi32>, vector<16xi32>], vector<16xf32>,
        %parallel_loop3A_1559 = arith.index_cast %parallel_loop3A_1555 : i32 to index
        %parallel_loop3A_1560 = arith.constant 16 : index
        %parallel_loop3A_1561 = tpu.vector_load %arg10[%parallel_loop3A_1559, %parallel_loop3A_1560] {strides = array<i32>} : memref<64x128xf32, #tpu.memory_space<vmem>>, vector<16xf32>,
        tpu.vector_store %arg10[%parallel_loop3A_1559, %parallel_loop3A_1560], %parallel_loop3A_1558 {strides = array<i32>} : memref<64x128xf32, #tpu.memory_space<vmem>>, vector<16xf32>,
      } {sc.loop_unroll_factor = 16 : i64, sc.parallel_access}
      %iota3A_1388 = tpu.iota {dimensions = array<i32: 0>} : vector<16xi32>
      %add3A_1389 = arith.constant 32 : i32
      %add3A_1390 = vector.broadcast %add3A_1389 : i32 to vector<16xi32>
      %add3A_1391 = arith.addi %iota3A_1388, %add3A_1390 : vector<16xi32>
      %get3A_1392 = arith.index_cast %add3A_1364 : i32 to index
      %get3A_1393 = arith.constant 32 : index
      %get3A_1394 = tpu.vector_load %arg7[%get3A_1392, %get3A_1393] {strides = array<i32>} : memref<8x128xi32, #tpu.memory_space<vmem>>, vector<16xi32>,
      %parallel_loop3A_1395 = arith.constant 0 : i32
      %parallel_loop3A_1396 = arith.constant 64 : i32
      %parallel_loop3A_1397 = arith.constant 1 : i32
      scf.for %parallel_loop3A_1555 = %parallel_loop3A_1395 to %parallel_loop3A_1396 step %parallel_loop3A_1397  : i32 {
        %parallel_loop3A_1556 = vector.broadcast %parallel_loop3A_1555 : i32 to vector<16xi32>
        %parallel_loop3A_1557 = arith.addi %get3A_1394, %parallel_loop3A_1556 : vector<16xi32>
        %parallel_loop3A_1558 = tpu.vector_load_idx %arg8[%add3A_1391, %parallel_loop3A_1557] : memref<128x128xf32, #tpu.memory_space<vmem>>[vector<16xi32>, vector<16xi32>], vector<16xf32>,
        %parallel_loop3A_1559 = arith.index_cast %parallel_loop3A_1555 : i32 to index
        %parallel_loop3A_1560 = arith.constant 32 : index
        %parallel_loop3A_1561 = tpu.vector_load %arg10[%parallel_loop3A_1559, %parallel_loop3A_1560] {strides = array<i32>} : memref<64x128xf32, #tpu.memory_space<vmem>>, vector<16xf32>,
        tpu.vector_store %arg10[%parallel_loop3A_1559, %parallel_loop3A_1560], %parallel_loop3A_1558 {strides = array<i32>} : memref<64x128xf32, #tpu.memory_space<vmem>>, vector<16xf32>,
      } {sc.loop_unroll_factor = 16 : i64, sc.parallel_access}
      %iota3A_1398 = tpu.iota {dimensions = array<i32: 0>} : vector<16xi32>
      %add3A_1399 = arith.constant 48 : i32
      %add3A_1400 = vector.broadcast %add3A_1399 : i32 to vector<16xi32>
      %add3A_1401 = arith.addi %iota3A_1398, %add3A_1400 : vector<16xi32>
      %get3A_1402 = arith.index_cast %add3A_1364 : i32 to index
      %get3A_1403 = arith.constant 48 : index
      %get3A_1404 = tpu.vector_load %arg7[%get3A_1402, %get3A_1403] {strides = array<i32>} : memref<8x128xi32, #tpu.memory_space<vmem>>, vector<16xi32>,
      %parallel_loop3A_1405 = arith.constant 0 : i32
      %parallel_loop3A_1406 = arith.constant 64 : i32
      %parallel_loop3A_1407 = arith.constant 1 : i32
      scf.for %parallel_loop3A_1555 = %parallel_loop3A_1405 to %parallel_loop3A_1406 step %parallel_loop3A_1407  : i32 {
        %parallel_loop3A_1556 = vector.broadcast %parallel_loop3A_1555 : i32 to vector<16xi32>
        %parallel_loop3A_1557 = arith.addi %get3A_1404, %parallel_loop3A_1556 : vector<16xi32>
        %parallel_loop3A_1558 = tpu.vector_load_idx %arg8[%add3A_1401, %parallel_loop3A_1557] : memref<128x128xf32, #tpu.memory_space<vmem>>[vector<16xi32>, vector<16xi32>], vector<16xf32>,
        %parallel_loop3A_1559 = arith.index_cast %parallel_loop3A_1555 : i32 to index
        %parallel_loop3A_1560 = arith.constant 48 : index
        %parallel_loop3A_1561 = tpu.vector_load %arg10[%parallel_loop3A_1559, %parallel_loop3A_1560] {strides = array<i32>} : memref<64x128xf32, #tpu.memory_space<vmem>>, vector<16xf32>,
        tpu.vector_store %arg10[%parallel_loop3A_1559, %parallel_loop3A_1560], %parallel_loop3A_1558 {strides = array<i32>} : memref<64x128xf32, #tpu.memory_space<vmem>>, vector<16xf32>,
      } {sc.loop_unroll_factor = 16 : i64, sc.parallel_access}
      %iota3A_1408 = tpu.iota {dimensions = array<i32: 0>} : vector<16xi32>
      %add3A_1409 = arith.constant 64 : i32
      %add3A_1410 = vector.broadcast %add3A_1409 : i32 to vector<16xi32>
      %add3A_1411 = arith.addi %iota3A_1408, %add3A_1410 : vector<16xi32>
      %get3A_1412 = arith.index_cast %add3A_1364 : i32 to index
      %get3A_1413 = arith.constant 64 : index
      %get3A_1414 = tpu.vector_load %arg7[%get3A_1412, %get3A_1413] {strides = array<i32>} : memref<8x128xi32, #tpu.memory_space<vmem>>, vector<16xi32>,
      %parallel_loop3A_1415 = arith.constant 0 : i32
      %parallel_loop3A_1416 = arith.constant 64 : i32
      %parallel_loop3A_1417 = arith.constant 1 : i32
      scf.for %parallel_loop3A_1555 = %parallel_loop3A_1415 to %parallel_loop3A_1416 step %parallel_loop3A_1417  : i32 {
        %parallel_loop3A_1556 = vector.broadcast %parallel_loop3A_1555 : i32 to vector<16xi32>
        %parallel_loop3A_1557 = arith.addi %get3A_1414, %parallel_loop3A_1556 : vector<16xi32>
        %parallel_loop3A_1558 = tpu.vector_load_idx %arg8[%add3A_1411, %parallel_loop3A_1557] : memref<128x128xf32, #tpu.memory_space<vmem>>[vector<16xi32>, vector<16xi32>], vector<16xf32>,
        %parallel_loop3A_1559 = arith.index_cast %parallel_loop3A_1555 : i32 to index
        %parallel_loop3A_1560 = arith.constant 64 : index
        %parallel_loop3A_1561 = tpu.vector_load %arg10[%parallel_loop3A_1559, %parallel_loop3A_1560] {strides = array<i32>} : memref<64x128xf32, #tpu.memory_space<vmem>>, vector<16xf32>,
        tpu.vector_store %arg10[%parallel_loop3A_1559, %parallel_loop3A_1560], %parallel_loop3A_1558 {strides = array<i32>} : memref<64x128xf32, #tpu.memory_space<vmem>>, vector<16xf32>,
      } {sc.loop_unroll_factor = 16 : i64, sc.parallel_access}
      %iota3A_1418 = tpu.iota {dimensions = array<i32: 0>} : vector<16xi32>
      %add3A_1419 = arith.constant 80 : i32
      %add3A_1420 = vector.broadcast %add3A_1419 : i32 to vector<16xi32>
      %add3A_1421 = arith.addi %iota3A_1418, %add3A_1420 : vector<16xi32>
      %get3A_1422 = arith.index_cast %add3A_1364 : i32 to index
      %get3A_1423 = arith.constant 80 : index
      %get3A_1424 = tpu.vector_load %arg7[%get3A_1422, %get3A_1423] {strides = array<i32>} : memref<8x128xi32, #tpu.memory_space<vmem>>, vector<16xi32>,
      %parallel_loop3A_1425 = arith.constant 0 : i32
      %parallel_loop3A_1426 = arith.constant 64 : i32
      %parallel_loop3A_1427 = arith.constant 1 : i32
      scf.for %parallel_loop3A_1555 = %parallel_loop3A_1425 to %parallel_loop3A_1426 step %parallel_loop3A_1427  : i32 {
        %parallel_loop3A_1556 = vector.broadcast %parallel_loop3A_1555 : i32 to vector<16xi32>
        %parallel_loop3A_1557 = arith.addi %get3A_1424, %parallel_loop3A_1556 : vector<16xi32>
        %parallel_loop3A_1558 = tpu.vector_load_idx %arg8[%add3A_1421, %parallel_loop3A_1557] : memref<128x128xf32, #tpu.memory_space<vmem>>[vector<16xi32>, vector<16xi32>], vector<16xf32>,
        %parallel_loop3A_1559 = arith.index_cast %parallel_loop3A_1555 : i32 to index
        %parallel_loop3A_1560 = arith.constant 80 : index
        %parallel_loop3A_1561 = tpu.vector_load %arg10[%parallel_loop3A_1559, %parallel_loop3A_1560] {strides = array<i32>} : memref<64x128xf32, #tpu.memory_space<vmem>>, vector<16xf32>,
        tpu.vector_store %arg10[%parallel_loop3A_1559, %parallel_loop3A_1560], %parallel_loop3A_1558 {strides = array<i32>} : memref<64x128xf32, #tpu.memory_space<vmem>>, vector<16xf32>,
      } {sc.loop_unroll_factor = 16 : i64, sc.parallel_access}
      %iota3A_1428 = tpu.iota {dimensions = array<i32: 0>} : vector<16xi32>
      %add3A_1429 = arith.constant 96 : i32
      %add3A_1430 = vector.broadcast %add3A_1429 : i32 to vector<16xi32>
      %add3A_1431 = arith.addi %iota3A_1428, %add3A_1430 : vector<16xi32>
      %get3A_1432 = arith.index_cast %add3A_1364 : i32 to index
      %get3A_1433 = arith.constant 96 : index
      %get3A_1434 = tpu.vector_load %arg7[%get3A_1432, %get3A_1433] {strides = array<i32>} : memref<8x128xi32, #tpu.memory_space<vmem>>, vector<16xi32>,
      %parallel_loop3A_1435 = arith.constant 0 : i32
      %parallel_loop3A_1436 = arith.constant 64 : i32
      %parallel_loop3A_1437 = arith.constant 1 : i32
      scf.for %parallel_loop3A_1555 = %parallel_loop3A_1435 to %parallel_loop3A_1436 step %parallel_loop3A_1437  : i32 {
        %parallel_loop3A_1556 = vector.broadcast %parallel_loop3A_1555 : i32 to vector<16xi32>
        %parallel_loop3A_1557 = arith.addi %get3A_1434, %parallel_loop3A_1556 : vector<16xi32>
        %parallel_loop3A_1558 = tpu.vector_load_idx %arg8[%add3A_1431, %parallel_loop3A_1557] : memref<128x128xf32, #tpu.memory_space<vmem>>[vector<16xi32>, vector<16xi32>], vector<16xf32>,
        %parallel_loop3A_1559 = arith.index_cast %parallel_loop3A_1555 : i32 to index
        %parallel_loop3A_1560 = arith.constant 96 : index
        %parallel_loop3A_1561 = tpu.vector_load %arg10[%parallel_loop3A_1559, %parallel_loop3A_1560] {strides = array<i32>} : memref<64x128xf32, #tpu.memory_space<vmem>>, vector<16xf32>,
        tpu.vector_store %arg10[%parallel_loop3A_1559, %parallel_loop3A_1560], %parallel_loop3A_1558 {strides = array<i32>} : memref<64x128xf32, #tpu.memory_space<vmem>>, vector<16xf32>,
      } {sc.loop_unroll_factor = 16 : i64, sc.parallel_access}
      %iota3A_1438 = tpu.iota {dimensions = array<i32: 0>} : vector<16xi32>
      %add3A_1439 = arith.constant 112 : i32
      %add3A_1440 = vector.broadcast %add3A_1439 : i32 to vector<16xi32>
      %add3A_1441 = arith.addi %iota3A_1438, %add3A_1440 : vector<16xi32>
      %get3A_1442 = arith.index_cast %add3A_1364 : i32 to index
      %get3A_1443 = arith.constant 112 : index
      %get3A_1444 = tpu.vector_load %arg7[%get3A_1442, %get3A_1443] {strides = array<i32>} : memref<8x128xi32, #tpu.memory_space<vmem>>, vector<16xi32>,
      %parallel_loop3A_1445 = arith.constant 0 : i32
      %parallel_loop3A_1446 = arith.constant 64 : i32
      %parallel_loop3A_1447 = arith.constant 1 : i32
      scf.for %parallel_loop3A_1555 = %parallel_loop3A_1445 to %parallel_loop3A_1446 step %parallel_loop3A_1447  : i32 {
        %parallel_loop3A_1556 = vector.broadcast %parallel_loop3A_1555 : i32 to vector<16xi32>
        %parallel_loop3A_1557 = arith.addi %get3A_1444, %parallel_loop3A_1556 : vector<16xi32>
        %parallel_loop3A_1558 = tpu.vector_load_idx %arg8[%add3A_1441, %parallel_loop3A_1557] : memref<128x128xf32, #tpu.memory_space<vmem>>[vector<16xi32>, vector<16xi32>], vector<16xf32>,
        %parallel_loop3A_1559 = arith.index_cast %parallel_loop3A_1555 : i32 to index
        %parallel_loop3A_1560 = arith.constant 112 : index
        %parallel_loop3A_1561 = tpu.vector_load %arg10[%parallel_loop3A_1559, %parallel_loop3A_1560] {strides = array<i32>} : memref<64x128xf32, #tpu.memory_space<vmem>>, vector<16xf32>,
        tpu.vector_store %arg10[%parallel_loop3A_1559, %parallel_loop3A_1560], %parallel_loop3A_1558 {strides = array<i32>} : memref<64x128xf32, #tpu.memory_space<vmem>>, vector<16xf32>,
      } {sc.loop_unroll_factor = 16 : i64, sc.parallel_access}
      %mul3A_1448 = arith.constant 128 : i32
      %mul3A_1449 = arith.muli %add3A_1364, %mul3A_1448 : i32
      %add3A_1450 = arith.addi %mul3A_2, %mul3A_1449 : i32
      "tpu.region"() ({
        %run_scoped3A = tpu.sem_alloc : memref<!tpu.dma_semaphore, #tpu.memory_space<semaphore_mem>>
        %dma_start3A_1555 = arith.constant 0 : i32
        %dma_start3A_1556 = tpu.memref_slice %arg4[%dma_start3A_1555, %add3A_1450] : memref<64x32768xf32, #tpu.memory_space<hbm>> -> memref<64x128xf32, #tpu.memory_space<hbm>>
        %dma_start3A_1557 = arith.constant 0 : i32
        %dma_start3A_1558 = tpu.memref_slice %arg4[%dma_start3A_1557, %add3A_1450] : memref<64x32768xf32, #tpu.memory_space<hbm>> -> memref<64x128xf32, #tpu.memory_space<hbm>>
        tpu.enqueue_dma source(%arg10 : memref<64x128xf32, #tpu.memory_space<vmem>>) target(%dma_start3A_1558 : memref<64x128xf32, #tpu.memory_space<hbm>>) target_semaphore(%run_scoped3A : memref<!tpu.dma_semaphore, #tpu.memory_space<semaphore_mem>>)
        %dma_wait3A_1559 = arith.constant 0 : i32
        %dma_wait3A_1560 = tpu.memref_slice %arg4[%dma_wait3A_1559, %add3A_1450] : memref<64x32768xf32, #tpu.memory_space<hbm>> -> memref<64x128xf32, #tpu.memory_space<hbm>>
        %dma_wait3A_1561 = arith.constant 0 : i32
        %dma_wait3A_1562 = tpu.memref_slice %arg4[%dma_wait3A_1561, %add3A_1450] : memref<64x32768xf32, #tpu.memory_space<hbm>> -> memref<64x128xf32, #tpu.memory_space<hbm>>
        tpu.wait_dma2 semaphore(%run_scoped3A : memref<!tpu.dma_semaphore, #tpu.memory_space<semaphore_mem>>) src(%arg10 : memref<64x128xf32, #tpu.memory_space<vmem>>) dst(%dma_wait3A_1562 : memref<64x128xf32, #tpu.memory_space<hbm>>)
        tpu.yield
      }) : () -> ()
      %add3A_1451 = arith.constant 2 : i32
      %add3A_1452 = arith.addi %add3A_1364, %add3A_1451 : i32
      %lt3A = arith.constant 8 : i32
      %lt3A_1453 = arith.cmpi slt, %add3A_1452, %lt3A : i32
      %convert_element_type3A = arith.extui %lt3A_1453 : i1 to i32
      %cond3A = arith.constant 0 : i32
      %cond3A_1454 = arith.cmpi ne, %convert_element_type3A, %cond3A : i32
      scf.if %cond3A_1454 {
        %dma_start3A_1555 = arith.constant 0 : i32
        %dma_start3A_1556 = tpu.memref_slice %arg6[%add3A_1452, %dma_start3A_1555] : memref<8x128xi32, #tpu.memory_space<vmem>> -> memref<1x128xi32, #tpu.memory_space<vmem>>
        %dma_start3A_1557 = tpu.memref_squeeze %dma_start3A_1556 : memref<1x128xi32, #tpu.memory_space<vmem>> -> memref<128xi32, #tpu.memory_space<vmem>>
        %dma_start3A_1558 = arith.constant 0 : i32
        %dma_start3A_1559 = arith.constant 0 : i32
        %dma_start3A_1560 = tpu.memref_slice %arg2[%dma_start3A_1558, %dma_start3A_1559] : memref<512x128xf32, #tpu.memory_space<hbm>> -> memref<512x128xf32, #tpu.memory_space<hbm>>
        tpu.enqueue_indirect_dma source(%dma_start3A_1560 : memref<512x128xf32, #tpu.memory_space<hbm>>) target(%arg8 : memref<128x128xf32, #tpu.memory_space<vmem>>) offsets(%dma_start3A_1557 : memref<128xi32, #tpu.memory_space<vmem>>) semaphore(%arg12 : memref<!tpu.dma_semaphore, #tpu.memory_space<semaphore_mem>>)
      } else {
      }
      %mul3A_1455 = arith.constant 2 : i32
      %mul3A_1456 = arith.muli %mul3A_1455, %scan3A_1360 : i32
      %add3A_1457 = arith.constant 1 : i32
      %add3A_1458 = arith.addi %mul3A_1456, %add3A_1457 : i32
      %dma_wait3A_1459 = arith.constant 0 : i32
      %dma_wait3A_1460 = tpu.memref_slice %arg6[%add3A_1458, %dma_wait3A_1459] : memref<8x128xi32, #tpu.memory_space<vmem>> -> memref<1x128xi32, #tpu.memory_space<vmem>>
      %dma_wait3A_1461 = tpu.memref_squeeze %dma_wait3A_1460 : memref<1x128xi32, #tpu.memory_space<vmem>> -> memref<128xi32, #tpu.memory_space<vmem>>
      %dma_wait3A_1462 = arith.constant 0 : i32
      %dma_wait3A_1463 = arith.constant 0 : i32
      %dma_wait3A_1464 = tpu.memref_slice %arg2[%dma_wait3A_1462, %dma_wait3A_1463] : memref<512x128xf32, #tpu.memory_space<hbm>> -> memref<512x128xf32, #tpu.memory_space<hbm>>
      tpu.wait_indirect_dma semaphore(%arg13 : memref<!tpu.dma_semaphore, #tpu.memory_space<semaphore_mem>>) src(%dma_wait3A_1464 : memref<512x128xf32, #tpu.memory_space<hbm>>) dst(%arg9 : memref<128x128xf32, #tpu.memory_space<vmem>>)
      %iota3A_1465 = tpu.iota {dimensions = array<i32: 0>} : vector<16xi32>
      %add3A_1466 = arith.constant 0 : i32
      %add3A_1467 = vector.broadcast %add3A_1466 : i32 to vector<16xi32>
      %add3A_1468 = arith.addi %iota3A_1465, %add3A_1467 : vector<16xi32>
      %get3A_1469 = arith.index_cast %add3A_1458 : i32 to index
      %get3A_1470 = arith.constant 0 : index
      %get3A_1471 = tpu.vector_load %arg7[%get3A_1469, %get3A_1470] {strides = array<i32>} : memref<8x128xi32, #tpu.memory_space<vmem>>, vector<16xi32>,
      %parallel_loop3A_1472 = arith.constant 0 : i32
      %parallel_loop3A_1473 = arith.constant 64 : i32
      %parallel_loop3A_1474 = arith.constant 1 : i32
      scf.for %parallel_loop3A_1555 = %parallel_loop3A_1472 to %parallel_loop3A_1473 step %parallel_loop3A_1474  : i32 {
        %parallel_loop3A_1556 = vector.broadcast %parallel_loop3A_1555 : i32 to vector<16xi32>
        %parallel_loop3A_1557 = arith.addi %get3A_1471, %parallel_loop3A_1556 : vector<16xi32>
        %parallel_loop3A_1558 = tpu.vector_load_idx %arg9[%add3A_1468, %parallel_loop3A_1557] : memref<128x128xf32, #tpu.memory_space<vmem>>[vector<16xi32>, vector<16xi32>], vector<16xf32>,
        %parallel_loop3A_1559 = arith.index_cast %parallel_loop3A_1555 : i32 to index
        %parallel_loop3A_1560 = arith.constant 0 : index
        %parallel_loop3A_1561 = tpu.vector_load %arg11[%parallel_loop3A_1559, %parallel_loop3A_1560] {strides = array<i32>} : memref<64x128xf32, #tpu.memory_space<vmem>>, vector<16xf32>,
        tpu.vector_store %arg11[%parallel_loop3A_1559, %parallel_loop3A_1560], %parallel_loop3A_1558 {strides = array<i32>} : memref<64x128xf32, #tpu.memory_space<vmem>>, vector<16xf32>,
      } {sc.loop_unroll_factor = 16 : i64, sc.parallel_access}
      %iota3A_1475 = tpu.iota {dimensions = array<i32: 0>} : vector<16xi32>
      %add3A_1476 = arith.constant 16 : i32
      %add3A_1477 = vector.broadcast %add3A_1476 : i32 to vector<16xi32>
      %add3A_1478 = arith.addi %iota3A_1475, %add3A_1477 : vector<16xi32>
      %get3A_1479 = arith.index_cast %add3A_1458 : i32 to index
      %get3A_1480 = arith.constant 16 : index
      %get3A_1481 = tpu.vector_load %arg7[%get3A_1479, %get3A_1480] {strides = array<i32>} : memref<8x128xi32, #tpu.memory_space<vmem>>, vector<16xi32>,
      %parallel_loop3A_1482 = arith.constant 0 : i32
      %parallel_loop3A_1483 = arith.constant 64 : i32
      %parallel_loop3A_1484 = arith.constant 1 : i32
      scf.for %parallel_loop3A_1555 = %parallel_loop3A_1482 to %parallel_loop3A_1483 step %parallel_loop3A_1484  : i32 {
        %parallel_loop3A_1556 = vector.broadcast %parallel_loop3A_1555 : i32 to vector<16xi32>
        %parallel_loop3A_1557 = arith.addi %get3A_1481, %parallel_loop3A_1556 : vector<16xi32>
        %parallel_loop3A_1558 = tpu.vector_load_idx %arg9[%add3A_1478, %parallel_loop3A_1557] : memref<128x128xf32, #tpu.memory_space<vmem>>[vector<16xi32>, vector<16xi32>], vector<16xf32>,
        %parallel_loop3A_1559 = arith.index_cast %parallel_loop3A_1555 : i32 to index
        %parallel_loop3A_1560 = arith.constant 16 : index
        %parallel_loop3A_1561 = tpu.vector_load %arg11[%parallel_loop3A_1559, %parallel_loop3A_1560] {strides = array<i32>} : memref<64x128xf32, #tpu.memory_space<vmem>>, vector<16xf32>,
        tpu.vector_store %arg11[%parallel_loop3A_1559, %parallel_loop3A_1560], %parallel_loop3A_1558 {strides = array<i32>} : memref<64x128xf32, #tpu.memory_space<vmem>>, vector<16xf32>,
      } {sc.loop_unroll_factor = 16 : i64, sc.parallel_access}
      %iota3A_1485 = tpu.iota {dimensions = array<i32: 0>} : vector<16xi32>
      %add3A_1486 = arith.constant 32 : i32
      %add3A_1487 = vector.broadcast %add3A_1486 : i32 to vector<16xi32>
      %add3A_1488 = arith.addi %iota3A_1485, %add3A_1487 : vector<16xi32>
      %get3A_1489 = arith.index_cast %add3A_1458 : i32 to index
      %get3A_1490 = arith.constant 32 : index
      %get3A_1491 = tpu.vector_load %arg7[%get3A_1489, %get3A_1490] {strides = array<i32>} : memref<8x128xi32, #tpu.memory_space<vmem>>, vector<16xi32>,
      %parallel_loop3A_1492 = arith.constant 0 : i32
      %parallel_loop3A_1493 = arith.constant 64 : i32
      %parallel_loop3A_1494 = arith.constant 1 : i32
      scf.for %parallel_loop3A_1555 = %parallel_loop3A_1492 to %parallel_loop3A_1493 step %parallel_loop3A_1494  : i32 {
        %parallel_loop3A_1556 = vector.broadcast %parallel_loop3A_1555 : i32 to vector<16xi32>
        %parallel_loop3A_1557 = arith.addi %get3A_1491, %parallel_loop3A_1556 : vector<16xi32>
        %parallel_loop3A_1558 = tpu.vector_load_idx %arg9[%add3A_1488, %parallel_loop3A_1557] : memref<128x128xf32, #tpu.memory_space<vmem>>[vector<16xi32>, vector<16xi32>], vector<16xf32>,
        %parallel_loop3A_1559 = arith.index_cast %parallel_loop3A_1555 : i32 to index
        %parallel_loop3A_1560 = arith.constant 32 : index
        %parallel_loop3A_1561 = tpu.vector_load %arg11[%parallel_loop3A_1559, %parallel_loop3A_1560] {strides = array<i32>} : memref<64x128xf32, #tpu.memory_space<vmem>>, vector<16xf32>,
        tpu.vector_store %arg11[%parallel_loop3A_1559, %parallel_loop3A_1560], %parallel_loop3A_1558 {strides = array<i32>} : memref<64x128xf32, #tpu.memory_space<vmem>>, vector<16xf32>,
      } {sc.loop_unroll_factor = 16 : i64, sc.parallel_access}
      %iota3A_1495 = tpu.iota {dimensions = array<i32: 0>} : vector<16xi32>
      %add3A_1496 = arith.constant 48 : i32
      %add3A_1497 = vector.broadcast %add3A_1496 : i32 to vector<16xi32>
      %add3A_1498 = arith.addi %iota3A_1495, %add3A_1497 : vector<16xi32>
      %get3A_1499 = arith.index_cast %add3A_1458 : i32 to index
      %get3A_1500 = arith.constant 48 : index
      %get3A_1501 = tpu.vector_load %arg7[%get3A_1499, %get3A_1500] {strides = array<i32>} : memref<8x128xi32, #tpu.memory_space<vmem>>, vector<16xi32>,
      %parallel_loop3A_1502 = arith.constant 0 : i32
      %parallel_loop3A_1503 = arith.constant 64 : i32
      %parallel_loop3A_1504 = arith.constant 1 : i32
      scf.for %parallel_loop3A_1555 = %parallel_loop3A_1502 to %parallel_loop3A_1503 step %parallel_loop3A_1504  : i32 {
        %parallel_loop3A_1556 = vector.broadcast %parallel_loop3A_1555 : i32 to vector<16xi32>
        %parallel_loop3A_1557 = arith.addi %get3A_1501, %parallel_loop3A_1556 : vector<16xi32>
        %parallel_loop3A_1558 = tpu.vector_load_idx %arg9[%add3A_1498, %parallel_loop3A_1557] : memref<128x128xf32, #tpu.memory_space<vmem>>[vector<16xi32>, vector<16xi32>], vector<16xf32>,
        %parallel_loop3A_1559 = arith.index_cast %parallel_loop3A_1555 : i32 to index
        %parallel_loop3A_1560 = arith.constant 48 : index
        %parallel_loop3A_1561 = tpu.vector_load %arg11[%parallel_loop3A_1559, %parallel_loop3A_1560] {strides = array<i32>} : memref<64x128xf32, #tpu.memory_space<vmem>>, vector<16xf32>,
        tpu.vector_store %arg11[%parallel_loop3A_1559, %parallel_loop3A_1560], %parallel_loop3A_1558 {strides = array<i32>} : memref<64x128xf32, #tpu.memory_space<vmem>>, vector<16xf32>,
      } {sc.loop_unroll_factor = 16 : i64, sc.parallel_access}
      %iota3A_1505 = tpu.iota {dimensions = array<i32: 0>} : vector<16xi32>
      %add3A_1506 = arith.constant 64 : i32
      %add3A_1507 = vector.broadcast %add3A_1506 : i32 to vector<16xi32>
      %add3A_1508 = arith.addi %iota3A_1505, %add3A_1507 : vector<16xi32>
      %get3A_1509 = arith.index_cast %add3A_1458 : i32 to index
      %get3A_1510 = arith.constant 64 : index
      %get3A_1511 = tpu.vector_load %arg7[%get3A_1509, %get3A_1510] {strides = array<i32>} : memref<8x128xi32, #tpu.memory_space<vmem>>, vector<16xi32>,
      %parallel_loop3A_1512 = arith.constant 0 : i32
      %parallel_loop3A_1513 = arith.constant 64 : i32
      %parallel_loop3A_1514 = arith.constant 1 : i32
      scf.for %parallel_loop3A_1555 = %parallel_loop3A_1512 to %parallel_loop3A_1513 step %parallel_loop3A_1514  : i32 {
        %parallel_loop3A_1556 = vector.broadcast %parallel_loop3A_1555 : i32 to vector<16xi32>
        %parallel_loop3A_1557 = arith.addi %get3A_1511, %parallel_loop3A_1556 : vector<16xi32>
        %parallel_loop3A_1558 = tpu.vector_load_idx %arg9[%add3A_1508, %parallel_loop3A_1557] : memref<128x128xf32, #tpu.memory_space<vmem>>[vector<16xi32>, vector<16xi32>], vector<16xf32>,
        %parallel_loop3A_1559 = arith.index_cast %parallel_loop3A_1555 : i32 to index
        %parallel_loop3A_1560 = arith.constant 64 : index
        %parallel_loop3A_1561 = tpu.vector_load %arg11[%parallel_loop3A_1559, %parallel_loop3A_1560] {strides = array<i32>} : memref<64x128xf32, #tpu.memory_space<vmem>>, vector<16xf32>,
        tpu.vector_store %arg11[%parallel_loop3A_1559, %parallel_loop3A_1560], %parallel_loop3A_1558 {strides = array<i32>} : memref<64x128xf32, #tpu.memory_space<vmem>>, vector<16xf32>,
      } {sc.loop_unroll_factor = 16 : i64, sc.parallel_access}
      %iota3A_1515 = tpu.iota {dimensions = array<i32: 0>} : vector<16xi32>
      %add3A_1516 = arith.constant 80 : i32
      %add3A_1517 = vector.broadcast %add3A_1516 : i32 to vector<16xi32>
      %add3A_1518 = arith.addi %iota3A_1515, %add3A_1517 : vector<16xi32>
      %get3A_1519 = arith.index_cast %add3A_1458 : i32 to index
      %get3A_1520 = arith.constant 80 : index
      %get3A_1521 = tpu.vector_load %arg7[%get3A_1519, %get3A_1520] {strides = array<i32>} : memref<8x128xi32, #tpu.memory_space<vmem>>, vector<16xi32>,
      %parallel_loop3A_1522 = arith.constant 0 : i32
      %parallel_loop3A_1523 = arith.constant 64 : i32
      %parallel_loop3A_1524 = arith.constant 1 : i32
      scf.for %parallel_loop3A_1555 = %parallel_loop3A_1522 to %parallel_loop3A_1523 step %parallel_loop3A_1524  : i32 {
        %parallel_loop3A_1556 = vector.broadcast %parallel_loop3A_1555 : i32 to vector<16xi32>
        %parallel_loop3A_1557 = arith.addi %get3A_1521, %parallel_loop3A_1556 : vector<16xi32>
        %parallel_loop3A_1558 = tpu.vector_load_idx %arg9[%add3A_1518, %parallel_loop3A_1557] : memref<128x128xf32, #tpu.memory_space<vmem>>[vector<16xi32>, vector<16xi32>], vector<16xf32>,
        %parallel_loop3A_1559 = arith.index_cast %parallel_loop3A_1555 : i32 to index
        %parallel_loop3A_1560 = arith.constant 80 : index
        %parallel_loop3A_1561 = tpu.vector_load %arg11[%parallel_loop3A_1559, %parallel_loop3A_1560] {strides = array<i32>} : memref<64x128xf32, #tpu.memory_space<vmem>>, vector<16xf32>,
        tpu.vector_store %arg11[%parallel_loop3A_1559, %parallel_loop3A_1560], %parallel_loop3A_1558 {strides = array<i32>} : memref<64x128xf32, #tpu.memory_space<vmem>>, vector<16xf32>,
      } {sc.loop_unroll_factor = 16 : i64, sc.parallel_access}
      %iota3A_1525 = tpu.iota {dimensions = array<i32: 0>} : vector<16xi32>
      %add3A_1526 = arith.constant 96 : i32
      %add3A_1527 = vector.broadcast %add3A_1526 : i32 to vector<16xi32>
      %add3A_1528 = arith.addi %iota3A_1525, %add3A_1527 : vector<16xi32>
      %get3A_1529 = arith.index_cast %add3A_1458 : i32 to index
      %get3A_1530 = arith.constant 96 : index
      %get3A_1531 = tpu.vector_load %arg7[%get3A_1529, %get3A_1530] {strides = array<i32>} : memref<8x128xi32, #tpu.memory_space<vmem>>, vector<16xi32>,
      %parallel_loop3A_1532 = arith.constant 0 : i32
      %parallel_loop3A_1533 = arith.constant 64 : i32
      %parallel_loop3A_1534 = arith.constant 1 : i32
      scf.for %parallel_loop3A_1555 = %parallel_loop3A_1532 to %parallel_loop3A_1533 step %parallel_loop3A_1534  : i32 {
        %parallel_loop3A_1556 = vector.broadcast %parallel_loop3A_1555 : i32 to vector<16xi32>
        %parallel_loop3A_1557 = arith.addi %get3A_1531, %parallel_loop3A_1556 : vector<16xi32>
        %parallel_loop3A_1558 = tpu.vector_load_idx %arg9[%add3A_1528, %parallel_loop3A_1557] : memref<128x128xf32, #tpu.memory_space<vmem>>[vector<16xi32>, vector<16xi32>], vector<16xf32>,
        %parallel_loop3A_1559 = arith.index_cast %parallel_loop3A_1555 : i32 to index
        %parallel_loop3A_1560 = arith.constant 96 : index
        %parallel_loop3A_1561 = tpu.vector_load %arg11[%parallel_loop3A_1559, %parallel_loop3A_1560] {strides = array<i32>} : memref<64x128xf32, #tpu.memory_space<vmem>>, vector<16xf32>,
        tpu.vector_store %arg11[%parallel_loop3A_1559, %parallel_loop3A_1560], %parallel_loop3A_1558 {strides = array<i32>} : memref<64x128xf32, #tpu.memory_space<vmem>>, vector<16xf32>,
      } {sc.loop_unroll_factor = 16 : i64, sc.parallel_access}
      %iota3A_1535 = tpu.iota {dimensions = array<i32: 0>} : vector<16xi32>
      %add3A_1536 = arith.constant 112 : i32
      %add3A_1537 = vector.broadcast %add3A_1536 : i32 to vector<16xi32>
      %add3A_1538 = arith.addi %iota3A_1535, %add3A_1537 : vector<16xi32>
      %get3A_1539 = arith.index_cast %add3A_1458 : i32 to index
      %get3A_1540 = arith.constant 112 : index
      %get3A_1541 = tpu.vector_load %arg7[%get3A_1539, %get3A_1540] {strides = array<i32>} : memref<8x128xi32, #tpu.memory_space<vmem>>, vector<16xi32>,
      %parallel_loop3A_1542 = arith.constant 0 : i32
      %parallel_loop3A_1543 = arith.constant 64 : i32
      %parallel_loop3A_1544 = arith.constant 1 : i32
      scf.for %parallel_loop3A_1555 = %parallel_loop3A_1542 to %parallel_loop3A_1543 step %parallel_loop3A_1544  : i32 {
        %parallel_loop3A_1556 = vector.broadcast %parallel_loop3A_1555 : i32 to vector<16xi32>
        %parallel_loop3A_1557 = arith.addi %get3A_1541, %parallel_loop3A_1556 : vector<16xi32>
        %parallel_loop3A_1558 = tpu.vector_load_idx %arg9[%add3A_1538, %parallel_loop3A_1557] : memref<128x128xf32, #tpu.memory_space<vmem>>[vector<16xi32>, vector<16xi32>], vector<16xf32>,
        %parallel_loop3A_1559 = arith.index_cast %parallel_loop3A_1555 : i32 to index
        %parallel_loop3A_1560 = arith.constant 112 : index
        %parallel_loop3A_1561 = tpu.vector_load %arg11[%parallel_loop3A_1559, %parallel_loop3A_1560] {strides = array<i32>} : memref<64x128xf32, #tpu.memory_space<vmem>>, vector<16xf32>,
        tpu.vector_store %arg11[%parallel_loop3A_1559, %parallel_loop3A_1560], %parallel_loop3A_1558 {strides = array<i32>} : memref<64x128xf32, #tpu.memory_space<vmem>>, vector<16xf32>,
      } {sc.loop_unroll_factor = 16 : i64, sc.parallel_access}
      %mul3A_1545 = arith.constant 128 : i32
      %mul3A_1546 = arith.muli %add3A_1458, %mul3A_1545 : i32
      %add3A_1547 = arith.addi %mul3A_2, %mul3A_1546 : i32
      "tpu.region"() ({
        %run_scoped3A = tpu.sem_alloc : memref<!tpu.dma_semaphore, #tpu.memory_space<semaphore_mem>>
        %dma_start3A_1555 = arith.constant 0 : i32
        %dma_start3A_1556 = tpu.memref_slice %arg4[%dma_start3A_1555, %add3A_1547] : memref<64x32768xf32, #tpu.memory_space<hbm>> -> memref<64x128xf32, #tpu.memory_space<hbm>>
        %dma_start3A_1557 = arith.constant 0 : i32
        %dma_start3A_1558 = tpu.memref_slice %arg4[%dma_start3A_1557, %add3A_1547] : memref<64x32768xf32, #tpu.memory_space<hbm>> -> memref<64x128xf32, #tpu.memory_space<hbm>>
        tpu.enqueue_dma source(%arg11 : memref<64x128xf32, #tpu.memory_space<vmem>>) target(%dma_start3A_1558 : memref<64x128xf32, #tpu.memory_space<hbm>>) target_semaphore(%run_scoped3A : memref<!tpu.dma_semaphore, #tpu.memory_space<semaphore_mem>>)
        %dma_wait3A_1559 = arith.constant 0 : i32
        %dma_wait3A_1560 = tpu.memref_slice %arg4[%dma_wait3A_1559, %add3A_1547] : memref<64x32768xf32, #tpu.memory_space<hbm>> -> memref<64x128xf32, #tpu.memory_space<hbm>>
        %dma_wait3A_1561 = arith.constant 0 : i32
        %dma_wait3A_1562 = tpu.memref_slice %arg4[%dma_wait3A_1561, %add3A_1547] : memref<64x32768xf32, #tpu.memory_space<hbm>> -> memref<64x128xf32, #tpu.memory_space<hbm>>
        tpu.wait_dma2 semaphore(%run_scoped3A : memref<!tpu.dma_semaphore, #tpu.memory_space<semaphore_mem>>) src(%arg11 : memref<64x128xf32, #tpu.memory_space<vmem>>) dst(%dma_wait3A_1562 : memref<64x128xf32, #tpu.memory_space<hbm>>)
        tpu.yield
      }) : () -> ()
      %add3A_1548 = arith.constant 2 : i32
      %add3A_1549 = arith.addi %add3A_1458, %add3A_1548 : i32
      %lt3A_1550 = arith.constant 8 : i32
      %lt3A_1551 = arith.cmpi slt, %add3A_1549, %lt3A_1550 : i32
      %convert_element_type3A_1552 = arith.extui %lt3A_1551 : i1 to i32
      %cond3A_1553 = arith.constant 0 : i32
      %cond3A_1554 = arith.cmpi ne, %convert_element_type3A_1552, %cond3A_1553 : i32
      scf.if %cond3A_1554 {
        %dma_start3A_1555 = arith.constant 0 : i32
        %dma_start3A_1556 = tpu.memref_slice %arg6[%add3A_1549, %dma_start3A_1555] : memref<8x128xi32, #tpu.memory_space<vmem>> -> memref<1x128xi32, #tpu.memory_space<vmem>>
        %dma_start3A_1557 = tpu.memref_squeeze %dma_start3A_1556 : memref<1x128xi32, #tpu.memory_space<vmem>> -> memref<128xi32, #tpu.memory_space<vmem>>
        %dma_start3A_1558 = arith.constant 0 : i32
        %dma_start3A_1559 = arith.constant 0 : i32
        %dma_start3A_1560 = tpu.memref_slice %arg2[%dma_start3A_1558, %dma_start3A_1559] : memref<512x128xf32, #tpu.memory_space<hbm>> -> memref<512x128xf32, #tpu.memory_space<hbm>>
        tpu.enqueue_indirect_dma source(%dma_start3A_1560 : memref<512x128xf32, #tpu.memory_space<hbm>>) target(%arg9 : memref<128x128xf32, #tpu.memory_space<vmem>>) offsets(%dma_start3A_1557 : memref<128xi32, #tpu.memory_space<vmem>>) semaphore(%arg13 : memref<!tpu.dma_semaphore, #tpu.memory_space<semaphore_mem>>)
      } else {
      }
    }
    %scan3A_1359 = arith.constant 4 : i32
    return
  }
}

module attributes {stable_mosaic.version = 14 : i64} {
  func.func @_argmin_kernel(%arg0: i32, %arg1: memref<64x4096xf32, #tpu.memory_space<vmem>>, %arg2: memref<64x1024xf32, #tpu.memory_space<vmem>>, %arg3: memref<1x1024xf32, #tpu.memory_space<vmem>>, %arg4: memref<1x32x128xi32, #tpu.memory_space<vmem>>, %arg5: memref<1x1xf32, #tpu.memory_space<vmem>>) attributes {dimension_semantics = [#tpu.dimension_semantics<arbitrary>], iteration_bounds = array<i64: 8>, scalar_prefetch = 0 : i64, scratch_operands = 0 : i64, tpu.core_type = #tpu.core_type<tc>, window_params = [{transform_indices = @transform_0, window_bounds = array<i64: 64, 4096>}, {pipeline_mode = #tpu.pipeline_mode<synchronous>, transform_indices = @transform_1, window_bounds = array<i64: 64, 1024>}, {pipeline_mode = #tpu.pipeline_mode<synchronous>, transform_indices = @transform_2, window_bounds = array<i64: 1, 1024>}, {transform_indices = @transform_3, window_bounds = array<i64: 1, 32, 128>}, {pipeline_mode = #tpu.pipeline_mode<synchronous>, transform_indices = @transform_4, window_bounds = array<i64: 1, 1>}]} {
    %get3A = arith.constant 0 : index
    %get3A_0 = arith.constant 0 : index
    %get3A_1 = vector.load %arg1[%get3A, %get3A_0] : memref<64x4096xf32, #tpu.memory_space<vmem>>, vector<64x4096xf32>
    %get3A_2 = arith.constant 0 : index
    %get3A_3 = arith.constant 0 : index
    %get3A_4 = vector.load %arg2[%get3A_2, %get3A_3] : memref<64x1024xf32, #tpu.memory_space<vmem>>, vector<64x1024xf32>
    %dot_general3A = arith.constant dense<0.000000e+00> : vector<4096x1024xf32>
    %dot_general3A_5 = tpu.matmul %get3A_1, %get3A_4, %dot_general3A {dimension_numbers = #tpu.dot_dimension_numbers<[0], [0], [1], [1], [0, 1, 1, 1], [], []>, transpose_lhs_hint = false} : vector<64x4096xf32>, vector<64x1024xf32>, vector<4096x1024xf32> -> vector<4096x1024xf32>
    %mul3A = arith.mulf %get3A_1, %get3A_1 : vector<64x4096xf32>
    %reduce_sum3A = arith.constant dense<0.000000e+00> : vector<4096xf32>
    %reduce_sum3A_6 = vector.multi_reduction <add>, %mul3A, %reduce_sum3A [0] : vector<64x4096xf32> to vector<4096xf32>
    %broadcast_in_dim3A = vector.shape_cast %reduce_sum3A_6 : vector<4096xf32> to vector<1x4096xf32>
    %reshape3A = vector.shape_cast %broadcast_in_dim3A : vector<1x4096xf32> to vector<4096x1xf32>
    %get3A_7 = arith.constant 0 : index
    %get3A_8 = arith.constant 0 : index
    %get3A_9 = vector.load %arg3[%get3A_7, %get3A_8] : memref<1x1024xf32, #tpu.memory_space<vmem>>, vector<1x1024xf32>
    %add3A = vector.broadcast %reshape3A : vector<4096x1xf32> to vector<4096x1024xf32>
    %add3A_10 = vector.broadcast %get3A_9 : vector<1x1024xf32> to vector<4096x1024xf32>
    %add3A_11 = arith.addf %add3A, %add3A_10 : vector<4096x1024xf32>
    %add3A_12 = arith.addf %add3A_11, %dot_general3A_5 : vector<4096x1024xf32>
    %reduce_min3A = arith.constant dense<0x7F800000> : vector<4096xf32>
    %reduce_min3A_13 = vector.multi_reduction <minimumf>, %add3A_12, %reduce_min3A [1] : vector<4096x1024xf32> to vector<4096xf32>
    %broadcast_in_dim3A_14 = vector.shape_cast %reduce_min3A_13 : vector<4096xf32> to vector<4096x1xf32>
    %iota3A = tpu.iota {dimensions = array<i32: 1>} : vector<1x1024xi32>
    %convert_element_type3A = arith.sitofp %iota3A : vector<1x1024xi32> to vector<1x1024xf32>
    %eq3A = vector.broadcast %broadcast_in_dim3A_14 : vector<4096x1xf32> to vector<4096x1024xf32>
    %eq3A_15 = arith.cmpf oeq, %add3A_12, %eq3A : vector<4096x1024xf32>
    %jit3A = arith.constant 1.024000e+03 : f32
    %broadcast_in_dim3A_16 = vector.shape_cast %convert_element_type3A : vector<1x1024xf32> to vector<1x1024xf32>
    %broadcast_in_dim3A_17 = vector.broadcast %broadcast_in_dim3A_16 : vector<1x1024xf32> to vector<4096x1024xf32>
    %broadcast_in_dim3A_18 = vector.broadcast %jit3A : f32 to vector<4096x1024xf32>
    %select_n3A = arith.select %eq3A_15, %broadcast_in_dim3A_17, %broadcast_in_dim3A_18 : vector<4096x1024xi1>, vector<4096x1024xf32>
    %reduce_min3A_19 = arith.constant dense<0x7F800000> : vector<4096xf32>
    %reduce_min3A_20 = vector.multi_reduction <minimumf>, %select_n3A, %reduce_min3A_19 [1] : vector<4096x1024xf32> to vector<4096xf32>
    %convert_element_type3A_21 = arith.fptosi %reduce_min3A_20 : vector<4096xf32> to vector<4096xi32>
    %reshape3A_22 = vector.shape_cast %convert_element_type3A_21 : vector<4096xi32> to vector<32x128xi32>
    %swap3A = arith.constant 0 : index
    %swap3A_23 = arith.constant 0 : index
    %swap3A_24 = arith.constant 0 : index
    %swap3A_25 = vector.load %arg4[%swap3A, %swap3A_23, %swap3A_24] : memref<1x32x128xi32, #tpu.memory_space<vmem>>, vector<1x32x128xi32>
    %swap3A_26 = vector.shape_cast %swap3A_25 : vector<1x32x128xi32> to vector<32x128xi32>
    %swap3A_27 = vector.shape_cast %reshape3A_22 : vector<32x128xi32> to vector<1x32x128xi32>
    tpu.vector_store %arg4[%swap3A, %swap3A_23, %swap3A_24], %swap3A_27 {strides = array<i32>} : memref<1x32x128xi32, #tpu.memory_space<vmem>>, vector<1x32x128xi32>,
    %eq3A_28 = arith.constant 0 : i32
    %eq3A_29 = arith.cmpi eq, %arg0, %eq3A_28 : i32
    %convert_element_type3A_30 = arith.extui %eq3A_29 : i1 to i32
    %cond3A = arith.constant 0 : i32
    %cond3A_31 = arith.cmpi ne, %convert_element_type3A_30, %cond3A : i32
    scf.if %cond3A_31 {
      %broadcast_in_dim3A_45 = arith.constant 0.000000e+00 : f32
      %broadcast_in_dim3A_46 = vector.broadcast %broadcast_in_dim3A_45 : f32 to vector<1x1xf32>
      %swap3A_47 = arith.constant 0 : index
      %swap3A_48 = arith.constant 0 : index
      %swap3A_49 = vector.load %arg5[%swap3A_47, %swap3A_48] : memref<1x1xf32, #tpu.memory_space<vmem>>, vector<1x1xf32>
      tpu.vector_store %arg5[%swap3A_47, %swap3A_48], %broadcast_in_dim3A_46 {strides = array<i32>} : memref<1x1xf32, #tpu.memory_space<vmem>>, vector<1x1xf32>,
    } else {
    }
    %get3A_32 = arith.constant 0 : index
    %get3A_33 = arith.constant 0 : index
    %get3A_34 = vector.load %arg5[%get3A_32, %get3A_33] : memref<1x1xf32, #tpu.memory_space<vmem>>, vector<1x1xf32>
    %reduce_sum3A_35 = vector.shape_cast %broadcast_in_dim3A_14 : vector<4096x1xf32> to vector<1x4096x1xf32>
    %reduce_sum3A_36 = arith.constant dense<0.000000e+00> : vector<1xf32>
    %reduce_sum3A_37 = vector.multi_reduction <add>, %reduce_sum3A_35, %reduce_sum3A_36 [1, 2] : vector<1x4096x1xf32> to vector<1xf32>
    %reduce_sum3A_38 = vector.shape_cast %reduce_sum3A_37 : vector<1xf32> to vector<1x1x1xf32>
    %reduce_sum3A_39 = vector.extract %reduce_sum3A_38[0, 0, 0] : f32 from vector<1x1x1xf32>
    %reshape3A_40 = vector.broadcast %reduce_sum3A_39 : f32 to vector<1x1xf32>
    %add3A_41 = arith.addf %get3A_34, %reshape3A_40 : vector<1x1xf32>
    %swap3A_42 = arith.constant 0 : index
    %swap3A_43 = arith.constant 0 : index
    %swap3A_44 = vector.load %arg5[%swap3A_42, %swap3A_43] : memref<1x1xf32, #tpu.memory_space<vmem>>, vector<1x1xf32>
    tpu.vector_store %arg5[%swap3A_42, %swap3A_43], %add3A_41 {strides = array<i32>} : memref<1x1xf32, #tpu.memory_space<vmem>>, vector<1x1xf32>,
    return
  }
  func.func @transform_0(%arg0: i32) -> (i32, i32) {
    %c0_i32 = arith.constant 0 : i32
    %c0_i32_0 = arith.constant 0 : i32
    return %c0_i32, %arg0 : i32, i32
  }
  func.func @transform_1(%arg0: i32) -> (i32, i32) {
    %c0_i32 = arith.constant 0 : i32
    %c0_i32_0 = arith.constant 0 : i32
    %c0_i32_1 = arith.constant 0 : i32
    return %c0_i32, %c0_i32_0 : i32, i32
  }
  func.func @transform_2(%arg0: i32) -> (i32, i32) {
    %c0_i32 = arith.constant 0 : i32
    %c0_i32_0 = arith.constant 0 : i32
    %c0_i32_1 = arith.constant 0 : i32
    return %c0_i32, %c0_i32_0 : i32, i32
  }
  func.func @transform_3(%arg0: i32) -> (i32, i32, i32) {
    %c0_i32 = arith.constant 0 : i32
    %c0_i32_0 = arith.constant 0 : i32
    %c0_i32_1 = arith.constant 0 : i32
    return %arg0, %c0_i32, %c0_i32_0 : i32, i32, i32
  }
  func.func @transform_4(%arg0: i32) -> (i32, i32) {
    %c0_i32 = arith.constant 0 : i32
    %c0_i32_0 = arith.constant 0 : i32
    %c0_i32_1 = arith.constant 0 : i32
    return %c0_i32, %c0_i32_0 : i32, i32
  }
}

</mosaic_0001>

<sc_bundles>
// kernel: kernel.4.cloned.1.call-start
scs
__scs_entry_jumppad:
0x0: {  	(pc) =	sbr.rel $0x88, $3  }
0x1: {  	(tag) =	ssettag $0x0;
	lr =	simm.s32 $0x1  }
0x2: {  	[smem:$0x3F9F] =	sst lr;
	_ =	strace $0xD0000000  }
0x3: {  	_ = 	snop  }
0x4: {  	_ = 	snop  }
0x5: {  	_ = 	snop  }
0x6: {  	_ = 	snop  }
0x7: {  	_ = 	snop  }
__scs_overlays_trampoline_lowered:
0x8: {  	[smem:$0x3FAE] =	sst s0  }
0x9: {  	[smem:$0x3FAF] =	sst s1  }
0xa: {  	[smem:$0x3FB0] =	sst s2  }
0xb: {  	[smem:$0x3FB1] =	sst s3  }
0xc: {  	[smem:$0x3FB2] =	sst s4  }
0xd: {  	[smem:$0x3FB3] =	sst s5  }
0xe: {  	[smem:$0x3FB4] =	sst s6  }
0xf: {  	[smem:$0x3FB5] =	sst s7  }
0x10: {  	[smem:$0x3FB6] =	sst s8  }
0x11: {  	[smem:$0x3FB7] =	sst s9;
	s0 =	simm.s32 @!p0 $0x0  }
0x12: {  	s1 =	sld [smem:$0x3F9D];
	s0 =	simm.s32 @p0 $0x1  }
0x13: {  	[smem:$0x3FB8] =	sst s0;
	s0 =	simm.s32 @!p1 $0x0  }
0x14: {  	s2 =	sld [smem:$0x3F9C];
	s0 =	simm.s32 @p1 $0x1  }
0x15: {  	[smem:$0x3FB9] =	sst s0;
	s0 =	simm.s32 @!p2 $0x0  }
0x16: {  	s3 =	sld [smem:$0x3FDB];
	s0 =	simm.s32 @p2 $0x1  }
0x17: {  	s4 =	simm.s32 $0x1BF5;
	[smem:$0x3FBB] =	sst s0  }
0x18: {  	s0 =	sld [smem:$0x3F9E];
	_ =	swait.ge [sflag:s4], $0x0  }
0x19: {  	s7 =	sld [smem:$0x3F9F]  }
0x1a: {  	s8 =	sadd.s32 $0xFFFFE003, lr  }
0x1b: {  	s9 =	sadd.s32 $0xFFFFFEF7, lr;
	s5 =	simm.s32 $0xFFFFFFFF;
	p2 =	slt.u32 s8, $0xFFFFF086  }
0x1c: {  	p1 =	slt.u32 s9, $0xF7A;
	s5 =	simm.s32 @!p2 $0x0  }
0x1d: {  	s5 =	simm.s32 @p1 $0x1;
	p0 =	seq.s32 s7, s2  }
0x1e: {  	s7 =	smul.u32 @!p0 $0xF7A, s2;
	p2 =	seq.s32 @!p0 s5, $0x0  }
0x1f: {  	s9 =	smul.u32 $0xF7A, s1;
	s8 =	simm.s32 @!p0 $0x1BF5;
	p2 =	por !p2, p0  }
0x20: {  	[sflag:s8] =	ssyncset.s32 @!p0 $0xFFFFF086;
	s6 =	sadd.s32 @!p0 s3, s7;
	s7 =	simm.s32 @!p0 $0x108  }
0x21: {  	s3 =	sadd.s32 s3, s9;
	s6 =	sadd.s32 @!p0 $0x88, s6;
	s7 =	simm.s32 @p2 $0x1082  }
0x22: {  	[simem:s7], [sflag:s8] =	dma.local @!p0 [hbm:s6], $0xF7A  }
0x23: {  	s9 =	sor.u32 $0xD0000000, s2;
	s6 =	simm.s32 $0x108;
	_ =	swait.ge @!p0 [sflag:s8], $0x0  }
0x24: {  	s3 =	sadd.s32 $0x88, s3;
	s6 =	simm.s32 @!p1 $0x1082;
	[sflag:s4] =	ssyncset.s32 $0xFFFFF086  }
0x25: {  	[simem:s6], [sflag:s4] =	dma.local [hbm:s3], $0xF7A  }
0x26: {  	[smem:$0x3F9F] =	sst s1;
	(tag) =	ssettag s2;
	_ =	strace s9  }
0x27: {  	s1 =	sld [smem:$0x3FAF]  }
0x28: {  	s2 =	sld [smem:$0x3FB0]  }
0x29: {  	s4 =	sld [smem:$0x3FB2]  }
0x2a: {  	p0 =	seq.s32 s5, $0x0;
	s5 =	sld [smem:$0x3FB3]  }
0x2b: {  	s6 =	sld [smem:$0x3FB4]  }
0x2c: {  	s7 =	sld [smem:$0x3FB5]  }
0x2d: {  	s3 =	simm.s32 $0x108;
	s8 =	sld [smem:$0x3FB6]  }
0x2e: {  	s3 =	simm.s32 @!p0 $0x1082;
	s9 =	sld [smem:$0x3FB7]  }
0x2f: {  	lr =	sadd.s32 s0, s3;
	s0 =	sld [smem:$0x3FAE]  }
0x30: {  	s3 =	sld [smem:$0x3FB1]  }
0x31: {  	[smem:$0x3FBA] =	sst s10  }
0x32: {  	s10 =	sld [smem:$0x3FB8];
	_ =	sdelay $0x3  }
0x33: {  	p0 =	seq.s32 s10, $0x1;
	s10 =	sld [smem:$0x3FBA];
	_ =	sdelay $0x3  }
0x34: {  	[smem:$0x3FBA] =	sst s10  }
0x35: {  	s10 =	sld [smem:$0x3FB9];
	_ =	sdelay $0x3  }
0x36: {  	p1 =	seq.s32 s10, $0x1;
	s10 =	sld [smem:$0x3FBA];
	_ =	sdelay $0x3  }
0x37: {  	[smem:$0x3FBA] =	sst s10  }
0x38: {  	s10 =	sld [smem:$0x3FBB]  }
0x39: {  	_ = 	snop;
	(pc) =	sbr.ind lr, $3  }
0x3a: {  	_ = 	snop  }
0x3b: {  	_ = 	snop  }
0x3c: {  	p2 =	seq.s32 s10, $0x1;
	s10 =	sld [smem:$0x3FBA]  }
0x3d: {  	_ =	shalt  }
0x3e: {  	_ =	shalt  }
0x3f: {  	_ =	shalt  }
0x40: {  	_ =	shalt  }
0x41: {  	_ =	shalt  }
0x42: {  	_ =	shalt  }
0x43: {  	_ =	shalt  }
0x44: {  	_ =	shalt  }
0x45: {  	_ =	shalt  }
0x46: {  	_ =	shalt  }
0x47: {  	_ =	shalt  }
0x48: {  	_ =	shalt  }
0x49: {  	_ =	shalt  }
0x4a: {  	_ =	shalt  }
0x4b: {  	_ =	shalt  }
0x4c: {  	_ =	shalt  }
0x4d: {  	_ =	shalt  }
0x4e: {  	_ =	shalt  }
0x4f: {  	_ =	shalt  }
0x50: {  	_ =	shalt  }
0x51: {  	_ =	shalt  }
0x52: {  	_ =	shalt  }
0x53: {  	_ =	shalt  }
0x54: {  	_ =	shalt  }
0x55: {  	_ =	shalt  }
0x56: {  	_ =	shalt  }
0x57: {  	_ =	shalt  }
0x58: {  	_ =	shalt  }
0x59: {  	_ =	shalt  }
0x5a: {  	_ =	shalt  }
0x5b: {  	_ =	shalt  }
0x5c: {  	_ =	shalt  }
0x5d: {  	_ =	shalt  }
0x5e: {  	_ =	shalt  }
0x5f: {  	_ =	shalt  }
0x60: {  	_ =	shalt  }
0x61: {  	_ =	shalt  }
0x62: {  	_ =	shalt  }
0x63: {  	_ =	shalt  }
0x64: {  	_ =	shalt  }
0x65: {  	_ =	shalt  }
0x66: {  	_ =	shalt  }
0x67: {  	_ =	shalt  }
0x68: {  	_ =	shalt  }
0x69: {  	_ =	shalt  }
0x6a: {  	_ =	shalt  }
0x6b: {  	_ =	shalt  }
0x6c: {  	_ =	shalt  }
0x6d: {  	_ =	shalt  }
0x6e: {  	_ =	shalt  }
0x6f: {  	_ =	shalt  }
0x70: {  	_ =	shalt  }
0x71: {  	_ =	shalt  }
0x72: {  	_ =	shalt  }
0x73: {  	_ =	shalt  }
0x74: {  	_ =	shalt  }
0x75: {  	_ =	shalt  }
0x76: {  	_ =	shalt  }
0x77: {  	_ =	shalt  }
0x78: {  	_ =	shalt  }
0x79: {  	_ =	shalt  }
0x7a: {  	_ =	shalt  }
0x7b: {  	_ =	shalt  }
0x7c: {  	_ =	shalt  }
0x7d: {  	_ =	shalt  }
0x7e: {  	_ =	shalt  }
0x7f: {  	_ =	shalt  }
0x80: {  	_ =	shalt  }
0x81: {  	_ =	shalt  }
0x82: {  	_ =	shalt  }
0x83: {  	_ =	shalt  }
0x84: {  	_ =	shalt  }
0x85: {  	_ =	shalt  }
0x86: {  	_ =	shalt  }
0x87: {  	_ =	shalt  }
.Lfunc_end0:
.L_simem_size_0:
called_computation_lowered:
.L_overlay_start_0:
0x88: {  	s2 =	sld [smem:$0x3FD9]  }
0x89: {  	s3 =	sld [smem:$0x3FFE];
	_ =	sdelay $0x1  }
0x8a: {  	s1 =	srdreg.scid  }
0x8b: {  	s0 =	sand.u32 $0x1, s1  }
0x8c: {  	s14 =	sshll.u32 s0, $0xA;
	s2 =	sadd.s32 s3, s2  }
0x8d: {  	s2 =	sadd.s32 s2, s14  }
0x8e: {  	[smem:$0x3FC6] =	sst s2  }
0x8f: {  	_ = 	snop  }
0x90: {  	s2 =	sld [smem:$0x3FD0];
	_ =	sdelay $0x2  }
0x91: {  	s15 =	simm.s32 $0xA;
	s4 =	simm.s32 $0x10  }
0x92: {  	[smem:s4], [sflag:s15] =	dma.local [hbm:s2], $0x1  }
0x93: {  	_ =	swait.eq [sflag:s15], $0x1  }
0x94: {  	[sflag:s15] =	ssyncset.done $0x0  }
0x95: {  	[sflag:s15] =	ssyncadd.s32 $0xFFFFFFFF  }
0x96: {  	s16 =	sld [smem:$0x10];
	(tm) =	ssettm $0x1  }
0x97: {  	s17 =	sld [smem:$0x3FFB];
	_ =	sdelay $0x3  }
0x98: {  	_ =	strace s17  }
0x99: {  	s3 =	sld [smem:$0x3FFC];
	_ =	sdelay $0x3  }
0x9a: {  	_ =	strace s3  }
0x9b: {  	s3 =	sld [smem:$0x3FFD];
	_ =	sdelay $0x3  }
0x9c: {  	_ =	strace s3  }
0x9d: {  	_ =	strace $0x8FFFFFFF  }
0x9e: {  	s18 =	sld [smem:$0x3FDB];
	_ =	sdelay $0x1  }
0x9f: {  	s19 =	simm.s32 $_scs_section_size  }
0xa0: {  	s5 =	simm.s32 $_size__tile_overlayer_lowered;
	s6 =	simm.s32 $_tile_overlayer_lowered  }
0xa1: {  	s22 =	simm.s32 $0x1BFF;
	s21 =	sshll.u32 s6, $0x1;
	s3 =	sadd.s32 s19, s18  }
0xa2: {  	s7 =	simm.s32 $0x0;
	s20 =	sshll.u32 s5, $0x1;
	s5 =	sadd.s32 s21, s3  }
0xa3: {  	[timem:s7], [sflag:s22] =	dma.local [hbm:s5], s20  }
0xa4: {  	_ =	swait.ge [sflag:s22], s20  }
0xa5: {  	s4 =	ssub.s32 $0x0, s20;
	[sflag:s22] =	ssyncset.done $0x0  }
0xa6: {  	[sflag:s22] =	ssyncadd.s32 s4;
	_ =	sdelay $0x1  }
0xa7: {  	s23 =	simm.s32 $0x1B8B  }
0xa8: {  	_ =	swait.ge [sflag:s23], $0x1  }
0xa9: {  	[sflag:s23] =	ssyncset.done $0x0  }
0xaa: {  	s25 =	simm.s32 $0x1B8E;
	s24 =	sld [smem:$0x3FFE];
	[sflag:s23] =	ssyncadd.s32 $0xFFFFFFFF  }
0xab: {  	s26 =	simm.s32 $execute0_lowered;
	[smem:$0x3FD2] =	sst s25  }
0xac: {  	s5 =	sshll.u32 s26, $0x1;
	_ =	strace $0x80000046;
	[dreg:$0x1] =	wrdreg $0xFFFFFFFF  }
0xad: {  	s28 =	simm.s32 $_size_execute0_lowered;
	s3 =	sadd.s32 s3, s5;
	[dreg:$0x0] =	wrdreg $0x0  }
0xae: {  	s5 =	sshll.u32 s28, $0x1;
	[dreg:$0x2] =	wrdreg s3  }
0xaf: {  	[dreg:$0x3] =	wrdreg s5  }
0xb0: {  	[dreg:$0x4] =	wrdreg $0xC0  }
0xb1: {  	_ =	task [dreg:s7], $0x5FFFF  }
0xb2: {  	[dreg:$0x1] =	wrdreg $0xFFFFFFFF  }
0xb3: {  	[dreg:$0x0] =	wrdreg $0x60  }
0xb4: {  	[dreg:$0x2] =	wrdreg s24  }
0xb5: {  	[dreg:$0x3] =	wrdreg s16  }
0xb6: {  	[dreg:$0x4] =	wrdreg $0x9  }
0xb7: {  	_ =	task.clear_ibuf [dreg:s7], $0x5FFFF;
	_ =	strace $0x90000046  }
0xb8: {  	s29 =	simm.s32 $0x9;
	_ =	strace $0x80000048  }
0xb9: {  	_ =	swait.ge [sflag:s29], $0x1  }
0xba: {  	[sflag:s29] =	ssyncadd.s32 $0xFFFFFFFF  }
0xbb: {  	_ =	strace $0x90000048  }
0xbc: {  	_ =	sfence  }
0xbd: {  	s30 =	sld [smem:$0x0];
	_ =	sdelay $0x2  }
0xbe: {  	s31 =	sshll.u32 s1, $0xD;
	s1 =	sshrl.u32 s1, $0x2  }
0xbf: {  	s3 =	sand.u32 $0x4000, s31;
	s1 =	sadd.s32 s1, s30  }
0xc0: {  	s0 =	sor.u32 s3, s0;
	s1 =	sshll.u32 s1, $0x11  }
0xc1: {  	s0 =	sor.u32 s1, s0  }
0xc2: {  	s0 =	sadd.s32 $0x8F2B, s0  }
0xc3: {  	[sflag:s0] =	ssyncadd.remote.s32 $0x1  }
0xc4: {  	_ =	sfence.sel $0xFFFF  }
0xc5: {  	[dreg:$0x0] =	wrdreg $0xFFFFFFFF;
	(pc) =	sbr.abs _section_cstart, $3  }
0xc6: {  	[dreg:$0x1] =	wrdreg $0xFFFFFFFF  }
0xc7: {  	_ =	task.clear_ibuf [dreg:s7], $0x2FFFF;
	_ =	strace $0x9FFFFFFF  }
0xc8: {  	(tm) =	ssettm $0x7FFFFFFF  }
0xc9: {  	_ =	shalt  }
tec
execute0_lowered:
.L_overlay_start_1:
0x0: {  	(tag) =	ssettag $0x1  }
0x1: {  	s4 =	rddreg [dreg:$0x0]  }
0x2: {  	s5 =	rddreg [dreg:$0x1];
	s2 =	srdreg.scid  }
0x3: {  	s1 =	stileid.u32;
	s10 =	simm.s32 $0xC00;
	s11 =	simm.s32 $0x480  }
0x4: {  	s12 =	simm.s32 $0x4C00;
	s13 =	simm.s32 $0x1;
	s14 =	simm.s32 $0x40000  }
0x5: {  	s15 =	simm.s32 $0x8C00;
	s16 =	simm.s32 $0x2;
	s17 =	simm.s32 $0xAC00  }
0x6: {  	s18 =	simm.s32 $0x0;
	s3 =	sand.u32 $0x1, s2;
	s2 =	simm.s32 $0x0  }
0x7: {  	s6 =	sshll.u32 s1, $0xB;
	s7 =	sshll.u32 s3, $0xA;
	[smem:$0x7FF] =	sst s2  }
.Ltmp0:
0x8: {  	s31 =	ssub.s32 $0x2, s3;
	s3 =	sadd.s32 $0x800, s4;
	(pc) =	sbr.rel .LBB2_1-.Ltmp0, $4  }
0x9: {  	s6 =	sor.u32 s7, s6;
	_ =	strace $0x80000047;
	s9 =	sshrl.u32 s31, $0x1  }
0xa: {  	v0 =	vlaneseq.u32;
	s8 =	sshrl.u32 s6, $0x3;
	s7 =	ssub.s32 s31, s9;
	s5 =	sadd.s32 s5, s6  }
0xb: {  	v0 =	vmul.u32 $0x80, v0;
	s9 =	simm.s32 $0x400;
	s4 =	sadd.s32 s8, s4;
	s6 =	smax.u32 s7, $0x1  }
0xc: {  	s7 =	simm.s32 $0x3;
	s8 =	simm.s32 $0x80;
	s4 =	sadd.s32 $0x2800, s4  }
.LBB2_36:
0xd: {  	s18 =	sadd.s32 $0x1, s18  }
0xe: {  	p0 =	sne.s32 s18, s6  }
.Ltmp1:
0xf: {  	_ = 	snop;
	(pc) =	sbr.rel @!p0 .LBB2_37-.Ltmp1, $1  }
0x10: {  	_ =	sdelay $0x3  }
.LBB2_1:
0x11: {  	[tilespmem:s2], [sflag:$0x3] =	stream.linear.gather [hbm4b:s4+s2], $0x400, $0x38;
	[tilespmem:$0xCC00] =	vst v63  }
0x12: {  	_ =	swait.ge [sflag:s7], $0x400  }
0x13: {  	[sflag:s7] =	ssyncset.done $0x0  }
0x14: {  	[sflag:s7] =	ssyncadd.s32 $0xFFFFFC00  }
0x15: {  	v1 =	vld [tilespmem:$0x0];
	_ =	sdelay $0x1  }
0x16: {  	v2 =	vld [tilespmem:$0x10];
	_ =	sdelay $0x1  }
0x17: {  	v3 =	vld [tilespmem:$0x20]  }
0x18: {  	v4 =	vshra.s32 v1, $0x1;
	v1 =	vshll.u32 v1, $0x6  }
0x19: {  	v43 =	vld [tilespmem:$0x30];
	[tilespmem:$0x400] =	vst v4;
	v1 =	vand.u32 $0x40, v1  }
0x1a: {  	[tilespmem:$0x800] =	vst v1;
	v1 =	vshra.s32 v2, $0x1;
	v2 =	vshll.u32 v2, $0x6  }
0x1b: {  	[tilespmem:$0x410] =	vst v1;
	v1 =	vand.u32 $0x40, v2;
	v2 =	vld [tilespmem:$0x40]  }
0x1c: {  	[tilespmem:$0x810] =	vst v1;
	v1 =	vshra.s32 v3, $0x1;
	v3 =	vshll.u32 v3, $0x6  }
0x1d: {  	[tilespmem:$0x420] =	vst v1;
	v1 =	vand.u32 $0x40, v3;
	v3 =	vld [tilespmem:$0x50]  }
0x1e: {  	v4 =	vshll.u32 v43, $0x6;
	[tilespmem:$0x820] =	vst v1;
	v1 =	vshra.s32 v43, $0x1  }
0x1f: {  	v44 =	vld [tilespmem:$0x60];
	[tilespmem:$0x430] =	vst v1;
	v1 =	vand.u32 $0x40, v4  }
0x20: {  	[tilespmem:$0x830] =	vst v1;
	v1 =	vshra.s32 v2, $0x1;
	v2 =	vshll.u32 v2, $0x6  }
0x21: {  	[tilespmem:$0x440] =	vst v1;
	v1 =	vand.u32 $0x40, v2;
	v2 =	vld [tilespmem:$0x70]  }
0x22: {  	[tilespmem:$0x840] =	vst v1;
	v1 =	vshra.s32 v3, $0x1;
	v3 =	vshll.u32 v3, $0x6  }
0x23: {  	[tilespmem:$0x450] =	vst v1;
	v1 =	vand.u32 $0x40, v3;
	v3 =	vld [tilespmem:$0x80]  }
0x24: {  	v4 =	vshll.u32 v44, $0x6;
	[tilespmem:$0x850] =	vst v1;
	v1 =	vshra.s32 v44, $0x1  }
0x25: {  	v45 =	vld [tilespmem:$0x90];
	[tilespmem:$0x460] =	vst v1;
	v1 =	vand.u32 $0x40, v4  }
0x26: {  	[tilespmem:$0x860] =	vst v1;
	v1 =	vshra.s32 v2, $0x1;
	v2 =	vshll.u32 v2, $0x6  }
0x27: {  	[tilespmem:$0x470] =	vst v1;
	v1 =	vand.u32 $0x40, v2;
	v2 =	vld [tilespmem:$0xA0]  }
0x28: {  	[tilespmem:$0x870] =	vst v1;
	v1 =	vshra.s32 v3, $0x1;
	v3 =	vshll.u32 v3, $0x6  }
0x29: {  	[tilespmem:$0x480] =	vst v1;
	v1 =	vand.u32 $0x40, v3;
	v3 =	vld [tilespmem:$0xB0]  }
0x2a: {  	v4 =	vshll.u32 v45, $0x6;
	[tilespmem:$0x880] =	vst v1;
	v1 =	vshra.s32 v45, $0x1  }
0x2b: {  	v46 =	vld [tilespmem:$0xC0];
	[tilespmem:$0x490] =	vst v1;
	v1 =	vand.u32 $0x40, v4  }
0x2c: {  	[tilespmem:$0x890] =	vst v1;
	v1 =	vshra.s32 v2, $0x1;
	v2 =	vshll.u32 v2, $0x6  }
0x2d: {  	[tilespmem:$0x4A0] =	vst v1;
	v1 =	vand.u32 $0x40, v2;
	v2 =	vld [tilespmem:$0xD0]  }
0x2e: {  	[tilespmem:$0x8A0] =	vst v1;
	v1 =	vshra.s32 v3, $0x1;
	v3 =	vshll.u32 v3, $0x6  }
0x2f: {  	[tilespmem:$0x4B0] =	vst v1;
	v1 =	vand.u32 $0x40, v3;
	v3 =	vld [tilespmem:$0xE0]  }
0x30: {  	v4 =	vshll.u32 v46, $0x6;
	[tilespmem:$0x8B0] =	vst v1;
	v1 =	vshra.s32 v46, $0x1  }
0x31: {  	v47 =	vld [tilespmem:$0xF0];
	[tilespmem:$0x4C0] =	vst v1;
	v1 =	vand.u32 $0x40, v4  }
0x32: {  	[tilespmem:$0x8C0] =	vst v1;
	v1 =	vshra.s32 v2, $0x1;
	v2 =	vshll.u32 v2, $0x6  }
0x33: {  	[tilespmem:$0x4D0] =	vst v1;
	v1 =	vand.u32 $0x40, v2;
	v2 =	vld [tilespmem:$0x100]  }
0x34: {  	[tilespmem:$0x8D0] =	vst v1;
	v1 =	vshra.s32 v3, $0x1;
	v3 =	vshll.u32 v3, $0x6  }
0x35: {  	[tilespmem:$0x4E0] =	vst v1;
	v1 =	vand.u32 $0x40, v3;
	v3 =	vld [tilespmem:$0x110]  }
0x36: {  	v4 =	vshll.u32 v47, $0x6;
	[tilespmem:$0x8E0] =	vst v1;
	v1 =	vshra.s32 v47, $0x1  }
0x37: {  	v48 =	vld [tilespmem:$0x120];
	[tilespmem:$0x4F0] =	vst v1;
	v1 =	vand.u32 $0x40, v4  }
0x38: {  	[tilespmem:$0x8F0] =	vst v1;
	v1 =	vshra.s32 v2, $0x1;
	v2 =	vshll.u32 v2, $0x6  }
0x39: {  	[tilespmem:$0x500] =	vst v1;
	v1 =	vand.u32 $0x40, v2;
	v2 =	vld [tilespmem:$0x130]  }
0x3a: {  	[tilespmem:$0x900] =	vst v1;
	v1 =	vshra.s32 v3, $0x1;
	v3 =	vshll.u32 v3, $0x6  }
0x3b: {  	[tilespmem:$0x510] =	vst v1;
	v1 =	vand.u32 $0x40, v3;
	v3 =	vld [tilespmem:$0x140]  }
0x3c: {  	v4 =	vshll.u32 v48, $0x6;
	[tilespmem:$0x910] =	vst v1;
	v1 =	vshra.s32 v48, $0x1  }
0x3d: {  	v49 =	vld [tilespmem:$0x150];
	[tilespmem:$0x520] =	vst v1;
	v1 =	vand.u32 $0x40, v4  }
0x3e: {  	[tilespmem:$0x920] =	vst v1;
	v1 =	vshra.s32 v2, $0x1;
	v2 =	vshll.u32 v2, $0x6  }
0x3f: {  	[tilespmem:$0x530] =	vst v1;
	v1 =	vand.u32 $0x40, v2;
	v2 =	vld [tilespmem:$0x160]  }
0x40: {  	[tilespmem:$0x930] =	vst v1;
	v1 =	vshra.s32 v3, $0x1;
	v3 =	vshll.u32 v3, $0x6  }
0x41: {  	[tilespmem:$0x540] =	vst v1;
	v1 =	vand.u32 $0x40, v3;
	v3 =	vld [tilespmem:$0x170]  }
0x42: {  	v4 =	vshll.u32 v49, $0x6;
	[tilespmem:$0x940] =	vst v1;
	v1 =	vshra.s32 v49, $0x1  }
0x43: {  	v50 =	vld [tilespmem:$0x180];
	[tilespmem:$0x550] =	vst v1;
	v1 =	vand.u32 $0x40, v4  }
0x44: {  	[tilespmem:$0x950] =	vst v1;
	v1 =	vshra.s32 v2, $0x1;
	v2 =	vshll.u32 v2, $0x6  }
0x45: {  	[tilespmem:$0x560] =	vst v1;
	v1 =	vand.u32 $0x40, v2;
	v2 =	vld [tilespmem:$0x190]  }
0x46: {  	[tilespmem:$0x960] =	vst v1;
	v1 =	vshra.s32 v3, $0x1;
	v3 =	vshll.u32 v3, $0x6  }
0x47: {  	[tilespmem:$0x570] =	vst v1;
	v1 =	vand.u32 $0x40, v3;
	v3 =	vld [tilespmem:$0x1A0]  }
0x48: {  	v4 =	vshll.u32 v50, $0x6;
	[tilespmem:$0x970] =	vst v1;
	v1 =	vshra.s32 v50, $0x1  }
0x49: {  	v51 =	vld [tilespmem:$0x1B0];
	[tilespmem:$0x580] =	vst v1;
	v1 =	vand.u32 $0x40, v4  }
0x4a: {  	[tilespmem:$0x980] =	vst v1;
	v1 =	vshra.s32 v2, $0x1;
	v2 =	vshll.u32 v2, $0x6  }
0x4b: {  	[tilespmem:$0x590] =	vst v1;
	v1 =	vand.u32 $0x40, v2;
	v2 =	vld [tilespmem:$0x1C0]  }
0x4c: {  	[tilespmem:$0x990] =	vst v1;
	v1 =	vshra.s32 v3, $0x1;
	v3 =	vshll.u32 v3, $0x6  }
0x4d: {  	[tilespmem:$0x5A0] =	vst v1;
	v1 =	vand.u32 $0x40, v3;
	v3 =	vld [tilespmem:$0x1D0]  }
0x4e: {  	v4 =	vshll.u32 v51, $0x6;
	[tilespmem:$0x9A0] =	vst v1;
	v1 =	vshra.s32 v51, $0x1  }
0x4f: {  	v52 =	vld [tilespmem:$0x1E0];
	[tilespmem:$0x5B0] =	vst v1;
	v1 =	vand.u32 $0x40, v4  }
0x50: {  	[tilespmem:$0x9B0] =	vst v1;
	v1 =	vshra.s32 v2, $0x1;
	v2 =	vshll.u32 v2, $0x6  }
0x51: {  	[tilespmem:$0x5C0] =	vst v1;
	v1 =	vand.u32 $0x40, v2;
	v2 =	vld [tilespmem:$0x1F0]  }
0x52: {  	[tilespmem:$0x9C0] =	vst v1;
	v1 =	vshra.s32 v3, $0x1;
	v3 =	vshll.u32 v3, $0x6  }
0x53: {  	[tilespmem:$0x5D0] =	vst v1;
	v1 =	vand.u32 $0x40, v3;
	v3 =	vld [tilespmem:$0x200]  }
0x54: {  	v4 =	vshll.u32 v52, $0x6;
	[tilespmem:$0x9D0] =	vst v1;
	v1 =	vshra.s32 v52, $0x1  }
0x55: {  	v53 =	vld [tilespmem:$0x210];
	[tilespmem:$0x5E0] =	vst v1;
	v1 =	vand.u32 $0x40, v4  }
0x56: {  	[tilespmem:$0x9E0] =	vst v1;
	v1 =	vshra.s32 v2, $0x1;
	v2 =	vshll.u32 v2, $0x6  }
0x57: {  	[tilespmem:$0x5F0] =	vst v1;
	v1 =	vand.u32 $0x40, v2;
	v2 =	vld [tilespmem:$0x220]  }
0x58: {  	[tilespmem:$0x9F0] =	vst v1;
	v1 =	vshra.s32 v3, $0x1;
	v3 =	vshll.u32 v3, $0x6  }
0x59: {  	[tilespmem:$0x600] =	vst v1;
	v1 =	vand.u32 $0x40, v3;
	v3 =	vld [tilespmem:$0x230]  }
0x5a: {  	v4 =	vshll.u32 v53, $0x6;
	[tilespmem:$0xA00] =	vst v1;
	v1 =	vshra.s32 v53, $0x1  }
0x5b: {  	v54 =	vld [tilespmem:$0x240];
	[tilespmem:$0x610] =	vst v1;
	v1 =	vand.u32 $0x40, v4  }
0x5c: {  	[tilespmem:$0xA10] =	vst v1;
	v1 =	vshra.s32 v2, $0x1;
	v2 =	vshll.u32 v2, $0x6  }
0x5d: {  	[tilespmem:$0x620] =	vst v1;
	v1 =	vand.u32 $0x40, v2;
	v2 =	vld [tilespmem:$0x250]  }
0x5e: {  	[tilespmem:$0xA20] =	vst v1;
	v1 =	vshra.s32 v3, $0x1;
	v3 =	vshll.u32 v3, $0x6  }
0x5f: {  	[tilespmem:$0x630] =	vst v1;
	v1 =	vand.u32 $0x40, v3;
	v3 =	vld [tilespmem:$0x260]  }
0x60: {  	v4 =	vshll.u32 v54, $0x6;
	[tilespmem:$0xA30] =	vst v1;
	v1 =	vshra.s32 v54, $0x1  }
0x61: {  	v55 =	vld [tilespmem:$0x270];
	[tilespmem:$0x640] =	vst v1;
	v1 =	vand.u32 $0x40, v4  }
0x62: {  	[tilespmem:$0xA40] =	vst v1;
	v1 =	vshra.s32 v2, $0x1;
	v2 =	vshll.u32 v2, $0x6  }
0x63: {  	[tilespmem:$0x650] =	vst v1;
	v1 =	vand.u32 $0x40, v2;
	v2 =	vld [tilespmem:$0x280]  }
0x64: {  	[tilespmem:$0xA50] =	vst v1;
	v1 =	vshra.s32 v3, $0x1;
	v3 =	vshll.u32 v3, $0x6  }
0x65: {  	[tilespmem:$0x660] =	vst v1;
	v1 =	vand.u32 $0x40, v3;
	v3 =	vld [tilespmem:$0x290]  }
0x66: {  	v4 =	vshll.u32 v55, $0x6;
	[tilespmem:$0xA60] =	vst v1;
	v1 =	vshra.s32 v55, $0x1  }
0x67: {  	v56 =	vld [tilespmem:$0x2A0];
	[tilespmem:$0x670] =	vst v1;
	v1 =	vand.u32 $0x40, v4  }
0x68: {  	[tilespmem:$0xA70] =	vst v1;
	v1 =	vshra.s32 v2, $0x1;
	v2 =	vshll.u32 v2, $0x6  }
0x69: {  	[tilespmem:$0x680] =	vst v1;
	v1 =	vand.u32 $0x40, v2;
	v2 =	vld [tilespmem:$0x2B0]  }
0x6a: {  	[tilespmem:$0xA80] =	vst v1;
	v1 =	vshra.s32 v3, $0x1;
	v3 =	vshll.u32 v3, $0x6  }
0x6b: {  	[tilespmem:$0x690] =	vst v1;
	v1 =	vand.u32 $0x40, v3;
	v3 =	vld [tilespmem:$0x2C0]  }
0x6c: {  	v4 =	vshll.u32 v56, $0x6;
	[tilespmem:$0xA90] =	vst v1;
	v1 =	vshra.s32 v56, $0x1  }
0x6d: {  	v57 =	vld [tilespmem:$0x2D0];
	[tilespmem:$0x6A0] =	vst v1;
	v1 =	vand.u32 $0x40, v4  }
0x6e: {  	[tilespmem:$0xAA0] =	vst v1;
	v1 =	vshra.s32 v2, $0x1;
	v2 =	vshll.u32 v2, $0x6  }
0x6f: {  	[tilespmem:$0x6B0] =	vst v1;
	v1 =	vand.u32 $0x40, v2;
	v2 =	vld [tilespmem:$0x2E0]  }
0x70: {  	[tilespmem:$0xAB0] =	vst v1;
	v1 =	vshra.s32 v3, $0x1;
	v3 =	vshll.u32 v3, $0x6  }
0x71: {  	[tilespmem:$0x6C0] =	vst v1;
	v1 =	vand.u32 $0x40, v3;
	v3 =	vld [tilespmem:$0x2F0]  }
0x72: {  	v4 =	vshll.u32 v57, $0x6;
	[tilespmem:$0xAC0] =	vst v1;
	v1 =	vshra.s32 v57, $0x1  }
0x73: {  	v58 =	vld [tilespmem:$0x300];
	[tilespmem:$0x6D0] =	vst v1;
	v1 =	vand.u32 $0x40, v4  }
0x74: {  	[tilespmem:$0xAD0] =	vst v1;
	v1 =	vshra.s32 v2, $0x1;
	v2 =	vshll.u32 v2, $0x6  }
0x75: {  	[tilespmem:$0x6E0] =	vst v1;
	v1 =	vand.u32 $0x40, v2;
	v2 =	vld [tilespmem:$0x310]  }
0x76: {  	[tilespmem:$0xAE0] =	vst v1;
	v1 =	vshra.s32 v3, $0x1;
	v3 =	vshll.u32 v3, $0x6  }
0x77: {  	[tilespmem:$0x6F0] =	vst v1;
	v1 =	vand.u32 $0x40, v3;
	v3 =	vld [tilespmem:$0x320]  }
0x78: {  	v4 =	vshll.u32 v58, $0x6;
	[tilespmem:$0xAF0] =	vst v1;
	v1 =	vshra.s32 v58, $0x1  }
0x79: {  	v59 =	vld [tilespmem:$0x330];
	[tilespmem:$0x700] =	vst v1;
	v1 =	vand.u32 $0x40, v4  }
0x7a: {  	[tilespmem:$0xB00] =	vst v1;
	v1 =	vshra.s32 v2, $0x1;
	v2 =	vshll.u32 v2, $0x6  }
0x7b: {  	[tilespmem:$0x710] =	vst v1;
	v1 =	vand.u32 $0x40, v2;
	v2 =	vld [tilespmem:$0x340]  }
0x7c: {  	[tilespmem:$0xB10] =	vst v1;
	v1 =	vshra.s32 v3, $0x1;
	v3 =	vshll.u32 v3, $0x6  }
0x7d: {  	[tilespmem:$0x720] =	vst v1;
	v1 =	vand.u32 $0x40, v3;
	v3 =	vld [tilespmem:$0x350]  }
0x7e: {  	v4 =	vshll.u32 v59, $0x6;
	[tilespmem:$0xB20] =	vst v1;
	v1 =	vshra.s32 v59, $0x1  }
0x7f: {  	v60 =	vld [tilespmem:$0x360];
	[tilespmem:$0x730] =	vst v1;
	v1 =	vand.u32 $0x40, v4  }
0x80: {  	[tilespmem:$0xB30] =	vst v1;
	v1 =	vshra.s32 v2, $0x1;
	v2 =	vshll.u32 v2, $0x6  }
0x81: {  	[tilespmem:$0x740] =	vst v1;
	v1 =	vand.u32 $0x40, v2;
	v2 =	vld [tilespmem:$0x370]  }
0x82: {  	[tilespmem:$0xB40] =	vst v1;
	v1 =	vshra.s32 v3, $0x1;
	v3 =	vshll.u32 v3, $0x6  }
0x83: {  	[tilespmem:$0x750] =	vst v1;
	v1 =	vand.u32 $0x40, v3;
	v3 =	vld [tilespmem:$0x380]  }
0x84: {  	v4 =	vshll.u32 v60, $0x6;
	[tilespmem:$0xB50] =	vst v1;
	v1 =	vshra.s32 v60, $0x1  }
0x85: {  	v61 =	vld [tilespmem:$0x390];
	[tilespmem:$0x760] =	vst v1;
	v1 =	vand.u32 $0x40, v4  }
0x86: {  	[tilespmem:$0xB60] =	vst v1;
	v1 =	vshra.s32 v2, $0x1;
	v2 =	vshll.u32 v2, $0x6  }
0x87: {  	[tilespmem:$0x770] =	vst v1;
	v1 =	vand.u32 $0x40, v2;
	v2 =	vld [tilespmem:$0x3A0]  }
0x88: {  	[tilespmem:$0xB70] =	vst v1;
	v1 =	vshra.s32 v3, $0x1;
	v3 =	vshll.u32 v3, $0x6  }
0x89: {  	[tilespmem:$0x780] =	vst v1;
	v1 =	vand.u32 $0x40, v3;
	v3 =	vld [tilespmem:$0x3B0]  }
0x8a: {  	v4 =	vshll.u32 v61, $0x6;
	[tilespmem:$0xB80] =	vst v1;
	v1 =	vshra.s32 v61, $0x1  }
0x8b: {  	v62 =	vld [tilespmem:$0x3C0];
	[tilespmem:$0x790] =	vst v1;
	v1 =	vand.u32 $0x40, v4  }
0x8c: {  	[tilespmem:$0xB90] =	vst v1;
	v1 =	vshra.s32 v2, $0x1;
	v2 =	vshll.u32 v2, $0x6  }
0x8d: {  	[tilespmem:$0x7A0] =	vst v1;
	v1 =	vand.u32 $0x40, v2;
	v2 =	vld [tilespmem:$0x3D0]  }
0x8e: {  	[tilespmem:$0xBA0] =	vst v1;
	v1 =	vshra.s32 v3, $0x1;
	v3 =	vshll.u32 v3, $0x6  }
0x8f: {  	[tilespmem:$0x7B0] =	vst v1;
	v1 =	vand.u32 $0x40, v3;
	v3 =	vld [tilespmem:$0x3E0]  }
0x90: {  	v4 =	vshll.u32 v62, $0x6;
	[tilespmem:$0xBB0] =	vst v1;
	v1 =	vshra.s32 v62, $0x1  }
0x91: {  	v63 =	vld [tilespmem:$0x3F0];
	[tilespmem:$0x7C0] =	vst v1;
	v1 =	vand.u32 $0x40, v4  }
0x92: {  	[tilespmem:$0xBC0] =	vst v1;
	v1 =	vshra.s32 v2, $0x1;
	v2 =	vshll.u32 v2, $0x6  }
0x93: {  	[tilespmem:$0x7D0] =	vst v1;
	v1 =	vand.u32 $0x40, v2  }
0x94: {  	[tilespmem:$0xBD0] =	vst v1;
	v1 =	vshra.s32 v3, $0x1;
	v2 =	vshll.u32 v3, $0x6  }
0x95: {  	[tilespmem:$0x7E0] =	vst v1;
	v1 =	vand.u32 $0x40, v2  }
0x96: {  	v2 =	vshll.u32 v63, $0x6;
	[tilespmem:$0xBE0] =	vst v1;
	v1 =	vshra.s32 v63, $0x1  }
0x97: {  	[tilespmem:$0x7F0] =	vst v1;
	v1 =	vand.u32 $0x40, v2  }
0x98: {  	[tilespmem:$0xBF0] =	vst v1  }
0x99: {  	[tilespmem:s10], [sflag:$0x1] =	stream.indirect.gather [hbm4b:s3+s8], $0x80, s9, s8, $0xb8;
	[tilespmem:$0xCC00] =	vst v63  }
0x9a: {  	s19 =	simm.s32 $0x0  }
0x9b: {  	[tilespmem:s12], [sflag:$0x2] =	stream.indirect.gather [hbm4b:s3+s8], $0x80, s11, s8, $0xb8;
	[tilespmem:$0xCC00] =	vst v63  }
.LBB2_2:
0x9c: {  	_ =	swait.ge [sflag:s13], $0x4000  }
0x9d: {  	[sflag:s13] =	ssyncset.done $0x0  }
0x9e: {  	s20 =	sshll.u32 s19, $0x8;
	[sflag:s13] =	ssyncadd.s32 $0xFFFFC000  }
0x9f: {  	v1 =	vld [tilespmem:s20+$0x800];
	_ =	sdelay $0x3  }
0xa0: {  	s21 =	simm.s32 $0xF  }
0xa1: {  	s22 =	simm.s32 $0x1;
	v2 =	vadd.s32 s21, v1  }
0xa2: {  	s30 =	simm.s32 $0x2;
	v3 =	vadd.s32 s22, v1;
	v2 =	vadd.s32 v0, v2  }
0xa3: {  	s31 =	simm.s32 $0x3;
	v4 =	vadd.s32 s30, v1;
	v3 =	vadd.s32 v0, v3  }
0xa4: {  	s23 =	simm.s32 $0x6;
	v5 =	vadd.s32 s31, v1;
	v4 =	vadd.s32 v0, v4  }
0xa5: {  	s0 =	simm.s32 $0x4;
	v8 =	vadd.s32 s23, v1;
	v5 =	vadd.s32 v0, v5  }
0xa6: {  	v6 =	vadd.s32 s0, v1;
	s22 =	simm.s32 $0x5;
	v8 =	vadd.s32 v0, v8  }
0xa7: {  	s24 =	simm.s32 $0x7;
	v6 =	vadd.s32 v0, v6;
	v7 =	vadd.s32 s22, v1;
	v9 =	vld.idx.msk [tilespmem:v2+s10+$0x0], $0xffff  }
0xa8: {  	s26 =	simm.s32 $0x9;
	v7 =	vadd.s32 v0, v7;
	v10 =	vld.idx.msk [tilespmem:v3+s10+$0x0], $0xffff;
	v2 =	vadd.s32 s24, v1  }
0xa9: {  	s25 =	simm.s32 $0x8;
	v11 =	vld.idx.msk [tilespmem:v4+s10+$0x0], $0xffff;
	v3 =	vadd.s32 s26, v1;
	v12 =	vadd.s32 v0, v2  }
0xaa: {  	s28 =	simm.s32 $0xA;
	v14 =	vld.idx.msk [tilespmem:v5+s10+$0x0], $0xffff;
	v2 =	vadd.s32 s25, v1;
	v15 =	vadd.s32 v0, v3  }
0xab: {  	s21 =	simm.s32 $0x9000;
	s23 =	simm.s32 $0xB;
	v5 =	vadd.s32 s28, v1;
	v4 =	vld.idx.msk [tilespmem:v8+s10+$0x0], $0xffff;
	v13 =	vadd.s32 v0, v2  }
0xac: {  	s29 =	simm.s32 $0xC;
	v2 =	vld.idx.msk [tilespmem:v6+s10+$0x0], $0xffff;
	v6 =	vadd.s32 s23, v1;
	[tilespmem:s21+$0x380] =	vst v9;
	v9 =	vadd.s32 v0, v5  }
0xad: {  	s30 =	simm.s32 $0xD;
	v3 =	vld.idx.msk [tilespmem:v7+s10+$0x0], $0xffff;
	v8 =	vadd.s32 v0, v6;
	v6 =	vadd.s32 s29, v1  }
0xae: {  	s31 =	simm.s32 $0xE;
	v7 =	vadd.s32 s30, v1;
	[tilespmem:s21+$0xFFFFFC80] =	vst v10;
	v10 =	vadd.s32 v0, v6;
	v5 =	vld.idx.msk [tilespmem:v12+s10+$0x0], $0xffff  }
0xaf: {  	s25 =	simm.s32 $0x0;
	[tilespmem:s21+$0xFFFFFD00] =	vst v11;
	v11 =	vadd.s32 v0, v7;
	v12 =	vadd.s32 s31, v1;
	v7 =	vld.idx.msk [tilespmem:v15+s10+$0x0], $0xffff  }
0xb0: {  	s22 =	simm.s32 $0x10;
	s24 =	simm.s32 $0x1F;
	s23 =	simm.s32 $0x20;
	[tilespmem:s21+$0xFFFFFD80] =	vst v14;
	v6 =	vld.idx.msk [tilespmem:v13+s10+$0x0], $0xffff;
	v13 =	vadd.s32 s25, v1;
	v12 =	vadd.s32 v0, v12  }
.LBB2_3:
0xb1: {  	p0 =	slt.u32 s23, $0x30;
	s25 =	sadd.s32 $0x1, s22;
	v14 =	vadd.s32 s24, v1;
	v13 =	vadd.s32 v0, v13;
	[tilespmem:s21+$0xFFFFFE00] =	vst v2;
	v2 =	vld.idx.msk [tilespmem:v9+s10+$0x0], $0xffff  }
0xb2: {  	s24 =	sadd.s32 $0x2, s22;
	v9 =	vadd.s32 s25, v1;
	v14 =	vadd.s32 v0, v14;
	[tilespmem:s21+$0xFFFFFE80] =	vst v3;
	v3 =	vld.idx.msk [tilespmem:v8+s10+$0x0], $0xffff  }
0xb3: {  	v8 =	vadd.s32 v0, v9;
	v9 =	vadd.s32 s24, v1;
	s24 =	sadd.s32 $0x3, s22;
	[tilespmem:s21+$0xFFFFFF00] =	vst v4;
	v4 =	vld.idx.msk [tilespmem:v10+s10+$0x0], $0xffff  }
0xb4: {  	v9 =	vadd.s32 v0, v9;
	v10 =	vadd.s32 s24, v1;
	s24 =	sadd.s32 $0x4, s22;
	[tilespmem:s21+$0xFFFFFF80] =	vst v5;
	v5 =	vld.idx.msk [tilespmem:v11+s10+$0x0], $0xffff  }
0xb5: {  	v10 =	vadd.s32 v0, v10;
	v11 =	vadd.s32 s24, v1;
	s24 =	sadd.s32 $0x5, s22;
	[tilespmem:s21+$0x0] =	vst v6;
	v6 =	vld.idx.msk [tilespmem:v12+s10+$0x0], $0xffff  }
0xb6: {  	v11 =	vadd.s32 v0, v11;
	v12 =	vadd.s32 s24, v1;
	s24 =	sadd.s32 $0x6, s22;
	v13 =	vld.idx.msk [tilespmem:v13+s10+$0x0], $0xffff;
	[tilespmem:s21+$0x80] =	vst v7  }
0xb7: {  	v7 =	vadd.s32 v0, v12;
	v12 =	vadd.s32 s24, v1;
	s24 =	sadd.s32 $0x7, s22;
	v14 =	vld.idx.msk [tilespmem:v14+s10+$0x0], $0xffff;
	[tilespmem:s21+$0x100] =	vst v2  }
0xb8: {  	v15 =	vld.idx.msk [tilespmem:v8+s10+$0x0], $0xffff;
	v8 =	vadd.s32 v0, v12;
	v2 =	vadd.s32 s24, v1;
	s24 =	sadd.s32 $0x8, s22;
	[tilespmem:s21+$0x180] =	vst v3  }
0xb9: {  	v12 =	vld.idx.msk [tilespmem:v9+s10+$0x0], $0xffff;
	v16 =	vadd.s32 v0, v2;
	v2 =	vadd.s32 s24, v1;
	s24 =	sadd.s32 $0x9, s22;
	[tilespmem:s21+$0x200] =	vst v4  }
0xba: {  	v17 =	vld.idx.msk [tilespmem:v10+s10+$0x0], $0xffff;
	v18 =	vadd.s32 v0, v2;
	v3 =	vadd.s32 s24, v1;
	s24 =	sadd.s32 $0xA, s22;
	[tilespmem:s21+$0x280] =	vst v5  }
0xbb: {  	v2 =	vld.idx.msk [tilespmem:v11+s10+$0x0], $0xffff;
	v19 =	vadd.s32 v0, v3;
	v4 =	vadd.s32 s24, v1;
	s24 =	sadd.s32 $0xB, s22;
	[tilespmem:s21+$0x300] =	vst v6  }
.Ltmp2:
0xbc: {  	v3 =	vld.idx.msk [tilespmem:v7+s10+$0x0], $0xffff;
	v9 =	vadd.s32 v0, v4;
	v5 =	vadd.s32 s24, v1;
	s24 =	sadd.s32 $0xC, s22;
	[tilespmem:s21+$0xFFFFFC00] =	vst v13;
	s21 =	sadd.s32 $0x800, s21;
	(pc) =	sbr.rel @p0 .LBB2_3-.Ltmp2, $4  }
0xbd: {  	v4 =	vld.idx.msk [tilespmem:v8+s10+$0x0], $0xffff;
	v8 =	vadd.s32 v0, v5;
	v6 =	vadd.s32 s24, v1;
	s24 =	sadd.s32 $0xD, s22;
	[tilespmem:s21+$0x380] =	vst v14  }
0xbe: {  	[tilespmem:s21+$0xFFFFFC80] =	vst v15;
	v5 =	vld.idx.msk [tilespmem:v16+s10+$0x0], $0xffff;
	v10 =	vadd.s32 v0, v6;
	v7 =	vadd.s32 s24, v1;
	s24 =	sadd.s32 $0xE, s22  }
0xbf: {  	[tilespmem:s21+$0xFFFFFD00] =	vst v12;
	v6 =	vld.idx.msk [tilespmem:v18+s10+$0x0], $0xffff;
	v11 =	vadd.s32 v0, v7;
	v12 =	vadd.s32 s24, v1  }
0xc0: {  	v13 =	vadd.s32 s22, v1;
	s22 =	smov.u32 s23;
	s24 =	sadd.s32 $0xF, s23;
	s23 =	sadd.s32 $0x10, s23;
	[tilespmem:s21+$0xFFFFFD80] =	vst v17;
	v7 =	vld.idx.msk [tilespmem:v19+s10+$0x0], $0xffff;
	v12 =	vadd.s32 v0, v12  }
0xc1: {  	_ =	sdelay $0x2  }
0xc2: {  	[tilespmem:s21+$0xFFFFFE00] =	vst v2  }
0xc3: {  	s23 =	sadd.s32 $0x1, s22;
	v2 =	vadd.s32 s24, v1;
	v13 =	vadd.s32 v0, v13;
	v9 =	vld.idx.msk [tilespmem:v9+s10+$0x0], $0xffff;
	[tilespmem:s21+$0xFFFFFE80] =	vst v3  }
0xc4: {  	s28 =	sadd.s32 $0x2, s22;
	v8 =	vld.idx.msk [tilespmem:v8+s10+$0x0], $0xffff;
	v3 =	vadd.s32 s23, v1;
	v2 =	vadd.s32 v0, v2;
	[tilespmem:s21+$0xFFFFFF00] =	vst v4  }
0xc5: {  	s29 =	sadd.s32 $0x3, s22;
	v10 =	vld.idx.msk [tilespmem:v10+s10+$0x0], $0xffff;
	v4 =	vadd.s32 s28, v1;
	v3 =	vadd.s32 v0, v3;
	[tilespmem:s21+$0xFFFFFF80] =	vst v5  }
0xc6: {  	s30 =	sadd.s32 $0x4, s22;
	v11 =	vld.idx.msk [tilespmem:v11+s10+$0x0], $0xffff;
	v4 =	vadd.s32 v0, v4;
	v5 =	vadd.s32 s29, v1;
	[tilespmem:s21+$0x0] =	vst v6  }
0xc7: {  	s31 =	sadd.s32 $0x5, s22;
	v12 =	vld.idx.msk [tilespmem:v12+s10+$0x0], $0xffff;
	v5 =	vadd.s32 v0, v5;
	v6 =	vadd.s32 s30, v1;
	[tilespmem:s21+$0x80] =	vst v7  }
0xc8: {  	s0 =	sadd.s32 $0x6, s22;
	v6 =	vadd.s32 v0, v6;
	v7 =	vadd.s32 s31, v1;
	v13 =	vld.idx.msk [tilespmem:v13+s10+$0x0], $0xffff;
	[tilespmem:s21+$0x100] =	vst v9  }
0xc9: {  	s24 =	sadd.s32 $0x7, s22;
	v7 =	vadd.s32 v0, v7;
	v9 =	vadd.s32 s0, v1;
	[tilespmem:s21+$0x180] =	vst v8;
	v2 =	vld.idx.msk [tilespmem:v2+s10+$0x0], $0xffff  }
0xca: {  	s25 =	sadd.s32 $0x8, s22;
	[tilespmem:s21+$0x200] =	vst v10;
	v8 =	vadd.s32 v0, v9;
	v9 =	vadd.s32 s24, v1;
	v3 =	vld.idx.msk [tilespmem:v3+s10+$0x0], $0xffff  }
0xcb: {  	s26 =	sadd.s32 $0x9, s22;
	v10 =	vadd.s32 s25, v1;
	[tilespmem:s21+$0x280] =	vst v11;
	v4 =	vld.idx.msk [tilespmem:v4+s10+$0x0], $0xffff;
	v9 =	vadd.s32 v0, v9  }
0xcc: {  	s28 =	sadd.s32 $0xA, s22;
	v11 =	vadd.s32 s26, v1;
	[tilespmem:s21+$0x300] =	vst v12;
	v10 =	vadd.s32 v0, v10;
	v5 =	vld.idx.msk [tilespmem:v5+s10+$0x0], $0xffff  }
0xcd: {  	s29 =	sadd.s32 $0xB, s22;
	s30 =	sadd.s32 $0x800, s21;
	v12 =	vadd.s32 s28, v1;
	v11 =	vadd.s32 v0, v11;
	v6 =	vld.idx.msk [tilespmem:v6+s10+$0x0], $0xffff;
	[tilespmem:s21+$0xFFFFFC00] =	vst v13  }
0xce: {  	s31 =	sadd.s32 $0xC, s22;
	v12 =	vadd.s32 v0, v12;
	v7 =	vld.idx.msk [tilespmem:v7+s10+$0x0], $0xffff;
	v13 =	vadd.s32 s29, v1;
	[tilespmem:s30+$0x380] =	vst v2  }
0xcf: {  	s0 =	sadd.s32 $0xD, s22;
	v2 =	vld.idx.msk [tilespmem:v8+s10+$0x0], $0xffff;
	v8 =	vadd.s32 v0, v13;
	v13 =	vadd.s32 s31, v1;
	[tilespmem:s30+$0xFFFFFC80] =	vst v3  }
0xd0: {  	s24 =	sadd.s32 $0xE, s22;
	v3 =	vld.idx.msk [tilespmem:v9+s10+$0x0], $0xffff;
	v9 =	vadd.s32 v0, v13;
	v13 =	vadd.s32 s0, v1;
	[tilespmem:s30+$0xFFFFFD00] =	vst v4  }
0xd1: {  	v4 =	vld.idx.msk [tilespmem:v10+s10+$0x0], $0xffff;
	v10 =	vadd.s32 v0, v13;
	v13 =	vadd.s32 s24, v1;
	[tilespmem:s30+$0xFFFFFD80] =	vst v5  }
0xd2: {  	v1 =	vadd.s32 s22, v1;
	v5 =	vld.idx.msk [tilespmem:v11+s10+$0x0], $0xffff;
	v11 =	vadd.s32 v0, v13;
	[tilespmem:s30+$0xFFFFFE00] =	vst v6  }
0xd3: {  	v1 =	vadd.s32 v0, v1;
	v6 =	vld.idx.msk [tilespmem:v12+s10+$0x0], $0xffff;
	[tilespmem:s30+$0xFFFFFE80] =	vst v7  }
0xd4: {  	v7 =	vld.idx.msk [tilespmem:v8+s10+$0x0], $0xffff;
	[tilespmem:s30+$0xFFFFFF00] =	vst v2  }
0xd5: {  	v2 =	vld.idx.msk [tilespmem:v9+s10+$0x0], $0xffff;
	[tilespmem:s30+$0xFFFFFF80] =	vst v3  }
0xd6: {  	[tilespmem:s30+$0x0] =	vst v4;
	v3 =	vld.idx.msk [tilespmem:v10+s10+$0x0], $0xffff  }
0xd7: {  	[tilespmem:s30+$0x80] =	vst v5;
	v4 =	vld.idx.msk [tilespmem:v11+s10+$0x0], $0xffff  }
0xd8: {  	v1 =	vld.idx.msk [tilespmem:v1+s10+$0x0], $0xffff;
	[tilespmem:s30+$0x100] =	vst v6  }
0xd9: {  	[tilespmem:s30+$0x180] =	vst v7  }
0xda: {  	[tilespmem:s30+$0x200] =	vst v2  }
0xdb: {  	[tilespmem:s30+$0x280] =	vst v3  }
0xdc: {  	[tilespmem:s30+$0x300] =	vst v4  }
0xdd: {  	[tilespmem:s30+$0xFFFFFC00] =	vst v1  }
0xde: {  	v1 =	vld [tilespmem:s20+$0x810];
	_ =	sdelay $0x3  }
0xdf: {  	s25 =	simm.s32 $0x0  }
0xe0: {  	s26 =	simm.s32 $0x2;
	v7 =	vor.u32 $0x800, v0;
	v2 =	vadd.s32 s25, v1  }
0xe1: {  	s28 =	simm.s32 $0x9;
	v3 =	vadd.s32 s26, v1;
	v2 =	vadd.s32 v7, v2  }
0xe2: {  	s29 =	simm.s32 $0x3;
	v4 =	vadd.s32 s28, v1;
	v3 =	vadd.s32 v7, v3  }
0xe3: {  	s30 =	simm.s32 $0xE;
	v5 =	vadd.s32 s29, v1;
	v4 =	vadd.s32 v7, v4  }
0xe4: {  	s31 =	simm.s32 $0x1;
	v6 =	vadd.s32 s30, v1;
	v5 =	vadd.s32 v7, v5  }
0xe5: {  	s0 =	simm.s32 $0x6;
	v8 =	vadd.s32 s31, v1;
	v6 =	vadd.s32 v7, v6  }
0xe6: {  	s22 =	simm.s32 $0x7;
	v9 =	vadd.s32 s0, v1;
	v8 =	vadd.s32 v7, v8;
	v2 =	vld.idx.msk [tilespmem:v2+s10+$0x0], $0xffff  }
0xe7: {  	s23 =	simm.s32 $0xB;
	v9 =	vadd.s32 v7, v9;
	v10 =	vld.idx.msk [tilespmem:v3+s10+$0x0], $0xffff;
	v3 =	vadd.s32 s22, v1  }
0xe8: {  	s24 =	simm.s32 $0xA;
	v11 =	vadd.s32 s23, v1;
	v15 =	vld.idx.msk [tilespmem:v4+s10+$0x0], $0xffff;
	v12 =	vadd.s32 v7, v3  }
0xe9: {  	s25 =	simm.s32 $0x4;
	v16 =	vadd.s32 v7, v11;
	v17 =	vld.idx.msk [tilespmem:v5+s10+$0x0], $0xffff;
	v3 =	vadd.s32 s24, v1  }
0xea: {  	s26 =	simm.s32 $0x8;
	s28 =	simm.s32 $0xF;
	v14 =	vld.idx.msk [tilespmem:v6+s10+$0x0], $0xffff;
	v18 =	vadd.s32 v7, v3;
	v3 =	vadd.s32 s25, v1  }
0xeb: {  	s21 =	simm.s32 $0x9010;
	s30 =	simm.s32 $0xC;
	v11 =	vld.idx.msk [tilespmem:v8+s10+$0x0], $0xffff;
	v6 =	vadd.s32 s28, v1;
	v4 =	vadd.s32 v7, v3;
	v3 =	vadd.s32 s26, v1  }
0xec: {  	v13 =	vld.idx.msk [tilespmem:v9+s10+$0x0], $0xffff;
	v5 =	vadd.s32 v7, v3;
	v3 =	vadd.s32 v7, v6;
	v6 =	vadd.s32 s30, v1;
	[tilespmem:s21+$0xFFFFFC00] =	vst v2  }
0xed: {  	s29 =	simm.s32 $0x5;
	s31 =	simm.s32 $0xD;
	[tilespmem:s21+$0xFFFFFD00] =	vst v10;
	v10 =	vld.idx.msk [tilespmem:v12+s10+$0x0], $0xffff;
	v12 =	vadd.s32 v7, v6  }
0xee: {  	v8 =	vadd.s32 s31, v1;
	v9 =	vld.idx.msk [tilespmem:v16+s10+$0x0], $0xffff;
	v2 =	vadd.s32 s29, v1;
	[tilespmem:s21+$0x80] =	vst v15  }
0xef: {  	s23 =	simm.s32 $0x9810;
	s22 =	simm.s32 $0x10;
	[tilespmem:s21+$0xFFFFFD80] =	vst v17;
	v2 =	vadd.s32 v7, v2;
	v6 =	vadd.s32 v7, v8;
	v8 =	vld.idx.msk [tilespmem:v18+s10+$0x0], $0xffff  }
.LBB2_5:
0xf0: {  	v15 =	vadd.s32 s22, v1;
	s24 =	sadd.s32 $0x1, s22;
	s25 =	sadd.s32 $0x4, s22;
	s26 =	sadd.s32 $0x6, s22;
	v16 =	vld.idx.msk [tilespmem:v4+s10+$0x0], $0xffff;
	[tilespmem:s21+$0x300] =	vst v14  }
0xf1: {  	s28 =	sadd.s32 $0x5, s22;
	v14 =	vadd.s32 v7, v15;
	v15 =	vadd.s32 s24, v1;
	s24 =	sadd.s32 $0x2, s22;
	v4 =	vadd.s32 s26, v1;
	s26 =	sadd.s32 $0xE, s22;
	[tilespmem:s21+$0xFFFFFC80] =	vst v11;
	v11 =	vld.idx.msk [tilespmem:v5+s10+$0x0], $0xffff  }
0xf2: {  	s29 =	sadd.s32 $0x8, s22;
	s30 =	sadd.s32 $0x9, s22;
	v5 =	vadd.s32 s24, v1;
	s24 =	sadd.s32 $0x3, s22;
	v17 =	vadd.s32 v7, v4;
	v18 =	vadd.s32 s26, v1;
	[tilespmem:s21+$0xFFFFFF00] =	vst v13;
	v12 =	vld.idx.msk [tilespmem:v12+s10+$0x0], $0xffff  }
0xf3: {  	s26 =	sadd.s32 $0xB, s22;
	v13 =	vadd.s32 v7, v5;
	v4 =	vadd.s32 s24, v1;
	v5 =	vadd.s32 s30, v1;
	s24 =	sadd.s32 $0xA, s22;
	s30 =	sadd.s32 $0xC, s22;
	[tilespmem:s21+$0xFFFFFF80] =	vst v10;
	v10 =	vld.idx.msk [tilespmem:v3+s10+$0x0], $0xffff  }
0xf4: {  	s31 =	sadd.s32 $0xD, s22;
	s0 =	sadd.s32 $0xF, s22;
	v3 =	vadd.s32 s25, v1;
	s25 =	sadd.s32 $0x7, s22;
	v19 =	vadd.s32 v7, v4;
	v20 =	vadd.s32 v7, v5;
	[tilespmem:s21+$0x180] =	vst v9;
	v9 =	vld.idx.msk [tilespmem:v6+s10+$0x0], $0xffff  }
0xf5: {  	p0 =	slt.u32 s22, $0x30;
	v18 =	vadd.s32 v7, v18;
	s22 =	sadd.s32 $0x10, s22;
	v4 =	vadd.s32 v7, v3;
	v6 =	vadd.s32 s28, v1;
	v21 =	vld.idx.msk [tilespmem:v2+s10+$0x0], $0xffff;
	[tilespmem:s21+$0x100] =	vst v8  }
0xf6: {  	v3 =	vadd.s32 s24, v1;
	v2 =	vadd.s32 s29, v1;
	v8 =	vld.idx.msk [tilespmem:v14+s10+$0x0], $0xffff;
	v14 =	vadd.s32 s0, v1  }
0xf7: {  	v15 =	vadd.s32 v7, v15;
	v22 =	vadd.s32 v7, v3;
	v5 =	vadd.s32 v7, v2;
	[tilespmem:s21+$0xFFFFFE00] =	vst v16  }
0xf8: {  	v2 =	vadd.s32 s25, v1;
	v3 =	vadd.s32 v7, v14;
	v16 =	vld.idx.msk [tilespmem:v13+s10+$0x0], $0xffff;
	v13 =	vadd.s32 s26, v1;
	[tilespmem:s21+$0x200] =	vst v12  }
0xf9: {  	v23 =	vadd.s32 v7, v2;
	v12 =	vadd.s32 s30, v1;
	v20 =	vld.idx.msk [tilespmem:v20+s10+$0x0], $0xffff;
	v24 =	vadd.s32 v7, v13;
	[tilespmem:s21+$0x0] =	vst v11  }
0xfa: {  	v2 =	vadd.s32 v7, v6;
	v6 =	vadd.s32 s31, v1;
	v12 =	vadd.s32 v7, v12;
	v19 =	vld.idx.msk [tilespmem:v19+s10+$0x0], $0xffff;
	[tilespmem:s21+$0x380] =	vst v10  }
0xfb: {  	v6 =	vadd.s32 v7, v6;
	v14 =	vld.idx.msk [tilespmem:v18+s10+$0x0], $0xffff;
	[tilespmem:s21+$0x280] =	vst v9  }
.Ltmp3:
0xfc: {  	v11 =	vld.idx.msk [tilespmem:v15+s10+$0x0], $0xffff;
	[tilespmem:s21+$0xFFFFFE80] =	vst v21;
	s21 =	smov.u32 s23;
	(pc) =	sbr.rel @p0 .LBB2_5-.Ltmp3, $4  }
0xfd: {  	[tilespmem:s23+$0xFFFFFC00] =	vst v8;
	v13 =	vld.idx.msk [tilespmem:v17+s10+$0x0], $0xffff  }
0xfe: {  	[tilespmem:s23+$0xFFFFFD00] =	vst v16;
	v10 =	vld.idx.msk [tilespmem:v23+s10+$0x0], $0xffff  }
0xff: {  	[tilespmem:s23+$0x80] =	vst v20;
	v9 =	vld.idx.msk [tilespmem:v24+s10+$0x0], $0xffff  }
0x100: {  	s23 =	sadd.s32 $0x800, s23;
	[tilespmem:s21+$0xFFFFFD80] =	vst v19;
	v8 =	vld.idx.msk [tilespmem:v22+s10+$0x0], $0xffff  }
0x101: {  	_ =	sdelay $0x2  }
0x102: {  	[tilespmem:s21+$0x300] =	vst v14  }
0x103: {  	v1 =	vld.idx.msk [tilespmem:v4+s10+$0x0], $0xffff;
	[tilespmem:s21+$0xFFFFFC80] =	vst v11  }
0x104: {  	v4 =	vld.idx.msk [tilespmem:v12+s10+$0x0], $0xffff;
	[tilespmem:s21+$0xFFFFFF00] =	vst v13  }
0x105: {  	v5 =	vld.idx.msk [tilespmem:v5+s10+$0x0], $0xffff;
	[tilespmem:s21+$0xFFFFFF80] =	vst v10  }
0x106: {  	v3 =	vld.idx.msk [tilespmem:v3+s10+$0x0], $0xffff;
	[tilespmem:s21+$0x180] =	vst v9  }
0x107: {  	v6 =	vld.idx.msk [tilespmem:v6+s10+$0x0], $0xffff;
	[tilespmem:s21+$0x100] =	vst v8  }
0x108: {  	v2 =	vld.idx.msk [tilespmem:v2+s10+$0x0], $0xffff;
	[tilespmem:s21+$0xFFFFFE00] =	vst v1  }
0x109: {  	[tilespmem:s21+$0x200] =	vst v4  }
0x10a: {  	[tilespmem:s21+$0x0] =	vst v5  }
0x10b: {  	[tilespmem:s21+$0x380] =	vst v3  }
0x10c: {  	[tilespmem:s21+$0x280] =	vst v6  }
0x10d: {  	[tilespmem:s21+$0xFFFFFE80] =	vst v2  }
0x10e: {  	v1 =	vld [tilespmem:s20+$0x820];
	_ =	sdelay $0x3  }
0x10f: {  	s0 =	simm.s32 $0x0  }
0x110: {  	s28 =	simm.s32 $0x2;
	v6 =	vor.u32 $0x1000, v0;
	v2 =	vadd.s32 s0, v1  }
0x111: {  	s29 =	simm.s32 $0x9;
	v3 =	vadd.s32 s28, v1;
	v2 =	vadd.s32 v6, v2  }
0x112: {  	s30 =	simm.s32 $0x3;
	v4 =	vadd.s32 s29, v1;
	v3 =	vadd.s32 v6, v3  }
0x113: {  	s31 =	simm.s32 $0xE;
	v5 =	vadd.s32 s30, v1;
	v4 =	vadd.s32 v6, v4  }
0x114: {  	s22 =	simm.s32 $0x1;
	v8 =	vadd.s32 s31, v1;
	v5 =	vadd.s32 v6, v5  }
0x115: {  	s23 =	simm.s32 $0x6;
	v9 =	vadd.s32 s22, v1;
	v8 =	vadd.s32 v6, v8  }
0x116: {  	s24 =	simm.s32 $0x7;
	v10 =	vadd.s32 s23, v1;
	v9 =	vadd.s32 v6, v9;
	v2 =	vld.idx.msk [tilespmem:v2+s10+$0x0], $0xffff  }
0x117: {  	s25 =	simm.s32 $0xB;
	v10 =	vadd.s32 v6, v10;
	v11 =	vld.idx.msk [tilespmem:v3+s10+$0x0], $0xffff;
	v3 =	vadd.s32 s24, v1  }
0x118: {  	s26 =	simm.s32 $0xA;
	v12 =	vadd.s32 s25, v1;
	v16 =	vld.idx.msk [tilespmem:v4+s10+$0x0], $0xffff;
	v13 =	vadd.s32 v6, v3  }
0x119: {  	s28 =	simm.s32 $0x4;
	v17 =	vadd.s32 v6, v12;
	v18 =	vld.idx.msk [tilespmem:v5+s10+$0x0], $0xffff;
	v3 =	vadd.s32 s26, v1  }
0x11a: {  	s22 =	simm.s32 $0x8;
	s29 =	simm.s32 $0xF;
	v15 =	vld.idx.msk [tilespmem:v8+s10+$0x0], $0xffff;
	v19 =	vadd.s32 v6, v3;
	v3 =	vadd.s32 s28, v1  }
0x11b: {  	s21 =	simm.s32 $0x9020;
	s30 =	simm.s32 $0xC;
	v12 =	vld.idx.msk [tilespmem:v9+s10+$0x0], $0xffff;
	v8 =	vadd.s32 s29, v1;
	v4 =	vadd.s32 v6, v3;
	v3 =	vadd.s32 s22, v1  }
0x11c: {  	v14 =	vld.idx.msk [tilespmem:v10+s10+$0x0], $0xffff;
	v5 =	vadd.s32 v6, v3;
	v3 =	vadd.s32 v6, v8;
	v8 =	vadd.s32 s30, v1;
	[tilespmem:s21+$0xFFFFFC00] =	vst v2  }
0x11d: {  	s23 =	simm.s32 $0x5;
	s31 =	simm.s32 $0xD;
	[tilespmem:s21+$0xFFFFFD00] =	vst v11;
	v11 =	vld.idx.msk [tilespmem:v13+s10+$0x0], $0xffff;
	v13 =	vadd.s32 v6, v8  }
0x11e: {  	v9 =	vadd.s32 s31, v1;
	v10 =	vld.idx.msk [tilespmem:v17+s10+$0x0], $0xffff;
	v2 =	vadd.s32 s23, v1;
	[tilespmem:s21+$0x80] =	vst v16  }
0x11f: {  	s22 =	simm.s32 $0x10;
	[tilespmem:s21+$0xFFFFFD80] =	vst v18;
	s23 =	simm.s32 $0x9820;
	v2 =	vadd.s32 v6, v2;
	v8 =	vadd.s32 v6, v9;
	v9 =	vld.idx.msk [tilespmem:v19+s10+$0x0], $0xffff  }
.LBB2_7:
0x120: {  	v16 =	vadd.s32 s22, v1;
	s0 =	sadd.s32 $0x1, s22;
	s24 =	sadd.s32 $0x4, s22;
	s25 =	sadd.s32 $0x6, s22;
	v17 =	vld.idx.msk [tilespmem:v4+s10+$0x0], $0xffff;
	[tilespmem:s21+$0x300] =	vst v15  }
0x121: {  	s26 =	sadd.s32 $0x5, s22;
	v15 =	vadd.s32 v6, v16;
	v16 =	vadd.s32 s0, v1;
	s0 =	sadd.s32 $0x2, s22;
	v4 =	vadd.s32 s25, v1;
	s25 =	sadd.s32 $0xE, s22;
	[tilespmem:s21+$0xFFFFFC80] =	vst v12;
	v12 =	vld.idx.msk [tilespmem:v5+s10+$0x0], $0xffff  }
0x122: {  	s28 =	sadd.s32 $0x8, s22;
	s29 =	sadd.s32 $0x9, s22;
	v5 =	vadd.s32 s0, v1;
	s0 =	sadd.s32 $0x3, s22;
	v18 =	vadd.s32 v6, v4;
	v19 =	vadd.s32 s25, v1;
	[tilespmem:s21+$0xFFFFFF00] =	vst v14;
	v13 =	vld.idx.msk [tilespmem:v13+s10+$0x0], $0xffff  }
0x123: {  	s25 =	sadd.s32 $0xB, s22;
	v14 =	vadd.s32 v6, v5;
	v4 =	vadd.s32 s0, v1;
	v5 =	vadd.s32 s29, v1;
	s0 =	sadd.s32 $0xA, s22;
	s29 =	sadd.s32 $0xC, s22;
	[tilespmem:s21+$0xFFFFFF80] =	vst v11;
	v11 =	vld.idx.msk [tilespmem:v3+s10+$0x0], $0xffff  }
0x124: {  	s30 =	sadd.s32 $0xD, s22;
	s31 =	sadd.s32 $0xF, s22;
	v3 =	vadd.s32 s24, v1;
	s24 =	sadd.s32 $0x7, s22;
	v20 =	vadd.s32 v6, v4;
	v21 =	vadd.s32 v6, v5;
	[tilespmem:s21+$0x180] =	vst v10;
	v10 =	vld.idx.msk [tilespmem:v8+s10+$0x0], $0xffff  }
0x125: {  	p0 =	slt.u32 s22, $0x30;
	v19 =	vadd.s32 v6, v19;
	s22 =	sadd.s32 $0x10, s22;
	v4 =	vadd.s32 v6, v3;
	v8 =	vadd.s32 s26, v1;
	v22 =	vld.idx.msk [tilespmem:v2+s10+$0x0], $0xffff;
	[tilespmem:s21+$0x100] =	vst v9  }
0x126: {  	v3 =	vadd.s32 s0, v1;
	v2 =	vadd.s32 s28, v1;
	v9 =	vld.idx.msk [tilespmem:v15+s10+$0x0], $0xffff;
	v15 =	vadd.s32 s31, v1  }
0x127: {  	v16 =	vadd.s32 v6, v16;
	v23 =	vadd.s32 v6, v3;
	v5 =	vadd.s32 v6, v2;
	[tilespmem:s21+$0xFFFFFE00] =	vst v17  }
0x128: {  	v2 =	vadd.s32 s24, v1;
	v3 =	vadd.s32 v6, v15;
	v17 =	vld.idx.msk [tilespmem:v14+s10+$0x0], $0xffff;
	v14 =	vadd.s32 s25, v1;
	[tilespmem:s21+$0x200] =	vst v13  }
0x129: {  	v24 =	vadd.s32 v6, v2;
	v13 =	vadd.s32 s29, v1;
	v21 =	vld.idx.msk [tilespmem:v21+s10+$0x0], $0xffff;
	v25 =	vadd.s32 v6, v14;
	[tilespmem:s21+$0x0] =	vst v12  }
0x12a: {  	v2 =	vadd.s32 v6, v8;
	v8 =	vadd.s32 s30, v1;
	v13 =	vadd.s32 v6, v13;
	v20 =	vld.idx.msk [tilespmem:v20+s10+$0x0], $0xffff;
	[tilespmem:s21+$0x380] =	vst v11  }
0x12b: {  	v8 =	vadd.s32 v6, v8;
	v15 =	vld.idx.msk [tilespmem:v19+s10+$0x0], $0xffff;
	[tilespmem:s21+$0x280] =	vst v10  }
.Ltmp4:
0x12c: {  	v12 =	vld.idx.msk [tilespmem:v16+s10+$0x0], $0xffff;
	[tilespmem:s21+$0xFFFFFE80] =	vst v22;
	s21 =	smov.u32 s23;
	(pc) =	sbr.rel @p0 .LBB2_7-.Ltmp4, $4  }
0x12d: {  	[tilespmem:s23+$0xFFFFFC00] =	vst v9;
	v14 =	vld.idx.msk [tilespmem:v18+s10+$0x0], $0xffff  }
0x12e: {  	[tilespmem:s23+$0xFFFFFD00] =	vst v17;
	v11 =	vld.idx.msk [tilespmem:v24+s10+$0x0], $0xffff  }
0x12f: {  	[tilespmem:s23+$0x80] =	vst v21;
	v10 =	vld.idx.msk [tilespmem:v25+s10+$0x0], $0xffff  }
0x130: {  	s23 =	sadd.s32 $0x800, s23;
	[tilespmem:s21+$0xFFFFFD80] =	vst v20;
	v9 =	vld.idx.msk [tilespmem:v23+s10+$0x0], $0xffff  }
0x131: {  	_ =	sdelay $0x2  }
0x132: {  	[tilespmem:s21+$0x300] =	vst v15  }
0x133: {  	v1 =	vld.idx.msk [tilespmem:v4+s10+$0x0], $0xffff;
	[tilespmem:s21+$0xFFFFFC80] =	vst v12  }
0x134: {  	v4 =	vld.idx.msk [tilespmem:v13+s10+$0x0], $0xffff;
	[tilespmem:s21+$0xFFFFFF00] =	vst v14  }
0x135: {  	v5 =	vld.idx.msk [tilespmem:v5+s10+$0x0], $0xffff;
	[tilespmem:s21+$0xFFFFFF80] =	vst v11  }
0x136: {  	v3 =	vld.idx.msk [tilespmem:v3+s10+$0x0], $0xffff;
	[tilespmem:s21+$0x180] =	vst v10  }
0x137: {  	v8 =	vld.idx.msk [tilespmem:v8+s10+$0x0], $0xffff;
	[tilespmem:s21+$0x100] =	vst v9  }
0x138: {  	v2 =	vld.idx.msk [tilespmem:v2+s10+$0x0], $0xffff;
	[tilespmem:s21+$0xFFFFFE00] =	vst v1  }
0x139: {  	[tilespmem:s21+$0x200] =	vst v4  }
0x13a: {  	[tilespmem:s21+$0x0] =	vst v5  }
0x13b: {  	[tilespmem:s21+$0x380] =	vst v3  }
0x13c: {  	[tilespmem:s21+$0x280] =	vst v8  }
0x13d: {  	[tilespmem:s21+$0xFFFFFE80] =	vst v2  }
0x13e: {  	v1 =	vld [tilespmem:s20+$0x830];
	_ =	sdelay $0x3  }
0x13f: {  	s0 =	simm.s32 $0x0  }
0x140: {  	s28 =	simm.s32 $0x2;
	v5 =	vor.u32 $0x1800, v0;
	v2 =	vadd.s32 s0, v1  }
0x141: {  	s29 =	simm.s32 $0x9;
	v3 =	vadd.s32 s28, v1;
	v2 =	vadd.s32 v5, v2  }
0x142: {  	s30 =	simm.s32 $0x3;
	v4 =	vadd.s32 s29, v1;
	v3 =	vadd.s32 v5, v3  }
0x143: {  	s31 =	simm.s32 $0xE;
	v8 =	vadd.s32 s30, v1;
	v4 =	vadd.s32 v5, v4  }
0x144: {  	s22 =	simm.s32 $0x1;
	v9 =	vadd.s32 s31, v1;
	v8 =	vadd.s32 v5, v8  }
0x145: {  	s23 =	simm.s32 $0x6;
	v10 =	vadd.s32 s22, v1;
	v9 =	vadd.s32 v5, v9  }
0x146: {  	s24 =	simm.s32 $0x7;
	v11 =	vadd.s32 s23, v1;
	v10 =	vadd.s32 v5, v10;
	v2 =	vld.idx.msk [tilespmem:v2+s10+$0x0], $0xffff  }
0x147: {  	s25 =	simm.s32 $0xB;
	v11 =	vadd.s32 v5, v11;
	v12 =	vld.idx.msk [tilespmem:v3+s10+$0x0], $0xffff;
	v3 =	vadd.s32 s24, v1  }
0x148: {  	s26 =	simm.s32 $0xA;
	v13 =	vadd.s32 s25, v1;
	v17 =	vld.idx.msk [tilespmem:v4+s10+$0x0], $0xffff;
	v14 =	vadd.s32 v5, v3  }
0x149: {  	s28 =	simm.s32 $0x4;
	v18 =	vadd.s32 v5, v13;
	v19 =	vld.idx.msk [tilespmem:v8+s10+$0x0], $0xffff;
	v3 =	vadd.s32 s26, v1  }
0x14a: {  	s22 =	simm.s32 $0x8;
	s29 =	simm.s32 $0xF;
	v16 =	vld.idx.msk [tilespmem:v9+s10+$0x0], $0xffff;
	v20 =	vadd.s32 v5, v3;
	v3 =	vadd.s32 s28, v1  }
0x14b: {  	s21 =	simm.s32 $0x9030;
	s30 =	simm.s32 $0xC;
	v13 =	vld.idx.msk [tilespmem:v10+s10+$0x0], $0xffff;
	v9 =	vadd.s32 s29, v1;
	v4 =	vadd.s32 v5, v3;
	v3 =	vadd.s32 s22, v1  }
0x14c: {  	v15 =	vld.idx.msk [tilespmem:v11+s10+$0x0], $0xffff;
	v8 =	vadd.s32 v5, v3;
	v3 =	vadd.s32 v5, v9;
	v9 =	vadd.s32 s30, v1;
	[tilespmem:s21+$0xFFFFFC00] =	vst v2  }
0x14d: {  	s23 =	simm.s32 $0x5;
	s31 =	simm.s32 $0xD;
	[tilespmem:s21+$0xFFFFFD00] =	vst v12;
	v12 =	vld.idx.msk [tilespmem:v14+s10+$0x0], $0xffff;
	v14 =	vadd.s32 v5, v9  }
0x14e: {  	v10 =	vadd.s32 s31, v1;
	v11 =	vld.idx.msk [tilespmem:v18+s10+$0x0], $0xffff;
	v2 =	vadd.s32 s23, v1;
	[tilespmem:s21+$0x80] =	vst v17  }
0x14f: {  	s22 =	simm.s32 $0x10;
	[tilespmem:s21+$0xFFFFFD80] =	vst v19;
	s23 =	simm.s32 $0x9830;
	v2 =	vadd.s32 v5, v2;
	v9 =	vadd.s32 v5, v10;
	v10 =	vld.idx.msk [tilespmem:v20+s10+$0x0], $0xffff  }
.LBB2_9:
0x150: {  	v17 =	vadd.s32 s22, v1;
	s0 =	sadd.s32 $0x1, s22;
	s24 =	sadd.s32 $0x4, s22;
	s25 =	sadd.s32 $0x6, s22;
	v18 =	vld.idx.msk [tilespmem:v4+s10+$0x0], $0xffff;
	[tilespmem:s21+$0x300] =	vst v16  }
0x151: {  	s26 =	sadd.s32 $0x5, s22;
	v16 =	vadd.s32 v5, v17;
	v17 =	vadd.s32 s0, v1;
	s0 =	sadd.s32 $0x2, s22;
	v4 =	vadd.s32 s25, v1;
	s25 =	sadd.s32 $0xE, s22;
	[tilespmem:s21+$0xFFFFFC80] =	vst v13;
	v13 =	vld.idx.msk [tilespmem:v8+s10+$0x0], $0xffff  }
0x152: {  	s28 =	sadd.s32 $0x8, s22;
	s29 =	sadd.s32 $0x9, s22;
	v8 =	vadd.s32 s0, v1;
	s0 =	sadd.s32 $0x3, s22;
	v19 =	vadd.s32 v5, v4;
	v20 =	vadd.s32 s25, v1;
	[tilespmem:s21+$0xFFFFFF00] =	vst v15;
	v14 =	vld.idx.msk [tilespmem:v14+s10+$0x0], $0xffff  }
0x153: {  	s25 =	sadd.s32 $0xB, s22;
	v15 =	vadd.s32 v5, v8;
	v4 =	vadd.s32 s0, v1;
	v8 =	vadd.s32 s29, v1;
	s0 =	sadd.s32 $0xA, s22;
	s29 =	sadd.s32 $0xC, s22;
	[tilespmem:s21+$0xFFFFFF80] =	vst v12;
	v12 =	vld.idx.msk [tilespmem:v3+s10+$0x0], $0xffff  }
0x154: {  	s30 =	sadd.s32 $0xD, s22;
	s31 =	sadd.s32 $0xF, s22;
	v3 =	vadd.s32 s24, v1;
	s24 =	sadd.s32 $0x7, s22;
	v21 =	vadd.s32 v5, v4;
	v22 =	vadd.s32 v5, v8;
	[tilespmem:s21+$0x180] =	vst v11;
	v11 =	vld.idx.msk [tilespmem:v9+s10+$0x0], $0xffff  }
0x155: {  	p0 =	slt.u32 s22, $0x30;
	v20 =	vadd.s32 v5, v20;
	s22 =	sadd.s32 $0x10, s22;
	v4 =	vadd.s32 v5, v3;
	v9 =	vadd.s32 s26, v1;
	v23 =	vld.idx.msk [tilespmem:v2+s10+$0x0], $0xffff;
	[tilespmem:s21+$0x100] =	vst v10  }
0x156: {  	v3 =	vadd.s32 s0, v1;
	v2 =	vadd.s32 s28, v1;
	v10 =	vld.idx.msk [tilespmem:v16+s10+$0x0], $0xffff;
	v16 =	vadd.s32 s31, v1  }
0x157: {  	v17 =	vadd.s32 v5, v17;
	v24 =	vadd.s32 v5, v3;
	v8 =	vadd.s32 v5, v2;
	[tilespmem:s21+$0xFFFFFE00] =	vst v18  }
0x158: {  	v2 =	vadd.s32 s24, v1;
	v3 =	vadd.s32 v5, v16;
	v18 =	vld.idx.msk [tilespmem:v15+s10+$0x0], $0xffff;
	v15 =	vadd.s32 s25, v1;
	[tilespmem:s21+$0x200] =	vst v14  }
0x159: {  	v25 =	vadd.s32 v5, v2;
	v14 =	vadd.s32 s29, v1;
	v22 =	vld.idx.msk [tilespmem:v22+s10+$0x0], $0xffff;
	v26 =	vadd.s32 v5, v15;
	[tilespmem:s21+$0x0] =	vst v13  }
0x15a: {  	v2 =	vadd.s32 v5, v9;
	v9 =	vadd.s32 s30, v1;
	v14 =	vadd.s32 v5, v14;
	v21 =	vld.idx.msk [tilespmem:v21+s10+$0x0], $0xffff;
	[tilespmem:s21+$0x380] =	vst v12  }
0x15b: {  	v9 =	vadd.s32 v5, v9;
	v16 =	vld.idx.msk [tilespmem:v20+s10+$0x0], $0xffff;
	[tilespmem:s21+$0x280] =	vst v11  }
.Ltmp5:
0x15c: {  	v13 =	vld.idx.msk [tilespmem:v17+s10+$0x0], $0xffff;
	[tilespmem:s21+$0xFFFFFE80] =	vst v23;
	s21 =	smov.u32 s23;
	(pc) =	sbr.rel @p0 .LBB2_9-.Ltmp5, $4  }
0x15d: {  	[tilespmem:s23+$0xFFFFFC00] =	vst v10;
	v15 =	vld.idx.msk [tilespmem:v19+s10+$0x0], $0xffff  }
0x15e: {  	[tilespmem:s23+$0xFFFFFD00] =	vst v18;
	v12 =	vld.idx.msk [tilespmem:v25+s10+$0x0], $0xffff  }
0x15f: {  	[tilespmem:s23+$0x80] =	vst v22;
	v11 =	vld.idx.msk [tilespmem:v26+s10+$0x0], $0xffff  }
0x160: {  	s23 =	sadd.s32 $0x800, s23;
	[tilespmem:s21+$0xFFFFFD80] =	vst v21;
	v10 =	vld.idx.msk [tilespmem:v24+s10+$0x0], $0xffff  }
0x161: {  	_ =	sdelay $0x2  }
0x162: {  	[tilespmem:s21+$0x300] =	vst v16  }
0x163: {  	v1 =	vld.idx.msk [tilespmem:v4+s10+$0x0], $0xffff;
	[tilespmem:s21+$0xFFFFFC80] =	vst v13  }
0x164: {  	v4 =	vld.idx.msk [tilespmem:v14+s10+$0x0], $0xffff;
	[tilespmem:s21+$0xFFFFFF00] =	vst v15  }
0x165: {  	v8 =	vld.idx.msk [tilespmem:v8+s10+$0x0], $0xffff;
	[tilespmem:s21+$0xFFFFFF80] =	vst v12  }
0x166: {  	v3 =	vld.idx.msk [tilespmem:v3+s10+$0x0], $0xffff;
	[tilespmem:s21+$0x180] =	vst v11  }
0x167: {  	v9 =	vld.idx.msk [tilespmem:v9+s10+$0x0], $0xffff;
	[tilespmem:s21+$0x100] =	vst v10  }
0x168: {  	v2 =	vld.idx.msk [tilespmem:v2+s10+$0x0], $0xffff;
	[tilespmem:s21+$0xFFFFFE00] =	vst v1  }
0x169: {  	[tilespmem:s21+$0x200] =	vst v4  }
0x16a: {  	[tilespmem:s21+$0x0] =	vst v8  }
0x16b: {  	[tilespmem:s21+$0x380] =	vst v3  }
0x16c: {  	[tilespmem:s21+$0x280] =	vst v9  }
0x16d: {  	[tilespmem:s21+$0xFFFFFE80] =	vst v2  }
0x16e: {  	v1 =	vld [tilespmem:s20+$0x840];
	_ =	sdelay $0x3  }
0x16f: {  	s0 =	simm.s32 $0x0  }
0x170: {  	s28 =	simm.s32 $0x2;
	v4 =	vor.u32 $0x2000, v0;
	v2 =	vadd.s32 s0, v1  }
0x171: {  	s29 =	simm.s32 $0x9;
	v3 =	vadd.s32 s28, v1;
	v2 =	vadd.s32 v4, v2  }
0x172: {  	s30 =	simm.s32 $0x3;
	v8 =	vadd.s32 s29, v1;
	v3 =	vadd.s32 v4, v3  }
0x173: {  	s31 =	simm.s32 $0xE;
	v9 =	vadd.s32 s30, v1;
	v8 =	vadd.s32 v4, v8  }
0x174: {  	s22 =	simm.s32 $0x1;
	v10 =	vadd.s32 s31, v1;
	v9 =	vadd.s32 v4, v9  }
0x175: {  	s23 =	simm.s32 $0x6;
	v11 =	vadd.s32 s22, v1;
	v10 =	vadd.s32 v4, v10  }
0x176: {  	s24 =	simm.s32 $0x7;
	v12 =	vadd.s32 s23, v1;
	v11 =	vadd.s32 v4, v11;
	v2 =	vld.idx.msk [tilespmem:v2+s10+$0x0], $0xffff  }
0x177: {  	s25 =	simm.s32 $0xB;
	v12 =	vadd.s32 v4, v12;
	v13 =	vld.idx.msk [tilespmem:v3+s10+$0x0], $0xffff;
	v3 =	vadd.s32 s24, v1  }
0x178: {  	s26 =	simm.s32 $0xA;
	v14 =	vadd.s32 s25, v1;
	v18 =	vld.idx.msk [tilespmem:v8+s10+$0x0], $0xffff;
	v15 =	vadd.s32 v4, v3  }
0x179: {  	s28 =	simm.s32 $0x4;
	v19 =	vadd.s32 v4, v14;
	v20 =	vld.idx.msk [tilespmem:v9+s10+$0x0], $0xffff;
	v3 =	vadd.s32 s26, v1  }
0x17a: {  	s22 =	simm.s32 $0x8;
	s29 =	simm.s32 $0xF;
	v17 =	vld.idx.msk [tilespmem:v10+s10+$0x0], $0xffff;
	v21 =	vadd.s32 v4, v3;
	v3 =	vadd.s32 s28, v1  }
0x17b: {  	s21 =	simm.s32 $0x9040;
	s30 =	simm.s32 $0xC;
	v14 =	vld.idx.msk [tilespmem:v11+s10+$0x0], $0xffff;
	v10 =	vadd.s32 s29, v1;
	v8 =	vadd.s32 v4, v3;
	v3 =	vadd.s32 s22, v1  }
0x17c: {  	v16 =	vld.idx.msk [tilespmem:v12+s10+$0x0], $0xffff;
	v9 =	vadd.s32 v4, v3;
	v3 =	vadd.s32 v4, v10;
	v10 =	vadd.s32 s30, v1;
	[tilespmem:s21+$0xFFFFFC00] =	vst v2  }
0x17d: {  	s23 =	simm.s32 $0x5;
	s31 =	simm.s32 $0xD;
	[tilespmem:s21+$0xFFFFFD00] =	vst v13;
	v13 =	vld.idx.msk [tilespmem:v15+s10+$0x0], $0xffff;
	v15 =	vadd.s32 v4, v10  }
0x17e: {  	v11 =	vadd.s32 s31, v1;
	v12 =	vld.idx.msk [tilespmem:v19+s10+$0x0], $0xffff;
	v2 =	vadd.s32 s23, v1;
	[tilespmem:s21+$0x80] =	vst v18  }
0x17f: {  	s22 =	simm.s32 $0x10;
	[tilespmem:s21+$0xFFFFFD80] =	vst v20;
	s23 =	simm.s32 $0x9840;
	v2 =	vadd.s32 v4, v2;
	v10 =	vadd.s32 v4, v11;
	v11 =	vld.idx.msk [tilespmem:v21+s10+$0x0], $0xffff  }
.LBB2_11:
0x180: {  	v18 =	vadd.s32 s22, v1;
	s0 =	sadd.s32 $0x1, s22;
	s24 =	sadd.s32 $0x4, s22;
	s25 =	sadd.s32 $0x6, s22;
	v19 =	vld.idx.msk [tilespmem:v8+s10+$0x0], $0xffff;
	[tilespmem:s21+$0x300] =	vst v17  }
0x181: {  	s26 =	sadd.s32 $0x5, s22;
	v17 =	vadd.s32 v4, v18;
	v18 =	vadd.s32 s0, v1;
	s0 =	sadd.s32 $0x2, s22;
	v8 =	vadd.s32 s25, v1;
	s25 =	sadd.s32 $0xE, s22;
	[tilespmem:s21+$0xFFFFFC80] =	vst v14;
	v14 =	vld.idx.msk [tilespmem:v9+s10+$0x0], $0xffff  }
0x182: {  	s28 =	sadd.s32 $0x8, s22;
	s29 =	sadd.s32 $0x9, s22;
	v9 =	vadd.s32 s0, v1;
	s0 =	sadd.s32 $0x3, s22;
	v20 =	vadd.s32 v4, v8;
	v21 =	vadd.s32 s25, v1;
	[tilespmem:s21+$0xFFFFFF00] =	vst v16;
	v15 =	vld.idx.msk [tilespmem:v15+s10+$0x0], $0xffff  }
0x183: {  	s25 =	sadd.s32 $0xB, s22;
	v16 =	vadd.s32 v4, v9;
	v8 =	vadd.s32 s0, v1;
	v9 =	vadd.s32 s29, v1;
	s0 =	sadd.s32 $0xA, s22;
	s29 =	sadd.s32 $0xC, s22;
	[tilespmem:s21+$0xFFFFFF80] =	vst v13;
	v13 =	vld.idx.msk [tilespmem:v3+s10+$0x0], $0xffff  }
0x184: {  	s30 =	sadd.s32 $0xD, s22;
	s31 =	sadd.s32 $0xF, s22;
	v3 =	vadd.s32 s24, v1;
	s24 =	sadd.s32 $0x7, s22;
	v22 =	vadd.s32 v4, v8;
	v23 =	vadd.s32 v4, v9;
	[tilespmem:s21+$0x180] =	vst v12;
	v12 =	vld.idx.msk [tilespmem:v10+s10+$0x0], $0xffff  }
0x185: {  	p0 =	slt.u32 s22, $0x30;
	v21 =	vadd.s32 v4, v21;
	s22 =	sadd.s32 $0x10, s22;
	v8 =	vadd.s32 v4, v3;
	v10 =	vadd.s32 s26, v1;
	v24 =	vld.idx.msk [tilespmem:v2+s10+$0x0], $0xffff;
	[tilespmem:s21+$0x100] =	vst v11  }
0x186: {  	v3 =	vadd.s32 s0, v1;
	v2 =	vadd.s32 s28, v1;
	v11 =	vld.idx.msk [tilespmem:v17+s10+$0x0], $0xffff;
	v17 =	vadd.s32 s31, v1  }
0x187: {  	v18 =	vadd.s32 v4, v18;
	v25 =	vadd.s32 v4, v3;
	v9 =	vadd.s32 v4, v2;
	[tilespmem:s21+$0xFFFFFE00] =	vst v19  }
0x188: {  	v2 =	vadd.s32 s24, v1;
	v3 =	vadd.s32 v4, v17;
	v19 =	vld.idx.msk [tilespmem:v16+s10+$0x0], $0xffff;
	v16 =	vadd.s32 s25, v1;
	[tilespmem:s21+$0x200] =	vst v15  }
0x189: {  	v26 =	vadd.s32 v4, v2;
	v15 =	vadd.s32 s29, v1;
	v23 =	vld.idx.msk [tilespmem:v23+s10+$0x0], $0xffff;
	v27 =	vadd.s32 v4, v16;
	[tilespmem:s21+$0x0] =	vst v14  }
0x18a: {  	v2 =	vadd.s32 v4, v10;
	v10 =	vadd.s32 s30, v1;
	v15 =	vadd.s32 v4, v15;
	v22 =	vld.idx.msk [tilespmem:v22+s10+$0x0], $0xffff;
	[tilespmem:s21+$0x380] =	vst v13  }
0x18b: {  	v10 =	vadd.s32 v4, v10;
	v17 =	vld.idx.msk [tilespmem:v21+s10+$0x0], $0xffff;
	[tilespmem:s21+$0x280] =	vst v12  }
.Ltmp6:
0x18c: {  	v14 =	vld.idx.msk [tilespmem:v18+s10+$0x0], $0xffff;
	[tilespmem:s21+$0xFFFFFE80] =	vst v24;
	s21 =	smov.u32 s23;
	(pc) =	sbr.rel @p0 .LBB2_11-.Ltmp6, $4  }
0x18d: {  	[tilespmem:s23+$0xFFFFFC00] =	vst v11;
	v16 =	vld.idx.msk [tilespmem:v20+s10+$0x0], $0xffff  }
0x18e: {  	[tilespmem:s23+$0xFFFFFD00] =	vst v19;
	v13 =	vld.idx.msk [tilespmem:v26+s10+$0x0], $0xffff  }
0x18f: {  	[tilespmem:s23+$0x80] =	vst v23;
	v12 =	vld.idx.msk [tilespmem:v27+s10+$0x0], $0xffff  }
0x190: {  	s23 =	sadd.s32 $0x800, s23;
	[tilespmem:s21+$0xFFFFFD80] =	vst v22;
	v11 =	vld.idx.msk [tilespmem:v25+s10+$0x0], $0xffff  }
0x191: {  	_ =	sdelay $0x2  }
0x192: {  	[tilespmem:s21+$0x300] =	vst v17  }
0x193: {  	v1 =	vld.idx.msk [tilespmem:v8+s10+$0x0], $0xffff;
	[tilespmem:s21+$0xFFFFFC80] =	vst v14  }
0x194: {  	v8 =	vld.idx.msk [tilespmem:v15+s10+$0x0], $0xffff;
	[tilespmem:s21+$0xFFFFFF00] =	vst v16  }
0x195: {  	v9 =	vld.idx.msk [tilespmem:v9+s10+$0x0], $0xffff;
	[tilespmem:s21+$0xFFFFFF80] =	vst v13  }
0x196: {  	v3 =	vld.idx.msk [tilespmem:v3+s10+$0x0], $0xffff;
	[tilespmem:s21+$0x180] =	vst v12  }
0x197: {  	v10 =	vld.idx.msk [tilespmem:v10+s10+$0x0], $0xffff;
	[tilespmem:s21+$0x100] =	vst v11  }
0x198: {  	v2 =	vld.idx.msk [tilespmem:v2+s10+$0x0], $0xffff;
	[tilespmem:s21+$0xFFFFFE00] =	vst v1  }
0x199: {  	[tilespmem:s21+$0x200] =	vst v8  }
0x19a: {  	[tilespmem:s21+$0x0] =	vst v9  }
0x19b: {  	[tilespmem:s21+$0x380] =	vst v3  }
0x19c: {  	[tilespmem:s21+$0x280] =	vst v10  }
0x19d: {  	[tilespmem:s21+$0xFFFFFE80] =	vst v2  }
0x19e: {  	v1 =	vld [tilespmem:s20+$0x850];
	_ =	sdelay $0x3  }
0x19f: {  	s0 =	simm.s32 $0x0  }
0x1a0: {  	s28 =	simm.s32 $0x2;
	v3 =	vor.u32 $0x2800, v0;
	v2 =	vadd.s32 s0, v1  }
0x1a1: {  	s29 =	simm.s32 $0x9;
	v8 =	vadd.s32 s28, v1;
	v2 =	vadd.s32 v3, v2  }
0x1a2: {  	s30 =	simm.s32 $0x3;
	v9 =	vadd.s32 s29, v1;
	v8 =	vadd.s32 v3, v8  }
0x1a3: {  	s31 =	simm.s32 $0xE;
	v10 =	vadd.s32 s30, v1;
	v9 =	vadd.s32 v3, v9  }
0x1a4: {  	s22 =	simm.s32 $0x1;
	v11 =	vadd.s32 s31, v1;
	v10 =	vadd.s32 v3, v10  }
0x1a5: {  	s23 =	simm.s32 $0x6;
	v12 =	vadd.s32 s22, v1;
	v11 =	vadd.s32 v3, v11  }
0x1a6: {  	s24 =	simm.s32 $0x7;
	v13 =	vadd.s32 s23, v1;
	v12 =	vadd.s32 v3, v12;
	v2 =	vld.idx.msk [tilespmem:v2+s10+$0x0], $0xffff  }
0x1a7: {  	s25 =	simm.s32 $0xB;
	v13 =	vadd.s32 v3, v13;
	v14 =	vld.idx.msk [tilespmem:v8+s10+$0x0], $0xffff;
	v8 =	vadd.s32 s24, v1  }
0x1a8: {  	s26 =	simm.s32 $0xA;
	v15 =	vadd.s32 s25, v1;
	v19 =	vld.idx.msk [tilespmem:v9+s10+$0x0], $0xffff;
	v16 =	vadd.s32 v3, v8  }
0x1a9: {  	s28 =	simm.s32 $0x4;
	v20 =	vadd.s32 v3, v15;
	v21 =	vld.idx.msk [tilespmem:v10+s10+$0x0], $0xffff;
	v8 =	vadd.s32 s26, v1  }
0x1aa: {  	s22 =	simm.s32 $0x8;
	s29 =	simm.s32 $0xF;
	v18 =	vld.idx.msk [tilespmem:v11+s10+$0x0], $0xffff;
	v22 =	vadd.s32 v3, v8;
	v8 =	vadd.s32 s28, v1  }
0x1ab: {  	s21 =	simm.s32 $0x9050;
	s30 =	simm.s32 $0xC;
	v15 =	vld.idx.msk [tilespmem:v12+s10+$0x0], $0xffff;
	v11 =	vadd.s32 s29, v1;
	v9 =	vadd.s32 v3, v8;
	v8 =	vadd.s32 s22, v1  }
0x1ac: {  	v17 =	vld.idx.msk [tilespmem:v13+s10+$0x0], $0xffff;
	v10 =	vadd.s32 v3, v8;
	v8 =	vadd.s32 v3, v11;
	v11 =	vadd.s32 s30, v1;
	[tilespmem:s21+$0xFFFFFC00] =	vst v2  }
0x1ad: {  	s23 =	simm.s32 $0x5;
	s31 =	simm.s32 $0xD;
	[tilespmem:s21+$0xFFFFFD00] =	vst v14;
	v14 =	vld.idx.msk [tilespmem:v16+s10+$0x0], $0xffff;
	v16 =	vadd.s32 v3, v11  }
0x1ae: {  	v12 =	vadd.s32 s31, v1;
	v13 =	vld.idx.msk [tilespmem:v20+s10+$0x0], $0xffff;
	v2 =	vadd.s32 s23, v1;
	[tilespmem:s21+$0x80] =	vst v19  }
0x1af: {  	s22 =	simm.s32 $0x10;
	[tilespmem:s21+$0xFFFFFD80] =	vst v21;
	s23 =	simm.s32 $0x9850;
	v2 =	vadd.s32 v3, v2;
	v11 =	vadd.s32 v3, v12;
	v12 =	vld.idx.msk [tilespmem:v22+s10+$0x0], $0xffff  }
.LBB2_13:
0x1b0: {  	v19 =	vadd.s32 s22, v1;
	s0 =	sadd.s32 $0x1, s22;
	s24 =	sadd.s32 $0x4, s22;
	s25 =	sadd.s32 $0x6, s22;
	v20 =	vld.idx.msk [tilespmem:v9+s10+$0x0], $0xffff;
	[tilespmem:s21+$0x300] =	vst v18  }
0x1b1: {  	s26 =	sadd.s32 $0x5, s22;
	v18 =	vadd.s32 v3, v19;
	v19 =	vadd.s32 s0, v1;
	s0 =	sadd.s32 $0x2, s22;
	v9 =	vadd.s32 s25, v1;
	s25 =	sadd.s32 $0xE, s22;
	[tilespmem:s21+$0xFFFFFC80] =	vst v15;
	v15 =	vld.idx.msk [tilespmem:v10+s10+$0x0], $0xffff  }
0x1b2: {  	s28 =	sadd.s32 $0x8, s22;
	s29 =	sadd.s32 $0x9, s22;
	v10 =	vadd.s32 s0, v1;
	s0 =	sadd.s32 $0x3, s22;
	v21 =	vadd.s32 v3, v9;
	v22 =	vadd.s32 s25, v1;
	[tilespmem:s21+$0xFFFFFF00] =	vst v17;
	v16 =	vld.idx.msk [tilespmem:v16+s10+$0x0], $0xffff  }
0x1b3: {  	s25 =	sadd.s32 $0xB, s22;
	v17 =	vadd.s32 v3, v10;
	v9 =	vadd.s32 s0, v1;
	v10 =	vadd.s32 s29, v1;
	s0 =	sadd.s32 $0xA, s22;
	s29 =	sadd.s32 $0xC, s22;
	[tilespmem:s21+$0xFFFFFF80] =	vst v14;
	v14 =	vld.idx.msk [tilespmem:v8+s10+$0x0], $0xffff  }
0x1b4: {  	s30 =	sadd.s32 $0xD, s22;
	s31 =	sadd.s32 $0xF, s22;
	v8 =	vadd.s32 s24, v1;
	s24 =	sadd.s32 $0x7, s22;
	v23 =	vadd.s32 v3, v9;
	v24 =	vadd.s32 v3, v10;
	[tilespmem:s21+$0x180] =	vst v13;
	v13 =	vld.idx.msk [tilespmem:v11+s10+$0x0], $0xffff  }
0x1b5: {  	p0 =	slt.u32 s22, $0x30;
	v22 =	vadd.s32 v3, v22;
	s22 =	sadd.s32 $0x10, s22;
	v9 =	vadd.s32 v3, v8;
	v11 =	vadd.s32 s26, v1;
	v25 =	vld.idx.msk [tilespmem:v2+s10+$0x0], $0xffff;
	[tilespmem:s21+$0x100] =	vst v12  }
0x1b6: {  	v8 =	vadd.s32 s0, v1;
	v2 =	vadd.s32 s28, v1;
	v12 =	vld.idx.msk [tilespmem:v18+s10+$0x0], $0xffff;
	v18 =	vadd.s32 s31, v1  }
0x1b7: {  	v19 =	vadd.s32 v3, v19;
	v26 =	vadd.s32 v3, v8;
	v10 =	vadd.s32 v3, v2;
	[tilespmem:s21+$0xFFFFFE00] =	vst v20  }
0x1b8: {  	v2 =	vadd.s32 s24, v1;
	v8 =	vadd.s32 v3, v18;
	v20 =	vld.idx.msk [tilespmem:v17+s10+$0x0], $0xffff;
	v17 =	vadd.s32 s25, v1;
	[tilespmem:s21+$0x200] =	vst v16  }
0x1b9: {  	v27 =	vadd.s32 v3, v2;
	v16 =	vadd.s32 s29, v1;
	v24 =	vld.idx.msk [tilespmem:v24+s10+$0x0], $0xffff;
	v28 =	vadd.s32 v3, v17;
	[tilespmem:s21+$0x0] =	vst v15  }
0x1ba: {  	v2 =	vadd.s32 v3, v11;
	v11 =	vadd.s32 s30, v1;
	v16 =	vadd.s32 v3, v16;
	v23 =	vld.idx.msk [tilespmem:v23+s10+$0x0], $0xffff;
	[tilespmem:s21+$0x380] =	vst v14  }
0x1bb: {  	v11 =	vadd.s32 v3, v11;
	v18 =	vld.idx.msk [tilespmem:v22+s10+$0x0], $0xffff;
	[tilespmem:s21+$0x280] =	vst v13  }
.Ltmp7:
0x1bc: {  	v15 =	vld.idx.msk [tilespmem:v19+s10+$0x0], $0xffff;
	[tilespmem:s21+$0xFFFFFE80] =	vst v25;
	s21 =	smov.u32 s23;
	(pc) =	sbr.rel @p0 .LBB2_13-.Ltmp7, $4  }
0x1bd: {  	[tilespmem:s23+$0xFFFFFC00] =	vst v12;
	v17 =	vld.idx.msk [tilespmem:v21+s10+$0x0], $0xffff  }
0x1be: {  	[tilespmem:s23+$0xFFFFFD00] =	vst v20;
	v14 =	vld.idx.msk [tilespmem:v27+s10+$0x0], $0xffff  }
0x1bf: {  	[tilespmem:s23+$0x80] =	vst v24;
	v13 =	vld.idx.msk [tilespmem:v28+s10+$0x0], $0xffff  }
0x1c0: {  	s23 =	sadd.s32 $0x800, s23;
	[tilespmem:s21+$0xFFFFFD80] =	vst v23;
	v12 =	vld.idx.msk [tilespmem:v26+s10+$0x0], $0xffff  }
0x1c1: {  	_ =	sdelay $0x2  }
0x1c2: {  	[tilespmem:s21+$0x300] =	vst v18  }
0x1c3: {  	v1 =	vld.idx.msk [tilespmem:v9+s10+$0x0], $0xffff;
	[tilespmem:s21+$0xFFFFFC80] =	vst v15  }
0x1c4: {  	v9 =	vld.idx.msk [tilespmem:v16+s10+$0x0], $0xffff;
	[tilespmem:s21+$0xFFFFFF00] =	vst v17  }
0x1c5: {  	v10 =	vld.idx.msk [tilespmem:v10+s10+$0x0], $0xffff;
	[tilespmem:s21+$0xFFFFFF80] =	vst v14  }
0x1c6: {  	v8 =	vld.idx.msk [tilespmem:v8+s10+$0x0], $0xffff;
	[tilespmem:s21+$0x180] =	vst v13  }
0x1c7: {  	v11 =	vld.idx.msk [tilespmem:v11+s10+$0x0], $0xffff;
	[tilespmem:s21+$0x100] =	vst v12  }
0x1c8: {  	v2 =	vld.idx.msk [tilespmem:v2+s10+$0x0], $0xffff;
	[tilespmem:s21+$0xFFFFFE00] =	vst v1  }
0x1c9: {  	[tilespmem:s21+$0x200] =	vst v9  }
0x1ca: {  	[tilespmem:s21+$0x0] =	vst v10  }
0x1cb: {  	[tilespmem:s21+$0x380] =	vst v8  }
0x1cc: {  	[tilespmem:s21+$0x280] =	vst v11  }
0x1cd: {  	[tilespmem:s21+$0xFFFFFE80] =	vst v2  }
0x1ce: {  	v1 =	vld [tilespmem:s20+$0x860];
	_ =	sdelay $0x3  }
0x1cf: {  	s0 =	simm.s32 $0x0  }
0x1d0: {  	s28 =	simm.s32 $0x2;
	v2 =	vor.u32 $0x3000, v0;
	v8 =	vadd.s32 s0, v1  }
0x1d1: {  	s29 =	simm.s32 $0x9;
	v9 =	vadd.s32 s28, v1;
	v8 =	vadd.s32 v2, v8  }
0x1d2: {  	s30 =	simm.s32 $0x3;
	v10 =	vadd.s32 s29, v1;
	v9 =	vadd.s32 v2, v9  }
0x1d3: {  	s31 =	simm.s32 $0xE;
	v11 =	vadd.s32 s30, v1;
	v10 =	vadd.s32 v2, v10  }
0x1d4: {  	s22 =	simm.s32 $0x1;
	v12 =	vadd.s32 s31, v1;
	v11 =	vadd.s32 v2, v11  }
0x1d5: {  	s23 =	simm.s32 $0x6;
	v13 =	vadd.s32 s22, v1;
	v12 =	vadd.s32 v2, v12  }
0x1d6: {  	s24 =	simm.s32 $0x7;
	v14 =	vadd.s32 s23, v1;
	v13 =	vadd.s32 v2, v13;
	v8 =	vld.idx.msk [tilespmem:v8+s10+$0x0], $0xffff  }
0x1d7: {  	s25 =	simm.s32 $0xB;
	v14 =	vadd.s32 v2, v14;
	v15 =	vld.idx.msk [tilespmem:v9+s10+$0x0], $0xffff;
	v9 =	vadd.s32 s24, v1  }
0x1d8: {  	s26 =	simm.s32 $0xA;
	v16 =	vadd.s32 s25, v1;
	v20 =	vld.idx.msk [tilespmem:v10+s10+$0x0], $0xffff;
	v17 =	vadd.s32 v2, v9  }
0x1d9: {  	s28 =	simm.s32 $0x4;
	v21 =	vadd.s32 v2, v16;
	v22 =	vld.idx.msk [tilespmem:v11+s10+$0x0], $0xffff;
	v9 =	vadd.s32 s26, v1  }
0x1da: {  	s22 =	simm.s32 $0x8;
	s29 =	simm.s32 $0xF;
	v19 =	vld.idx.msk [tilespmem:v12+s10+$0x0], $0xffff;
	v23 =	vadd.s32 v2, v9;
	v9 =	vadd.s32 s28, v1  }
0x1db: {  	s21 =	simm.s32 $0x9060;
	s30 =	simm.s32 $0xC;
	v16 =	vld.idx.msk [tilespmem:v13+s10+$0x0], $0xffff;
	v12 =	vadd.s32 s29, v1;
	v10 =	vadd.s32 v2, v9;
	v9 =	vadd.s32 s22, v1  }
0x1dc: {  	v18 =	vld.idx.msk [tilespmem:v14+s10+$0x0], $0xffff;
	v11 =	vadd.s32 v2, v9;
	v9 =	vadd.s32 v2, v12;
	v12 =	vadd.s32 s30, v1;
	[tilespmem:s21+$0xFFFFFC00] =	vst v8  }
0x1dd: {  	s23 =	simm.s32 $0x5;
	s31 =	simm.s32 $0xD;
	[tilespmem:s21+$0xFFFFFD00] =	vst v15;
	v15 =	vld.idx.msk [tilespmem:v17+s10+$0x0], $0xffff;
	v17 =	vadd.s32 v2, v12  }
0x1de: {  	v13 =	vadd.s32 s31, v1;
	v14 =	vld.idx.msk [tilespmem:v21+s10+$0x0], $0xffff;
	v8 =	vadd.s32 s23, v1;
	[tilespmem:s21+$0x80] =	vst v20  }
0x1df: {  	s22 =	simm.s32 $0x10;
	[tilespmem:s21+$0xFFFFFD80] =	vst v22;
	s23 =	simm.s32 $0x9860;
	v8 =	vadd.s32 v2, v8;
	v12 =	vadd.s32 v2, v13;
	v13 =	vld.idx.msk [tilespmem:v23+s10+$0x0], $0xffff  }
.LBB2_15:
0x1e0: {  	v20 =	vadd.s32 s22, v1;
	s0 =	sadd.s32 $0x1, s22;
	s24 =	sadd.s32 $0x4, s22;
	s25 =	sadd.s32 $0x6, s22;
	v21 =	vld.idx.msk [tilespmem:v10+s10+$0x0], $0xffff;
	[tilespmem:s21+$0x300] =	vst v19  }
0x1e1: {  	s26 =	sadd.s32 $0x5, s22;
	v19 =	vadd.s32 v2, v20;
	v20 =	vadd.s32 s0, v1;
	s0 =	sadd.s32 $0x2, s22;
	v10 =	vadd.s32 s25, v1;
	s25 =	sadd.s32 $0xE, s22;
	[tilespmem:s21+$0xFFFFFC80] =	vst v16;
	v16 =	vld.idx.msk [tilespmem:v11+s10+$0x0], $0xffff  }
0x1e2: {  	s28 =	sadd.s32 $0x8, s22;
	s29 =	sadd.s32 $0x9, s22;
	v11 =	vadd.s32 s0, v1;
	s0 =	sadd.s32 $0x3, s22;
	v22 =	vadd.s32 v2, v10;
	v23 =	vadd.s32 s25, v1;
	[tilespmem:s21+$0xFFFFFF00] =	vst v18;
	v17 =	vld.idx.msk [tilespmem:v17+s10+$0x0], $0xffff  }
0x1e3: {  	s25 =	sadd.s32 $0xB, s22;
	v18 =	vadd.s32 v2, v11;
	v10 =	vadd.s32 s0, v1;
	v11 =	vadd.s32 s29, v1;
	s0 =	sadd.s32 $0xA, s22;
	s29 =	sadd.s32 $0xC, s22;
	[tilespmem:s21+$0xFFFFFF80] =	vst v15;
	v15 =	vld.idx.msk [tilespmem:v9+s10+$0x0], $0xffff  }
0x1e4: {  	s30 =	sadd.s32 $0xD, s22;
	s31 =	sadd.s32 $0xF, s22;
	v9 =	vadd.s32 s24, v1;
	s24 =	sadd.s32 $0x7, s22;
	v24 =	vadd.s32 v2, v10;
	v25 =	vadd.s32 v2, v11;
	[tilespmem:s21+$0x180] =	vst v14;
	v14 =	vld.idx.msk [tilespmem:v12+s10+$0x0], $0xffff  }
0x1e5: {  	p0 =	slt.u32 s22, $0x30;
	v23 =	vadd.s32 v2, v23;
	s22 =	sadd.s32 $0x10, s22;
	v10 =	vadd.s32 v2, v9;
	v12 =	vadd.s32 s26, v1;
	v26 =	vld.idx.msk [tilespmem:v8+s10+$0x0], $0xffff;
	[tilespmem:s21+$0x100] =	vst v13  }
0x1e6: {  	v9 =	vadd.s32 s0, v1;
	v8 =	vadd.s32 s28, v1;
	v13 =	vld.idx.msk [tilespmem:v19+s10+$0x0], $0xffff;
	v19 =	vadd.s32 s31, v1  }
0x1e7: {  	v20 =	vadd.s32 v2, v20;
	v27 =	vadd.s32 v2, v9;
	v11 =	vadd.s32 v2, v8;
	[tilespmem:s21+$0xFFFFFE00] =	vst v21  }
0x1e8: {  	v8 =	vadd.s32 s24, v1;
	v9 =	vadd.s32 v2, v19;
	v21 =	vld.idx.msk [tilespmem:v18+s10+$0x0], $0xffff;
	v18 =	vadd.s32 s25, v1;
	[tilespmem:s21+$0x200] =	vst v17  }
0x1e9: {  	v28 =	vadd.s32 v2, v8;
	v17 =	vadd.s32 s29, v1;
	v25 =	vld.idx.msk [tilespmem:v25+s10+$0x0], $0xffff;
	v29 =	vadd.s32 v2, v18;
	[tilespmem:s21+$0x0] =	vst v16  }
0x1ea: {  	v8 =	vadd.s32 v2, v12;
	v12 =	vadd.s32 s30, v1;
	v17 =	vadd.s32 v2, v17;
	v24 =	vld.idx.msk [tilespmem:v24+s10+$0x0], $0xffff;
	[tilespmem:s21+$0x380] =	vst v15  }
0x1eb: {  	v12 =	vadd.s32 v2, v12;
	v19 =	vld.idx.msk [tilespmem:v23+s10+$0x0], $0xffff;
	[tilespmem:s21+$0x280] =	vst v14  }
.Ltmp8:
0x1ec: {  	v16 =	vld.idx.msk [tilespmem:v20+s10+$0x0], $0xffff;
	[tilespmem:s21+$0xFFFFFE80] =	vst v26;
	s21 =	smov.u32 s23;
	(pc) =	sbr.rel @p0 .LBB2_15-.Ltmp8, $4  }
0x1ed: {  	[tilespmem:s23+$0xFFFFFC00] =	vst v13;
	v18 =	vld.idx.msk [tilespmem:v22+s10+$0x0], $0xffff  }
0x1ee: {  	[tilespmem:s23+$0xFFFFFD00] =	vst v21;
	v15 =	vld.idx.msk [tilespmem:v28+s10+$0x0], $0xffff  }
0x1ef: {  	[tilespmem:s23+$0x80] =	vst v25;
	v14 =	vld.idx.msk [tilespmem:v29+s10+$0x0], $0xffff  }
0x1f0: {  	s23 =	sadd.s32 $0x800, s23;
	[tilespmem:s21+$0xFFFFFD80] =	vst v24;
	v13 =	vld.idx.msk [tilespmem:v27+s10+$0x0], $0xffff  }
0x1f1: {  	_ =	sdelay $0x2  }
0x1f2: {  	[tilespmem:s21+$0x300] =	vst v19  }
0x1f3: {  	v1 =	vld.idx.msk [tilespmem:v10+s10+$0x0], $0xffff;
	[tilespmem:s21+$0xFFFFFC80] =	vst v16  }
0x1f4: {  	v10 =	vld.idx.msk [tilespmem:v17+s10+$0x0], $0xffff;
	[tilespmem:s21+$0xFFFFFF00] =	vst v18  }
0x1f5: {  	v11 =	vld.idx.msk [tilespmem:v11+s10+$0x0], $0xffff;
	[tilespmem:s21+$0xFFFFFF80] =	vst v15  }
0x1f6: {  	v9 =	vld.idx.msk [tilespmem:v9+s10+$0x0], $0xffff;
	[tilespmem:s21+$0x180] =	vst v14  }
0x1f7: {  	v12 =	vld.idx.msk [tilespmem:v12+s10+$0x0], $0xffff;
	[tilespmem:s21+$0x100] =	vst v13  }
0x1f8: {  	v8 =	vld.idx.msk [tilespmem:v8+s10+$0x0], $0xffff;
	[tilespmem:s21+$0xFFFFFE00] =	vst v1  }
0x1f9: {  	[tilespmem:s21+$0x200] =	vst v10  }
0x1fa: {  	[tilespmem:s21+$0x0] =	vst v11  }
0x1fb: {  	[tilespmem:s21+$0x380] =	vst v9  }
0x1fc: {  	[tilespmem:s21+$0x280] =	vst v12  }
0x1fd: {  	[tilespmem:s21+$0xFFFFFE80] =	vst v8  }
0x1fe: {  	v8 =	vld [tilespmem:s20+$0x870];
	_ =	sdelay $0x3  }
0x1ff: {  	s0 =	simm.s32 $0x0  }
0x200: {  	s28 =	simm.s32 $0x2;
	v1 =	vor.u32 $0x3800, v0;
	v9 =	vadd.s32 s0, v8  }
0x201: {  	s29 =	simm.s32 $0x9;
	v10 =	vadd.s32 s28, v8;
	v9 =	vadd.s32 v1, v9  }
0x202: {  	s30 =	simm.s32 $0x3;
	v11 =	vadd.s32 s29, v8;
	v10 =	vadd.s32 v1, v10  }
0x203: {  	s31 =	simm.s32 $0xE;
	v12 =	vadd.s32 s30, v8;
	v11 =	vadd.s32 v1, v11  }
0x204: {  	s22 =	simm.s32 $0x1;
	v13 =	vadd.s32 s31, v8;
	v12 =	vadd.s32 v1, v12  }
0x205: {  	s23 =	simm.s32 $0x6;
	v14 =	vadd.s32 s22, v8;
	v13 =	vadd.s32 v1, v13  }
0x206: {  	s24 =	simm.s32 $0x7;
	v15 =	vadd.s32 s23, v8;
	v14 =	vadd.s32 v1, v14;
	v9 =	vld.idx.msk [tilespmem:v9+s10+$0x0], $0xffff  }
0x207: {  	s25 =	simm.s32 $0xB;
	v15 =	vadd.s32 v1, v15;
	v16 =	vld.idx.msk [tilespmem:v10+s10+$0x0], $0xffff;
	v10 =	vadd.s32 s24, v8  }
0x208: {  	s26 =	simm.s32 $0xA;
	v17 =	vadd.s32 s25, v8;
	v21 =	vld.idx.msk [tilespmem:v11+s10+$0x0], $0xffff;
	v18 =	vadd.s32 v1, v10  }
0x209: {  	s28 =	simm.s32 $0x4;
	v22 =	vadd.s32 v1, v17;
	v23 =	vld.idx.msk [tilespmem:v12+s10+$0x0], $0xffff;
	v10 =	vadd.s32 s26, v8  }
0x20a: {  	s22 =	simm.s32 $0x8;
	s29 =	simm.s32 $0xF;
	v20 =	vld.idx.msk [tilespmem:v13+s10+$0x0], $0xffff;
	v24 =	vadd.s32 v1, v10;
	v10 =	vadd.s32 s28, v8  }
0x20b: {  	s21 =	simm.s32 $0x9070;
	s30 =	simm.s32 $0xC;
	v17 =	vld.idx.msk [tilespmem:v14+s10+$0x0], $0xffff;
	v13 =	vadd.s32 s29, v8;
	v11 =	vadd.s32 v1, v10;
	v10 =	vadd.s32 s22, v8  }
0x20c: {  	v19 =	vld.idx.msk [tilespmem:v15+s10+$0x0], $0xffff;
	v12 =	vadd.s32 v1, v10;
	v10 =	vadd.s32 v1, v13;
	v13 =	vadd.s32 s30, v8;
	[tilespmem:s21+$0xFFFFFC00] =	vst v9  }
0x20d: {  	s23 =	simm.s32 $0x5;
	s31 =	simm.s32 $0xD;
	[tilespmem:s21+$0xFFFFFD00] =	vst v16;
	v16 =	vld.idx.msk [tilespmem:v18+s10+$0x0], $0xffff;
	v18 =	vadd.s32 v1, v13  }
0x20e: {  	v14 =	vadd.s32 s31, v8;
	v15 =	vld.idx.msk [tilespmem:v22+s10+$0x0], $0xffff;
	v9 =	vadd.s32 s23, v8;
	[tilespmem:s21+$0x80] =	vst v21  }
0x20f: {  	s22 =	simm.s32 $0x10;
	[tilespmem:s21+$0xFFFFFD80] =	vst v23;
	s23 =	simm.s32 $0x9870;
	v9 =	vadd.s32 v1, v9;
	v13 =	vadd.s32 v1, v14;
	v14 =	vld.idx.msk [tilespmem:v24+s10+$0x0], $0xffff  }
.LBB2_17:
0x210: {  	v21 =	vadd.s32 s22, v8;
	s0 =	sadd.s32 $0x1, s22;
	s24 =	sadd.s32 $0x4, s22;
	s25 =	sadd.s32 $0x6, s22;
	v22 =	vld.idx.msk [tilespmem:v11+s10+$0x0], $0xffff;
	[tilespmem:s21+$0x300] =	vst v20  }
0x211: {  	s26 =	sadd.s32 $0x5, s22;
	v20 =	vadd.s32 v1, v21;
	v21 =	vadd.s32 s0, v8;
	s0 =	sadd.s32 $0x2, s22;
	v11 =	vadd.s32 s25, v8;
	s25 =	sadd.s32 $0xE, s22;
	[tilespmem:s21+$0xFFFFFC80] =	vst v17;
	v17 =	vld.idx.msk [tilespmem:v12+s10+$0x0], $0xffff  }
0x212: {  	s28 =	sadd.s32 $0x8, s22;
	s29 =	sadd.s32 $0x9, s22;
	v12 =	vadd.s32 s0, v8;
	s0 =	sadd.s32 $0x3, s22;
	v23 =	vadd.s32 v1, v11;
	v24 =	vadd.s32 s25, v8;
	[tilespmem:s21+$0xFFFFFF00] =	vst v19;
	v18 =	vld.idx.msk [tilespmem:v18+s10+$0x0], $0xffff  }
0x213: {  	s25 =	sadd.s32 $0xB, s22;
	v19 =	vadd.s32 v1, v12;
	v11 =	vadd.s32 s0, v8;
	v12 =	vadd.s32 s29, v8;
	s0 =	sadd.s32 $0xA, s22;
	s29 =	sadd.s32 $0xC, s22;
	[tilespmem:s21+$0xFFFFFF80] =	vst v16;
	v16 =	vld.idx.msk [tilespmem:v10+s10+$0x0], $0xffff  }
0x214: {  	s30 =	sadd.s32 $0xD, s22;
	s31 =	sadd.s32 $0xF, s22;
	v10 =	vadd.s32 s24, v8;
	s24 =	sadd.s32 $0x7, s22;
	v25 =	vadd.s32 v1, v11;
	v26 =	vadd.s32 v1, v12;
	[tilespmem:s21+$0x180] =	vst v15;
	v15 =	vld.idx.msk [tilespmem:v13+s10+$0x0], $0xffff  }
0x215: {  	p0 =	slt.u32 s22, $0x30;
	v24 =	vadd.s32 v1, v24;
	s22 =	sadd.s32 $0x10, s22;
	v11 =	vadd.s32 v1, v10;
	v13 =	vadd.s32 s26, v8;
	v27 =	vld.idx.msk [tilespmem:v9+s10+$0x0], $0xffff;
	[tilespmem:s21+$0x100] =	vst v14  }
0x216: {  	v10 =	vadd.s32 s0, v8;
	v9 =	vadd.s32 s28, v8;
	v14 =	vld.idx.msk [tilespmem:v20+s10+$0x0], $0xffff;
	v20 =	vadd.s32 s31, v8  }
0x217: {  	v21 =	vadd.s32 v1, v21;
	v28 =	vadd.s32 v1, v10;
	v12 =	vadd.s32 v1, v9;
	[tilespmem:s21+$0xFFFFFE00] =	vst v22  }
0x218: {  	v9 =	vadd.s32 s24, v8;
	v10 =	vadd.s32 v1, v20;
	v22 =	vld.idx.msk [tilespmem:v19+s10+$0x0], $0xffff;
	v19 =	vadd.s32 s25, v8;
	[tilespmem:s21+$0x200] =	vst v18  }
0x219: {  	v29 =	vadd.s32 v1, v9;
	v18 =	vadd.s32 s29, v8;
	v26 =	vld.idx.msk [tilespmem:v26+s10+$0x0], $0xffff;
	v30 =	vadd.s32 v1, v19;
	[tilespmem:s21+$0x0] =	vst v17  }
0x21a: {  	v9 =	vadd.s32 v1, v13;
	v13 =	vadd.s32 s30, v8;
	v18 =	vadd.s32 v1, v18;
	v25 =	vld.idx.msk [tilespmem:v25+s10+$0x0], $0xffff;
	[tilespmem:s21+$0x380] =	vst v16  }
0x21b: {  	v13 =	vadd.s32 v1, v13;
	v20 =	vld.idx.msk [tilespmem:v24+s10+$0x0], $0xffff;
	[tilespmem:s21+$0x280] =	vst v15  }
.Ltmp9:
0x21c: {  	v17 =	vld.idx.msk [tilespmem:v21+s10+$0x0], $0xffff;
	[tilespmem:s21+$0xFFFFFE80] =	vst v27;
	s21 =	smov.u32 s23;
	(pc) =	sbr.rel @p0 .LBB2_17-.Ltmp9, $4  }
0x21d: {  	[tilespmem:s23+$0xFFFFFC00] =	vst v14;
	v19 =	vld.idx.msk [tilespmem:v23+s10+$0x0], $0xffff  }
0x21e: {  	[tilespmem:s23+$0xFFFFFD00] =	vst v22;
	v16 =	vld.idx.msk [tilespmem:v29+s10+$0x0], $0xffff  }
0x21f: {  	[tilespmem:s23+$0x80] =	vst v26;
	v15 =	vld.idx.msk [tilespmem:v30+s10+$0x0], $0xffff  }
0x220: {  	s23 =	sadd.s32 $0x800, s23;
	[tilespmem:s21+$0xFFFFFD80] =	vst v25;
	v14 =	vld.idx.msk [tilespmem:v28+s10+$0x0], $0xffff  }
0x221: {  	_ =	sdelay $0x2  }
0x222: {  	[tilespmem:s21+$0x300] =	vst v20  }
0x223: {  	v8 =	vld.idx.msk [tilespmem:v11+s10+$0x0], $0xffff;
	[tilespmem:s21+$0xFFFFFC80] =	vst v17  }
0x224: {  	v11 =	vld.idx.msk [tilespmem:v18+s10+$0x0], $0xffff;
	[tilespmem:s21+$0xFFFFFF00] =	vst v19  }
0x225: {  	v12 =	vld.idx.msk [tilespmem:v12+s10+$0x0], $0xffff;
	[tilespmem:s21+$0xFFFFFF80] =	vst v16  }
0x226: {  	v10 =	vld.idx.msk [tilespmem:v10+s10+$0x0], $0xffff;
	[tilespmem:s21+$0x180] =	vst v15  }
0x227: {  	v13 =	vld.idx.msk [tilespmem:v13+s10+$0x0], $0xffff;
	[tilespmem:s21+$0x100] =	vst v14  }
0x228: {  	v9 =	vld.idx.msk [tilespmem:v9+s10+$0x0], $0xffff;
	[tilespmem:s21+$0xFFFFFE00] =	vst v8  }
0x229: {  	[tilespmem:s21+$0x200] =	vst v11  }
0x22a: {  	[tilespmem:s21+$0x0] =	vst v12  }
0x22b: {  	[tilespmem:s21+$0x380] =	vst v10  }
0x22c: {  	[tilespmem:s21+$0x280] =	vst v13  }
0x22d: {  	s0 =	sadd.s32 s20, s5;
	[tilespmem:s21+$0xFFFFFE80] =	vst v9  }
0x22e: {  	[hbm4b:s0+s9] =	stream.strided.scatter [tilespmem:s15], [sflag:$0x3], $0x2000, s14, s9, $0x38;
	[tilespmem:$0xCC00] =	vst v63  }
0x22f: {  	p0 =	seq.s32 s19, $0x3;
	s21 =	sshll.u32 s19, $0xA;
	_ =	swait.ge [sflag:s7], $0x2000  }
0x230: {  	s22 =	simm.s32 @!p0 $0x80;
	s0 =	sshrl.u32 @!p0 s21, $0x2;
	[sflag:s7] =	ssyncset.done $0x0  }
0x231: {  	s23 =	simm.s32 @!p0 $0xC00;
	s0 =	sadd.s32 @!p0 $0x500, s0;
	[sflag:s7] =	ssyncadd.s32 $0xFFFFE000  }
0x232: {  	[tilespmem:s23], [sflag:$0x1] =	stream.indirect.gather @!p0 [hbm4b:s3+s22], $0x80, s0, s22, $0xb8;
	[tilespmem:$0xCC00] =	vst v63  }
0x233: {  	_ =	swait.ge [sflag:s16], $0x4000  }
0x234: {  	[sflag:s16] =	ssyncset.done $0x0  }
0x235: {  	[sflag:s16] =	ssyncadd.s32 $0xFFFFC000  }
0x236: {  	v8 =	vld [tilespmem:s20+$0x880];
	_ =	sdelay $0x3  }
0x237: {  	s26 =	simm.s32 $0xF  }
0x238: {  	s28 =	simm.s32 $0x1;
	v9 =	vadd.s32 s26, v8  }
0x239: {  	s29 =	simm.s32 $0x2;
	v10 =	vadd.s32 s28, v8;
	v9 =	vadd.s32 v0, v9  }
0x23a: {  	s30 =	simm.s32 $0x3;
	v11 =	vadd.s32 s29, v8;
	v10 =	vadd.s32 v0, v10  }
0x23b: {  	s23 =	simm.s32 $0x6;
	v12 =	vadd.s32 s30, v8;
	v11 =	vadd.s32 v0, v11  }
0x23c: {  	s31 =	simm.s32 $0x4;
	v15 =	vadd.s32 s23, v8;
	v12 =	vadd.s32 v0, v12  }
0x23d: {  	s22 =	simm.s32 $0x5;
	v13 =	vadd.s32 s31, v8;
	v15 =	vadd.s32 v0, v15  }
0x23e: {  	s24 =	simm.s32 $0x7;
	v14 =	vadd.s32 s22, v8;
	v13 =	vadd.s32 v0, v13;
	v16 =	vld.idx.msk [tilespmem:v9+s12+$0x0], $0xffff  }
0x23f: {  	s26 =	simm.s32 $0x9;
	v14 =	vadd.s32 v0, v14;
	v17 =	vld.idx.msk [tilespmem:v10+s12+$0x0], $0xffff;
	v9 =	vadd.s32 s24, v8  }
0x240: {  	s25 =	simm.s32 $0x8;
	v18 =	vld.idx.msk [tilespmem:v11+s12+$0x0], $0xffff;
	v10 =	vadd.s32 s26, v8;
	v19 =	vadd.s32 v0, v9  }
0x241: {  	s28 =	simm.s32 $0xA;
	v21 =	vld.idx.msk [tilespmem:v12+s12+$0x0], $0xffff;
	v9 =	vadd.s32 s25, v8;
	v22 =	vadd.s32 v0, v10  }
0x242: {  	s23 =	simm.s32 $0xB000;
	s29 =	simm.s32 $0xB;
	v12 =	vadd.s32 s28, v8;
	v11 =	vld.idx.msk [tilespmem:v15+s12+$0x0], $0xffff;
	v20 =	vadd.s32 v0, v9  }
0x243: {  	s30 =	simm.s32 $0xC;
	v9 =	vld.idx.msk [tilespmem:v13+s12+$0x0], $0xffff;
	v13 =	vadd.s32 s29, v8;
	[tilespmem:s23+$0x380] =	vst v16;
	v16 =	vadd.s32 v0, v12  }
0x244: {  	s31 =	simm.s32 $0xD;
	v10 =	vld.idx.msk [tilespmem:v14+s12+$0x0], $0xffff;
	v15 =	vadd.s32 v0, v13;
	v13 =	vadd.s32 s30, v8  }
0x245: {  	s24 =	simm.s32 $0xE;
	v14 =	vadd.s32 s31, v8;
	[tilespmem:s23+$0xFFFFFC80] =	vst v17;
	v17 =	vadd.s32 v0, v13;
	v12 =	vld.idx.msk [tilespmem:v19+s12+$0x0], $0xffff  }
0x246: {  	s22 =	sor.u32 $0x80, s20;
	s28 =	simm.s32 $0x0;
	[tilespmem:s23+$0xFFFFFD00] =	vst v18;
	v18 =	vadd.s32 v0, v14;
	v19 =	vadd.s32 s24, v8;
	v14 =	vld.idx.msk [tilespmem:v22+s12+$0x0], $0xffff  }
0x247: {  	s26 =	simm.s32 $0x1F;
	s25 =	simm.s32 $0x20;
	[tilespmem:s23+$0xFFFFFD80] =	vst v21;
	s24 =	simm.s32 $0x10;
	v13 =	vld.idx.msk [tilespmem:v20+s12+$0x0], $0xffff;
	v20 =	vadd.s32 s28, v8;
	v19 =	vadd.s32 v0, v19  }
.LBB2_19:
0x248: {  	p1 =	slt.u32 s25, $0x30;
	s0 =	sadd.s32 $0x1, s24;
	v21 =	vadd.s32 s26, v8;
	v20 =	vadd.s32 v0, v20;
	[tilespmem:s23+$0xFFFFFE00] =	vst v9;
	v9 =	vld.idx.msk [tilespmem:v16+s12+$0x0], $0xffff  }
0x249: {  	v16 =	vadd.s32 s0, v8;
	s0 =	sadd.s32 $0x2, s24;
	v21 =	vadd.s32 v0, v21;
	[tilespmem:s23+$0xFFFFFE80] =	vst v10;
	v10 =	vld.idx.msk [tilespmem:v15+s12+$0x0], $0xffff  }
0x24a: {  	v15 =	vadd.s32 v0, v16;
	v16 =	vadd.s32 s0, v8;
	s0 =	sadd.s32 $0x3, s24;
	[tilespmem:s23+$0xFFFFFF00] =	vst v11;
	v11 =	vld.idx.msk [tilespmem:v17+s12+$0x0], $0xffff  }
0x24b: {  	v16 =	vadd.s32 v0, v16;
	v17 =	vadd.s32 s0, v8;
	s0 =	sadd.s32 $0x4, s24;
	[tilespmem:s23+$0xFFFFFF80] =	vst v12;
	v12 =	vld.idx.msk [tilespmem:v18+s12+$0x0], $0xffff  }
0x24c: {  	v17 =	vadd.s32 v0, v17;
	v18 =	vadd.s32 s0, v8;
	s0 =	sadd.s32 $0x5, s24;
	[tilespmem:s23+$0x0] =	vst v13;
	v13 =	vld.idx.msk [tilespmem:v19+s12+$0x0], $0xffff  }
0x24d: {  	v18 =	vadd.s32 v0, v18;
	v19 =	vadd.s32 s0, v8;
	s0 =	sadd.s32 $0x6, s24;
	v20 =	vld.idx.msk [tilespmem:v20+s12+$0x0], $0xffff;
	[tilespmem:s23+$0x80] =	vst v14  }
0x24e: {  	v14 =	vadd.s32 v0, v19;
	v19 =	vadd.s32 s0, v8;
	s0 =	sadd.s32 $0x7, s24;
	v21 =	vld.idx.msk [tilespmem:v21+s12+$0x0], $0xffff;
	[tilespmem:s23+$0x100] =	vst v9  }
0x24f: {  	v22 =	vld.idx.msk [tilespmem:v15+s12+$0x0], $0xffff;
	v15 =	vadd.s32 v0, v19;
	v9 =	vadd.s32 s0, v8;
	s0 =	sadd.s32 $0x8, s24;
	[tilespmem:s23+$0x180] =	vst v10  }
0x250: {  	v19 =	vld.idx.msk [tilespmem:v16+s12+$0x0], $0xffff;
	v23 =	vadd.s32 v0, v9;
	v9 =	vadd.s32 s0, v8;
	s0 =	sadd.s32 $0x9, s24;
	[tilespmem:s23+$0x200] =	vst v11  }
0x251: {  	v24 =	vld.idx.msk [tilespmem:v17+s12+$0x0], $0xffff;
	v25 =	vadd.s32 v0, v9;
	v10 =	vadd.s32 s0, v8;
	s0 =	sadd.s32 $0xA, s24;
	[tilespmem:s23+$0x280] =	vst v12  }
0x252: {  	v9 =	vld.idx.msk [tilespmem:v18+s12+$0x0], $0xffff;
	v26 =	vadd.s32 v0, v10;
	v11 =	vadd.s32 s0, v8;
	s0 =	sadd.s32 $0xB, s24;
	[tilespmem:s23+$0x300] =	vst v13  }
.Ltmp10:
0x253: {  	v10 =	vld.idx.msk [tilespmem:v14+s12+$0x0], $0xffff;
	v16 =	vadd.s32 v0, v11;
	v12 =	vadd.s32 s0, v8;
	s0 =	sadd.s32 $0xC, s24;
	[tilespmem:s23+$0xFFFFFC00] =	vst v20;
	s23 =	sadd.s32 $0x800, s23;
	(pc) =	sbr.rel @p1 .LBB2_19-.Ltmp10, $4  }
0x254: {  	v11 =	vld.idx.msk [tilespmem:v15+s12+$0x0], $0xffff;
	v15 =	vadd.s32 v0, v12;
	v13 =	vadd.s32 s0, v8;
	s0 =	sadd.s32 $0xD, s24;
	[tilespmem:s23+$0x380] =	vst v21  }
0x255: {  	[tilespmem:s23+$0xFFFFFC80] =	vst v22;
	v12 =	vld.idx.msk [tilespmem:v23+s12+$0x0], $0xffff;
	v17 =	vadd.s32 v0, v13;
	v14 =	vadd.s32 s0, v8;
	s0 =	sadd.s32 $0xE, s24  }
0x256: {  	[tilespmem:s23+$0xFFFFFD00] =	vst v19;
	v13 =	vld.idx.msk [tilespmem:v25+s12+$0x0], $0xffff;
	v18 =	vadd.s32 v0, v14;
	v19 =	vadd.s32 s0, v8  }
0x257: {  	s26 =	sadd.s32 $0xF, s25;
	v20 =	vadd.s32 s24, v8;
	s24 =	smov.u32 s25;
	s25 =	sadd.s32 $0x10, s25;
	[tilespmem:s23+$0xFFFFFD80] =	vst v24;
	v14 =	vld.idx.msk [tilespmem:v26+s12+$0x0], $0xffff;
	v19 =	vadd.s32 v0, v19  }
0x258: {  	_ =	sdelay $0x2  }
0x259: {  	[tilespmem:s23+$0xFFFFFE00] =	vst v9  }
0x25a: {  	s0 =	sadd.s32 $0x1, s24;
	v9 =	vadd.s32 s26, v8;
	v20 =	vadd.s32 v0, v20;
	v16 =	vld.idx.msk [tilespmem:v16+s12+$0x0], $0xffff;
	[tilespmem:s23+$0xFFFFFE80] =	vst v10  }
0x25b: {  	s30 =	sadd.s32 $0x2, s24;
	v15 =	vld.idx.msk [tilespmem:v15+s12+$0x0], $0xffff;
	v10 =	vadd.s32 s0, v8;
	v9 =	vadd.s32 v0, v9;
	[tilespmem:s23+$0xFFFFFF00] =	vst v11  }
0x25c: {  	s31 =	sadd.s32 $0x3, s24;
	v17 =	vld.idx.msk [tilespmem:v17+s12+$0x0], $0xffff;
	v11 =	vadd.s32 s30, v8;
	v10 =	vadd.s32 v0, v10;
	[tilespmem:s23+$0xFFFFFF80] =	vst v12  }
0x25d: {  	s25 =	sadd.s32 $0x4, s24;
	v18 =	vld.idx.msk [tilespmem:v18+s12+$0x0], $0xffff;
	v11 =	vadd.s32 v0, v11;
	v12 =	vadd.s32 s31, v8;
	[tilespmem:s23+$0x0] =	vst v13  }
0x25e: {  	s26 =	sadd.s32 $0x5, s24;
	v19 =	vld.idx.msk [tilespmem:v19+s12+$0x0], $0xffff;
	v12 =	vadd.s32 v0, v12;
	v13 =	vadd.s32 s25, v8;
	[tilespmem:s23+$0x80] =	vst v14  }
0x25f: {  	s28 =	sadd.s32 $0x6, s24;
	v13 =	vadd.s32 v0, v13;
	v14 =	vadd.s32 s26, v8;
	v20 =	vld.idx.msk [tilespmem:v20+s12+$0x0], $0xffff;
	[tilespmem:s23+$0x100] =	vst v16  }
0x260: {  	s29 =	sadd.s32 $0x7, s24;
	v14 =	vadd.s32 v0, v14;
	v16 =	vadd.s32 s28, v8;
	[tilespmem:s23+$0x180] =	vst v15;
	v9 =	vld.idx.msk [tilespmem:v9+s12+$0x0], $0xffff  }
0x261: {  	s30 =	sadd.s32 $0x8, s24;
	[tilespmem:s23+$0x200] =	vst v17;
	v15 =	vadd.s32 v0, v16;
	v16 =	vadd.s32 s29, v8;
	v10 =	vld.idx.msk [tilespmem:v10+s12+$0x0], $0xffff  }
0x262: {  	s31 =	sadd.s32 $0x9, s24;
	v17 =	vadd.s32 s30, v8;
	[tilespmem:s23+$0x280] =	vst v18;
	v11 =	vld.idx.msk [tilespmem:v11+s12+$0x0], $0xffff;
	v16 =	vadd.s32 v0, v16  }
0x263: {  	s25 =	sadd.s32 $0xA, s24;
	v18 =	vadd.s32 s31, v8;
	[tilespmem:s23+$0x300] =	vst v19;
	v17 =	vadd.s32 v0, v17;
	v12 =	vld.idx.msk [tilespmem:v12+s12+$0x0], $0xffff  }
0x264: {  	s26 =	sadd.s32 $0xB, s24;
	v19 =	vadd.s32 s25, v8;
	s28 =	sadd.s32 $0x800, s23;
	v18 =	vadd.s32 v0, v18;
	v13 =	vld.idx.msk [tilespmem:v13+s12+$0x0], $0xffff;
	[tilespmem:s23+$0xFFFFFC00] =	vst v20  }
0x265: {  	v19 =	vadd.s32 v0, v19;
	s29 =	sadd.s32 $0xC, s24;
	v14 =	vld.idx.msk [tilespmem:v14+s12+$0x0], $0xffff;
	v20 =	vadd.s32 s26, v8;
	[tilespmem:s28+$0x380] =	vst v9  }
0x266: {  	s30 =	sadd.s32 $0xD, s24;
	v9 =	vld.idx.msk [tilespmem:v15+s12+$0x0], $0xffff;
	v15 =	vadd.s32 v0, v20;
	v20 =	vadd.s32 s29, v8;
	[tilespmem:s28+$0xFFFFFC80] =	vst v10  }
0x267: {  	s31 =	sadd.s32 $0xE, s24;
	v10 =	vld.idx.msk [tilespmem:v16+s12+$0x0], $0xffff;
	v16 =	vadd.s32 v0, v20;
	v20 =	vadd.s32 s30, v8;
	[tilespmem:s28+$0xFFFFFD00] =	vst v11  }
0x268: {  	v11 =	vld.idx.msk [tilespmem:v17+s12+$0x0], $0xffff;
	v17 =	vadd.s32 v0, v20;
	v20 =	vadd.s32 s31, v8;
	[tilespmem:s28+$0xFFFFFD80] =	vst v12  }
0x269: {  	v8 =	vadd.s32 s24, v8;
	v12 =	vld.idx.msk [tilespmem:v18+s12+$0x0], $0xffff;
	v18 =	vadd.s32 v0, v20;
	[tilespmem:s28+$0xFFFFFE00] =	vst v13  }
0x26a: {  	v8 =	vadd.s32 v0, v8;
	v13 =	vld.idx.msk [tilespmem:v19+s12+$0x0], $0xffff;
	[tilespmem:s28+$0xFFFFFE80] =	vst v14  }
0x26b: {  	v14 =	vld.idx.msk [tilespmem:v15+s12+$0x0], $0xffff;
	[tilespmem:s28+$0xFFFFFF00] =	vst v9  }
0x26c: {  	v9 =	vld.idx.msk [tilespmem:v16+s12+$0x0], $0xffff;
	[tilespmem:s28+$0xFFFFFF80] =	vst v10  }
0x26d: {  	[tilespmem:s28+$0x0] =	vst v11;
	v10 =	vld.idx.msk [tilespmem:v17+s12+$0x0], $0xffff  }
0x26e: {  	[tilespmem:s28+$0x80] =	vst v12;
	v11 =	vld.idx.msk [tilespmem:v18+s12+$0x0], $0xffff  }
0x26f: {  	v8 =	vld.idx.msk [tilespmem:v8+s12+$0x0], $0xffff;
	[tilespmem:s28+$0x100] =	vst v13  }
0x270: {  	[tilespmem:s28+$0x180] =	vst v14  }
0x271: {  	[tilespmem:s28+$0x200] =	vst v9  }
0x272: {  	[tilespmem:s28+$0x280] =	vst v10  }
0x273: {  	[tilespmem:s28+$0x300] =	vst v11  }
0x274: {  	[tilespmem:s28+$0xFFFFFC00] =	vst v8  }
0x275: {  	v8 =	vld [tilespmem:s20+$0x890];
	_ =	sdelay $0x3  }
0x276: {  	s24 =	simm.s32 $0xF  }
0x277: {  	s25 =	simm.s32 $0x1;
	v9 =	vadd.s32 s24, v8  }
0x278: {  	s26 =	simm.s32 $0x2;
	v10 =	vadd.s32 s25, v8;
	v9 =	vadd.s32 v7, v9  }
0x279: {  	s28 =	simm.s32 $0x3;
	v11 =	vadd.s32 s26, v8;
	v10 =	vadd.s32 v7, v10  }
0x27a: {  	s31 =	simm.s32 $0x6;
	v12 =	vadd.s32 s28, v8;
	v11 =	vadd.s32 v7, v11  }
0x27b: {  	s29 =	simm.s32 $0x4;
	v15 =	vadd.s32 s31, v8;
	v12 =	vadd.s32 v7, v12  }
0x27c: {  	s30 =	simm.s32 $0x5;
	v13 =	vadd.s32 s29, v8;
	v15 =	vadd.s32 v7, v15  }
0x27d: {  	s23 =	simm.s32 $0x7;
	v14 =	vadd.s32 s30, v8;
	v13 =	vadd.s32 v7, v13;
	v16 =	vld.idx.msk [tilespmem:v9+s12+$0x0], $0xffff  }
0x27e: {  	s25 =	simm.s32 $0x9;
	v14 =	vadd.s32 v7, v14;
	v17 =	vld.idx.msk [tilespmem:v10+s12+$0x0], $0xffff;
	v9 =	vadd.s32 s23, v8  }
0x27f: {  	s24 =	simm.s32 $0x8;
	v18 =	vld.idx.msk [tilespmem:v11+s12+$0x0], $0xffff;
	v10 =	vadd.s32 s25, v8;
	v19 =	vadd.s32 v7, v9  }
0x280: {  	s26 =	simm.s32 $0xA;
	v21 =	vld.idx.msk [tilespmem:v12+s12+$0x0], $0xffff;
	v9 =	vadd.s32 s24, v8;
	v22 =	vadd.s32 v7, v10  }
0x281: {  	s28 =	simm.s32 $0xB;
	s23 =	simm.s32 $0xB010;
	v12 =	vadd.s32 s26, v8;
	v11 =	vld.idx.msk [tilespmem:v15+s12+$0x0], $0xffff;
	v20 =	vadd.s32 v7, v9  }
0x282: {  	s29 =	simm.s32 $0xC;
	v9 =	vld.idx.msk [tilespmem:v13+s12+$0x0], $0xffff;
	v13 =	vadd.s32 s28, v8;
	[tilespmem:s23+$0x380] =	vst v16;
	v16 =	vadd.s32 v7, v12  }
0x283: {  	s30 =	simm.s32 $0xD;
	v10 =	vld.idx.msk [tilespmem:v14+s12+$0x0], $0xffff;
	v15 =	vadd.s32 v7, v13;
	v13 =	vadd.s32 s29, v8  }
0x284: {  	s31 =	simm.s32 $0xE;
	v14 =	vadd.s32 s30, v8;
	[tilespmem:s23+$0xFFFFFC80] =	vst v17;
	v17 =	vadd.s32 v7, v13;
	v12 =	vld.idx.msk [tilespmem:v19+s12+$0x0], $0xffff  }
0x285: {  	s28 =	simm.s32 $0x0;
	[tilespmem:s23+$0xFFFFFD00] =	vst v18;
	v18 =	vadd.s32 v7, v14;
	v19 =	vadd.s32 s31, v8;
	v14 =	vld.idx.msk [tilespmem:v22+s12+$0x0], $0xffff  }
0x286: {  	s26 =	simm.s32 $0x1F;
	s25 =	simm.s32 $0x20;
	s24 =	simm.s32 $0x10;
	[tilespmem:s23+$0xFFFFFD80] =	vst v21;
	v13 =	vld.idx.msk [tilespmem:v20+s12+$0x0], $0xffff;
	v20 =	vadd.s32 s28, v8;
	v19 =	vadd.s32 v7, v19  }
.LBB2_21:
0x287: {  	p1 =	slt.u32 s25, $0x30;
	s0 =	sadd.s32 $0x1, s24;
	v21 =	vadd.s32 s26, v8;
	v20 =	vadd.s32 v7, v20;
	[tilespmem:s23+$0xFFFFFE00] =	vst v9;
	v9 =	vld.idx.msk [tilespmem:v16+s12+$0x0], $0xffff  }
0x288: {  	v16 =	vadd.s32 s0, v8;
	s0 =	sadd.s32 $0x2, s24;
	v21 =	vadd.s32 v7, v21;
	[tilespmem:s23+$0xFFFFFE80] =	vst v10;
	v10 =	vld.idx.msk [tilespmem:v15+s12+$0x0], $0xffff  }
0x289: {  	v15 =	vadd.s32 v7, v16;
	v16 =	vadd.s32 s0, v8;
	s0 =	sadd.s32 $0x3, s24;
	[tilespmem:s23+$0xFFFFFF00] =	vst v11;
	v11 =	vld.idx.msk [tilespmem:v17+s12+$0x0], $0xffff  }
0x28a: {  	v16 =	vadd.s32 v7, v16;
	v17 =	vadd.s32 s0, v8;
	s0 =	sadd.s32 $0x4, s24;
	[tilespmem:s23+$0xFFFFFF80] =	vst v12;
	v12 =	vld.idx.msk [tilespmem:v18+s12+$0x0], $0xffff  }
0x28b: {  	v17 =	vadd.s32 v7, v17;
	v18 =	vadd.s32 s0, v8;
	s0 =	sadd.s32 $0x5, s24;
	[tilespmem:s23+$0x0] =	vst v13;
	v13 =	vld.idx.msk [tilespmem:v19+s12+$0x0], $0xffff  }
0x28c: {  	v18 =	vadd.s32 v7, v18;
	v19 =	vadd.s32 s0, v8;
	s0 =	sadd.s32 $0x6, s24;
	v20 =	vld.idx.msk [tilespmem:v20+s12+$0x0], $0xffff;
	[tilespmem:s23+$0x80] =	vst v14  }
0x28d: {  	v14 =	vadd.s32 v7, v19;
	v19 =	vadd.s32 s0, v8;
	s0 =	sadd.s32 $0x7, s24;
	v21 =	vld.idx.msk [tilespmem:v21+s12+$0x0], $0xffff;
	[tilespmem:s23+$0x100] =	vst v9  }
0x28e: {  	v22 =	vld.idx.msk [tilespmem:v15+s12+$0x0], $0xffff;
	v15 =	vadd.s32 v7, v19;
	v9 =	vadd.s32 s0, v8;
	s0 =	sadd.s32 $0x8, s24;
	[tilespmem:s23+$0x180] =	vst v10  }
0x28f: {  	v19 =	vld.idx.msk [tilespmem:v16+s12+$0x0], $0xffff;
	v23 =	vadd.s32 v7, v9;
	v9 =	vadd.s32 s0, v8;
	s0 =	sadd.s32 $0x9, s24;
	[tilespmem:s23+$0x200] =	vst v11  }
0x290: {  	v24 =	vld.idx.msk [tilespmem:v17+s12+$0x0], $0xffff;
	v25 =	vadd.s32 v7, v9;
	v10 =	vadd.s32 s0, v8;
	s0 =	sadd.s32 $0xA, s24;
	[tilespmem:s23+$0x280] =	vst v12  }
0x291: {  	v9 =	vld.idx.msk [tilespmem:v18+s12+$0x0], $0xffff;
	v26 =	vadd.s32 v7, v10;
	v11 =	vadd.s32 s0, v8;
	s0 =	sadd.s32 $0xB, s24;
	[tilespmem:s23+$0x300] =	vst v13  }
.Ltmp11:
0x292: {  	v10 =	vld.idx.msk [tilespmem:v14+s12+$0x0], $0xffff;
	v16 =	vadd.s32 v7, v11;
	v12 =	vadd.s32 s0, v8;
	s0 =	sadd.s32 $0xC, s24;
	[tilespmem:s23+$0xFFFFFC00] =	vst v20;
	s23 =	sadd.s32 $0x800, s23;
	(pc) =	sbr.rel @p1 .LBB2_21-.Ltmp11, $4  }
0x293: {  	v11 =	vld.idx.msk [tilespmem:v15+s12+$0x0], $0xffff;
	v15 =	vadd.s32 v7, v12;
	v13 =	vadd.s32 s0, v8;
	s0 =	sadd.s32 $0xD, s24;
	[tilespmem:s23+$0x380] =	vst v21  }
0x294: {  	[tilespmem:s23+$0xFFFFFC80] =	vst v22;
	v12 =	vld.idx.msk [tilespmem:v23+s12+$0x0], $0xffff;
	v17 =	vadd.s32 v7, v13;
	v14 =	vadd.s32 s0, v8;
	s0 =	sadd.s32 $0xE, s24  }
0x295: {  	[tilespmem:s23+$0xFFFFFD00] =	vst v19;
	v13 =	vld.idx.msk [tilespmem:v25+s12+$0x0], $0xffff;
	v18 =	vadd.s32 v7, v14;
	v19 =	vadd.s32 s0, v8  }
0x296: {  	s26 =	sadd.s32 $0xF, s25;
	v20 =	vadd.s32 s24, v8;
	s24 =	smov.u32 s25;
	s25 =	sadd.s32 $0x10, s25;
	[tilespmem:s23+$0xFFFFFD80] =	vst v24;
	v14 =	vld.idx.msk [tilespmem:v26+s12+$0x0], $0xffff;
	v19 =	vadd.s32 v7, v19  }
0x297: {  	_ =	sdelay $0x2  }
0x298: {  	[tilespmem:s23+$0xFFFFFE00] =	vst v9  }
0x299: {  	s0 =	sadd.s32 $0x1, s24;
	v9 =	vadd.s32 s26, v8;
	v20 =	vadd.s32 v7, v20;
	v16 =	vld.idx.msk [tilespmem:v16+s12+$0x0], $0xffff;
	[tilespmem:s23+$0xFFFFFE80] =	vst v10  }
0x29a: {  	s30 =	sadd.s32 $0x2, s24;
	v15 =	vld.idx.msk [tilespmem:v15+s12+$0x0], $0xffff;
	v10 =	vadd.s32 s0, v8;
	v9 =	vadd.s32 v7, v9;
	[tilespmem:s23+$0xFFFFFF00] =	vst v11  }
0x29b: {  	s31 =	sadd.s32 $0x3, s24;
	v17 =	vld.idx.msk [tilespmem:v17+s12+$0x0], $0xffff;
	v11 =	vadd.s32 s30, v8;
	v10 =	vadd.s32 v7, v10;
	[tilespmem:s23+$0xFFFFFF80] =	vst v12  }
0x29c: {  	s25 =	sadd.s32 $0x4, s24;
	v18 =	vld.idx.msk [tilespmem:v18+s12+$0x0], $0xffff;
	v11 =	vadd.s32 v7, v11;
	v12 =	vadd.s32 s31, v8;
	[tilespmem:s23+$0x0] =	vst v13  }
0x29d: {  	s26 =	sadd.s32 $0x5, s24;
	v19 =	vld.idx.msk [tilespmem:v19+s12+$0x0], $0xffff;
	v12 =	vadd.s32 v7, v12;
	v13 =	vadd.s32 s25, v8;
	[tilespmem:s23+$0x80] =	vst v14  }
0x29e: {  	s28 =	sadd.s32 $0x6, s24;
	v13 =	vadd.s32 v7, v13;
	v14 =	vadd.s32 s26, v8;
	v20 =	vld.idx.msk [tilespmem:v20+s12+$0x0], $0xffff;
	[tilespmem:s23+$0x100] =	vst v16  }
0x29f: {  	s29 =	sadd.s32 $0x7, s24;
	v14 =	vadd.s32 v7, v14;
	v16 =	vadd.s32 s28, v8;
	[tilespmem:s23+$0x180] =	vst v15;
	v9 =	vld.idx.msk [tilespmem:v9+s12+$0x0], $0xffff  }
0x2a0: {  	s30 =	sadd.s32 $0x8, s24;
	[tilespmem:s23+$0x200] =	vst v17;
	v15 =	vadd.s32 v7, v16;
	v16 =	vadd.s32 s29, v8;
	v10 =	vld.idx.msk [tilespmem:v10+s12+$0x0], $0xffff  }
0x2a1: {  	s31 =	sadd.s32 $0x9, s24;
	v17 =	vadd.s32 s30, v8;
	[tilespmem:s23+$0x280] =	vst v18;
	v11 =	vld.idx.msk [tilespmem:v11+s12+$0x0], $0xffff;
	v16 =	vadd.s32 v7, v16  }
0x2a2: {  	s25 =	sadd.s32 $0xA, s24;
	v18 =	vadd.s32 s31, v8;
	[tilespmem:s23+$0x300] =	vst v19;
	v17 =	vadd.s32 v7, v17;
	v12 =	vld.idx.msk [tilespmem:v12+s12+$0x0], $0xffff  }
0x2a3: {  	s26 =	sadd.s32 $0xB, s24;
	v19 =	vadd.s32 s25, v8;
	s28 =	sadd.s32 $0x800, s23;
	v18 =	vadd.s32 v7, v18;
	v13 =	vld.idx.msk [tilespmem:v13+s12+$0x0], $0xffff;
	[tilespmem:s23+$0xFFFFFC00] =	vst v20  }
0x2a4: {  	v19 =	vadd.s32 v7, v19;
	s29 =	sadd.s32 $0xC, s24;
	v14 =	vld.idx.msk [tilespmem:v14+s12+$0x0], $0xffff;
	v20 =	vadd.s32 s26, v8;
	[tilespmem:s28+$0x380] =	vst v9  }
0x2a5: {  	s30 =	sadd.s32 $0xD, s24;
	v9 =	vld.idx.msk [tilespmem:v15+s12+$0x0], $0xffff;
	v15 =	vadd.s32 v7, v20;
	v20 =	vadd.s32 s29, v8;
	[tilespmem:s28+$0xFFFFFC80] =	vst v10  }
0x2a6: {  	s31 =	sadd.s32 $0xE, s24;
	v10 =	vld.idx.msk [tilespmem:v16+s12+$0x0], $0xffff;
	v16 =	vadd.s32 v7, v20;
	v20 =	vadd.s32 s30, v8;
	[tilespmem:s28+$0xFFFFFD00] =	vst v11  }
0x2a7: {  	v11 =	vld.idx.msk [tilespmem:v17+s12+$0x0], $0xffff;
	v17 =	vadd.s32 v7, v20;
	v20 =	vadd.s32 s31, v8;
	[tilespmem:s28+$0xFFFFFD80] =	vst v12  }
0x2a8: {  	v8 =	vadd.s32 s24, v8;
	v12 =	vld.idx.msk [tilespmem:v18+s12+$0x0], $0xffff;
	v18 =	vadd.s32 v7, v20;
	[tilespmem:s28+$0xFFFFFE00] =	vst v13  }
0x2a9: {  	v7 =	vadd.s32 v7, v8;
	v8 =	vld.idx.msk [tilespmem:v19+s12+$0x0], $0xffff;
	[tilespmem:s28+$0xFFFFFE80] =	vst v14  }
0x2aa: {  	v13 =	vld.idx.msk [tilespmem:v15+s12+$0x0], $0xffff;
	[tilespmem:s28+$0xFFFFFF00] =	vst v9  }
0x2ab: {  	v9 =	vld.idx.msk [tilespmem:v16+s12+$0x0], $0xffff;
	[tilespmem:s28+$0xFFFFFF80] =	vst v10  }
0x2ac: {  	[tilespmem:s28+$0x0] =	vst v11;
	v10 =	vld.idx.msk [tilespmem:v17+s12+$0x0], $0xffff  }
0x2ad: {  	[tilespmem:s28+$0x80] =	vst v12;
	v11 =	vld.idx.msk [tilespmem:v18+s12+$0x0], $0xffff  }
0x2ae: {  	v7 =	vld.idx.msk [tilespmem:v7+s12+$0x0], $0xffff;
	[tilespmem:s28+$0x100] =	vst v8  }
0x2af: {  	[tilespmem:s28+$0x180] =	vst v13  }
0x2b0: {  	[tilespmem:s28+$0x200] =	vst v9  }
0x2b1: {  	[tilespmem:s28+$0x280] =	vst v10  }
0x2b2: {  	[tilespmem:s28+$0x300] =	vst v11  }
0x2b3: {  	[tilespmem:s28+$0xFFFFFC00] =	vst v7  }
0x2b4: {  	v7 =	vld [tilespmem:s20+$0x8A0];
	_ =	sdelay $0x3  }
0x2b5: {  	s24 =	simm.s32 $0xF  }
0x2b6: {  	s25 =	simm.s32 $0x1;
	v8 =	vadd.s32 s24, v7  }
0x2b7: {  	s26 =	simm.s32 $0x2;
	v9 =	vadd.s32 s25, v7;
	v8 =	vadd.s32 v6, v8  }
0x2b8: {  	s28 =	simm.s32 $0x3;
	v10 =	vadd.s32 s26, v7;
	v9 =	vadd.s32 v6, v9  }
0x2b9: {  	s31 =	simm.s32 $0x6;
	v11 =	vadd.s32 s28, v7;
	v10 =	vadd.s32 v6, v10  }
0x2ba: {  	s29 =	simm.s32 $0x4;
	v14 =	vadd.s32 s31, v7;
	v11 =	vadd.s32 v6, v11  }
0x2bb: {  	s30 =	simm.s32 $0x5;
	v12 =	vadd.s32 s29, v7;
	v14 =	vadd.s32 v6, v14  }
0x2bc: {  	s23 =	simm.s32 $0x7;
	v13 =	vadd.s32 s30, v7;
	v12 =	vadd.s32 v6, v12;
	v15 =	vld.idx.msk [tilespmem:v8+s12+$0x0], $0xffff  }
0x2bd: {  	s25 =	simm.s32 $0x9;
	v13 =	vadd.s32 v6, v13;
	v16 =	vld.idx.msk [tilespmem:v9+s12+$0x0], $0xffff;
	v8 =	vadd.s32 s23, v7  }
0x2be: {  	s24 =	simm.s32 $0x8;
	v17 =	vld.idx.msk [tilespmem:v10+s12+$0x0], $0xffff;
	v9 =	vadd.s32 s25, v7;
	v18 =	vadd.s32 v6, v8  }
0x2bf: {  	s26 =	simm.s32 $0xA;
	v20 =	vld.idx.msk [tilespmem:v11+s12+$0x0], $0xffff;
	v8 =	vadd.s32 s24, v7;
	v21 =	vadd.s32 v6, v9  }
0x2c0: {  	s28 =	simm.s32 $0xB;
	s23 =	simm.s32 $0xB020;
	v11 =	vadd.s32 s26, v7;
	v10 =	vld.idx.msk [tilespmem:v14+s12+$0x0], $0xffff;
	v19 =	vadd.s32 v6, v8  }
0x2c1: {  	s29 =	simm.s32 $0xC;
	v8 =	vld.idx.msk [tilespmem:v12+s12+$0x0], $0xffff;
	v12 =	vadd.s32 s28, v7;
	[tilespmem:s23+$0x380] =	vst v15;
	v15 =	vadd.s32 v6, v11  }
0x2c2: {  	s30 =	simm.s32 $0xD;
	v9 =	vld.idx.msk [tilespmem:v13+s12+$0x0], $0xffff;
	v14 =	vadd.s32 v6, v12;
	v12 =	vadd.s32 s29, v7  }
0x2c3: {  	s31 =	simm.s32 $0xE;
	v13 =	vadd.s32 s30, v7;
	[tilespmem:s23+$0xFFFFFC80] =	vst v16;
	v16 =	vadd.s32 v6, v12;
	v11 =	vld.idx.msk [tilespmem:v18+s12+$0x0], $0xffff  }
0x2c4: {  	s28 =	simm.s32 $0x0;
	[tilespmem:s23+$0xFFFFFD00] =	vst v17;
	v17 =	vadd.s32 v6, v13;
	v18 =	vadd.s32 s31, v7;
	v13 =	vld.idx.msk [tilespmem:v21+s12+$0x0], $0xffff  }
0x2c5: {  	s26 =	simm.s32 $0x1F;
	s25 =	simm.s32 $0x20;
	s24 =	simm.s32 $0x10;
	[tilespmem:s23+$0xFFFFFD80] =	vst v20;
	v12 =	vld.idx.msk [tilespmem:v19+s12+$0x0], $0xffff;
	v19 =	vadd.s32 s28, v7;
	v18 =	vadd.s32 v6, v18  }
.LBB2_23:
0x2c6: {  	p1 =	slt.u32 s25, $0x30;
	s0 =	sadd.s32 $0x1, s24;
	v20 =	vadd.s32 s26, v7;
	v19 =	vadd.s32 v6, v19;
	[tilespmem:s23+$0xFFFFFE00] =	vst v8;
	v8 =	vld.idx.msk [tilespmem:v15+s12+$0x0], $0xffff  }
0x2c7: {  	v15 =	vadd.s32 s0, v7;
	s0 =	sadd.s32 $0x2, s24;
	v20 =	vadd.s32 v6, v20;
	[tilespmem:s23+$0xFFFFFE80] =	vst v9;
	v9 =	vld.idx.msk [tilespmem:v14+s12+$0x0], $0xffff  }
0x2c8: {  	v14 =	vadd.s32 v6, v15;
	v15 =	vadd.s32 s0, v7;
	s0 =	sadd.s32 $0x3, s24;
	[tilespmem:s23+$0xFFFFFF00] =	vst v10;
	v10 =	vld.idx.msk [tilespmem:v16+s12+$0x0], $0xffff  }
0x2c9: {  	v15 =	vadd.s32 v6, v15;
	v16 =	vadd.s32 s0, v7;
	s0 =	sadd.s32 $0x4, s24;
	[tilespmem:s23+$0xFFFFFF80] =	vst v11;
	v11 =	vld.idx.msk [tilespmem:v17+s12+$0x0], $0xffff  }
0x2ca: {  	v16 =	vadd.s32 v6, v16;
	v17 =	vadd.s32 s0, v7;
	s0 =	sadd.s32 $0x5, s24;
	[tilespmem:s23+$0x0] =	vst v12;
	v12 =	vld.idx.msk [tilespmem:v18+s12+$0x0], $0xffff  }
0x2cb: {  	v17 =	vadd.s32 v6, v17;
	v18 =	vadd.s32 s0, v7;
	s0 =	sadd.s32 $0x6, s24;
	v19 =	vld.idx.msk [tilespmem:v19+s12+$0x0], $0xffff;
	[tilespmem:s23+$0x80] =	vst v13  }
0x2cc: {  	v13 =	vadd.s32 v6, v18;
	v18 =	vadd.s32 s0, v7;
	s0 =	sadd.s32 $0x7, s24;
	v20 =	vld.idx.msk [tilespmem:v20+s12+$0x0], $0xffff;
	[tilespmem:s23+$0x100] =	vst v8  }
0x2cd: {  	v21 =	vld.idx.msk [tilespmem:v14+s12+$0x0], $0xffff;
	v14 =	vadd.s32 v6, v18;
	v8 =	vadd.s32 s0, v7;
	s0 =	sadd.s32 $0x8, s24;
	[tilespmem:s23+$0x180] =	vst v9  }
0x2ce: {  	v18 =	vld.idx.msk [tilespmem:v15+s12+$0x0], $0xffff;
	v22 =	vadd.s32 v6, v8;
	v8 =	vadd.s32 s0, v7;
	s0 =	sadd.s32 $0x9, s24;
	[tilespmem:s23+$0x200] =	vst v10  }
0x2cf: {  	v23 =	vld.idx.msk [tilespmem:v16+s12+$0x0], $0xffff;
	v24 =	vadd.s32 v6, v8;
	v9 =	vadd.s32 s0, v7;
	s0 =	sadd.s32 $0xA, s24;
	[tilespmem:s23+$0x280] =	vst v11  }
0x2d0: {  	v8 =	vld.idx.msk [tilespmem:v17+s12+$0x0], $0xffff;
	v25 =	vadd.s32 v6, v9;
	v10 =	vadd.s32 s0, v7;
	s0 =	sadd.s32 $0xB, s24;
	[tilespmem:s23+$0x300] =	vst v12  }
.Ltmp12:
0x2d1: {  	v9 =	vld.idx.msk [tilespmem:v13+s12+$0x0], $0xffff;
	v15 =	vadd.s32 v6, v10;
	v11 =	vadd.s32 s0, v7;
	s0 =	sadd.s32 $0xC, s24;
	[tilespmem:s23+$0xFFFFFC00] =	vst v19;
	s23 =	sadd.s32 $0x800, s23;
	(pc) =	sbr.rel @p1 .LBB2_23-.Ltmp12, $4  }
0x2d2: {  	v10 =	vld.idx.msk [tilespmem:v14+s12+$0x0], $0xffff;
	v14 =	vadd.s32 v6, v11;
	v12 =	vadd.s32 s0, v7;
	s0 =	sadd.s32 $0xD, s24;
	[tilespmem:s23+$0x380] =	vst v20  }
0x2d3: {  	[tilespmem:s23+$0xFFFFFC80] =	vst v21;
	v11 =	vld.idx.msk [tilespmem:v22+s12+$0x0], $0xffff;
	v16 =	vadd.s32 v6, v12;
	v13 =	vadd.s32 s0, v7;
	s0 =	sadd.s32 $0xE, s24  }
0x2d4: {  	[tilespmem:s23+$0xFFFFFD00] =	vst v18;
	v12 =	vld.idx.msk [tilespmem:v24+s12+$0x0], $0xffff;
	v17 =	vadd.s32 v6, v13;
	v18 =	vadd.s32 s0, v7  }
0x2d5: {  	s26 =	sadd.s32 $0xF, s25;
	v19 =	vadd.s32 s24, v7;
	s24 =	smov.u32 s25;
	s25 =	sadd.s32 $0x10, s25;
	[tilespmem:s23+$0xFFFFFD80] =	vst v23;
	v13 =	vld.idx.msk [tilespmem:v25+s12+$0x0], $0xffff;
	v18 =	vadd.s32 v6, v18  }
0x2d6: {  	_ =	sdelay $0x2  }
0x2d7: {  	[tilespmem:s23+$0xFFFFFE00] =	vst v8  }
0x2d8: {  	s0 =	sadd.s32 $0x1, s24;
	v8 =	vadd.s32 s26, v7;
	v19 =	vadd.s32 v6, v19;
	v15 =	vld.idx.msk [tilespmem:v15+s12+$0x0], $0xffff;
	[tilespmem:s23+$0xFFFFFE80] =	vst v9  }
0x2d9: {  	s30 =	sadd.s32 $0x2, s24;
	v14 =	vld.idx.msk [tilespmem:v14+s12+$0x0], $0xffff;
	v9 =	vadd.s32 s0, v7;
	v8 =	vadd.s32 v6, v8;
	[tilespmem:s23+$0xFFFFFF00] =	vst v10  }
0x2da: {  	s31 =	sadd.s32 $0x3, s24;
	v16 =	vld.idx.msk [tilespmem:v16+s12+$0x0], $0xffff;
	v10 =	vadd.s32 s30, v7;
	v9 =	vadd.s32 v6, v9;
	[tilespmem:s23+$0xFFFFFF80] =	vst v11  }
0x2db: {  	s25 =	sadd.s32 $0x4, s24;
	v17 =	vld.idx.msk [tilespmem:v17+s12+$0x0], $0xffff;
	v10 =	vadd.s32 v6, v10;
	v11 =	vadd.s32 s31, v7;
	[tilespmem:s23+$0x0] =	vst v12  }
0x2dc: {  	s26 =	sadd.s32 $0x5, s24;
	v18 =	vld.idx.msk [tilespmem:v18+s12+$0x0], $0xffff;
	v11 =	vadd.s32 v6, v11;
	v12 =	vadd.s32 s25, v7;
	[tilespmem:s23+$0x80] =	vst v13  }
0x2dd: {  	s28 =	sadd.s32 $0x6, s24;
	v12 =	vadd.s32 v6, v12;
	v13 =	vadd.s32 s26, v7;
	v19 =	vld.idx.msk [tilespmem:v19+s12+$0x0], $0xffff;
	[tilespmem:s23+$0x100] =	vst v15  }
0x2de: {  	s29 =	sadd.s32 $0x7, s24;
	v13 =	vadd.s32 v6, v13;
	v15 =	vadd.s32 s28, v7;
	[tilespmem:s23+$0x180] =	vst v14;
	v8 =	vld.idx.msk [tilespmem:v8+s12+$0x0], $0xffff  }
0x2df: {  	s30 =	sadd.s32 $0x8, s24;
	[tilespmem:s23+$0x200] =	vst v16;
	v14 =	vadd.s32 v6, v15;
	v15 =	vadd.s32 s29, v7;
	v9 =	vld.idx.msk [tilespmem:v9+s12+$0x0], $0xffff  }
0x2e0: {  	s31 =	sadd.s32 $0x9, s24;
	v16 =	vadd.s32 s30, v7;
	[tilespmem:s23+$0x280] =	vst v17;
	v10 =	vld.idx.msk [tilespmem:v10+s12+$0x0], $0xffff;
	v15 =	vadd.s32 v6, v15  }
0x2e1: {  	s25 =	sadd.s32 $0xA, s24;
	v17 =	vadd.s32 s31, v7;
	[tilespmem:s23+$0x300] =	vst v18;
	v16 =	vadd.s32 v6, v16;
	v11 =	vld.idx.msk [tilespmem:v11+s12+$0x0], $0xffff  }
0x2e2: {  	s26 =	sadd.s32 $0xB, s24;
	v18 =	vadd.s32 s25, v7;
	s28 =	sadd.s32 $0x800, s23;
	v17 =	vadd.s32 v6, v17;
	v12 =	vld.idx.msk [tilespmem:v12+s12+$0x0], $0xffff;
	[tilespmem:s23+$0xFFFFFC00] =	vst v19  }
0x2e3: {  	v18 =	vadd.s32 v6, v18;
	s29 =	sadd.s32 $0xC, s24;
	v13 =	vld.idx.msk [tilespmem:v13+s12+$0x0], $0xffff;
	v19 =	vadd.s32 s26, v7;
	[tilespmem:s28+$0x380] =	vst v8  }
0x2e4: {  	s30 =	sadd.s32 $0xD, s24;
	v8 =	vld.idx.msk [tilespmem:v14+s12+$0x0], $0xffff;
	v14 =	vadd.s32 v6, v19;
	v19 =	vadd.s32 s29, v7;
	[tilespmem:s28+$0xFFFFFC80] =	vst v9  }
0x2e5: {  	s31 =	sadd.s32 $0xE, s24;
	v9 =	vld.idx.msk [tilespmem:v15+s12+$0x0], $0xffff;
	v15 =	vadd.s32 v6, v19;
	v19 =	vadd.s32 s30, v7;
	[tilespmem:s28+$0xFFFFFD00] =	vst v10  }
0x2e6: {  	v10 =	vld.idx.msk [tilespmem:v16+s12+$0x0], $0xffff;
	v16 =	vadd.s32 v6, v19;
	v19 =	vadd.s32 s31, v7;
	[tilespmem:s28+$0xFFFFFD80] =	vst v11  }
0x2e7: {  	v7 =	vadd.s32 s24, v7;
	v11 =	vld.idx.msk [tilespmem:v17+s12+$0x0], $0xffff;
	v17 =	vadd.s32 v6, v19;
	[tilespmem:s28+$0xFFFFFE00] =	vst v12  }
0x2e8: {  	v6 =	vadd.s32 v6, v7;
	v7 =	vld.idx.msk [tilespmem:v18+s12+$0x0], $0xffff;
	[tilespmem:s28+$0xFFFFFE80] =	vst v13  }
0x2e9: {  	v12 =	vld.idx.msk [tilespmem:v14+s12+$0x0], $0xffff;
	[tilespmem:s28+$0xFFFFFF00] =	vst v8  }
0x2ea: {  	v8 =	vld.idx.msk [tilespmem:v15+s12+$0x0], $0xffff;
	[tilespmem:s28+$0xFFFFFF80] =	vst v9  }
0x2eb: {  	[tilespmem:s28+$0x0] =	vst v10;
	v9 =	vld.idx.msk [tilespmem:v16+s12+$0x0], $0xffff  }
0x2ec: {  	[tilespmem:s28+$0x80] =	vst v11;
	v10 =	vld.idx.msk [tilespmem:v17+s12+$0x0], $0xffff  }
0x2ed: {  	v6 =	vld.idx.msk [tilespmem:v6+s12+$0x0], $0xffff;
	[tilespmem:s28+$0x100] =	vst v7  }
0x2ee: {  	[tilespmem:s28+$0x180] =	vst v12  }
0x2ef: {  	[tilespmem:s28+$0x200] =	vst v8  }
0x2f0: {  	[tilespmem:s28+$0x280] =	vst v9  }
0x2f1: {  	[tilespmem:s28+$0x300] =	vst v10  }
0x2f2: {  	[tilespmem:s28+$0xFFFFFC00] =	vst v6  }
0x2f3: {  	v6 =	vld [tilespmem:s20+$0x8B0];
	_ =	sdelay $0x3  }
0x2f4: {  	s24 =	simm.s32 $0xF  }
0x2f5: {  	s25 =	simm.s32 $0x1;
	v7 =	vadd.s32 s24, v6  }
0x2f6: {  	s26 =	simm.s32 $0x2;
	v8 =	vadd.s32 s25, v6;
	v7 =	vadd.s32 v5, v7  }
0x2f7: {  	s28 =	simm.s32 $0x3;
	v9 =	vadd.s32 s26, v6;
	v8 =	vadd.s32 v5, v8  }
0x2f8: {  	s31 =	simm.s32 $0x6;
	v10 =	vadd.s32 s28, v6;
	v9 =	vadd.s32 v5, v9  }
0x2f9: {  	s29 =	simm.s32 $0x4;
	v13 =	vadd.s32 s31, v6;
	v10 =	vadd.s32 v5, v10  }
0x2fa: {  	s30 =	simm.s32 $0x5;
	v11 =	vadd.s32 s29, v6;
	v13 =	vadd.s32 v5, v13  }
0x2fb: {  	s23 =	simm.s32 $0x7;
	v12 =	vadd.s32 s30, v6;
	v11 =	vadd.s32 v5, v11;
	v14 =	vld.idx.msk [tilespmem:v7+s12+$0x0], $0xffff  }
0x2fc: {  	s25 =	simm.s32 $0x9;
	v12 =	vadd.s32 v5, v12;
	v15 =	vld.idx.msk [tilespmem:v8+s12+$0x0], $0xffff;
	v7 =	vadd.s32 s23, v6  }
0x2fd: {  	s24 =	simm.s32 $0x8;
	v16 =	vld.idx.msk [tilespmem:v9+s12+$0x0], $0xffff;
	v8 =	vadd.s32 s25, v6;
	v17 =	vadd.s32 v5, v7  }
0x2fe: {  	s26 =	simm.s32 $0xA;
	v19 =	vld.idx.msk [tilespmem:v10+s12+$0x0], $0xffff;
	v7 =	vadd.s32 s24, v6;
	v20 =	vadd.s32 v5, v8  }
0x2ff: {  	s28 =	simm.s32 $0xB;
	s23 =	simm.s32 $0xB030;
	v10 =	vadd.s32 s26, v6;
	v9 =	vld.idx.msk [tilespmem:v13+s12+$0x0], $0xffff;
	v18 =	vadd.s32 v5, v7  }
0x300: {  	s29 =	simm.s32 $0xC;
	v7 =	vld.idx.msk [tilespmem:v11+s12+$0x0], $0xffff;
	v11 =	vadd.s32 s28, v6;
	[tilespmem:s23+$0x380] =	vst v14;
	v14 =	vadd.s32 v5, v10  }
0x301: {  	s30 =	simm.s32 $0xD;
	v8 =	vld.idx.msk [tilespmem:v12+s12+$0x0], $0xffff;
	v13 =	vadd.s32 v5, v11;
	v11 =	vadd.s32 s29, v6  }
0x302: {  	s31 =	simm.s32 $0xE;
	v12 =	vadd.s32 s30, v6;
	[tilespmem:s23+$0xFFFFFC80] =	vst v15;
	v15 =	vadd.s32 v5, v11;
	v10 =	vld.idx.msk [tilespmem:v17+s12+$0x0], $0xffff  }
0x303: {  	s28 =	simm.s32 $0x0;
	[tilespmem:s23+$0xFFFFFD00] =	vst v16;
	v16 =	vadd.s32 v5, v12;
	v17 =	vadd.s32 s31, v6;
	v12 =	vld.idx.msk [tilespmem:v20+s12+$0x0], $0xffff  }
0x304: {  	s26 =	simm.s32 $0x1F;
	s25 =	simm.s32 $0x20;
	s24 =	simm.s32 $0x10;
	[tilespmem:s23+$0xFFFFFD80] =	vst v19;
	v11 =	vld.idx.msk [tilespmem:v18+s12+$0x0], $0xffff;
	v18 =	vadd.s32 s28, v6;
	v17 =	vadd.s32 v5, v17  }
.LBB2_25:
0x305: {  	p1 =	slt.u32 s25, $0x30;
	s0 =	sadd.s32 $0x1, s24;
	v19 =	vadd.s32 s26, v6;
	v18 =	vadd.s32 v5, v18;
	[tilespmem:s23+$0xFFFFFE00] =	vst v7;
	v7 =	vld.idx.msk [tilespmem:v14+s12+$0x0], $0xffff  }
0x306: {  	v14 =	vadd.s32 s0, v6;
	s0 =	sadd.s32 $0x2, s24;
	v19 =	vadd.s32 v5, v19;
	[tilespmem:s23+$0xFFFFFE80] =	vst v8;
	v8 =	vld.idx.msk [tilespmem:v13+s12+$0x0], $0xffff  }
0x307: {  	v13 =	vadd.s32 v5, v14;
	v14 =	vadd.s32 s0, v6;
	s0 =	sadd.s32 $0x3, s24;
	[tilespmem:s23+$0xFFFFFF00] =	vst v9;
	v9 =	vld.idx.msk [tilespmem:v15+s12+$0x0], $0xffff  }
0x308: {  	v14 =	vadd.s32 v5, v14;
	v15 =	vadd.s32 s0, v6;
	s0 =	sadd.s32 $0x4, s24;
	[tilespmem:s23+$0xFFFFFF80] =	vst v10;
	v10 =	vld.idx.msk [tilespmem:v16+s12+$0x0], $0xffff  }
0x309: {  	v15 =	vadd.s32 v5, v15;
	v16 =	vadd.s32 s0, v6;
	s0 =	sadd.s32 $0x5, s24;
	[tilespmem:s23+$0x0] =	vst v11;
	v11 =	vld.idx.msk [tilespmem:v17+s12+$0x0], $0xffff  }
0x30a: {  	v16 =	vadd.s32 v5, v16;
	v17 =	vadd.s32 s0, v6;
	s0 =	sadd.s32 $0x6, s24;
	v18 =	vld.idx.msk [tilespmem:v18+s12+$0x0], $0xffff;
	[tilespmem:s23+$0x80] =	vst v12  }
0x30b: {  	v12 =	vadd.s32 v5, v17;
	v17 =	vadd.s32 s0, v6;
	s0 =	sadd.s32 $0x7, s24;
	v19 =	vld.idx.msk [tilespmem:v19+s12+$0x0], $0xffff;
	[tilespmem:s23+$0x100] =	vst v7  }
0x30c: {  	v20 =	vld.idx.msk [tilespmem:v13+s12+$0x0], $0xffff;
	v13 =	vadd.s32 v5, v17;
	v7 =	vadd.s32 s0, v6;
	s0 =	sadd.s32 $0x8, s24;
	[tilespmem:s23+$0x180] =	vst v8  }
0x30d: {  	v17 =	vld.idx.msk [tilespmem:v14+s12+$0x0], $0xffff;
	v21 =	vadd.s32 v5, v7;
	v7 =	vadd.s32 s0, v6;
	s0 =	sadd.s32 $0x9, s24;
	[tilespmem:s23+$0x200] =	vst v9  }
0x30e: {  	v22 =	vld.idx.msk [tilespmem:v15+s12+$0x0], $0xffff;
	v23 =	vadd.s32 v5, v7;
	v8 =	vadd.s32 s0, v6;
	s0 =	sadd.s32 $0xA, s24;
	[tilespmem:s23+$0x280] =	vst v10  }
0x30f: {  	v7 =	vld.idx.msk [tilespmem:v16+s12+$0x0], $0xffff;
	v24 =	vadd.s32 v5, v8;
	v9 =	vadd.s32 s0, v6;
	s0 =	sadd.s32 $0xB, s24;
	[tilespmem:s23+$0x300] =	vst v11  }
.Ltmp13:
0x310: {  	v8 =	vld.idx.msk [tilespmem:v12+s12+$0x0], $0xffff;
	v14 =	vadd.s32 v5, v9;
	v10 =	vadd.s32 s0, v6;
	s0 =	sadd.s32 $0xC, s24;
	[tilespmem:s23+$0xFFFFFC00] =	vst v18;
	s23 =	sadd.s32 $0x800, s23;
	(pc) =	sbr.rel @p1 .LBB2_25-.Ltmp13, $4  }
0x311: {  	v9 =	vld.idx.msk [tilespmem:v13+s12+$0x0], $0xffff;
	v13 =	vadd.s32 v5, v10;
	v11 =	vadd.s32 s0, v6;
	s0 =	sadd.s32 $0xD, s24;
	[tilespmem:s23+$0x380] =	vst v19  }
0x312: {  	[tilespmem:s23+$0xFFFFFC80] =	vst v20;
	v10 =	vld.idx.msk [tilespmem:v21+s12+$0x0], $0xffff;
	v15 =	vadd.s32 v5, v11;
	v12 =	vadd.s32 s0, v6;
	s0 =	sadd.s32 $0xE, s24  }
0x313: {  	[tilespmem:s23+$0xFFFFFD00] =	vst v17;
	v11 =	vld.idx.msk [tilespmem:v23+s12+$0x0], $0xffff;
	v16 =	vadd.s32 v5, v12;
	v17 =	vadd.s32 s0, v6  }
0x314: {  	s26 =	sadd.s32 $0xF, s25;
	v18 =	vadd.s32 s24, v6;
	s24 =	smov.u32 s25;
	s25 =	sadd.s32 $0x10, s25;
	[tilespmem:s23+$0xFFFFFD80] =	vst v22;
	v12 =	vld.idx.msk [tilespmem:v24+s12+$0x0], $0xffff;
	v17 =	vadd.s32 v5, v17  }
0x315: {  	_ =	sdelay $0x2  }
0x316: {  	[tilespmem:s23+$0xFFFFFE00] =	vst v7  }
0x317: {  	s0 =	sadd.s32 $0x1, s24;
	v7 =	vadd.s32 s26, v6;
	v18 =	vadd.s32 v5, v18;
	v14 =	vld.idx.msk [tilespmem:v14+s12+$0x0], $0xffff;
	[tilespmem:s23+$0xFFFFFE80] =	vst v8  }
0x318: {  	s30 =	sadd.s32 $0x2, s24;
	v13 =	vld.idx.msk [tilespmem:v13+s12+$0x0], $0xffff;
	v8 =	vadd.s32 s0, v6;
	v7 =	vadd.s32 v5, v7;
	[tilespmem:s23+$0xFFFFFF00] =	vst v9  }
0x319: {  	s31 =	sadd.s32 $0x3, s24;
	v15 =	vld.idx.msk [tilespmem:v15+s12+$0x0], $0xffff;
	v9 =	vadd.s32 s30, v6;
	v8 =	vadd.s32 v5, v8;
	[tilespmem:s23+$0xFFFFFF80] =	vst v10  }
0x31a: {  	s25 =	sadd.s32 $0x4, s24;
	v16 =	vld.idx.msk [tilespmem:v16+s12+$0x0], $0xffff;
	v9 =	vadd.s32 v5, v9;
	v10 =	vadd.s32 s31, v6;
	[tilespmem:s23+$0x0] =	vst v11  }
0x31b: {  	s26 =	sadd.s32 $0x5, s24;
	v17 =	vld.idx.msk [tilespmem:v17+s12+$0x0], $0xffff;
	v10 =	vadd.s32 v5, v10;
	v11 =	vadd.s32 s25, v6;
	[tilespmem:s23+$0x80] =	vst v12  }
0x31c: {  	s28 =	sadd.s32 $0x6, s24;
	v11 =	vadd.s32 v5, v11;
	v12 =	vadd.s32 s26, v6;
	v18 =	vld.idx.msk [tilespmem:v18+s12+$0x0], $0xffff;
	[tilespmem:s23+$0x100] =	vst v14  }
0x31d: {  	s29 =	sadd.s32 $0x7, s24;
	v12 =	vadd.s32 v5, v12;
	v14 =	vadd.s32 s28, v6;
	[tilespmem:s23+$0x180] =	vst v13;
	v7 =	vld.idx.msk [tilespmem:v7+s12+$0x0], $0xffff  }
0x31e: {  	s30 =	sadd.s32 $0x8, s24;
	[tilespmem:s23+$0x200] =	vst v15;
	v13 =	vadd.s32 v5, v14;
	v14 =	vadd.s32 s29, v6;
	v8 =	vld.idx.msk [tilespmem:v8+s12+$0x0], $0xffff  }
0x31f: {  	s31 =	sadd.s32 $0x9, s24;
	v15 =	vadd.s32 s30, v6;
	[tilespmem:s23+$0x280] =	vst v16;
	v9 =	vld.idx.msk [tilespmem:v9+s12+$0x0], $0xffff;
	v14 =	vadd.s32 v5, v14  }
0x320: {  	s25 =	sadd.s32 $0xA, s24;
	v16 =	vadd.s32 s31, v6;
	[tilespmem:s23+$0x300] =	vst v17;
	v15 =	vadd.s32 v5, v15;
	v10 =	vld.idx.msk [tilespmem:v10+s12+$0x0], $0xffff  }
0x321: {  	s26 =	sadd.s32 $0xB, s24;
	v17 =	vadd.s32 s25, v6;
	s28 =	sadd.s32 $0x800, s23;
	v16 =	vadd.s32 v5, v16;
	v11 =	vld.idx.msk [tilespmem:v11+s12+$0x0], $0xffff;
	[tilespmem:s23+$0xFFFFFC00] =	vst v18  }
0x322: {  	v17 =	vadd.s32 v5, v17;
	s29 =	sadd.s32 $0xC, s24;
	v12 =	vld.idx.msk [tilespmem:v12+s12+$0x0], $0xffff;
	v18 =	vadd.s32 s26, v6;
	[tilespmem:s28+$0x380] =	vst v7  }
0x323: {  	s30 =	sadd.s32 $0xD, s24;
	v7 =	vld.idx.msk [tilespmem:v13+s12+$0x0], $0xffff;
	v13 =	vadd.s32 v5, v18;
	v18 =	vadd.s32 s29, v6;
	[tilespmem:s28+$0xFFFFFC80] =	vst v8  }
0x324: {  	s31 =	sadd.s32 $0xE, s24;
	v8 =	vld.idx.msk [tilespmem:v14+s12+$0x0], $0xffff;
	v14 =	vadd.s32 v5, v18;
	v18 =	vadd.s32 s30, v6;
	[tilespmem:s28+$0xFFFFFD00] =	vst v9  }
0x325: {  	v9 =	vld.idx.msk [tilespmem:v15+s12+$0x0], $0xffff;
	v15 =	vadd.s32 v5, v18;
	v18 =	vadd.s32 s31, v6;
	[tilespmem:s28+$0xFFFFFD80] =	vst v10  }
0x326: {  	v6 =	vadd.s32 s24, v6;
	v10 =	vld.idx.msk [tilespmem:v16+s12+$0x0], $0xffff;
	v16 =	vadd.s32 v5, v18;
	[tilespmem:s28+$0xFFFFFE00] =	vst v11  }
0x327: {  	v5 =	vadd.s32 v5, v6;
	v6 =	vld.idx.msk [tilespmem:v17+s12+$0x0], $0xffff;
	[tilespmem:s28+$0xFFFFFE80] =	vst v12  }
0x328: {  	v11 =	vld.idx.msk [tilespmem:v13+s12+$0x0], $0xffff;
	[tilespmem:s28+$0xFFFFFF00] =	vst v7  }
0x329: {  	v7 =	vld.idx.msk [tilespmem:v14+s12+$0x0], $0xffff;
	[tilespmem:s28+$0xFFFFFF80] =	vst v8  }
0x32a: {  	[tilespmem:s28+$0x0] =	vst v9;
	v8 =	vld.idx.msk [tilespmem:v15+s12+$0x0], $0xffff  }
0x32b: {  	[tilespmem:s28+$0x80] =	vst v10;
	v9 =	vld.idx.msk [tilespmem:v16+s12+$0x0], $0xffff  }
0x32c: {  	v5 =	vld.idx.msk [tilespmem:v5+s12+$0x0], $0xffff;
	[tilespmem:s28+$0x100] =	vst v6  }
0x32d: {  	[tilespmem:s28+$0x180] =	vst v11  }
0x32e: {  	[tilespmem:s28+$0x200] =	vst v7  }
0x32f: {  	[tilespmem:s28+$0x280] =	vst v8  }
0x330: {  	[tilespmem:s28+$0x300] =	vst v9  }
0x331: {  	[tilespmem:s28+$0xFFFFFC00] =	vst v5  }
0x332: {  	v5 =	vld [tilespmem:s20+$0x8C0];
	_ =	sdelay $0x3  }
0x333: {  	s24 =	simm.s32 $0xF  }
0x334: {  	s25 =	simm.s32 $0x1;
	v6 =	vadd.s32 s24, v5  }
0x335: {  	s26 =	simm.s32 $0x2;
	v7 =	vadd.s32 s25, v5;
	v6 =	vadd.s32 v4, v6  }
0x336: {  	s28 =	simm.s32 $0x3;
	v8 =	vadd.s32 s26, v5;
	v7 =	vadd.s32 v4, v7  }
0x337: {  	s31 =	simm.s32 $0x6;
	v9 =	vadd.s32 s28, v5;
	v8 =	vadd.s32 v4, v8  }
0x338: {  	s29 =	simm.s32 $0x4;
	v12 =	vadd.s32 s31, v5;
	v9 =	vadd.s32 v4, v9  }
0x339: {  	s30 =	simm.s32 $0x5;
	v10 =	vadd.s32 s29, v5;
	v12 =	vadd.s32 v4, v12  }
0x33a: {  	s23 =	simm.s32 $0x7;
	v11 =	vadd.s32 s30, v5;
	v10 =	vadd.s32 v4, v10;
	v13 =	vld.idx.msk [tilespmem:v6+s12+$0x0], $0xffff  }
0x33b: {  	s25 =	simm.s32 $0x9;
	v11 =	vadd.s32 v4, v11;
	v14 =	vld.idx.msk [tilespmem:v7+s12+$0x0], $0xffff;
	v6 =	vadd.s32 s23, v5  }
0x33c: {  	s24 =	simm.s32 $0x8;
	v15 =	vld.idx.msk [tilespmem:v8+s12+$0x0], $0xffff;
	v7 =	vadd.s32 s25, v5;
	v16 =	vadd.s32 v4, v6  }
0x33d: {  	s26 =	simm.s32 $0xA;
	v18 =	vld.idx.msk [tilespmem:v9+s12+$0x0], $0xffff;
	v6 =	vadd.s32 s24, v5;
	v19 =	vadd.s32 v4, v7  }
0x33e: {  	s28 =	simm.s32 $0xB;
	s23 =	simm.s32 $0xB040;
	v9 =	vadd.s32 s26, v5;
	v8 =	vld.idx.msk [tilespmem:v12+s12+$0x0], $0xffff;
	v17 =	vadd.s32 v4, v6  }
0x33f: {  	s29 =	simm.s32 $0xC;
	v6 =	vld.idx.msk [tilespmem:v10+s12+$0x0], $0xffff;
	v10 =	vadd.s32 s28, v5;
	[tilespmem:s23+$0x380] =	vst v13;
	v13 =	vadd.s32 v4, v9  }
0x340: {  	s30 =	simm.s32 $0xD;
	v7 =	vld.idx.msk [tilespmem:v11+s12+$0x0], $0xffff;
	v12 =	vadd.s32 v4, v10;
	v10 =	vadd.s32 s29, v5  }
0x341: {  	s31 =	simm.s32 $0xE;
	v11 =	vadd.s32 s30, v5;
	[tilespmem:s23+$0xFFFFFC80] =	vst v14;
	v14 =	vadd.s32 v4, v10;
	v9 =	vld.idx.msk [tilespmem:v16+s12+$0x0], $0xffff  }
0x342: {  	s28 =	simm.s32 $0x0;
	[tilespmem:s23+$0xFFFFFD00] =	vst v15;
	v15 =	vadd.s32 v4, v11;
	v16 =	vadd.s32 s31, v5;
	v11 =	vld.idx.msk [tilespmem:v19+s12+$0x0], $0xffff  }
0x343: {  	s26 =	simm.s32 $0x1F;
	s25 =	simm.s32 $0x20;
	s24 =	simm.s32 $0x10;
	[tilespmem:s23+$0xFFFFFD80] =	vst v18;
	v10 =	vld.idx.msk [tilespmem:v17+s12+$0x0], $0xffff;
	v17 =	vadd.s32 s28, v5;
	v16 =	vadd.s32 v4, v16  }
.LBB2_27:
0x344: {  	p1 =	slt.u32 s25, $0x30;
	s0 =	sadd.s32 $0x1, s24;
	v18 =	vadd.s32 s26, v5;
	v17 =	vadd.s32 v4, v17;
	[tilespmem:s23+$0xFFFFFE00] =	vst v6;
	v6 =	vld.idx.msk [tilespmem:v13+s12+$0x0], $0xffff  }
0x345: {  	v13 =	vadd.s32 s0, v5;
	s0 =	sadd.s32 $0x2, s24;
	v18 =	vadd.s32 v4, v18;
	[tilespmem:s23+$0xFFFFFE80] =	vst v7;
	v7 =	vld.idx.msk [tilespmem:v12+s12+$0x0], $0xffff  }
0x346: {  	v12 =	vadd.s32 v4, v13;
	v13 =	vadd.s32 s0, v5;
	s0 =	sadd.s32 $0x3, s24;
	[tilespmem:s23+$0xFFFFFF00] =	vst v8;
	v8 =	vld.idx.msk [tilespmem:v14+s12+$0x0], $0xffff  }
0x347: {  	v13 =	vadd.s32 v4, v13;
	v14 =	vadd.s32 s0, v5;
	s0 =	sadd.s32 $0x4, s24;
	[tilespmem:s23+$0xFFFFFF80] =	vst v9;
	v9 =	vld.idx.msk [tilespmem:v15+s12+$0x0], $0xffff  }
0x348: {  	v14 =	vadd.s32 v4, v14;
	v15 =	vadd.s32 s0, v5;
	s0 =	sadd.s32 $0x5, s24;
	[tilespmem:s23+$0x0] =	vst v10;
	v10 =	vld.idx.msk [tilespmem:v16+s12+$0x0], $0xffff  }
0x349: {  	v15 =	vadd.s32 v4, v15;
	v16 =	vadd.s32 s0, v5;
	s0 =	sadd.s32 $0x6, s24;
	v17 =	vld.idx.msk [tilespmem:v17+s12+$0x0], $0xffff;
	[tilespmem:s23+$0x80] =	vst v11  }
0x34a: {  	v11 =	vadd.s32 v4, v16;
	v16 =	vadd.s32 s0, v5;
	s0 =	sadd.s32 $0x7, s24;
	v18 =	vld.idx.msk [tilespmem:v18+s12+$0x0], $0xffff;
	[tilespmem:s23+$0x100] =	vst v6  }
0x34b: {  	v19 =	vld.idx.msk [tilespmem:v12+s12+$0x0], $0xffff;
	v12 =	vadd.s32 v4, v16;
	v6 =	vadd.s32 s0, v5;
	s0 =	sadd.s32 $0x8, s24;
	[tilespmem:s23+$0x180] =	vst v7  }
0x34c: {  	v16 =	vld.idx.msk [tilespmem:v13+s12+$0x0], $0xffff;
	v20 =	vadd.s32 v4, v6;
	v6 =	vadd.s32 s0, v5;
	s0 =	sadd.s32 $0x9, s24;
	[tilespmem:s23+$0x200] =	vst v8  }
0x34d: {  	v21 =	vld.idx.msk [tilespmem:v14+s12+$0x0], $0xffff;
	v22 =	vadd.s32 v4, v6;
	v7 =	vadd.s32 s0, v5;
	s0 =	sadd.s32 $0xA, s24;
	[tilespmem:s23+$0x280] =	vst v9  }
0x34e: {  	v6 =	vld.idx.msk [tilespmem:v15+s12+$0x0], $0xffff;
	v23 =	vadd.s32 v4, v7;
	v8 =	vadd.s32 s0, v5;
	s0 =	sadd.s32 $0xB, s24;
	[tilespmem:s23+$0x300] =	vst v10  }
.Ltmp14:
0x34f: {  	v7 =	vld.idx.msk [tilespmem:v11+s12+$0x0], $0xffff;
	v13 =	vadd.s32 v4, v8;
	v9 =	vadd.s32 s0, v5;
	s0 =	sadd.s32 $0xC, s24;
	[tilespmem:s23+$0xFFFFFC00] =	vst v17;
	s23 =	sadd.s32 $0x800, s23;
	(pc) =	sbr.rel @p1 .LBB2_27-.Ltmp14, $4  }
0x350: {  	v8 =	vld.idx.msk [tilespmem:v12+s12+$0x0], $0xffff;
	v12 =	vadd.s32 v4, v9;
	v10 =	vadd.s32 s0, v5;
	s0 =	sadd.s32 $0xD, s24;
	[tilespmem:s23+$0x380] =	vst v18  }
0x351: {  	[tilespmem:s23+$0xFFFFFC80] =	vst v19;
	v9 =	vld.idx.msk [tilespmem:v20+s12+$0x0], $0xffff;
	v14 =	vadd.s32 v4, v10;
	v11 =	vadd.s32 s0, v5;
	s0 =	sadd.s32 $0xE, s24  }
0x352: {  	[tilespmem:s23+$0xFFFFFD00] =	vst v16;
	v10 =	vld.idx.msk [tilespmem:v22+s12+$0x0], $0xffff;
	v15 =	vadd.s32 v4, v11;
	v16 =	vadd.s32 s0, v5  }
0x353: {  	s26 =	sadd.s32 $0xF, s25;
	v17 =	vadd.s32 s24, v5;
	s24 =	smov.u32 s25;
	s25 =	sadd.s32 $0x10, s25;
	[tilespmem:s23+$0xFFFFFD80] =	vst v21;
	v11 =	vld.idx.msk [tilespmem:v23+s12+$0x0], $0xffff;
	v16 =	vadd.s32 v4, v16  }
0x354: {  	_ =	sdelay $0x2  }
0x355: {  	[tilespmem:s23+$0xFFFFFE00] =	vst v6  }
0x356: {  	s0 =	sadd.s32 $0x1, s24;
	v6 =	vadd.s32 s26, v5;
	v17 =	vadd.s32 v4, v17;
	v13 =	vld.idx.msk [tilespmem:v13+s12+$0x0], $0xffff;
	[tilespmem:s23+$0xFFFFFE80] =	vst v7  }
0x357: {  	s30 =	sadd.s32 $0x2, s24;
	v12 =	vld.idx.msk [tilespmem:v12+s12+$0x0], $0xffff;
	v7 =	vadd.s32 s0, v5;
	v6 =	vadd.s32 v4, v6;
	[tilespmem:s23+$0xFFFFFF00] =	vst v8  }
0x358: {  	s31 =	sadd.s32 $0x3, s24;
	v14 =	vld.idx.msk [tilespmem:v14+s12+$0x0], $0xffff;
	v8 =	vadd.s32 s30, v5;
	v7 =	vadd.s32 v4, v7;
	[tilespmem:s23+$0xFFFFFF80] =	vst v9  }
0x359: {  	s25 =	sadd.s32 $0x4, s24;
	v15 =	vld.idx.msk [tilespmem:v15+s12+$0x0], $0xffff;
	v8 =	vadd.s32 v4, v8;
	v9 =	vadd.s32 s31, v5;
	[tilespmem:s23+$0x0] =	vst v10  }
0x35a: {  	s26 =	sadd.s32 $0x5, s24;
	v16 =	vld.idx.msk [tilespmem:v16+s12+$0x0], $0xffff;
	v9 =	vadd.s32 v4, v9;
	v10 =	vadd.s32 s25, v5;
	[tilespmem:s23+$0x80] =	vst v11  }
0x35b: {  	s28 =	sadd.s32 $0x6, s24;
	v10 =	vadd.s32 v4, v10;
	v11 =	vadd.s32 s26, v5;
	v17 =	vld.idx.msk [tilespmem:v17+s12+$0x0], $0xffff;
	[tilespmem:s23+$0x100] =	vst v13  }
0x35c: {  	s29 =	sadd.s32 $0x7, s24;
	v11 =	vadd.s32 v4, v11;
	v13 =	vadd.s32 s28, v5;
	[tilespmem:s23+$0x180] =	vst v12;
	v6 =	vld.idx.msk [tilespmem:v6+s12+$0x0], $0xffff  }
0x35d: {  	s30 =	sadd.s32 $0x8, s24;
	[tilespmem:s23+$0x200] =	vst v14;
	v12 =	vadd.s32 v4, v13;
	v13 =	vadd.s32 s29, v5;
	v7 =	vld.idx.msk [tilespmem:v7+s12+$0x0], $0xffff  }
0x35e: {  	s31 =	sadd.s32 $0x9, s24;
	v14 =	vadd.s32 s30, v5;
	[tilespmem:s23+$0x280] =	vst v15;
	v8 =	vld.idx.msk [tilespmem:v8+s12+$0x0], $0xffff;
	v13 =	vadd.s32 v4, v13  }
0x35f: {  	s25 =	sadd.s32 $0xA, s24;
	v15 =	vadd.s32 s31, v5;
	[tilespmem:s23+$0x300] =	vst v16;
	v14 =	vadd.s32 v4, v14;
	v9 =	vld.idx.msk [tilespmem:v9+s12+$0x0], $0xffff  }
0x360: {  	s26 =	sadd.s32 $0xB, s24;
	v16 =	vadd.s32 s25, v5;
	s28 =	sadd.s32 $0x800, s23;
	v15 =	vadd.s32 v4, v15;
	v10 =	vld.idx.msk [tilespmem:v10+s12+$0x0], $0xffff;
	[tilespmem:s23+$0xFFFFFC00] =	vst v17  }
0x361: {  	v16 =	vadd.s32 v4, v16;
	s29 =	sadd.s32 $0xC, s24;
	v11 =	vld.idx.msk [tilespmem:v11+s12+$0x0], $0xffff;
	v17 =	vadd.s32 s26, v5;
	[tilespmem:s28+$0x380] =	vst v6  }
0x362: {  	s30 =	sadd.s32 $0xD, s24;
	v6 =	vld.idx.msk [tilespmem:v12+s12+$0x0], $0xffff;
	v12 =	vadd.s32 v4, v17;
	v17 =	vadd.s32 s29, v5;
	[tilespmem:s28+$0xFFFFFC80] =	vst v7  }
0x363: {  	s31 =	sadd.s32 $0xE, s24;
	v7 =	vld.idx.msk [tilespmem:v13+s12+$0x0], $0xffff;
	v13 =	vadd.s32 v4, v17;
	v17 =	vadd.s32 s30, v5;
	[tilespmem:s28+$0xFFFFFD00] =	vst v8  }
0x364: {  	v8 =	vld.idx.msk [tilespmem:v14+s12+$0x0], $0xffff;
	v14 =	vadd.s32 v4, v17;
	v17 =	vadd.s32 s31, v5;
	[tilespmem:s28+$0xFFFFFD80] =	vst v9  }
0x365: {  	v5 =	vadd.s32 s24, v5;
	v9 =	vld.idx.msk [tilespmem:v15+s12+$0x0], $0xffff;
	v15 =	vadd.s32 v4, v17;
	[tilespmem:s28+$0xFFFFFE00] =	vst v10  }
0x366: {  	v4 =	vadd.s32 v4, v5;
	v5 =	vld.idx.msk [tilespmem:v16+s12+$0x0], $0xffff;
	[tilespmem:s28+$0xFFFFFE80] =	vst v11  }
0x367: {  	v10 =	vld.idx.msk [tilespmem:v12+s12+$0x0], $0xffff;
	[tilespmem:s28+$0xFFFFFF00] =	vst v6  }
0x368: {  	v6 =	vld.idx.msk [tilespmem:v13+s12+$0x0], $0xffff;
	[tilespmem:s28+$0xFFFFFF80] =	vst v7  }
0x369: {  	[tilespmem:s28+$0x0] =	vst v8;
	v7 =	vld.idx.msk [tilespmem:v14+s12+$0x0], $0xffff  }
0x36a: {  	[tilespmem:s28+$0x80] =	vst v9;
	v8 =	vld.idx.msk [tilespmem:v15+s12+$0x0], $0xffff  }
0x36b: {  	v4 =	vld.idx.msk [tilespmem:v4+s12+$0x0], $0xffff;
	[tilespmem:s28+$0x100] =	vst v5  }
0x36c: {  	[tilespmem:s28+$0x180] =	vst v10  }
0x36d: {  	[tilespmem:s28+$0x200] =	vst v6  }
0x36e: {  	[tilespmem:s28+$0x280] =	vst v7  }
0x36f: {  	[tilespmem:s28+$0x300] =	vst v8  }
0x370: {  	[tilespmem:s28+$0xFFFFFC00] =	vst v4  }
0x371: {  	v4 =	vld [tilespmem:s20+$0x8D0];
	_ =	sdelay $0x3  }
0x372: {  	s24 =	simm.s32 $0xF  }
0x373: {  	s25 =	simm.s32 $0x1;
	v5 =	vadd.s32 s24, v4  }
0x374: {  	s26 =	simm.s32 $0x2;
	v6 =	vadd.s32 s25, v4;
	v5 =	vadd.s32 v3, v5  }
0x375: {  	s28 =	simm.s32 $0x3;
	v7 =	vadd.s32 s26, v4;
	v6 =	vadd.s32 v3, v6  }
0x376: {  	s31 =	simm.s32 $0x6;
	v8 =	vadd.s32 s28, v4;
	v7 =	vadd.s32 v3, v7  }
0x377: {  	s29 =	simm.s32 $0x4;
	v11 =	vadd.s32 s31, v4;
	v8 =	vadd.s32 v3, v8  }
0x378: {  	s30 =	simm.s32 $0x5;
	v9 =	vadd.s32 s29, v4;
	v11 =	vadd.s32 v3, v11  }
0x379: {  	s23 =	simm.s32 $0x7;
	v10 =	vadd.s32 s30, v4;
	v9 =	vadd.s32 v3, v9;
	v12 =	vld.idx.msk [tilespmem:v5+s12+$0x0], $0xffff  }
0x37a: {  	s25 =	simm.s32 $0x9;
	v10 =	vadd.s32 v3, v10;
	v13 =	vld.idx.msk [tilespmem:v6+s12+$0x0], $0xffff;
	v5 =	vadd.s32 s23, v4  }
0x37b: {  	s24 =	simm.s32 $0x8;
	v14 =	vld.idx.msk [tilespmem:v7+s12+$0x0], $0xffff;
	v6 =	vadd.s32 s25, v4;
	v15 =	vadd.s32 v3, v5  }
0x37c: {  	s26 =	simm.s32 $0xA;
	v17 =	vld.idx.msk [tilespmem:v8+s12+$0x0], $0xffff;
	v5 =	vadd.s32 s24, v4;
	v18 =	vadd.s32 v3, v6  }
0x37d: {  	s28 =	simm.s32 $0xB;
	s23 =	simm.s32 $0xB050;
	v8 =	vadd.s32 s26, v4;
	v7 =	vld.idx.msk [tilespmem:v11+s12+$0x0], $0xffff;
	v16 =	vadd.s32 v3, v5  }
0x37e: {  	s29 =	simm.s32 $0xC;
	v5 =	vld.idx.msk [tilespmem:v9+s12+$0x0], $0xffff;
	v9 =	vadd.s32 s28, v4;
	[tilespmem:s23+$0x380] =	vst v12;
	v12 =	vadd.s32 v3, v8  }
0x37f: {  	s30 =	simm.s32 $0xD;
	v6 =	vld.idx.msk [tilespmem:v10+s12+$0x0], $0xffff;
	v11 =	vadd.s32 v3, v9;
	v9 =	vadd.s32 s29, v4  }
0x380: {  	s31 =	simm.s32 $0xE;
	v10 =	vadd.s32 s30, v4;
	[tilespmem:s23+$0xFFFFFC80] =	vst v13;
	v13 =	vadd.s32 v3, v9;
	v8 =	vld.idx.msk [tilespmem:v15+s12+$0x0], $0xffff  }
0x381: {  	s28 =	simm.s32 $0x0;
	[tilespmem:s23+$0xFFFFFD00] =	vst v14;
	v14 =	vadd.s32 v3, v10;
	v15 =	vadd.s32 s31, v4;
	v10 =	vld.idx.msk [tilespmem:v18+s12+$0x0], $0xffff  }
0x382: {  	s26 =	simm.s32 $0x1F;
	s25 =	simm.s32 $0x20;
	s24 =	simm.s32 $0x10;
	[tilespmem:s23+$0xFFFFFD80] =	vst v17;
	v9 =	vld.idx.msk [tilespmem:v16+s12+$0x0], $0xffff;
	v16 =	vadd.s32 s28, v4;
	v15 =	vadd.s32 v3, v15  }
.LBB2_29:
0x383: {  	p1 =	slt.u32 s25, $0x30;
	s0 =	sadd.s32 $0x1, s24;
	v17 =	vadd.s32 s26, v4;
	v16 =	vadd.s32 v3, v16;
	[tilespmem:s23+$0xFFFFFE00] =	vst v5;
	v5 =	vld.idx.msk [tilespmem:v12+s12+$0x0], $0xffff  }
0x384: {  	v12 =	vadd.s32 s0, v4;
	s0 =	sadd.s32 $0x2, s24;
	v17 =	vadd.s32 v3, v17;
	[tilespmem:s23+$0xFFFFFE80] =	vst v6;
	v6 =	vld.idx.msk [tilespmem:v11+s12+$0x0], $0xffff  }
0x385: {  	v11 =	vadd.s32 v3, v12;
	v12 =	vadd.s32 s0, v4;
	s0 =	sadd.s32 $0x3, s24;
	[tilespmem:s23+$0xFFFFFF00] =	vst v7;
	v7 =	vld.idx.msk [tilespmem:v13+s12+$0x0], $0xffff  }
0x386: {  	v12 =	vadd.s32 v3, v12;
	v13 =	vadd.s32 s0, v4;
	s0 =	sadd.s32 $0x4, s24;
	[tilespmem:s23+$0xFFFFFF80] =	vst v8;
	v8 =	vld.idx.msk [tilespmem:v14+s12+$0x0], $0xffff  }
0x387: {  	v13 =	vadd.s32 v3, v13;
	v14 =	vadd.s32 s0, v4;
	s0 =	sadd.s32 $0x5, s24;
	[tilespmem:s23+$0x0] =	vst v9;
	v9 =	vld.idx.msk [tilespmem:v15+s12+$0x0], $0xffff  }
0x388: {  	v14 =	vadd.s32 v3, v14;
	v15 =	vadd.s32 s0, v4;
	s0 =	sadd.s32 $0x6, s24;
	v16 =	vld.idx.msk [tilespmem:v16+s12+$0x0], $0xffff;
	[tilespmem:s23+$0x80] =	vst v10  }
0x389: {  	v10 =	vadd.s32 v3, v15;
	v15 =	vadd.s32 s0, v4;
	s0 =	sadd.s32 $0x7, s24;
	v17 =	vld.idx.msk [tilespmem:v17+s12+$0x0], $0xffff;
	[tilespmem:s23+$0x100] =	vst v5  }
0x38a: {  	v18 =	vld.idx.msk [tilespmem:v11+s12+$0x0], $0xffff;
	v11 =	vadd.s32 v3, v15;
	v5 =	vadd.s32 s0, v4;
	s0 =	sadd.s32 $0x8, s24;
	[tilespmem:s23+$0x180] =	vst v6  }
0x38b: {  	v15 =	vld.idx.msk [tilespmem:v12+s12+$0x0], $0xffff;
	v19 =	vadd.s32 v3, v5;
	v5 =	vadd.s32 s0, v4;
	s0 =	sadd.s32 $0x9, s24;
	[tilespmem:s23+$0x200] =	vst v7  }
0x38c: {  	v20 =	vld.idx.msk [tilespmem:v13+s12+$0x0], $0xffff;
	v21 =	vadd.s32 v3, v5;
	v6 =	vadd.s32 s0, v4;
	s0 =	sadd.s32 $0xA, s24;
	[tilespmem:s23+$0x280] =	vst v8  }
0x38d: {  	v5 =	vld.idx.msk [tilespmem:v14+s12+$0x0], $0xffff;
	v22 =	vadd.s32 v3, v6;
	v7 =	vadd.s32 s0, v4;
	s0 =	sadd.s32 $0xB, s24;
	[tilespmem:s23+$0x300] =	vst v9  }
.Ltmp15:
0x38e: {  	v6 =	vld.idx.msk [tilespmem:v10+s12+$0x0], $0xffff;
	v12 =	vadd.s32 v3, v7;
	v8 =	vadd.s32 s0, v4;
	s0 =	sadd.s32 $0xC, s24;
	[tilespmem:s23+$0xFFFFFC00] =	vst v16;
	s23 =	sadd.s32 $0x800, s23;
	(pc) =	sbr.rel @p1 .LBB2_29-.Ltmp15, $4  }
0x38f: {  	v7 =	vld.idx.msk [tilespmem:v11+s12+$0x0], $0xffff;
	v11 =	vadd.s32 v3, v8;
	v9 =	vadd.s32 s0, v4;
	s0 =	sadd.s32 $0xD, s24;
	[tilespmem:s23+$0x380] =	vst v17  }
0x390: {  	[tilespmem:s23+$0xFFFFFC80] =	vst v18;
	v8 =	vld.idx.msk [tilespmem:v19+s12+$0x0], $0xffff;
	v13 =	vadd.s32 v3, v9;
	v10 =	vadd.s32 s0, v4;
	s0 =	sadd.s32 $0xE, s24  }
0x391: {  	[tilespmem:s23+$0xFFFFFD00] =	vst v15;
	v9 =	vld.idx.msk [tilespmem:v21+s12+$0x0], $0xffff;
	v14 =	vadd.s32 v3, v10;
	v15 =	vadd.s32 s0, v4  }
0x392: {  	s26 =	sadd.s32 $0xF, s25;
	v16 =	vadd.s32 s24, v4;
	s24 =	smov.u32 s25;
	s25 =	sadd.s32 $0x10, s25;
	[tilespmem:s23+$0xFFFFFD80] =	vst v20;
	v10 =	vld.idx.msk [tilespmem:v22+s12+$0x0], $0xffff;
	v15 =	vadd.s32 v3, v15  }
0x393: {  	_ =	sdelay $0x2  }
0x394: {  	[tilespmem:s23+$0xFFFFFE00] =	vst v5  }
0x395: {  	s0 =	sadd.s32 $0x1, s24;
	v5 =	vadd.s32 s26, v4;
	v16 =	vadd.s32 v3, v16;
	v12 =	vld.idx.msk [tilespmem:v12+s12+$0x0], $0xffff;
	[tilespmem:s23+$0xFFFFFE80] =	vst v6  }
0x396: {  	s30 =	sadd.s32 $0x2, s24;
	v11 =	vld.idx.msk [tilespmem:v11+s12+$0x0], $0xffff;
	v6 =	vadd.s32 s0, v4;
	v5 =	vadd.s32 v3, v5;
	[tilespmem:s23+$0xFFFFFF00] =	vst v7  }
0x397: {  	s31 =	sadd.s32 $0x3, s24;
	v13 =	vld.idx.msk [tilespmem:v13+s12+$0x0], $0xffff;
	v7 =	vadd.s32 s30, v4;
	v6 =	vadd.s32 v3, v6;
	[tilespmem:s23+$0xFFFFFF80] =	vst v8  }
0x398: {  	s25 =	sadd.s32 $0x4, s24;
	v14 =	vld.idx.msk [tilespmem:v14+s12+$0x0], $0xffff;
	v7 =	vadd.s32 v3, v7;
	v8 =	vadd.s32 s31, v4;
	[tilespmem:s23+$0x0] =	vst v9  }
0x399: {  	s26 =	sadd.s32 $0x5, s24;
	v15 =	vld.idx.msk [tilespmem:v15+s12+$0x0], $0xffff;
	v8 =	vadd.s32 v3, v8;
	v9 =	vadd.s32 s25, v4;
	[tilespmem:s23+$0x80] =	vst v10  }
0x39a: {  	s28 =	sadd.s32 $0x6, s24;
	v9 =	vadd.s32 v3, v9;
	v10 =	vadd.s32 s26, v4;
	v16 =	vld.idx.msk [tilespmem:v16+s12+$0x0], $0xffff;
	[tilespmem:s23+$0x100] =	vst v12  }
0x39b: {  	s29 =	sadd.s32 $0x7, s24;
	v10 =	vadd.s32 v3, v10;
	v12 =	vadd.s32 s28, v4;
	[tilespmem:s23+$0x180] =	vst v11;
	v5 =	vld.idx.msk [tilespmem:v5+s12+$0x0], $0xffff  }
0x39c: {  	s30 =	sadd.s32 $0x8, s24;
	[tilespmem:s23+$0x200] =	vst v13;
	v11 =	vadd.s32 v3, v12;
	v12 =	vadd.s32 s29, v4;
	v6 =	vld.idx.msk [tilespmem:v6+s12+$0x0], $0xffff  }
0x39d: {  	s31 =	sadd.s32 $0x9, s24;
	v13 =	vadd.s32 s30, v4;
	[tilespmem:s23+$0x280] =	vst v14;
	v7 =	vld.idx.msk [tilespmem:v7+s12+$0x0], $0xffff;
	v12 =	vadd.s32 v3, v12  }
0x39e: {  	s25 =	sadd.s32 $0xA, s24;
	v14 =	vadd.s32 s31, v4;
	[tilespmem:s23+$0x300] =	vst v15;
	v13 =	vadd.s32 v3, v13;
	v8 =	vld.idx.msk [tilespmem:v8+s12+$0x0], $0xffff  }
0x39f: {  	s26 =	sadd.s32 $0xB, s24;
	v15 =	vadd.s32 s25, v4;
	s28 =	sadd.s32 $0x800, s23;
	v14 =	vadd.s32 v3, v14;
	v9 =	vld.idx.msk [tilespmem:v9+s12+$0x0], $0xffff;
	[tilespmem:s23+$0xFFFFFC00] =	vst v16  }
0x3a0: {  	v15 =	vadd.s32 v3, v15;
	s29 =	sadd.s32 $0xC, s24;
	v10 =	vld.idx.msk [tilespmem:v10+s12+$0x0], $0xffff;
	v16 =	vadd.s32 s26, v4;
	[tilespmem:s28+$0x380] =	vst v5  }
0x3a1: {  	s30 =	sadd.s32 $0xD, s24;
	v5 =	vld.idx.msk [tilespmem:v11+s12+$0x0], $0xffff;
	v11 =	vadd.s32 v3, v16;
	v16 =	vadd.s32 s29, v4;
	[tilespmem:s28+$0xFFFFFC80] =	vst v6  }
0x3a2: {  	s31 =	sadd.s32 $0xE, s24;
	v6 =	vld.idx.msk [tilespmem:v12+s12+$0x0], $0xffff;
	v12 =	vadd.s32 v3, v16;
	v16 =	vadd.s32 s30, v4;
	[tilespmem:s28+$0xFFFFFD00] =	vst v7  }
0x3a3: {  	v7 =	vld.idx.msk [tilespmem:v13+s12+$0x0], $0xffff;
	v13 =	vadd.s32 v3, v16;
	v16 =	vadd.s32 s31, v4;
	[tilespmem:s28+$0xFFFFFD80] =	vst v8  }
0x3a4: {  	v4 =	vadd.s32 s24, v4;
	v8 =	vld.idx.msk [tilespmem:v14+s12+$0x0], $0xffff;
	v14 =	vadd.s32 v3, v16;
	[tilespmem:s28+$0xFFFFFE00] =	vst v9  }
0x3a5: {  	v3 =	vadd.s32 v3, v4;
	v4 =	vld.idx.msk [tilespmem:v15+s12+$0x0], $0xffff;
	[tilespmem:s28+$0xFFFFFE80] =	vst v10  }
0x3a6: {  	v9 =	vld.idx.msk [tilespmem:v11+s12+$0x0], $0xffff;
	[tilespmem:s28+$0xFFFFFF00] =	vst v5  }
0x3a7: {  	v5 =	vld.idx.msk [tilespmem:v12+s12+$0x0], $0xffff;
	[tilespmem:s28+$0xFFFFFF80] =	vst v6  }
0x3a8: {  	[tilespmem:s28+$0x0] =	vst v7;
	v6 =	vld.idx.msk [tilespmem:v13+s12+$0x0], $0xffff  }
0x3a9: {  	[tilespmem:s28+$0x80] =	vst v8;
	v7 =	vld.idx.msk [tilespmem:v14+s12+$0x0], $0xffff  }
0x3aa: {  	v3 =	vld.idx.msk [tilespmem:v3+s12+$0x0], $0xffff;
	[tilespmem:s28+$0x100] =	vst v4  }
0x3ab: {  	[tilespmem:s28+$0x180] =	vst v9  }
0x3ac: {  	[tilespmem:s28+$0x200] =	vst v5  }
0x3ad: {  	[tilespmem:s28+$0x280] =	vst v6  }
0x3ae: {  	[tilespmem:s28+$0x300] =	vst v7  }
0x3af: {  	[tilespmem:s28+$0xFFFFFC00] =	vst v3  }
0x3b0: {  	v3 =	vld [tilespmem:s20+$0x8E0];
	_ =	sdelay $0x3  }
0x3b1: {  	s24 =	simm.s32 $0xF  }
0x3b2: {  	s25 =	simm.s32 $0x1;
	v4 =	vadd.s32 s24, v3  }
0x3b3: {  	s26 =	simm.s32 $0x2;
	v5 =	vadd.s32 s25, v3;
	v4 =	vadd.s32 v2, v4  }
0x3b4: {  	s28 =	simm.s32 $0x3;
	v6 =	vadd.s32 s26, v3;
	v5 =	vadd.s32 v2, v5  }
0x3b5: {  	s31 =	simm.s32 $0x6;
	v7 =	vadd.s32 s28, v3;
	v6 =	vadd.s32 v2, v6  }
0x3b6: {  	s29 =	simm.s32 $0x4;
	v10 =	vadd.s32 s31, v3;
	v7 =	vadd.s32 v2, v7  }
0x3b7: {  	s30 =	simm.s32 $0x5;
	v8 =	vadd.s32 s29, v3;
	v10 =	vadd.s32 v2, v10  }
0x3b8: {  	s23 =	simm.s32 $0x7;
	v9 =	vadd.s32 s30, v3;
	v8 =	vadd.s32 v2, v8;
	v11 =	vld.idx.msk [tilespmem:v4+s12+$0x0], $0xffff  }
0x3b9: {  	s25 =	simm.s32 $0x9;
	v9 =	vadd.s32 v2, v9;
	v12 =	vld.idx.msk [tilespmem:v5+s12+$0x0], $0xffff;
	v4 =	vadd.s32 s23, v3  }
0x3ba: {  	s24 =	simm.s32 $0x8;
	v13 =	vld.idx.msk [tilespmem:v6+s12+$0x0], $0xffff;
	v5 =	vadd.s32 s25, v3;
	v14 =	vadd.s32 v2, v4  }
0x3bb: {  	s26 =	simm.s32 $0xA;
	v16 =	vld.idx.msk [tilespmem:v7+s12+$0x0], $0xffff;
	v4 =	vadd.s32 s24, v3;
	v17 =	vadd.s32 v2, v5  }
0x3bc: {  	s28 =	simm.s32 $0xB;
	s23 =	simm.s32 $0xB060;
	v7 =	vadd.s32 s26, v3;
	v6 =	vld.idx.msk [tilespmem:v10+s12+$0x0], $0xffff;
	v15 =	vadd.s32 v2, v4  }
0x3bd: {  	s29 =	simm.s32 $0xC;
	v4 =	vld.idx.msk [tilespmem:v8+s12+$0x0], $0xffff;
	v8 =	vadd.s32 s28, v3;
	[tilespmem:s23+$0x380] =	vst v11;
	v11 =	vadd.s32 v2, v7  }
0x3be: {  	s30 =	simm.s32 $0xD;
	v5 =	vld.idx.msk [tilespmem:v9+s12+$0x0], $0xffff;
	v10 =	vadd.s32 v2, v8;
	v8 =	vadd.s32 s29, v3  }
0x3bf: {  	s31 =	simm.s32 $0xE;
	v9 =	vadd.s32 s30, v3;
	[tilespmem:s23+$0xFFFFFC80] =	vst v12;
	v12 =	vadd.s32 v2, v8;
	v7 =	vld.idx.msk [tilespmem:v14+s12+$0x0], $0xffff  }
0x3c0: {  	s28 =	simm.s32 $0x0;
	[tilespmem:s23+$0xFFFFFD00] =	vst v13;
	v13 =	vadd.s32 v2, v9;
	v14 =	vadd.s32 s31, v3;
	v9 =	vld.idx.msk [tilespmem:v17+s12+$0x0], $0xffff  }
0x3c1: {  	s26 =	simm.s32 $0x1F;
	s25 =	simm.s32 $0x20;
	s24 =	simm.s32 $0x10;
	[tilespmem:s23+$0xFFFFFD80] =	vst v16;
	v8 =	vld.idx.msk [tilespmem:v15+s12+$0x0], $0xffff;
	v15 =	vadd.s32 s28, v3;
	v14 =	vadd.s32 v2, v14  }
.LBB2_31:
0x3c2: {  	p1 =	slt.u32 s25, $0x30;
	s0 =	sadd.s32 $0x1, s24;
	v16 =	vadd.s32 s26, v3;
	v15 =	vadd.s32 v2, v15;
	[tilespmem:s23+$0xFFFFFE00] =	vst v4;
	v4 =	vld.idx.msk [tilespmem:v11+s12+$0x0], $0xffff  }
0x3c3: {  	v11 =	vadd.s32 s0, v3;
	s0 =	sadd.s32 $0x2, s24;
	v16 =	vadd.s32 v2, v16;
	[tilespmem:s23+$0xFFFFFE80] =	vst v5;
	v5 =	vld.idx.msk [tilespmem:v10+s12+$0x0], $0xffff  }
0x3c4: {  	v10 =	vadd.s32 v2, v11;
	v11 =	vadd.s32 s0, v3;
	s0 =	sadd.s32 $0x3, s24;
	[tilespmem:s23+$0xFFFFFF00] =	vst v6;
	v6 =	vld.idx.msk [tilespmem:v12+s12+$0x0], $0xffff  }
0x3c5: {  	v11 =	vadd.s32 v2, v11;
	v12 =	vadd.s32 s0, v3;
	s0 =	sadd.s32 $0x4, s24;
	[tilespmem:s23+$0xFFFFFF80] =	vst v7;
	v7 =	vld.idx.msk [tilespmem:v13+s12+$0x0], $0xffff  }
0x3c6: {  	v12 =	vadd.s32 v2, v12;
	v13 =	vadd.s32 s0, v3;
	s0 =	sadd.s32 $0x5, s24;
	[tilespmem:s23+$0x0] =	vst v8;
	v8 =	vld.idx.msk [tilespmem:v14+s12+$0x0], $0xffff  }
0x3c7: {  	v13 =	vadd.s32 v2, v13;
	v14 =	vadd.s32 s0, v3;
	s0 =	sadd.s32 $0x6, s24;
	v15 =	vld.idx.msk [tilespmem:v15+s12+$0x0], $0xffff;
	[tilespmem:s23+$0x80] =	vst v9  }
0x3c8: {  	v9 =	vadd.s32 v2, v14;
	v14 =	vadd.s32 s0, v3;
	s0 =	sadd.s32 $0x7, s24;
	v16 =	vld.idx.msk [tilespmem:v16+s12+$0x0], $0xffff;
	[tilespmem:s23+$0x100] =	vst v4  }
0x3c9: {  	v17 =	vld.idx.msk [tilespmem:v10+s12+$0x0], $0xffff;
	v10 =	vadd.s32 v2, v14;
	v4 =	vadd.s32 s0, v3;
	s0 =	sadd.s32 $0x8, s24;
	[tilespmem:s23+$0x180] =	vst v5  }
0x3ca: {  	v14 =	vld.idx.msk [tilespmem:v11+s12+$0x0], $0xffff;
	v18 =	vadd.s32 v2, v4;
	v4 =	vadd.s32 s0, v3;
	s0 =	sadd.s32 $0x9, s24;
	[tilespmem:s23+$0x200] =	vst v6  }
0x3cb: {  	v19 =	vld.idx.msk [tilespmem:v12+s12+$0x0], $0xffff;
	v20 =	vadd.s32 v2, v4;
	v5 =	vadd.s32 s0, v3;
	s0 =	sadd.s32 $0xA, s24;
	[tilespmem:s23+$0x280] =	vst v7  }
0x3cc: {  	v4 =	vld.idx.msk [tilespmem:v13+s12+$0x0], $0xffff;
	v21 =	vadd.s32 v2, v5;
	v6 =	vadd.s32 s0, v3;
	s0 =	sadd.s32 $0xB, s24;
	[tilespmem:s23+$0x300] =	vst v8  }
.Ltmp16:
0x3cd: {  	v5 =	vld.idx.msk [tilespmem:v9+s12+$0x0], $0xffff;
	v11 =	vadd.s32 v2, v6;
	v7 =	vadd.s32 s0, v3;
	s0 =	sadd.s32 $0xC, s24;
	[tilespmem:s23+$0xFFFFFC00] =	vst v15;
	s23 =	sadd.s32 $0x800, s23;
	(pc) =	sbr.rel @p1 .LBB2_31-.Ltmp16, $4  }
0x3ce: {  	v6 =	vld.idx.msk [tilespmem:v10+s12+$0x0], $0xffff;
	v10 =	vadd.s32 v2, v7;
	v8 =	vadd.s32 s0, v3;
	s0 =	sadd.s32 $0xD, s24;
	[tilespmem:s23+$0x380] =	vst v16  }
0x3cf: {  	[tilespmem:s23+$0xFFFFFC80] =	vst v17;
	v7 =	vld.idx.msk [tilespmem:v18+s12+$0x0], $0xffff;
	v12 =	vadd.s32 v2, v8;
	v9 =	vadd.s32 s0, v3;
	s0 =	sadd.s32 $0xE, s24  }
0x3d0: {  	[tilespmem:s23+$0xFFFFFD00] =	vst v14;
	v8 =	vld.idx.msk [tilespmem:v20+s12+$0x0], $0xffff;
	v13 =	vadd.s32 v2, v9;
	v14 =	vadd.s32 s0, v3  }
0x3d1: {  	s26 =	sadd.s32 $0xF, s25;
	v15 =	vadd.s32 s24, v3;
	s24 =	smov.u32 s25;
	s25 =	sadd.s32 $0x10, s25;
	[tilespmem:s23+$0xFFFFFD80] =	vst v19;
	v9 =	vld.idx.msk [tilespmem:v21+s12+$0x0], $0xffff;
	v14 =	vadd.s32 v2, v14  }
0x3d2: {  	_ =	sdelay $0x2  }
0x3d3: {  	[tilespmem:s23+$0xFFFFFE00] =	vst v4  }
0x3d4: {  	s0 =	sadd.s32 $0x1, s24;
	v4 =	vadd.s32 s26, v3;
	v15 =	vadd.s32 v2, v15;
	v11 =	vld.idx.msk [tilespmem:v11+s12+$0x0], $0xffff;
	[tilespmem:s23+$0xFFFFFE80] =	vst v5  }
0x3d5: {  	s30 =	sadd.s32 $0x2, s24;
	v10 =	vld.idx.msk [tilespmem:v10+s12+$0x0], $0xffff;
	v5 =	vadd.s32 s0, v3;
	v4 =	vadd.s32 v2, v4;
	[tilespmem:s23+$0xFFFFFF00] =	vst v6  }
0x3d6: {  	s31 =	sadd.s32 $0x3, s24;
	v12 =	vld.idx.msk [tilespmem:v12+s12+$0x0], $0xffff;
	v6 =	vadd.s32 s30, v3;
	v5 =	vadd.s32 v2, v5;
	[tilespmem:s23+$0xFFFFFF80] =	vst v7  }
0x3d7: {  	s25 =	sadd.s32 $0x4, s24;
	v13 =	vld.idx.msk [tilespmem:v13+s12+$0x0], $0xffff;
	v6 =	vadd.s32 v2, v6;
	v7 =	vadd.s32 s31, v3;
	[tilespmem:s23+$0x0] =	vst v8  }
0x3d8: {  	s26 =	sadd.s32 $0x5, s24;
	v14 =	vld.idx.msk [tilespmem:v14+s12+$0x0], $0xffff;
	v7 =	vadd.s32 v2, v7;
	v8 =	vadd.s32 s25, v3;
	[tilespmem:s23+$0x80] =	vst v9  }
0x3d9: {  	s28 =	sadd.s32 $0x6, s24;
	v8 =	vadd.s32 v2, v8;
	v9 =	vadd.s32 s26, v3;
	v15 =	vld.idx.msk [tilespmem:v15+s12+$0x0], $0xffff;
	[tilespmem:s23+$0x100] =	vst v11  }
0x3da: {  	s29 =	sadd.s32 $0x7, s24;
	v9 =	vadd.s32 v2, v9;
	v11 =	vadd.s32 s28, v3;
	[tilespmem:s23+$0x180] =	vst v10;
	v4 =	vld.idx.msk [tilespmem:v4+s12+$0x0], $0xffff  }
0x3db: {  	s30 =	sadd.s32 $0x8, s24;
	[tilespmem:s23+$0x200] =	vst v12;
	v10 =	vadd.s32 v2, v11;
	v11 =	vadd.s32 s29, v3;
	v5 =	vld.idx.msk [tilespmem:v5+s12+$0x0], $0xffff  }
0x3dc: {  	s31 =	sadd.s32 $0x9, s24;
	v12 =	vadd.s32 s30, v3;
	[tilespmem:s23+$0x280] =	vst v13;
	v6 =	vld.idx.msk [tilespmem:v6+s12+$0x0], $0xffff;
	v11 =	vadd.s32 v2, v11  }
0x3dd: {  	s25 =	sadd.s32 $0xA, s24;
	v13 =	vadd.s32 s31, v3;
	[tilespmem:s23+$0x300] =	vst v14;
	v12 =	vadd.s32 v2, v12;
	v7 =	vld.idx.msk [tilespmem:v7+s12+$0x0], $0xffff  }
0x3de: {  	s26 =	sadd.s32 $0xB, s24;
	v14 =	vadd.s32 s25, v3;
	s28 =	sadd.s32 $0x800, s23;
	v13 =	vadd.s32 v2, v13;
	v8 =	vld.idx.msk [tilespmem:v8+s12+$0x0], $0xffff;
	[tilespmem:s23+$0xFFFFFC00] =	vst v15  }
0x3df: {  	v14 =	vadd.s32 v2, v14;
	s29 =	sadd.s32 $0xC, s24;
	v9 =	vld.idx.msk [tilespmem:v9+s12+$0x0], $0xffff;
	v15 =	vadd.s32 s26, v3;
	[tilespmem:s28+$0x380] =	vst v4  }
0x3e0: {  	s30 =	sadd.s32 $0xD, s24;
	v4 =	vld.idx.msk [tilespmem:v10+s12+$0x0], $0xffff;
	v10 =	vadd.s32 v2, v15;
	v15 =	vadd.s32 s29, v3;
	[tilespmem:s28+$0xFFFFFC80] =	vst v5  }
0x3e1: {  	s31 =	sadd.s32 $0xE, s24;
	v5 =	vld.idx.msk [tilespmem:v11+s12+$0x0], $0xffff;
	v11 =	vadd.s32 v2, v15;
	v15 =	vadd.s32 s30, v3;
	[tilespmem:s28+$0xFFFFFD00] =	vst v6  }
0x3e2: {  	v6 =	vld.idx.msk [tilespmem:v12+s12+$0x0], $0xffff;
	v12 =	vadd.s32 v2, v15;
	v15 =	vadd.s32 s31, v3;
	[tilespmem:s28+$0xFFFFFD80] =	vst v7  }
0x3e3: {  	v3 =	vadd.s32 s24, v3;
	v7 =	vld.idx.msk [tilespmem:v13+s12+$0x0], $0xffff;
	v13 =	vadd.s32 v2, v15;
	[tilespmem:s28+$0xFFFFFE00] =	vst v8  }
0x3e4: {  	v2 =	vadd.s32 v2, v3;
	v3 =	vld.idx.msk [tilespmem:v14+s12+$0x0], $0xffff;
	[tilespmem:s28+$0xFFFFFE80] =	vst v9  }
0x3e5: {  	v8 =	vld.idx.msk [tilespmem:v10+s12+$0x0], $0xffff;
	[tilespmem:s28+$0xFFFFFF00] =	vst v4  }
0x3e6: {  	v4 =	vld.idx.msk [tilespmem:v11+s12+$0x0], $0xffff;
	[tilespmem:s28+$0xFFFFFF80] =	vst v5  }
0x3e7: {  	[tilespmem:s28+$0x0] =	vst v6;
	v5 =	vld.idx.msk [tilespmem:v12+s12+$0x0], $0xffff  }
0x3e8: {  	[tilespmem:s28+$0x80] =	vst v7;
	v6 =	vld.idx.msk [tilespmem:v13+s12+$0x0], $0xffff  }
0x3e9: {  	v2 =	vld.idx.msk [tilespmem:v2+s12+$0x0], $0xffff;
	[tilespmem:s28+$0x100] =	vst v3  }
0x3ea: {  	[tilespmem:s28+$0x180] =	vst v8  }
0x3eb: {  	[tilespmem:s28+$0x200] =	vst v4  }
0x3ec: {  	[tilespmem:s28+$0x280] =	vst v5  }
0x3ed: {  	[tilespmem:s28+$0x300] =	vst v6  }
0x3ee: {  	[tilespmem:s28+$0xFFFFFC00] =	vst v2  }
0x3ef: {  	v2 =	vld [tilespmem:s20+$0x8F0];
	_ =	sdelay $0x3  }
0x3f0: {  	s24 =	simm.s32 $0xF  }
0x3f1: {  	s25 =	simm.s32 $0x1;
	v3 =	vadd.s32 s24, v2  }
0x3f2: {  	s26 =	simm.s32 $0x2;
	v4 =	vadd.s32 s25, v2;
	v3 =	vadd.s32 v1, v3  }
0x3f3: {  	s28 =	simm.s32 $0x3;
	v5 =	vadd.s32 s26, v2;
	v4 =	vadd.s32 v1, v4  }
0x3f4: {  	s31 =	simm.s32 $0x6;
	v6 =	vadd.s32 s28, v2;
	v5 =	vadd.s32 v1, v5  }
0x3f5: {  	s29 =	simm.s32 $0x4;
	v9 =	vadd.s32 s31, v2;
	v6 =	vadd.s32 v1, v6  }
0x3f6: {  	s30 =	simm.s32 $0x5;
	v7 =	vadd.s32 s29, v2;
	v9 =	vadd.s32 v1, v9  }
0x3f7: {  	s20 =	simm.s32 $0x7;
	v8 =	vadd.s32 s30, v2;
	v7 =	vadd.s32 v1, v7;
	v10 =	vld.idx.msk [tilespmem:v3+s12+$0x0], $0xffff  }
0x3f8: {  	s24 =	simm.s32 $0x9;
	v8 =	vadd.s32 v1, v8;
	v11 =	vld.idx.msk [tilespmem:v4+s12+$0x0], $0xffff;
	v3 =	vadd.s32 s20, v2  }
0x3f9: {  	s23 =	simm.s32 $0x8;
	v12 =	vld.idx.msk [tilespmem:v5+s12+$0x0], $0xffff;
	v4 =	vadd.s32 s24, v2;
	v13 =	vadd.s32 v1, v3  }
0x3fa: {  	s25 =	simm.s32 $0xA;
	v15 =	vld.idx.msk [tilespmem:v6+s12+$0x0], $0xffff;
	v3 =	vadd.s32 s23, v2;
	v16 =	vadd.s32 v1, v4  }
0x3fb: {  	s26 =	simm.s32 $0xB;
	s20 =	simm.s32 $0xB070;
	v6 =	vadd.s32 s25, v2;
	v5 =	vld.idx.msk [tilespmem:v9+s12+$0x0], $0xffff;
	v14 =	vadd.s32 v1, v3  }
0x3fc: {  	s28 =	simm.s32 $0xC;
	v3 =	vld.idx.msk [tilespmem:v7+s12+$0x0], $0xffff;
	v7 =	vadd.s32 s26, v2;
	[tilespmem:s20+$0x380] =	vst v10;
	v10 =	vadd.s32 v1, v6  }
0x3fd: {  	s29 =	simm.s32 $0xD;
	v4 =	vld.idx.msk [tilespmem:v8+s12+$0x0], $0xffff;
	v9 =	vadd.s32 v1, v7;
	v7 =	vadd.s32 s28, v2  }
0x3fe: {  	s30 =	simm.s32 $0xE;
	v8 =	vadd.s32 s29, v2;
	[tilespmem:s20+$0xFFFFFC80] =	vst v11;
	v11 =	vadd.s32 v1, v7;
	v6 =	vld.idx.msk [tilespmem:v13+s12+$0x0], $0xffff  }
0x3ff: {  	s31 =	simm.s32 $0x0;
	[tilespmem:s20+$0xFFFFFD00] =	vst v12;
	v12 =	vadd.s32 v1, v8;
	v13 =	vadd.s32 s30, v2;
	v8 =	vld.idx.msk [tilespmem:v16+s12+$0x0], $0xffff  }
0x400: {  	s25 =	simm.s32 $0x1F;
	s24 =	simm.s32 $0x20;
	s23 =	simm.s32 $0x10;
	[tilespmem:s20+$0xFFFFFD80] =	vst v15;
	v7 =	vld.idx.msk [tilespmem:v14+s12+$0x0], $0xffff;
	v14 =	vadd.s32 s31, v2;
	v13 =	vadd.s32 v1, v13  }
.LBB2_33:
0x401: {  	p1 =	slt.u32 s24, $0x30;
	s0 =	sadd.s32 $0x1, s23;
	v15 =	vadd.s32 s25, v2;
	v14 =	vadd.s32 v1, v14;
	[tilespmem:s20+$0xFFFFFE00] =	vst v3;
	v3 =	vld.idx.msk [tilespmem:v10+s12+$0x0], $0xffff  }
0x402: {  	v10 =	vadd.s32 s0, v2;
	s0 =	sadd.s32 $0x2, s23;
	v15 =	vadd.s32 v1, v15;
	[tilespmem:s20+$0xFFFFFE80] =	vst v4;
	v4 =	vld.idx.msk [tilespmem:v9+s12+$0x0], $0xffff  }
0x403: {  	v9 =	vadd.s32 v1, v10;
	v10 =	vadd.s32 s0, v2;
	s0 =	sadd.s32 $0x3, s23;
	[tilespmem:s20+$0xFFFFFF00] =	vst v5;
	v5 =	vld.idx.msk [tilespmem:v11+s12+$0x0], $0xffff  }
0x404: {  	v10 =	vadd.s32 v1, v10;
	v11 =	vadd.s32 s0, v2;
	s0 =	sadd.s32 $0x4, s23;
	[tilespmem:s20+$0xFFFFFF80] =	vst v6;
	v6 =	vld.idx.msk [tilespmem:v12+s12+$0x0], $0xffff  }
0x405: {  	v11 =	vadd.s32 v1, v11;
	v12 =	vadd.s32 s0, v2;
	s0 =	sadd.s32 $0x5, s23;
	[tilespmem:s20+$0x0] =	vst v7;
	v7 =	vld.idx.msk [tilespmem:v13+s12+$0x0], $0xffff  }
0x406: {  	v12 =	vadd.s32 v1, v12;
	v13 =	vadd.s32 s0, v2;
	s0 =	sadd.s32 $0x6, s23;
	v14 =	vld.idx.msk [tilespmem:v14+s12+$0x0], $0xffff;
	[tilespmem:s20+$0x80] =	vst v8  }
0x407: {  	v8 =	vadd.s32 v1, v13;
	v13 =	vadd.s32 s0, v2;
	s0 =	sadd.s32 $0x7, s23;
	v15 =	vld.idx.msk [tilespmem:v15+s12+$0x0], $0xffff;
	[tilespmem:s20+$0x100] =	vst v3  }
0x408: {  	v16 =	vld.idx.msk [tilespmem:v9+s12+$0x0], $0xffff;
	v9 =	vadd.s32 v1, v13;
	v3 =	vadd.s32 s0, v2;
	s0 =	sadd.s32 $0x8, s23;
	[tilespmem:s20+$0x180] =	vst v4  }
0x409: {  	v13 =	vld.idx.msk [tilespmem:v10+s12+$0x0], $0xffff;
	v17 =	vadd.s32 v1, v3;
	v3 =	vadd.s32 s0, v2;
	s0 =	sadd.s32 $0x9, s23;
	[tilespmem:s20+$0x200] =	vst v5  }
0x40a: {  	v18 =	vld.idx.msk [tilespmem:v11+s12+$0x0], $0xffff;
	v19 =	vadd.s32 v1, v3;
	v4 =	vadd.s32 s0, v2;
	s0 =	sadd.s32 $0xA, s23;
	[tilespmem:s20+$0x280] =	vst v6  }
0x40b: {  	v3 =	vld.idx.msk [tilespmem:v12+s12+$0x0], $0xffff;
	v20 =	vadd.s32 v1, v4;
	v5 =	vadd.s32 s0, v2;
	s0 =	sadd.s32 $0xB, s23;
	[tilespmem:s20+$0x300] =	vst v7  }
.Ltmp17:
0x40c: {  	v4 =	vld.idx.msk [tilespmem:v8+s12+$0x0], $0xffff;
	v10 =	vadd.s32 v1, v5;
	v6 =	vadd.s32 s0, v2;
	s0 =	sadd.s32 $0xC, s23;
	[tilespmem:s20+$0xFFFFFC00] =	vst v14;
	s20 =	sadd.s32 $0x800, s20;
	(pc) =	sbr.rel @p1 .LBB2_33-.Ltmp17, $4  }
0x40d: {  	v5 =	vld.idx.msk [tilespmem:v9+s12+$0x0], $0xffff;
	v9 =	vadd.s32 v1, v6;
	v7 =	vadd.s32 s0, v2;
	s0 =	sadd.s32 $0xD, s23;
	[tilespmem:s20+$0x380] =	vst v15  }
0x40e: {  	[tilespmem:s20+$0xFFFFFC80] =	vst v16;
	v6 =	vld.idx.msk [tilespmem:v17+s12+$0x0], $0xffff;
	v11 =	vadd.s32 v1, v7;
	v8 =	vadd.s32 s0, v2;
	s0 =	sadd.s32 $0xE, s23  }
0x40f: {  	[tilespmem:s20+$0xFFFFFD00] =	vst v13;
	v7 =	vld.idx.msk [tilespmem:v19+s12+$0x0], $0xffff;
	v12 =	vadd.s32 v1, v8;
	v13 =	vadd.s32 s0, v2  }
0x410: {  	s25 =	sadd.s32 $0xF, s24;
	v14 =	vadd.s32 s23, v2;
	s23 =	smov.u32 s24;
	s24 =	sadd.s32 $0x10, s24;
	[tilespmem:s20+$0xFFFFFD80] =	vst v18;
	v8 =	vld.idx.msk [tilespmem:v20+s12+$0x0], $0xffff;
	v13 =	vadd.s32 v1, v13  }
0x411: {  	_ =	sdelay $0x2  }
0x412: {  	[tilespmem:s20+$0xFFFFFE00] =	vst v3  }
0x413: {  	s0 =	sadd.s32 $0x1, s23;
	v3 =	vadd.s32 s25, v2;
	v14 =	vadd.s32 v1, v14;
	v10 =	vld.idx.msk [tilespmem:v10+s12+$0x0], $0xffff;
	[tilespmem:s20+$0xFFFFFE80] =	vst v4  }
0x414: {  	s31 =	sadd.s32 $0x2, s23;
	v9 =	vld.idx.msk [tilespmem:v9+s12+$0x0], $0xffff;
	v39 =	vadd.s32 s0, v2;
	v3 =	vadd.s32 v1, v3;
	[tilespmem:s20+$0xFFFFFF00] =	vst v5  }
0x415: {  	s24 =	sadd.s32 $0x3, s23;
	v11 =	vld.idx.msk [tilespmem:v11+s12+$0x0], $0xffff;
	v40 =	vadd.s32 s31, v2;
	v4 =	vadd.s32 v1, v39;
	[tilespmem:s20+$0xFFFFFF80] =	vst v6  }
0x416: {  	s25 =	sadd.s32 $0x4, s23;
	v12 =	vld.idx.msk [tilespmem:v12+s12+$0x0], $0xffff;
	v41 =	vadd.s32 s24, v2;
	v5 =	vadd.s32 v1, v40;
	[tilespmem:s20+$0x0] =	vst v7  }
0x417: {  	v13 =	vld.idx.msk [tilespmem:v13+s12+$0x0], $0xffff;
	s29 =	sadd.s32 $0x7, s23;
	v42 =	vadd.s32 s25, v2;
	s25 =	sadd.s32 $0xB, s23;
	v6 =	vadd.s32 v1, v41;
	[tilespmem:s20+$0x80] =	vst v8  }
0x418: {  	s30 =	sadd.s32 $0x8, s23;
	v46 =	vadd.s32 s29, v2;
	s29 =	sadd.s32 $0xD, s23;
	v50 =	vadd.s32 s25, v2;
	v7 =	vadd.s32 v1, v42;
	v14 =	vld.idx.msk [tilespmem:v14+s12+$0x0], $0xffff;
	[tilespmem:s20+$0x100] =	vst v10  }
0x419: {  	v47 =	vadd.s32 s30, v2;
	s30 =	sadd.s32 $0xE, s23;
	v55 =	vadd.s32 s29, v2;
	v51 =	vadd.s32 v1, v50;
	[tilespmem:s20+$0x180] =	vst v9;
	v3 =	vld.idx.msk [tilespmem:v3+s12+$0x0], $0xffff  }
0x41a: {  	s26 =	sadd.s32 $0x5, s23;
	v58 =	vadd.s32 s30, v2;
	v57 =	vadd.s32 v1, v55;
	[tilespmem:s20+$0x200] =	vst v11;
	v4 =	vld.idx.msk [tilespmem:v4+s12+$0x0], $0xffff  }
0x41b: {  	v43 =	vadd.s32 s26, v2;
	v60 =	vadd.s32 v1, v58;
	[tilespmem:s20+$0x280] =	vst v12;
	v5 =	vld.idx.msk [tilespmem:v5+s12+$0x0], $0xffff  }
0x41c: {  	s28 =	sadd.s32 $0x6, s23;
	v8 =	vadd.s32 v1, v43;
	[tilespmem:s20+$0x300] =	vst v13;
	v6 =	vld.idx.msk [tilespmem:v6+s12+$0x0], $0xffff  }
0x41d: {  	v44 =	vadd.s32 s28, v2;
	s26 =	sadd.s32 $0x800, s20;
	v10 =	vadd.s32 v1, v46;
	v7 =	vld.idx.msk [tilespmem:v7+s12+$0x0], $0xffff;
	[tilespmem:s20+$0xFFFFFC00] =	vst v14  }
0x41e: {  	s31 =	sadd.s32 $0x9, s23;
	v45 =	vadd.s32 v1, v44;
	v61 =	vld.idx.msk [tilespmem:v51+s12+$0x0], $0xffff;
	[tilespmem:s26+$0x380] =	vst v3  }
0x41f: {  	s24 =	sadd.s32 $0xA, s23;
	v48 =	vadd.s32 s31, v2;
	v11 =	vadd.s32 v1, v47;
	v62 =	vld.idx.msk [tilespmem:v57+s12+$0x0], $0xffff;
	[tilespmem:s26+$0xFFFFFC80] =	vst v4  }
0x420: {  	s28 =	sadd.s32 $0xC, s23;
	v49 =	vadd.s32 s24, v2;
	v12 =	vadd.s32 v1, v48;
	v63 =	vld.idx.msk [tilespmem:v60+s12+$0x0], $0xffff;
	[tilespmem:s26+$0xFFFFFD00] =	vst v5  }
0x421: {  	v52 =	vadd.s32 s28, v2;
	v2 =	vadd.s32 s23, v2;
	v13 =	vadd.s32 v1, v49;
	v8 =	vld.idx.msk [tilespmem:v8+s12+$0x0], $0xffff;
	[tilespmem:s26+$0xFFFFFD80] =	vst v6  }
0x422: {  	v54 =	vadd.s32 v1, v52;
	v1 =	vadd.s32 v1, v2;
	v53 =	vld.idx.msk [tilespmem:v10+s12+$0x0], $0xffff;
	[tilespmem:s26+$0xFFFFFE00] =	vst v7  }
0x423: {  	v3 =	vld.idx.msk [tilespmem:v45+s12+$0x0], $0xffff;
	[tilespmem:s26+$0x180] =	vst v61  }
0x424: {  	v56 =	vld.idx.msk [tilespmem:v11+s12+$0x0], $0xffff;
	[tilespmem:s26+$0x280] =	vst v62  }
0x425: {  	v59 =	vld.idx.msk [tilespmem:v12+s12+$0x0], $0xffff;
	[tilespmem:s26+$0x300] =	vst v63  }
0x426: {  	v2 =	vld.idx.msk [tilespmem:v13+s12+$0x0], $0xffff;
	[tilespmem:s26+$0xFFFFFE80] =	vst v8  }
0x427: {  	v1 =	vld.idx.msk [tilespmem:v1+s12+$0x0], $0xffff;
	[tilespmem:s26+$0xFFFFFF80] =	vst v53  }
0x428: {  	[tilespmem:s26+$0xFFFFFF00] =	vst v3;
	v3 =	vld.idx.msk [tilespmem:v54+s12+$0x0], $0xffff  }
0x429: {  	[tilespmem:s26+$0x0] =	vst v56  }
0x42a: {  	[tilespmem:s26+$0x80] =	vst v59  }
0x42b: {  	[tilespmem:s26+$0x100] =	vst v2  }
0x42c: {  	[tilespmem:s26+$0xFFFFFC00] =	vst v1  }
.Ltmp18:
0x42d: {  	s31 =	sadd.s32 s22, s5;
	[tilespmem:s26+$0x200] =	vst v3;
	(pc) =	sbr.rel @p0 .LBB2_36-.Ltmp18, $4  }
0x42e: {  	[hbm4b:s31+s9] =	stream.strided.scatter [tilespmem:s17], [sflag:$0x3], $0x2000, s14, s9, $0x38;
	[tilespmem:$0xCC00] =	vst v63  }
0x42f: {  	_ =	swait.ge [sflag:s7], $0x2000  }
0x430: {  	[sflag:s7] =	ssyncset.done $0x0  }
0x431: {  	[sflag:s7] =	ssyncadd.s32 $0xFFFFE000  }
.Ltmp19:
0x432: {  	(pc) =	sbr.rel .LBB2_2-.Ltmp19, $4  }
0x433: {  	_ = 	snop  }
0x434: {  	s0 =	sshrl.u32 s21, $0x2  }
0x435: {  	s19 =	sadd.s32 $0x1, s19;
	s0 =	sadd.s32 $0x580, s0  }
0x436: {  	[tilespmem:s12], [sflag:$0x2] =	stream.indirect.gather [hbm4b:s3+s8], $0x80, s0, s8, $0xb8;
	[tilespmem:$0xCC00] =	vst v63  }
.LBB2_37:
0x437: {  	_ =	sfence.sel $0x180000  }
0x438: {  	[bflag:$0x0] =	sbarrier.arrive $0xFFFF  }
0x439: {  	_ =	strace $0x90000047  }
0x43a: {  	[bflag:$0x2] =	sbarrier.arrive $0xFFFF  }
0x43b: {  	p0 =	sne.s32 s1, $0x0;
	s0 =	rddreg [dreg:$0x2]  }
0x43c: {  	s0 =	sadd.s32 @!p0 $0x100000, s0  }
0x43d: {  	[sflag:s0] =	ssyncadd.tile.s32 @!p0 $0x1;
	_ =	shalt  }
.Lfunc_end2:
_tile_overlayer_lowered:
.L_overlay_start_2:
0x43e: {  	(tag) =	ssettag $0x2  }
0x43f: {  	s0 =	rddreg [dreg:$0x0];
	s2 =	stileid.u32  }
0x440: {  	s1 =	rddreg [dreg:$0x1];
	p0 =	sne.s32 s2, $0x0  }
0x441: {  	s3 =	rddreg [dreg:$0x2];
	[bflag:$0x3] =	sbarrier.arrive $0xFFFF;
	s2 =	simm.s32 @!p0 $0x1C03  }
0x442: {  	[timem:s3], [sflag:s2] =	dma.local @!p0 [hbm:s0], s1  }
0x443: {  	s0 =	simm.s32 @!p0 $0x3  }
0x444: {  	_ =	swait.ge @!p0 [sflag:s0], s1  }
0x445: {  	s1 =	ssub.s32 @!p0 $0x0, s1;
	[sflag:s0] =	ssyncset.done @!p0 $0x0  }
0x446: {  	[sflag:s0] =	ssyncadd.s32 @!p0 s1  }
0x447: {  	[bflag:$0x3] =	sbarrier.arrive $0xFFFF  }
0x448: {  	_ =	shalt  }

</sc_bundles>
